<compile_context>
chip_gen: v7x
topology: tpu7x:2x2x1
jax: 0.10.2.dev20260603
libtpu: 0.0.44.dev20260713+nightly
codegen_flags: <defaults>
</compile_context>

<pallas_src>
import functools

import jax
import jax.numpy as jnp
from jax import lax
from jax.experimental import pallas as pl
from jax.experimental.pallas import tpu as pltpu
from jax.experimental.pallas import tpu_sc as plsc

_N = 10000
_D = 128
_NG = 16
_E = 320000
_NP = 10240
_NSC = 2
_NSUB = 16
_NW = _NSC * _NSUB
_CH = 128
_SCH = 80
_TOTCH = _NW * _SCH
_CPP = 8
_MAXPH = _SCH // _CPP
_RPS = _NP // _NSUB
_CW = 16
_RB = 2048



def _sc_mesh():
    return plsc.VectorSubcoreMesh(core_axis_name="c", subcore_axis_name="s")


_NBUF = 2


def _agg_body(g_hbm, src_hbm, dst_hbm, zero_hbm, out_hbm,
              sA0, sA1, dA0, dA1, b0, b1, acc,
              g0, g1, i0, i1):
    c = lax.axis_index("c")
    s = lax.axis_index("s")
    off = (c * _NSUB + s) * _SCH
    pltpu.sync_copy(zero_hbm.at[pl.ds(s * _RPS, _RPS)],
                    acc.at[pl.ds(s * _RPS, _RPS)])
    sA = (sA0, sA1)
    dA = (dA0, dA1)
    isems = (i0, i1)
    bufs = (b0, b1)
    gsems = (g0, g1)
    pltpu.sync_copy(src_hbm.at[pl.ds(off, _CPP)], sA[0])
    pltpu.sync_copy(dst_hbm.at[pl.ds(off, _CPP)], dA[0])
    plsc.subcore_barrier()

    def phase_pair(pp, carry):
        for half in range(2):
            ph = pp * 2 + half
            p = half
            q = 1 - half

            @pl.when(ph + 1 < _MAXPH)
            def _(q=q, ph=ph):
                pltpu.async_copy(
                    src_hbm.at[pl.ds(off + (ph + 1) * _CPP, _CPP)],
                    sA[q], isems[q])
                pltpu.async_copy(
                    dst_hbm.at[pl.ds(off + (ph + 1) * _CPP, _CPP)],
                    dA[q], isems[q])

            for b in range(_NBUF):
                pltpu.async_copy(g_hbm.at[sA[p].at[b]], bufs[b], gsems[b])

            def pair(i, c2, p=p):
                for b in range(_NBUF):
                    jj = i * _NBUF + b
                    pltpu.make_async_copy(g_hbm.at[sA[p].at[jj]], bufs[b],
                                          gsems[b]).wait()
                    pltpu.sync_copy(bufs[b], acc.at[dA[p].at[jj]], add=True)

                    @pl.when(jj + _NBUF < _CPP)
                    def _():
                        pltpu.async_copy(g_hbm.at[sA[p].at[jj + _NBUF]],
                                         bufs[b], gsems[b])
                return c2

            lax.fori_loop(0, _CPP // _NBUF, pair, 0)

            @pl.when(ph + 1 < _MAXPH)
            def _(q=q, ph=ph):
                pltpu.make_async_copy(
                    src_hbm.at[pl.ds(off + (ph + 1) * _CPP, _CPP)],
                    sA[q], isems[q]).wait()
                pltpu.make_async_copy(
                    dst_hbm.at[pl.ds(off + (ph + 1) * _CPP, _CPP)],
                    dA[q], isems[q]).wait()
        return carry

    lax.fori_loop(0, _MAXPH // 2, phase_pair, 0)

    plsc.subcore_barrier()
    pltpu.sync_copy(acc.at[pl.ds(s * _RPS, _RPS)],
                    out_hbm.at[c, pl.ds(s * _RPS, _RPS)])


@functools.cache
def _get_agg_call():
    return pl.kernel(
        _agg_body,
        out_type=jax.ShapeDtypeStruct((_NSC, _NP, _D), jnp.float32),
        mesh=_sc_mesh(),
        scratch_types=[
            pltpu.VMEM((_CPP, _CH), jnp.int32),
            pltpu.VMEM((_CPP, _CH), jnp.int32),
            pltpu.VMEM((_CPP, _CH), jnp.int32),
            pltpu.VMEM((_CPP, _CH), jnp.int32),
            pltpu.VMEM((_CH, _D), jnp.float32),
            pltpu.VMEM((_CH, _D), jnp.float32),
            pltpu.VMEM_SHARED((_NP, _D), jnp.float32),
            pltpu.SemaphoreType.DMA,
            pltpu.SemaphoreType.DMA,
            pltpu.SemaphoreType.DMA,
            pltpu.SemaphoreType.DMA,
        ],
    )


def _agg_call(g, srcp, dstp, zD):
    return _get_agg_call()(g, srcp, dstp, zD)


def _mm_first_body(x_ref, w_ref, g_ref, r_ref):
    hw = lax.dot_general(x_ref[...], w_ref[...], (((1,), (0,)), ((), ())),
                         preferred_element_type=jnp.float32)
    g_ref[...] = hw[:, :_D]
    r_ref[...] = hw[:, _D:]


def _mm_mid_body(a0_ref, a1_ref, c0_ref, c1_ref, r_ref, b_ref, w_ref,
                 g_ref, ro_ref):
    cnt = c0_ref[...][:, :1] + c1_ref[...][:, :1]
    inv = 1.0 / jnp.maximum(cnt, 1.0)
    h = (a0_ref[...] + a1_ref[...]) * inv + r_ref[...] + b_ref[...]
    hw = lax.dot_general(h, w_ref[...], (((1,), (0,)), ((), ())),
                         preferred_element_type=jnp.float32)
    g_ref[...] = hw[:, :_D]
    ro_ref[...] = hw[:, _D:]


def _final_body(a0_ref, a1_ref, c0_ref, c1_ref, r_ref, b_ref,
                gamma_ref, beta_ref, lo_ref, hi_ref, o_ref):
    cnt = c0_ref[...][:, :1] + c1_ref[...][:, :1]
    inv = 1.0 / jnp.maximum(cnt, 1.0)
    h = (a0_ref[...] + a1_ref[...]) * inv + r_ref[...] + b_ref[...]
    rows = lax.broadcasted_iota(jnp.int32, (_NP, 1), 0)
    mask = jnp.where(rows < _N, 1.0, 0.0)
    n = jnp.float32(_N)
    mu = jnp.sum(h * mask, axis=0, keepdims=True) / n
    d = (h - mu) * mask
    var = jnp.sum(d * d, axis=0, keepdims=True) / n
    hn = (h - mu) * lax.rsqrt(var + 1e-5) * gamma_ref[...] + beta_ref[...]
    hr = jnp.maximum(hn, 0.0)
    cols = lax.broadcasted_iota(jnp.int32, (_NG, _NP), 1)
    oh = jnp.where((cols >= lo_ref[...]) & (cols < hi_ref[...]), 1.0, 0.0)
    o_ref[...] = lax.dot_general(oh, hr, (((1,), (0,)), ((), ())),
                                 preferred_element_type=jnp.float32)


_row_spec = pl.BlockSpec((_RB, _D), lambda i: (i, 0))
_cnt_spec = pl.BlockSpec((_RB, _CW), lambda i: (i, 0))
_w_spec = pl.BlockSpec((_D, 2 * _D), lambda i: (0, 0))
_b_spec = pl.BlockSpec((1, _D), lambda i: (0, 0))

_mm_first = pl.pallas_call(
    _mm_first_body,
    grid=(_NP // _RB,),
    in_specs=[_row_spec, _w_spec],
    out_specs=[_row_spec, _row_spec],
    out_shape=[jax.ShapeDtypeStruct((_NP, _D), jnp.float32)] * 2,
)

_mm_mid = pl.pallas_call(
    _mm_mid_body,
    grid=(_NP // _RB,),
    in_specs=[_row_spec, _row_spec, _cnt_spec, _cnt_spec, _row_spec,
              _b_spec, _w_spec],
    out_specs=[_row_spec, _row_spec],
    out_shape=[jax.ShapeDtypeStruct((_NP, _D), jnp.float32)] * 2,
)

_final = pl.pallas_call(
    _final_body,
    out_shape=jax.ShapeDtypeStruct((_NG, _D), jnp.float32),
)


def kernel(x, edge_index, batch, W1l, b1l, W1r, W2l, b2l, W2r, W3l, b3l, W3r,
           W4l, b4l, W4r, W5l, b5l, W5r, gamma, beta):
    f32 = jnp.float32
    xp = jnp.zeros((_NP, _D), f32).at[:_N].set(x)
    src = edge_index[0]
    dst = edge_index[1]
    padn = _TOTCH * _CH - _E
    pad_i = jnp.arange(padn, dtype=jnp.int32)
    srcp = jnp.concatenate([src, pad_i % _N]).reshape(_TOTCH, _CH)
    dstp = jnp.concatenate([dst, _N + pad_i % (_NP - _N)]).reshape(_TOTCH, _CH)
    zD = jnp.zeros((_NP, _D), f32)
    onesT = jnp.ones((_NP, _D), f32)
    lo = batch[:_NG].reshape(_NG, 1)
    hi = batch[1:_NG + 1].reshape(_NG, 1)

    Wc = [jnp.concatenate([wl, wr], axis=1)
          for wl, wr in ((W1l, W1r), (W2l, W2r), (W3l, W3r), (W4l, W4r),
                         (W5l, W5r))]
    bs = [b.reshape(1, _D) for b in (b1l, b2l, b3l, b4l, b5l)]

    cntP = _agg_call(onesT, srcp, dstp, zD)
    c0, c1 = cntP[0, :, :_CW], cntP[1, :, :_CW]

    g, r = _mm_first(xp, Wc[0])
    for l in range(1, 5):
        aggP = _agg_call(g, srcp, dstp, zD)
        g, r = _mm_mid(aggP[0], aggP[1], c0, c1, r, bs[l - 1], Wc[l])
    aggP = _agg_call(g, srcp, dstp, zD)
    return _final(aggP[0], aggP[1], c0, c1, r, bs[4],
                  gamma.reshape(1, _D), beta.reshape(1, _D), lo, hi)

# --- scband reference (transcript-rebuilt; emitter-appended) ---
"""Pipeline reference for scband-sage-5471788335178 (READ-ONLY COPY).

The authoritative reference and input builder live on the scoring server;
editing this copy changes nothing except your own understanding.
"""

import jax, jax.numpy as jnp
import numpy as np

N = 10000
E = 320000
D = 128
H = 128
NG = 16

def _init(key, shape, fan_in):
    return jax.random.uniform(key, shape, dtype=jnp.float32, minval=-1.0, maxval=1.0) / np.sqrt(fan_in)

def setup_inputs(seed: int = 0):
    key = jax.random.key(seed)
    ks = jax.random.split(key, 24)
    inp = {}
    inp["x"] = jax.random.normal(ks[0], (N, D), dtype=jnp.float32)
    inp["edge_index"] = jax.random.randint(ks[1], (2, E), 0, N, dtype=jnp.int32)
    inp["batch"] = jnp.sort(jax.random.randint(ks[2], (NG + 1,), 0, N, dtype=jnp.int32))
    dims = [(D, H), (H, H), (H, H), (H, H), (H, H)]
    for i, (di, do) in enumerate(dims):
        inp[f"W{i+1}l"] = _init(ks[3 + 3 * i], (di, do), di)
        inp[f"b{i+1}l"] = _init(ks[4 + 3 * i], (do,), di)
        inp[f"W{i+1}r"] = _init(ks[5 + 3 * i], (di, do), di)
    inp["gamma"] = jnp.ones((H,), dtype=jnp.float32)
    inp["beta"] = jnp.zeros((H,), dtype=jnp.float32)
    return inp

def _sage_conv(h, src, dst, Wl, bl, Wr):
    n = h.shape[0]
    msgs = jnp.take(h, src, axis=0)
    summed = jax.ops.segment_sum(msgs, dst, num_segments=n)
    cnt = jax.ops.segment_sum(jnp.ones((src.shape[0],), dtype=h.dtype), dst, num_segments=n)
    mean = summed / jnp.clip(cnt, 1.0)[:, None]
    return mean @ Wl + bl + h @ Wr

def reference(x, edge_index, batch, W1l, b1l, W1r, W2l, b2l, W2r, W3l, b3l, W3r, W4l, b4l, W4r, W5l, b5l, W5r, gamma, beta):
    src = edge_index[0]
    dst = edge_index[1]
    h = _sage_conv(x, src, dst, W1l, b1l, W1r)
    h = _sage_conv(h, src, dst, W2l, b2l, W2r)
    h = _sage_conv(h, src, dst, W3l, b3l, W3r)
    h = _sage_conv(h, src, dst, W4l, b4l, W4r)
    h = _sage_conv(h, src, dst, W5l, b5l, W5r)
    mu = jnp.mean(h, axis=0)
    var = jnp.mean((h - mu) ** 2, axis=0)
    h = (h - mu) / jnp.sqrt(var + 1e-5) * gamma + beta
    h = jax.nn.relu(h)
    indptr = batch
    ng = indptr.shape[0] - 1
    idx = jnp.arange(h.shape[0])
    seg = jnp.searchsorted(indptr, idx, side="right") - 1
    valid = (seg >= 0) & (seg < ng)
    segc = jnp.where(valid, seg, 0)
    contrib = jnp.where(valid[:, None], h, 0.0)
    out = jax.ops.segment_sum(contrib, segc, num_segments=ng)
    return out

if __name__ == "__main__":
    import jax
    _d = setup_inputs()
    print(jax.jit(kernel)(*tuple(_d.values())))

</pallas_src>

<mosaic_0001>
#map = affine_map<(d0, d1) -> (0, 0)>
#map1 = affine_map<(d0, d1) -> (0, 0, 0)>
module attributes {stable_mosaic.version = 14 : i64} {
  func.func @_agg_body(%arg0: i32, %arg1: i32, %arg2: memref<10240x128xf32, #tpu.memory_space<hbm>>, %arg3: memref<2560x128xi32, #tpu.memory_space<hbm>>, %arg4: memref<2560x128xi32, #tpu.memory_space<hbm>>, %arg5: memref<10240x128xf32, #tpu.memory_space<hbm>>, %arg6: memref<2x10240x128xf32, #tpu.memory_space<hbm>>, %arg7: memref<8x128xi32, #tpu.memory_space<vmem>>, %arg8: memref<8x128xi32, #tpu.memory_space<vmem>>, %arg9: memref<8x128xi32, #tpu.memory_space<vmem>>, %arg10: memref<8x128xi32, #tpu.memory_space<vmem>>, %arg11: memref<128x128xf32, #tpu.memory_space<vmem>>, %arg12: memref<128x128xf32, #tpu.memory_space<vmem>>, %arg13: memref<10240x128xf32, #tpu.memory_space<vmem_shared>>, %arg14: memref<!tpu.dma_semaphore, #tpu.memory_space<semaphore_mem>>, %arg15: memref<!tpu.dma_semaphore, #tpu.memory_space<semaphore_mem>>, %arg16: memref<!tpu.dma_semaphore, #tpu.memory_space<semaphore_mem>>, %arg17: memref<!tpu.dma_semaphore, #tpu.memory_space<semaphore_mem>>) attributes {dimension_semantics = [#tpu.dimension_semantics<core_parallel>, #tpu.dimension_semantics<subcore_parallel>], iteration_bounds = array<i64: 2, 16>, scalar_prefetch = 0 : i64, scratch_operands = 11 : i64, tpu.core_type = #tpu.core_type<sc_vector_subcore>, window_params = [{transform_indices = #map}, {transform_indices = #map}, {transform_indices = #map}, {transform_indices = #map}, {transform_indices = #map1}]} {
    %mul3A = arith.constant 16 : i32
    %mul3A_0 = arith.muli %arg0, %mul3A : i32
    %add3A = arith.addi %mul3A_0, %arg1 : i32
    %mul3A_1 = arith.constant 80 : i32
    %mul3A_2 = arith.muli %add3A, %mul3A_1 : i32
    %mul3A_3 = arith.constant 640 : i32
    %mul3A_4 = arith.muli %arg1, %mul3A_3 : i32
    %mul3A_5 = arith.constant 640 : i32
    %mul3A_6 = arith.muli %arg1, %mul3A_5 : i32
    "tpu.region"() ({
      %run_scoped3A = tpu.sem_alloc : memref<!tpu.dma_semaphore, #tpu.memory_space<semaphore_mem>>
      %dma_start3A = arith.constant 0 : i32
      %dma_start3A_17 = tpu.memref_slice %arg13[%mul3A_6, %dma_start3A] : memref<10240x128xf32, #tpu.memory_space<vmem_shared>> -> memref<640x128xf32, #tpu.memory_space<vmem_shared>>
      %dma_start3A_18 = arith.constant 0 : i32
      %dma_start3A_19 = tpu.memref_slice %arg5[%mul3A_4, %dma_start3A_18] : memref<10240x128xf32, #tpu.memory_space<hbm>> -> memref<640x128xf32, #tpu.memory_space<hbm>>
      tpu.enqueue_dma source(%dma_start3A_19 : memref<640x128xf32, #tpu.memory_space<hbm>>) target(%dma_start3A_17 : memref<640x128xf32, #tpu.memory_space<vmem_shared>>) target_semaphore(%run_scoped3A : memref<!tpu.dma_semaphore, #tpu.memory_space<semaphore_mem>>)
      %dma_wait3A = arith.constant 0 : i32
      %dma_wait3A_20 = tpu.memref_slice %arg13[%mul3A_6, %dma_wait3A] : memref<10240x128xf32, #tpu.memory_space<vmem_shared>> -> memref<640x128xf32, #tpu.memory_space<vmem_shared>>
      %dma_wait3A_21 = arith.constant 0 : i32
      %dma_wait3A_22 = tpu.memref_slice %arg5[%mul3A_4, %dma_wait3A_21] : memref<10240x128xf32, #tpu.memory_space<hbm>> -> memref<640x128xf32, #tpu.memory_space<hbm>>
      tpu.wait_dma2 semaphore(%run_scoped3A : memref<!tpu.dma_semaphore, #tpu.memory_space<semaphore_mem>>) src(%dma_wait3A_22 : memref<640x128xf32, #tpu.memory_space<hbm>>) dst(%dma_wait3A_20 : memref<640x128xf32, #tpu.memory_space<vmem_shared>>)
      tpu.yield
    }) : () -> ()
    "tpu.region"() ({
      %run_scoped3A = tpu.sem_alloc : memref<!tpu.dma_semaphore, #tpu.memory_space<semaphore_mem>>
      %dma_start3A = arith.constant 0 : i32
      %dma_start3A_17 = tpu.memref_slice %arg3[%mul3A_2, %dma_start3A] : memref<2560x128xi32, #tpu.memory_space<hbm>> -> memref<8x128xi32, #tpu.memory_space<hbm>>
      %dma_start3A_18 = arith.constant 0 : i32
      %dma_start3A_19 = tpu.memref_slice %arg3[%mul3A_2, %dma_start3A_18] : memref<2560x128xi32, #tpu.memory_space<hbm>> -> memref<8x128xi32, #tpu.memory_space<hbm>>
      tpu.enqueue_dma source(%dma_start3A_19 : memref<8x128xi32, #tpu.memory_space<hbm>>) target(%arg7 : memref<8x128xi32, #tpu.memory_space<vmem>>) target_semaphore(%run_scoped3A : memref<!tpu.dma_semaphore, #tpu.memory_space<semaphore_mem>>)
      %dma_wait3A = arith.constant 0 : i32
      %dma_wait3A_20 = tpu.memref_slice %arg3[%mul3A_2, %dma_wait3A] : memref<2560x128xi32, #tpu.memory_space<hbm>> -> memref<8x128xi32, #tpu.memory_space<hbm>>
      %dma_wait3A_21 = arith.constant 0 : i32
      %dma_wait3A_22 = tpu.memref_slice %arg3[%mul3A_2, %dma_wait3A_21] : memref<2560x128xi32, #tpu.memory_space<hbm>> -> memref<8x128xi32, #tpu.memory_space<hbm>>
      tpu.wait_dma2 semaphore(%run_scoped3A : memref<!tpu.dma_semaphore, #tpu.memory_space<semaphore_mem>>) src(%dma_wait3A_22 : memref<8x128xi32, #tpu.memory_space<hbm>>) dst(%arg7 : memref<8x128xi32, #tpu.memory_space<vmem>>)
      tpu.yield
    }) : () -> ()
    "tpu.region"() ({
      %run_scoped3A = tpu.sem_alloc : memref<!tpu.dma_semaphore, #tpu.memory_space<semaphore_mem>>
      %dma_start3A = arith.constant 0 : i32
      %dma_start3A_17 = tpu.memref_slice %arg4[%mul3A_2, %dma_start3A] : memref<2560x128xi32, #tpu.memory_space<hbm>> -> memref<8x128xi32, #tpu.memory_space<hbm>>
      %dma_start3A_18 = arith.constant 0 : i32
      %dma_start3A_19 = tpu.memref_slice %arg4[%mul3A_2, %dma_start3A_18] : memref<2560x128xi32, #tpu.memory_space<hbm>> -> memref<8x128xi32, #tpu.memory_space<hbm>>
      tpu.enqueue_dma source(%dma_start3A_19 : memref<8x128xi32, #tpu.memory_space<hbm>>) target(%arg9 : memref<8x128xi32, #tpu.memory_space<vmem>>) target_semaphore(%run_scoped3A : memref<!tpu.dma_semaphore, #tpu.memory_space<semaphore_mem>>)
      %dma_wait3A = arith.constant 0 : i32
      %dma_wait3A_20 = tpu.memref_slice %arg4[%mul3A_2, %dma_wait3A] : memref<2560x128xi32, #tpu.memory_space<hbm>> -> memref<8x128xi32, #tpu.memory_space<hbm>>
      %dma_wait3A_21 = arith.constant 0 : i32
      %dma_wait3A_22 = tpu.memref_slice %arg4[%mul3A_2, %dma_wait3A_21] : memref<2560x128xi32, #tpu.memory_space<hbm>> -> memref<8x128xi32, #tpu.memory_space<hbm>>
      tpu.wait_dma2 semaphore(%run_scoped3A : memref<!tpu.dma_semaphore, #tpu.memory_space<semaphore_mem>>) src(%dma_wait3A_22 : memref<8x128xi32, #tpu.memory_space<hbm>>) dst(%arg9 : memref<8x128xi32, #tpu.memory_space<vmem>>)
      tpu.yield
    }) : () -> ()
    %barrier3A = arith.constant 0 : index
    tpu.barrier barrier_id(%barrier3A)
    %scan3A = arith.constant 0 : i32
    %scan3A_7 = arith.constant 0 : i32
    %scan3A_8 = arith.constant 5 : i32
    %scan3A_9 = arith.addi %scan3A_7, %scan3A_8 : i32
    %scan3A_10 = arith.constant 1 : i32
    scf.for %scan3A_17 = %scan3A_7 to %scan3A_9 step %scan3A_10  : i32 {
      %mul3A_18 = arith.constant 2 : i32
      %mul3A_19 = arith.muli %scan3A_17, %mul3A_18 : i32
      %add3A_20 = arith.constant 0 : i32
      %add3A_21 = arith.addi %mul3A_19, %add3A_20 : i32
      %add3A_22 = arith.constant 1 : i32
      %add3A_23 = arith.addi %add3A_21, %add3A_22 : i32
      %lt3A = arith.constant 10 : i32
      %lt3A_24 = arith.cmpi slt, %add3A_23, %lt3A : i32
      %convert_element_type3A = arith.extui %lt3A_24 : i1 to i32
      %cond3A = arith.constant 0 : i32
      %cond3A_25 = arith.cmpi ne, %convert_element_type3A, %cond3A : i32
      scf.if %cond3A_25 {
        %add3A_90 = arith.constant 1 : i32
        %add3A_91 = arith.addi %add3A_21, %add3A_90 : i32
        %mul3A_92 = arith.constant 8 : i32
        %mul3A_93 = arith.muli %add3A_91, %mul3A_92 : i32
        %add3A_94 = arith.addi %mul3A_2, %mul3A_93 : i32
        %dma_start3A_95 = arith.constant 0 : i32
        %dma_start3A_96 = tpu.memref_slice %arg3[%add3A_94, %dma_start3A_95] : memref<2560x128xi32, #tpu.memory_space<hbm>> -> memref<8x128xi32, #tpu.memory_space<hbm>>
        %dma_start3A_97 = arith.constant 0 : i32
        %dma_start3A_98 = tpu.memref_slice %arg3[%add3A_94, %dma_start3A_97] : memref<2560x128xi32, #tpu.memory_space<hbm>> -> memref<8x128xi32, #tpu.memory_space<hbm>>
        tpu.enqueue_dma source(%dma_start3A_98 : memref<8x128xi32, #tpu.memory_space<hbm>>) target(%arg8 : memref<8x128xi32, #tpu.memory_space<vmem>>) target_semaphore(%arg17 : memref<!tpu.dma_semaphore, #tpu.memory_space<semaphore_mem>>)
        %add3A_99 = arith.constant 1 : i32
        %add3A_100 = arith.addi %add3A_21, %add3A_99 : i32
        %mul3A_101 = arith.constant 8 : i32
        %mul3A_102 = arith.muli %add3A_100, %mul3A_101 : i32
        %add3A_103 = arith.addi %mul3A_2, %mul3A_102 : i32
        %dma_start3A_104 = arith.constant 0 : i32
        %dma_start3A_105 = tpu.memref_slice %arg4[%add3A_103, %dma_start3A_104] : memref<2560x128xi32, #tpu.memory_space<hbm>> -> memref<8x128xi32, #tpu.memory_space<hbm>>
        %dma_start3A_106 = arith.constant 0 : i32
        %dma_start3A_107 = tpu.memref_slice %arg4[%add3A_103, %dma_start3A_106] : memref<2560x128xi32, #tpu.memory_space<hbm>> -> memref<8x128xi32, #tpu.memory_space<hbm>>
        tpu.enqueue_dma source(%dma_start3A_107 : memref<8x128xi32, #tpu.memory_space<hbm>>) target(%arg10 : memref<8x128xi32, #tpu.memory_space<vmem>>) target_semaphore(%arg17 : memref<!tpu.dma_semaphore, #tpu.memory_space<semaphore_mem>>)
      } else {
      }
      %dma_start3A = arith.constant 0 : i32
      %dma_start3A_26 = arith.constant 0 : i32
      %dma_start3A_27 = tpu.memref_slice %arg7[%dma_start3A, %dma_start3A_26] : memref<8x128xi32, #tpu.memory_space<vmem>> -> memref<1x128xi32, #tpu.memory_space<vmem>>
      %dma_start3A_28 = tpu.memref_squeeze %dma_start3A_27 : memref<1x128xi32, #tpu.memory_space<vmem>> -> memref<128xi32, #tpu.memory_space<vmem>>
      %dma_start3A_29 = arith.constant 0 : i32
      %dma_start3A_30 = arith.constant 0 : i32
      %dma_start3A_31 = tpu.memref_slice %arg2[%dma_start3A_29, %dma_start3A_30] : memref<10240x128xf32, #tpu.memory_space<hbm>> -> memref<10240x128xf32, #tpu.memory_space<hbm>>
      tpu.enqueue_indirect_dma source(%dma_start3A_31 : memref<10240x128xf32, #tpu.memory_space<hbm>>) target(%arg11 : memref<128x128xf32, #tpu.memory_space<vmem>>) offsets(%dma_start3A_28 : memref<128xi32, #tpu.memory_space<vmem>>) semaphore(%arg14 : memref<!tpu.dma_semaphore, #tpu.memory_space<semaphore_mem>>)
      %dma_start3A_32 = arith.constant 1 : i32
      %dma_start3A_33 = arith.constant 0 : i32
      %dma_start3A_34 = tpu.memref_slice %arg7[%dma_start3A_32, %dma_start3A_33] : memref<8x128xi32, #tpu.memory_space<vmem>> -> memref<1x128xi32, #tpu.memory_space<vmem>>
      %dma_start3A_35 = tpu.memref_squeeze %dma_start3A_34 : memref<1x128xi32, #tpu.memory_space<vmem>> -> memref<128xi32, #tpu.memory_space<vmem>>
      %dma_start3A_36 = arith.constant 0 : i32
      %dma_start3A_37 = arith.constant 0 : i32
      %dma_start3A_38 = tpu.memref_slice %arg2[%dma_start3A_36, %dma_start3A_37] : memref<10240x128xf32, #tpu.memory_space<hbm>> -> memref<10240x128xf32, #tpu.memory_space<hbm>>
      tpu.enqueue_indirect_dma source(%dma_start3A_38 : memref<10240x128xf32, #tpu.memory_space<hbm>>) target(%arg12 : memref<128x128xf32, #tpu.memory_space<vmem>>) offsets(%dma_start3A_35 : memref<128xi32, #tpu.memory_space<vmem>>) semaphore(%arg15 : memref<!tpu.dma_semaphore, #tpu.memory_space<semaphore_mem>>)
      %scan3A_39 = arith.constant 0 : i32
      %scan3A_40 = arith.constant 0 : i32
      %scan3A_41 = arith.constant 4 : i32
      %scan3A_42 = arith.addi %scan3A_40, %scan3A_41 : i32
      %scan3A_43 = arith.constant 1 : i32
      scf.for %scan3A_90 = %scan3A_40 to %scan3A_42 step %scan3A_43  : i32 {
        %mul3A_91 = arith.constant 2 : i32
        %mul3A_92 = arith.muli %scan3A_90, %mul3A_91 : i32
        %add3A_93 = arith.constant 0 : i32
        %add3A_94 = arith.addi %mul3A_92, %add3A_93 : i32
        %dma_wait3A = arith.constant 0 : i32
        %dma_wait3A_95 = tpu.memref_slice %arg7[%add3A_94, %dma_wait3A] : memref<8x128xi32, #tpu.memory_space<vmem>> -> memref<1x128xi32, #tpu.memory_space<vmem>>
        %dma_wait3A_96 = tpu.memref_squeeze %dma_wait3A_95 : memref<1x128xi32, #tpu.memory_space<vmem>> -> memref<128xi32, #tpu.memory_space<vmem>>
        %dma_wait3A_97 = arith.constant 0 : i32
        %dma_wait3A_98 = arith.constant 0 : i32
        %dma_wait3A_99 = tpu.memref_slice %arg2[%dma_wait3A_97, %dma_wait3A_98] : memref<10240x128xf32, #tpu.memory_space<hbm>> -> memref<10240x128xf32, #tpu.memory_space<hbm>>
        tpu.wait_indirect_dma semaphore(%arg14 : memref<!tpu.dma_semaphore, #tpu.memory_space<semaphore_mem>>) src(%dma_wait3A_99 : memref<10240x128xf32, #tpu.memory_space<hbm>>) dst(%arg11 : memref<128x128xf32, #tpu.memory_space<vmem>>)
        "tpu.region"() ({
          %run_scoped3A = tpu.sem_alloc : memref<!tpu.dma_semaphore, #tpu.memory_space<semaphore_mem>>
          %dma_start3A_124 = arith.constant 0 : i32
          %dma_start3A_125 = tpu.memref_slice %arg9[%add3A_94, %dma_start3A_124] : memref<8x128xi32, #tpu.memory_space<vmem>> -> memref<1x128xi32, #tpu.memory_space<vmem>>
          %dma_start3A_126 = tpu.memref_squeeze %dma_start3A_125 : memref<1x128xi32, #tpu.memory_space<vmem>> -> memref<128xi32, #tpu.memory_space<vmem>>
          %dma_start3A_127 = arith.constant 0 : i32
          %dma_start3A_128 = arith.constant 0 : i32
          %dma_start3A_129 = tpu.memref_slice %arg13[%dma_start3A_127, %dma_start3A_128] : memref<10240x128xf32, #tpu.memory_space<vmem_shared>> -> memref<10240x128xf32, #tpu.memory_space<vmem_shared>>
          tpu.enqueue_indirect_dma source(%arg11 : memref<128x128xf32, #tpu.memory_space<vmem>>) target(%dma_start3A_129 : memref<10240x128xf32, #tpu.memory_space<vmem_shared>>) offsets(%dma_start3A_126 : memref<128xi32, #tpu.memory_space<vmem>>) semaphore(%run_scoped3A : memref<!tpu.dma_semaphore, #tpu.memory_space<semaphore_mem>>) {add = true}
          %dma_wait3A_130 = arith.constant 0 : i32
          %dma_wait3A_131 = tpu.memref_slice %arg9[%add3A_94, %dma_wait3A_130] : memref<8x128xi32, #tpu.memory_space<vmem>> -> memref<1x128xi32, #tpu.memory_space<vmem>>
          %dma_wait3A_132 = tpu.memref_squeeze %dma_wait3A_131 : memref<1x128xi32, #tpu.memory_space<vmem>> -> memref<128xi32, #tpu.memory_space<vmem>>
          %dma_wait3A_133 = arith.constant 0 : i32
          %dma_wait3A_134 = arith.constant 0 : i32
          %dma_wait3A_135 = tpu.memref_slice %arg13[%dma_wait3A_133, %dma_wait3A_134] : memref<10240x128xf32, #tpu.memory_space<vmem_shared>> -> memref<10240x128xf32, #tpu.memory_space<vmem_shared>>
          tpu.wait_indirect_dma semaphore(%run_scoped3A : memref<!tpu.dma_semaphore, #tpu.memory_space<semaphore_mem>>) src(%arg11 : memref<128x128xf32, #tpu.memory_space<vmem>>) dst(%dma_wait3A_135 : memref<10240x128xf32, #tpu.memory_space<vmem_shared>>)
          tpu.yield
        }) : () -> ()
        %add3A_100 = arith.constant 2 : i32
        %add3A_101 = arith.addi %add3A_94, %add3A_100 : i32
        %lt3A_102 = arith.constant 8 : i32
        %lt3A_103 = arith.cmpi slt, %add3A_101, %lt3A_102 : i32
        %convert_element_type3A_104 = arith.extui %lt3A_103 : i1 to i32
        %cond3A_105 = arith.constant 0 : i32
        %cond3A_106 = arith.cmpi ne, %convert_element_type3A_104, %cond3A_105 : i32
        scf.if %cond3A_106 {
          %add3A_124 = arith.constant 2 : i32
          %add3A_125 = arith.addi %add3A_94, %add3A_124 : i32
          %dma_start3A_126 = arith.constant 0 : i32
          %dma_start3A_127 = tpu.memref_slice %arg7[%add3A_125, %dma_start3A_126] : memref<8x128xi32, #tpu.memory_space<vmem>> -> memref<1x128xi32, #tpu.memory_space<vmem>>
          %dma_start3A_128 = tpu.memref_squeeze %dma_start3A_127 : memref<1x128xi32, #tpu.memory_space<vmem>> -> memref<128xi32, #tpu.memory_space<vmem>>
          %dma_start3A_129 = arith.constant 0 : i32
          %dma_start3A_130 = arith.constant 0 : i32
          %dma_start3A_131 = tpu.memref_slice %arg2[%dma_start3A_129, %dma_start3A_130] : memref<10240x128xf32, #tpu.memory_space<hbm>> -> memref<10240x128xf32, #tpu.memory_space<hbm>>
          tpu.enqueue_indirect_dma source(%dma_start3A_131 : memref<10240x128xf32, #tpu.memory_space<hbm>>) target(%arg11 : memref<128x128xf32, #tpu.memory_space<vmem>>) offsets(%dma_start3A_128 : memref<128xi32, #tpu.memory_space<vmem>>) semaphore(%arg14 : memref<!tpu.dma_semaphore, #tpu.memory_space<semaphore_mem>>)
        } else {
        }
        %mul3A_107 = arith.constant 2 : i32
        %mul3A_108 = arith.muli %scan3A_90, %mul3A_107 : i32
        %add3A_109 = arith.constant 1 : i32
        %add3A_110 = arith.addi %mul3A_108, %add3A_109 : i32
        %dma_wait3A_111 = arith.constant 0 : i32
        %dma_wait3A_112 = tpu.memref_slice %arg7[%add3A_110, %dma_wait3A_111] : memref<8x128xi32, #tpu.memory_space<vmem>> -> memref<1x128xi32, #tpu.memory_space<vmem>>
        %dma_wait3A_113 = tpu.memref_squeeze %dma_wait3A_112 : memref<1x128xi32, #tpu.memory_space<vmem>> -> memref<128xi32, #tpu.memory_space<vmem>>
        %dma_wait3A_114 = arith.constant 0 : i32
        %dma_wait3A_115 = arith.constant 0 : i32
        %dma_wait3A_116 = tpu.memref_slice %arg2[%dma_wait3A_114, %dma_wait3A_115] : memref<10240x128xf32, #tpu.memory_space<hbm>> -> memref<10240x128xf32, #tpu.memory_space<hbm>>
        tpu.wait_indirect_dma semaphore(%arg15 : memref<!tpu.dma_semaphore, #tpu.memory_space<semaphore_mem>>) src(%dma_wait3A_116 : memref<10240x128xf32, #tpu.memory_space<hbm>>) dst(%arg12 : memref<128x128xf32, #tpu.memory_space<vmem>>)
        "tpu.region"() ({
          %run_scoped3A = tpu.sem_alloc : memref<!tpu.dma_semaphore, #tpu.memory_space<semaphore_mem>>
          %dma_start3A_124 = arith.constant 0 : i32
          %dma_start3A_125 = tpu.memref_slice %arg9[%add3A_110, %dma_start3A_124] : memref<8x128xi32, #tpu.memory_space<vmem>> -> memref<1x128xi32, #tpu.memory_space<vmem>>
          %dma_start3A_126 = tpu.memref_squeeze %dma_start3A_125 : memref<1x128xi32, #tpu.memory_space<vmem>> -> memref<128xi32, #tpu.memory_space<vmem>>
          %dma_start3A_127 = arith.constant 0 : i32
          %dma_start3A_128 = arith.constant 0 : i32
          %dma_start3A_129 = tpu.memref_slice %arg13[%dma_start3A_127, %dma_start3A_128] : memref<10240x128xf32, #tpu.memory_space<vmem_shared>> -> memref<10240x128xf32, #tpu.memory_space<vmem_shared>>
          tpu.enqueue_indirect_dma source(%arg12 : memref<128x128xf32, #tpu.memory_space<vmem>>) target(%dma_start3A_129 : memref<10240x128xf32, #tpu.memory_space<vmem_shared>>) offsets(%dma_start3A_126 : memref<128xi32, #tpu.memory_space<vmem>>) semaphore(%run_scoped3A : memref<!tpu.dma_semaphore, #tpu.memory_space<semaphore_mem>>) {add = true}
          %dma_wait3A_130 = arith.constant 0 : i32
          %dma_wait3A_131 = tpu.memref_slice %arg9[%add3A_110, %dma_wait3A_130] : memref<8x128xi32, #tpu.memory_space<vmem>> -> memref<1x128xi32, #tpu.memory_space<vmem>>
          %dma_wait3A_132 = tpu.memref_squeeze %dma_wait3A_131 : memref<1x128xi32, #tpu.memory_space<vmem>> -> memref<128xi32, #tpu.memory_space<vmem>>
          %dma_wait3A_133 = arith.constant 0 : i32
          %dma_wait3A_134 = arith.constant 0 : i32
          %dma_wait3A_135 = tpu.memref_slice %arg13[%dma_wait3A_133, %dma_wait3A_134] : memref<10240x128xf32, #tpu.memory_space<vmem_shared>> -> memref<10240x128xf32, #tpu.memory_space<vmem_shared>>
          tpu.wait_indirect_dma semaphore(%run_scoped3A : memref<!tpu.dma_semaphore, #tpu.memory_space<semaphore_mem>>) src(%arg12 : memref<128x128xf32, #tpu.memory_space<vmem>>) dst(%dma_wait3A_135 : memref<10240x128xf32, #tpu.memory_space<vmem_shared>>)
          tpu.yield
        }) : () -> ()
        %add3A_117 = arith.constant 2 : i32
        %add3A_118 = arith.addi %add3A_110, %add3A_117 : i32
        %lt3A_119 = arith.constant 8 : i32
        %lt3A_120 = arith.cmpi slt, %add3A_118, %lt3A_119 : i32
        %convert_element_type3A_121 = arith.extui %lt3A_120 : i1 to i32
        %cond3A_122 = arith.constant 0 : i32
        %cond3A_123 = arith.cmpi ne, %convert_element_type3A_121, %cond3A_122 : i32
        scf.if %cond3A_123 {
          %add3A_124 = arith.constant 2 : i32
          %add3A_125 = arith.addi %add3A_110, %add3A_124 : i32
          %dma_start3A_126 = arith.constant 0 : i32
          %dma_start3A_127 = tpu.memref_slice %arg7[%add3A_125, %dma_start3A_126] : memref<8x128xi32, #tpu.memory_space<vmem>> -> memref<1x128xi32, #tpu.memory_space<vmem>>
          %dma_start3A_128 = tpu.memref_squeeze %dma_start3A_127 : memref<1x128xi32, #tpu.memory_space<vmem>> -> memref<128xi32, #tpu.memory_space<vmem>>
          %dma_start3A_129 = arith.constant 0 : i32
          %dma_start3A_130 = arith.constant 0 : i32
          %dma_start3A_131 = tpu.memref_slice %arg2[%dma_start3A_129, %dma_start3A_130] : memref<10240x128xf32, #tpu.memory_space<hbm>> -> memref<10240x128xf32, #tpu.memory_space<hbm>>
          tpu.enqueue_indirect_dma source(%dma_start3A_131 : memref<10240x128xf32, #tpu.memory_space<hbm>>) target(%arg12 : memref<128x128xf32, #tpu.memory_space<vmem>>) offsets(%dma_start3A_128 : memref<128xi32, #tpu.memory_space<vmem>>) semaphore(%arg15 : memref<!tpu.dma_semaphore, #tpu.memory_space<semaphore_mem>>)
        } else {
        }
      }
      %scan3A_44 = arith.constant 4 : i32
      %add3A_45 = arith.constant 1 : i32
      %add3A_46 = arith.addi %add3A_21, %add3A_45 : i32
      %lt3A_47 = arith.constant 10 : i32
      %lt3A_48 = arith.cmpi slt, %add3A_46, %lt3A_47 : i32
      %convert_element_type3A_49 = arith.extui %lt3A_48 : i1 to i32
      %cond3A_50 = arith.constant 0 : i32
      %cond3A_51 = arith.cmpi ne, %convert_element_type3A_49, %cond3A_50 : i32
      scf.if %cond3A_51 {
        %add3A_90 = arith.constant 1 : i32
        %add3A_91 = arith.addi %add3A_21, %add3A_90 : i32
        %mul3A_92 = arith.constant 8 : i32
        %mul3A_93 = arith.muli %add3A_91, %mul3A_92 : i32
        %add3A_94 = arith.addi %mul3A_2, %mul3A_93 : i32
        %dma_wait3A = arith.constant 0 : i32
        %dma_wait3A_95 = tpu.memref_slice %arg3[%add3A_94, %dma_wait3A] : memref<2560x128xi32, #tpu.memory_space<hbm>> -> memref<8x128xi32, #tpu.memory_space<hbm>>
        %dma_wait3A_96 = arith.constant 0 : i32
        %dma_wait3A_97 = tpu.memref_slice %arg3[%add3A_94, %dma_wait3A_96] : memref<2560x128xi32, #tpu.memory_space<hbm>> -> memref<8x128xi32, #tpu.memory_space<hbm>>
        tpu.wait_dma2 semaphore(%arg17 : memref<!tpu.dma_semaphore, #tpu.memory_space<semaphore_mem>>) src(%dma_wait3A_97 : memref<8x128xi32, #tpu.memory_space<hbm>>) dst(%arg8 : memref<8x128xi32, #tpu.memory_space<vmem>>)
        %add3A_98 = arith.constant 1 : i32
        %add3A_99 = arith.addi %add3A_21, %add3A_98 : i32
        %mul3A_100 = arith.constant 8 : i32
        %mul3A_101 = arith.muli %add3A_99, %mul3A_100 : i32
        %add3A_102 = arith.addi %mul3A_2, %mul3A_101 : i32
        %dma_wait3A_103 = arith.constant 0 : i32
        %dma_wait3A_104 = tpu.memref_slice %arg4[%add3A_102, %dma_wait3A_103] : memref<2560x128xi32, #tpu.memory_space<hbm>> -> memref<8x128xi32, #tpu.memory_space<hbm>>
        %dma_wait3A_105 = arith.constant 0 : i32
        %dma_wait3A_106 = tpu.memref_slice %arg4[%add3A_102, %dma_wait3A_105] : memref<2560x128xi32, #tpu.memory_space<hbm>> -> memref<8x128xi32, #tpu.memory_space<hbm>>
        tpu.wait_dma2 semaphore(%arg17 : memref<!tpu.dma_semaphore, #tpu.memory_space<semaphore_mem>>) src(%dma_wait3A_106 : memref<8x128xi32, #tpu.memory_space<hbm>>) dst(%arg10 : memref<8x128xi32, #tpu.memory_space<vmem>>)
      } else {
      }
      %mul3A_52 = arith.constant 2 : i32
      %mul3A_53 = arith.muli %scan3A_17, %mul3A_52 : i32
      %add3A_54 = arith.constant 1 : i32
      %add3A_55 = arith.addi %mul3A_53, %add3A_54 : i32
      %add3A_56 = arith.constant 1 : i32
      %add3A_57 = arith.addi %add3A_55, %add3A_56 : i32
      %lt3A_58 = arith.constant 10 : i32
      %lt3A_59 = arith.cmpi slt, %add3A_57, %lt3A_58 : i32
      %convert_element_type3A_60 = arith.extui %lt3A_59 : i1 to i32
      %cond3A_61 = arith.constant 0 : i32
      %cond3A_62 = arith.cmpi ne, %convert_element_type3A_60, %cond3A_61 : i32
      scf.if %cond3A_62 {
        %add3A_90 = arith.constant 1 : i32
        %add3A_91 = arith.addi %add3A_55, %add3A_90 : i32
        %mul3A_92 = arith.constant 8 : i32
        %mul3A_93 = arith.muli %add3A_91, %mul3A_92 : i32
        %add3A_94 = arith.addi %mul3A_2, %mul3A_93 : i32
        %dma_start3A_95 = arith.constant 0 : i32
        %dma_start3A_96 = tpu.memref_slice %arg3[%add3A_94, %dma_start3A_95] : memref<2560x128xi32, #tpu.memory_space<hbm>> -> memref<8x128xi32, #tpu.memory_space<hbm>>
        %dma_start3A_97 = arith.constant 0 : i32
        %dma_start3A_98 = tpu.memref_slice %arg3[%add3A_94, %dma_start3A_97] : memref<2560x128xi32, #tpu.memory_space<hbm>> -> memref<8x128xi32, #tpu.memory_space<hbm>>
        tpu.enqueue_dma source(%dma_start3A_98 : memref<8x128xi32, #tpu.memory_space<hbm>>) target(%arg7 : memref<8x128xi32, #tpu.memory_space<vmem>>) target_semaphore(%arg16 : memref<!tpu.dma_semaphore, #tpu.memory_space<semaphore_mem>>)
        %add3A_99 = arith.constant 1 : i32
        %add3A_100 = arith.addi %add3A_55, %add3A_99 : i32
        %mul3A_101 = arith.constant 8 : i32
        %mul3A_102 = arith.muli %add3A_100, %mul3A_101 : i32
        %add3A_103 = arith.addi %mul3A_2, %mul3A_102 : i32
        %dma_start3A_104 = arith.constant 0 : i32
        %dma_start3A_105 = tpu.memref_slice %arg4[%add3A_103, %dma_start3A_104] : memref<2560x128xi32, #tpu.memory_space<hbm>> -> memref<8x128xi32, #tpu.memory_space<hbm>>
        %dma_start3A_106 = arith.constant 0 : i32
        %dma_start3A_107 = tpu.memref_slice %arg4[%add3A_103, %dma_start3A_106] : memref<2560x128xi32, #tpu.memory_space<hbm>> -> memref<8x128xi32, #tpu.memory_space<hbm>>
        tpu.enqueue_dma source(%dma_start3A_107 : memref<8x128xi32, #tpu.memory_space<hbm>>) target(%arg9 : memref<8x128xi32, #tpu.memory_space<vmem>>) target_semaphore(%arg16 : memref<!tpu.dma_semaphore, #tpu.memory_space<semaphore_mem>>)
      } else {
      }
      %dma_start3A_63 = arith.constant 0 : i32
      %dma_start3A_64 = arith.constant 0 : i32
      %dma_start3A_65 = tpu.memref_slice %arg8[%dma_start3A_63, %dma_start3A_64] : memref<8x128xi32, #tpu.memory_space<vmem>> -> memref<1x128xi32, #tpu.memory_space<vmem>>
      %dma_start3A_66 = tpu.memref_squeeze %dma_start3A_65 : memref<1x128xi32, #tpu.memory_space<vmem>> -> memref<128xi32, #tpu.memory_space<vmem>>
      %dma_start3A_67 = arith.constant 0 : i32
      %dma_start3A_68 = arith.constant 0 : i32
      %dma_start3A_69 = tpu.memref_slice %arg2[%dma_start3A_67, %dma_start3A_68] : memref<10240x128xf32, #tpu.memory_space<hbm>> -> memref<10240x128xf32, #tpu.memory_space<hbm>>
      tpu.enqueue_indirect_dma source(%dma_start3A_69 : memref<10240x128xf32, #tpu.memory_space<hbm>>) target(%arg11 : memref<128x128xf32, #tpu.memory_space<vmem>>) offsets(%dma_start3A_66 : memref<128xi32, #tpu.memory_space<vmem>>) semaphore(%arg14 : memref<!tpu.dma_semaphore, #tpu.memory_space<semaphore_mem>>)
      %dma_start3A_70 = arith.constant 1 : i32
      %dma_start3A_71 = arith.constant 0 : i32
      %dma_start3A_72 = tpu.memref_slice %arg8[%dma_start3A_70, %dma_start3A_71] : memref<8x128xi32, #tpu.memory_space<vmem>> -> memref<1x128xi32, #tpu.memory_space<vmem>>
      %dma_start3A_73 = tpu.memref_squeeze %dma_start3A_72 : memref<1x128xi32, #tpu.memory_space<vmem>> -> memref<128xi32, #tpu.memory_space<vmem>>
      %dma_start3A_74 = arith.constant 0 : i32
      %dma_start3A_75 = arith.constant 0 : i32
      %dma_start3A_76 = tpu.memref_slice %arg2[%dma_start3A_74, %dma_start3A_75] : memref<10240x128xf32, #tpu.memory_space<hbm>> -> memref<10240x128xf32, #tpu.memory_space<hbm>>
      tpu.enqueue_indirect_dma source(%dma_start3A_76 : memref<10240x128xf32, #tpu.memory_space<hbm>>) target(%arg12 : memref<128x128xf32, #tpu.memory_space<vmem>>) offsets(%dma_start3A_73 : memref<128xi32, #tpu.memory_space<vmem>>) semaphore(%arg15 : memref<!tpu.dma_semaphore, #tpu.memory_space<semaphore_mem>>)
      %scan3A_77 = arith.constant 0 : i32
      %scan3A_78 = arith.constant 0 : i32
      %scan3A_79 = arith.constant 4 : i32
      %scan3A_80 = arith.addi %scan3A_78, %scan3A_79 : i32
      %scan3A_81 = arith.constant 1 : i32
      scf.for %scan3A_90 = %scan3A_78 to %scan3A_80 step %scan3A_81  : i32 {
        %mul3A_91 = arith.constant 2 : i32
        %mul3A_92 = arith.muli %scan3A_90, %mul3A_91 : i32
        %add3A_93 = arith.constant 0 : i32
        %add3A_94 = arith.addi %mul3A_92, %add3A_93 : i32
        %dma_wait3A = arith.constant 0 : i32
        %dma_wait3A_95 = tpu.memref_slice %arg8[%add3A_94, %dma_wait3A] : memref<8x128xi32, #tpu.memory_space<vmem>> -> memref<1x128xi32, #tpu.memory_space<vmem>>
        %dma_wait3A_96 = tpu.memref_squeeze %dma_wait3A_95 : memref<1x128xi32, #tpu.memory_space<vmem>> -> memref<128xi32, #tpu.memory_space<vmem>>
        %dma_wait3A_97 = arith.constant 0 : i32
        %dma_wait3A_98 = arith.constant 0 : i32
        %dma_wait3A_99 = tpu.memref_slice %arg2[%dma_wait3A_97, %dma_wait3A_98] : memref<10240x128xf32, #tpu.memory_space<hbm>> -> memref<10240x128xf32, #tpu.memory_space<hbm>>
        tpu.wait_indirect_dma semaphore(%arg14 : memref<!tpu.dma_semaphore, #tpu.memory_space<semaphore_mem>>) src(%dma_wait3A_99 : memref<10240x128xf32, #tpu.memory_space<hbm>>) dst(%arg11 : memref<128x128xf32, #tpu.memory_space<vmem>>)
        "tpu.region"() ({
          %run_scoped3A = tpu.sem_alloc : memref<!tpu.dma_semaphore, #tpu.memory_space<semaphore_mem>>
          %dma_start3A_124 = arith.constant 0 : i32
          %dma_start3A_125 = tpu.memref_slice %arg10[%add3A_94, %dma_start3A_124] : memref<8x128xi32, #tpu.memory_space<vmem>> -> memref<1x128xi32, #tpu.memory_space<vmem>>
          %dma_start3A_126 = tpu.memref_squeeze %dma_start3A_125 : memref<1x128xi32, #tpu.memory_space<vmem>> -> memref<128xi32, #tpu.memory_space<vmem>>
          %dma_start3A_127 = arith.constant 0 : i32
          %dma_start3A_128 = arith.constant 0 : i32
          %dma_start3A_129 = tpu.memref_slice %arg13[%dma_start3A_127, %dma_start3A_128] : memref<10240x128xf32, #tpu.memory_space<vmem_shared>> -> memref<10240x128xf32, #tpu.memory_space<vmem_shared>>
          tpu.enqueue_indirect_dma source(%arg11 : memref<128x128xf32, #tpu.memory_space<vmem>>) target(%dma_start3A_129 : memref<10240x128xf32, #tpu.memory_space<vmem_shared>>) offsets(%dma_start3A_126 : memref<128xi32, #tpu.memory_space<vmem>>) semaphore(%run_scoped3A : memref<!tpu.dma_semaphore, #tpu.memory_space<semaphore_mem>>) {add = true}
          %dma_wait3A_130 = arith.constant 0 : i32
          %dma_wait3A_131 = tpu.memref_slice %arg10[%add3A_94, %dma_wait3A_130] : memref<8x128xi32, #tpu.memory_space<vmem>> -> memref<1x128xi32, #tpu.memory_space<vmem>>
          %dma_wait3A_132 = tpu.memref_squeeze %dma_wait3A_131 : memref<1x128xi32, #tpu.memory_space<vmem>> -> memref<128xi32, #tpu.memory_space<vmem>>
          %dma_wait3A_133 = arith.constant 0 : i32
          %dma_wait3A_134 = arith.constant 0 : i32
          %dma_wait3A_135 = tpu.memref_slice %arg13[%dma_wait3A_133, %dma_wait3A_134] : memref<10240x128xf32, #tpu.memory_space<vmem_shared>> -> memref<10240x128xf32, #tpu.memory_space<vmem_shared>>
          tpu.wait_indirect_dma semaphore(%run_scoped3A : memref<!tpu.dma_semaphore, #tpu.memory_space<semaphore_mem>>) src(%arg11 : memref<128x128xf32, #tpu.memory_space<vmem>>) dst(%dma_wait3A_135 : memref<10240x128xf32, #tpu.memory_space<vmem_shared>>)
          tpu.yield
        }) : () -> ()
        %add3A_100 = arith.constant 2 : i32
        %add3A_101 = arith.addi %add3A_94, %add3A_100 : i32
        %lt3A_102 = arith.constant 8 : i32
        %lt3A_103 = arith.cmpi slt, %add3A_101, %lt3A_102 : i32
        %convert_element_type3A_104 = arith.extui %lt3A_103 : i1 to i32
        %cond3A_105 = arith.constant 0 : i32
        %cond3A_106 = arith.cmpi ne, %convert_element_type3A_104, %cond3A_105 : i32
        scf.if %cond3A_106 {
          %add3A_124 = arith.constant 2 : i32
          %add3A_125 = arith.addi %add3A_94, %add3A_124 : i32
          %dma_start3A_126 = arith.constant 0 : i32
          %dma_start3A_127 = tpu.memref_slice %arg8[%add3A_125, %dma_start3A_126] : memref<8x128xi32, #tpu.memory_space<vmem>> -> memref<1x128xi32, #tpu.memory_space<vmem>>
          %dma_start3A_128 = tpu.memref_squeeze %dma_start3A_127 : memref<1x128xi32, #tpu.memory_space<vmem>> -> memref<128xi32, #tpu.memory_space<vmem>>
          %dma_start3A_129 = arith.constant 0 : i32
          %dma_start3A_130 = arith.constant 0 : i32
          %dma_start3A_131 = tpu.memref_slice %arg2[%dma_start3A_129, %dma_start3A_130] : memref<10240x128xf32, #tpu.memory_space<hbm>> -> memref<10240x128xf32, #tpu.memory_space<hbm>>
          tpu.enqueue_indirect_dma source(%dma_start3A_131 : memref<10240x128xf32, #tpu.memory_space<hbm>>) target(%arg11 : memref<128x128xf32, #tpu.memory_space<vmem>>) offsets(%dma_start3A_128 : memref<128xi32, #tpu.memory_space<vmem>>) semaphore(%arg14 : memref<!tpu.dma_semaphore, #tpu.memory_space<semaphore_mem>>)
        } else {
        }
        %mul3A_107 = arith.constant 2 : i32
        %mul3A_108 = arith.muli %scan3A_90, %mul3A_107 : i32
        %add3A_109 = arith.constant 1 : i32
        %add3A_110 = arith.addi %mul3A_108, %add3A_109 : i32
        %dma_wait3A_111 = arith.constant 0 : i32
        %dma_wait3A_112 = tpu.memref_slice %arg8[%add3A_110, %dma_wait3A_111] : memref<8x128xi32, #tpu.memory_space<vmem>> -> memref<1x128xi32, #tpu.memory_space<vmem>>
        %dma_wait3A_113 = tpu.memref_squeeze %dma_wait3A_112 : memref<1x128xi32, #tpu.memory_space<vmem>> -> memref<128xi32, #tpu.memory_space<vmem>>
        %dma_wait3A_114 = arith.constant 0 : i32
        %dma_wait3A_115 = arith.constant 0 : i32
        %dma_wait3A_116 = tpu.memref_slice %arg2[%dma_wait3A_114, %dma_wait3A_115] : memref<10240x128xf32, #tpu.memory_space<hbm>> -> memref<10240x128xf32, #tpu.memory_space<hbm>>
        tpu.wait_indirect_dma semaphore(%arg15 : memref<!tpu.dma_semaphore, #tpu.memory_space<semaphore_mem>>) src(%dma_wait3A_116 : memref<10240x128xf32, #tpu.memory_space<hbm>>) dst(%arg12 : memref<128x128xf32, #tpu.memory_space<vmem>>)
        "tpu.region"() ({
          %run_scoped3A = tpu.sem_alloc : memref<!tpu.dma_semaphore, #tpu.memory_space<semaphore_mem>>
          %dma_start3A_124 = arith.constant 0 : i32
          %dma_start3A_125 = tpu.memref_slice %arg10[%add3A_110, %dma_start3A_124] : memref<8x128xi32, #tpu.memory_space<vmem>> -> memref<1x128xi32, #tpu.memory_space<vmem>>
          %dma_start3A_126 = tpu.memref_squeeze %dma_start3A_125 : memref<1x128xi32, #tpu.memory_space<vmem>> -> memref<128xi32, #tpu.memory_space<vmem>>
          %dma_start3A_127 = arith.constant 0 : i32
          %dma_start3A_128 = arith.constant 0 : i32
          %dma_start3A_129 = tpu.memref_slice %arg13[%dma_start3A_127, %dma_start3A_128] : memref<10240x128xf32, #tpu.memory_space<vmem_shared>> -> memref<10240x128xf32, #tpu.memory_space<vmem_shared>>
          tpu.enqueue_indirect_dma source(%arg12 : memref<128x128xf32, #tpu.memory_space<vmem>>) target(%dma_start3A_129 : memref<10240x128xf32, #tpu.memory_space<vmem_shared>>) offsets(%dma_start3A_126 : memref<128xi32, #tpu.memory_space<vmem>>) semaphore(%run_scoped3A : memref<!tpu.dma_semaphore, #tpu.memory_space<semaphore_mem>>) {add = true}
          %dma_wait3A_130 = arith.constant 0 : i32
          %dma_wait3A_131 = tpu.memref_slice %arg10[%add3A_110, %dma_wait3A_130] : memref<8x128xi32, #tpu.memory_space<vmem>> -> memref<1x128xi32, #tpu.memory_space<vmem>>
          %dma_wait3A_132 = tpu.memref_squeeze %dma_wait3A_131 : memref<1x128xi32, #tpu.memory_space<vmem>> -> memref<128xi32, #tpu.memory_space<vmem>>
          %dma_wait3A_133 = arith.constant 0 : i32
          %dma_wait3A_134 = arith.constant 0 : i32
          %dma_wait3A_135 = tpu.memref_slice %arg13[%dma_wait3A_133, %dma_wait3A_134] : memref<10240x128xf32, #tpu.memory_space<vmem_shared>> -> memref<10240x128xf32, #tpu.memory_space<vmem_shared>>
          tpu.wait_indirect_dma semaphore(%run_scoped3A : memref<!tpu.dma_semaphore, #tpu.memory_space<semaphore_mem>>) src(%arg12 : memref<128x128xf32, #tpu.memory_space<vmem>>) dst(%dma_wait3A_135 : memref<10240x128xf32, #tpu.memory_space<vmem_shared>>)
          tpu.yield
        }) : () -> ()
        %add3A_117 = arith.constant 2 : i32
        %add3A_118 = arith.addi %add3A_110, %add3A_117 : i32
        %lt3A_119 = arith.constant 8 : i32
        %lt3A_120 = arith.cmpi slt, %add3A_118, %lt3A_119 : i32
        %convert_element_type3A_121 = arith.extui %lt3A_120 : i1 to i32
        %cond3A_122 = arith.constant 0 : i32
        %cond3A_123 = arith.cmpi ne, %convert_element_type3A_121, %cond3A_122 : i32
        scf.if %cond3A_123 {
          %add3A_124 = arith.constant 2 : i32
          %add3A_125 = arith.addi %add3A_110, %add3A_124 : i32
          %dma_start3A_126 = arith.constant 0 : i32
          %dma_start3A_127 = tpu.memref_slice %arg8[%add3A_125, %dma_start3A_126] : memref<8x128xi32, #tpu.memory_space<vmem>> -> memref<1x128xi32, #tpu.memory_space<vmem>>
          %dma_start3A_128 = tpu.memref_squeeze %dma_start3A_127 : memref<1x128xi32, #tpu.memory_space<vmem>> -> memref<128xi32, #tpu.memory_space<vmem>>
          %dma_start3A_129 = arith.constant 0 : i32
          %dma_start3A_130 = arith.constant 0 : i32
          %dma_start3A_131 = tpu.memref_slice %arg2[%dma_start3A_129, %dma_start3A_130] : memref<10240x128xf32, #tpu.memory_space<hbm>> -> memref<10240x128xf32, #tpu.memory_space<hbm>>
          tpu.enqueue_indirect_dma source(%dma_start3A_131 : memref<10240x128xf32, #tpu.memory_space<hbm>>) target(%arg12 : memref<128x128xf32, #tpu.memory_space<vmem>>) offsets(%dma_start3A_128 : memref<128xi32, #tpu.memory_space<vmem>>) semaphore(%arg15 : memref<!tpu.dma_semaphore, #tpu.memory_space<semaphore_mem>>)
        } else {
        }
      }
      %scan3A_82 = arith.constant 4 : i32
      %add3A_83 = arith.constant 1 : i32
      %add3A_84 = arith.addi %add3A_55, %add3A_83 : i32
      %lt3A_85 = arith.constant 10 : i32
      %lt3A_86 = arith.cmpi slt, %add3A_84, %lt3A_85 : i32
      %convert_element_type3A_87 = arith.extui %lt3A_86 : i1 to i32
      %cond3A_88 = arith.constant 0 : i32
      %cond3A_89 = arith.cmpi ne, %convert_element_type3A_87, %cond3A_88 : i32
      scf.if %cond3A_89 {
        %add3A_90 = arith.constant 1 : i32
        %add3A_91 = arith.addi %add3A_55, %add3A_90 : i32
        %mul3A_92 = arith.constant 8 : i32
        %mul3A_93 = arith.muli %add3A_91, %mul3A_92 : i32
        %add3A_94 = arith.addi %mul3A_2, %mul3A_93 : i32
        %dma_wait3A = arith.constant 0 : i32
        %dma_wait3A_95 = tpu.memref_slice %arg3[%add3A_94, %dma_wait3A] : memref<2560x128xi32, #tpu.memory_space<hbm>> -> memref<8x128xi32, #tpu.memory_space<hbm>>
        %dma_wait3A_96 = arith.constant 0 : i32
        %dma_wait3A_97 = tpu.memref_slice %arg3[%add3A_94, %dma_wait3A_96] : memref<2560x128xi32, #tpu.memory_space<hbm>> -> memref<8x128xi32, #tpu.memory_space<hbm>>
        tpu.wait_dma2 semaphore(%arg16 : memref<!tpu.dma_semaphore, #tpu.memory_space<semaphore_mem>>) src(%dma_wait3A_97 : memref<8x128xi32, #tpu.memory_space<hbm>>) dst(%arg7 : memref<8x128xi32, #tpu.memory_space<vmem>>)
        %add3A_98 = arith.constant 1 : i32
        %add3A_99 = arith.addi %add3A_55, %add3A_98 : i32
        %mul3A_100 = arith.constant 8 : i32
        %mul3A_101 = arith.muli %add3A_99, %mul3A_100 : i32
        %add3A_102 = arith.addi %mul3A_2, %mul3A_101 : i32
        %dma_wait3A_103 = arith.constant 0 : i32
        %dma_wait3A_104 = tpu.memref_slice %arg4[%add3A_102, %dma_wait3A_103] : memref<2560x128xi32, #tpu.memory_space<hbm>> -> memref<8x128xi32, #tpu.memory_space<hbm>>
        %dma_wait3A_105 = arith.constant 0 : i32
        %dma_wait3A_106 = tpu.memref_slice %arg4[%add3A_102, %dma_wait3A_105] : memref<2560x128xi32, #tpu.memory_space<hbm>> -> memref<8x128xi32, #tpu.memory_space<hbm>>
        tpu.wait_dma2 semaphore(%arg16 : memref<!tpu.dma_semaphore, #tpu.memory_space<semaphore_mem>>) src(%dma_wait3A_106 : memref<8x128xi32, #tpu.memory_space<hbm>>) dst(%arg9 : memref<8x128xi32, #tpu.memory_space<vmem>>)
      } else {
      }
    }
    %scan3A_11 = arith.constant 5 : i32
    %barrier3A_12 = arith.constant 0 : index
    tpu.barrier barrier_id(%barrier3A_12)
    %mul3A_13 = arith.constant 640 : i32
    %mul3A_14 = arith.muli %arg1, %mul3A_13 : i32
    %mul3A_15 = arith.constant 640 : i32
    %mul3A_16 = arith.muli %arg1, %mul3A_15 : i32
    "tpu.region"() ({
      %run_scoped3A = tpu.sem_alloc : memref<!tpu.dma_semaphore, #tpu.memory_space<semaphore_mem>>
      %dma_start3A = arith.constant 0 : i32
      %dma_start3A_17 = tpu.memref_slice %arg6[%arg0, %mul3A_16, %dma_start3A] : memref<2x10240x128xf32, #tpu.memory_space<hbm>> -> memref<1x640x128xf32, #tpu.memory_space<hbm>>
      %dma_start3A_18 = tpu.memref_squeeze %dma_start3A_17 : memref<1x640x128xf32, #tpu.memory_space<hbm>> -> memref<640x128xf32, #tpu.memory_space<hbm>>
      %dma_start3A_19 = arith.constant 0 : i32
      %dma_start3A_20 = tpu.memref_slice %arg13[%mul3A_14, %dma_start3A_19] : memref<10240x128xf32, #tpu.memory_space<vmem_shared>> -> memref<640x128xf32, #tpu.memory_space<vmem_shared>>
      tpu.enqueue_dma source(%dma_start3A_20 : memref<640x128xf32, #tpu.memory_space<vmem_shared>>) target(%dma_start3A_18 : memref<640x128xf32, #tpu.memory_space<hbm>>) target_semaphore(%run_scoped3A : memref<!tpu.dma_semaphore, #tpu.memory_space<semaphore_mem>>)
      %dma_wait3A = arith.constant 0 : i32
      %dma_wait3A_21 = tpu.memref_slice %arg6[%arg0, %mul3A_16, %dma_wait3A] : memref<2x10240x128xf32, #tpu.memory_space<hbm>> -> memref<1x640x128xf32, #tpu.memory_space<hbm>>
      %dma_wait3A_22 = tpu.memref_squeeze %dma_wait3A_21 : memref<1x640x128xf32, #tpu.memory_space<hbm>> -> memref<640x128xf32, #tpu.memory_space<hbm>>
      %dma_wait3A_23 = arith.constant 0 : i32
      %dma_wait3A_24 = tpu.memref_slice %arg13[%mul3A_14, %dma_wait3A_23] : memref<10240x128xf32, #tpu.memory_space<vmem_shared>> -> memref<640x128xf32, #tpu.memory_space<vmem_shared>>
      tpu.wait_dma2 semaphore(%run_scoped3A : memref<!tpu.dma_semaphore, #tpu.memory_space<semaphore_mem>>) src(%dma_wait3A_24 : memref<640x128xf32, #tpu.memory_space<vmem_shared>>) dst(%dma_wait3A_22 : memref<640x128xf32, #tpu.memory_space<hbm>>)
      tpu.yield
    }) : () -> ()
    return
  }
}

#map = affine_map<(d0, d1) -> (0, 0)>
#map1 = affine_map<(d0, d1) -> (0, 0, 0)>
module attributes {stable_mosaic.version = 14 : i64} {
  func.func @_agg_body(%arg0: i32, %arg1: i32, %arg2: memref<10240x128xf32, #tpu.memory_space<hbm>>, %arg3: memref<2560x128xi32, #tpu.memory_space<hbm>>, %arg4: memref<2560x128xi32, #tpu.memory_space<hbm>>, %arg5: memref<10240x128xf32, #tpu.memory_space<hbm>>, %arg6: memref<2x10240x128xf32, #tpu.memory_space<hbm>>, %arg7: memref<8x128xi32, #tpu.memory_space<vmem>>, %arg8: memref<8x128xi32, #tpu.memory_space<vmem>>, %arg9: memref<8x128xi32, #tpu.memory_space<vmem>>, %arg10: memref<8x128xi32, #tpu.memory_space<vmem>>, %arg11: memref<128x128xf32, #tpu.memory_space<vmem>>, %arg12: memref<128x128xf32, #tpu.memory_space<vmem>>, %arg13: memref<10240x128xf32, #tpu.memory_space<vmem_shared>>, %arg14: memref<!tpu.dma_semaphore, #tpu.memory_space<semaphore_mem>>, %arg15: memref<!tpu.dma_semaphore, #tpu.memory_space<semaphore_mem>>, %arg16: memref<!tpu.dma_semaphore, #tpu.memory_space<semaphore_mem>>, %arg17: memref<!tpu.dma_semaphore, #tpu.memory_space<semaphore_mem>>) attributes {dimension_semantics = [#tpu.dimension_semantics<core_parallel>, #tpu.dimension_semantics<subcore_parallel>], iteration_bounds = array<i64: 2, 16>, scalar_prefetch = 0 : i64, scratch_operands = 11 : i64, tpu.core_type = #tpu.core_type<sc_vector_subcore>, window_params = [{transform_indices = #map}, {transform_indices = #map}, {transform_indices = #map}, {transform_indices = #map}, {transform_indices = #map1}]} {
    %mul3A = arith.constant 16 : i32
    %mul3A_0 = arith.muli %arg0, %mul3A : i32
    %add3A = arith.addi %mul3A_0, %arg1 : i32
    %mul3A_1 = arith.constant 80 : i32
    %mul3A_2 = arith.muli %add3A, %mul3A_1 : i32
    %mul3A_3 = arith.constant 640 : i32
    %mul3A_4 = arith.muli %arg1, %mul3A_3 : i32
    %mul3A_5 = arith.constant 640 : i32
    %mul3A_6 = arith.muli %arg1, %mul3A_5 : i32
    "tpu.region"() ({
      %run_scoped3A = tpu.sem_alloc : memref<!tpu.dma_semaphore, #tpu.memory_space<semaphore_mem>>
      %dma_start3A = arith.constant 0 : i32
      %dma_start3A_17 = tpu.memref_slice %arg13[%mul3A_6, %dma_start3A] : memref<10240x128xf32, #tpu.memory_space<vmem_shared>> -> memref<640x128xf32, #tpu.memory_space<vmem_shared>>
      %dma_start3A_18 = arith.constant 0 : i32
      %dma_start3A_19 = tpu.memref_slice %arg5[%mul3A_4, %dma_start3A_18] : memref<10240x128xf32, #tpu.memory_space<hbm>> -> memref<640x128xf32, #tpu.memory_space<hbm>>
      tpu.enqueue_dma source(%dma_start3A_19 : memref<640x128xf32, #tpu.memory_space<hbm>>) target(%dma_start3A_17 : memref<640x128xf32, #tpu.memory_space<vmem_shared>>) target_semaphore(%run_scoped3A : memref<!tpu.dma_semaphore, #tpu.memory_space<semaphore_mem>>)
      %dma_wait3A = arith.constant 0 : i32
      %dma_wait3A_20 = tpu.memref_slice %arg13[%mul3A_6, %dma_wait3A] : memref<10240x128xf32, #tpu.memory_space<vmem_shared>> -> memref<640x128xf32, #tpu.memory_space<vmem_shared>>
      %dma_wait3A_21 = arith.constant 0 : i32
      %dma_wait3A_22 = tpu.memref_slice %arg5[%mul3A_4, %dma_wait3A_21] : memref<10240x128xf32, #tpu.memory_space<hbm>> -> memref<640x128xf32, #tpu.memory_space<hbm>>
      tpu.wait_dma2 semaphore(%run_scoped3A : memref<!tpu.dma_semaphore, #tpu.memory_space<semaphore_mem>>) src(%dma_wait3A_22 : memref<640x128xf32, #tpu.memory_space<hbm>>) dst(%dma_wait3A_20 : memref<640x128xf32, #tpu.memory_space<vmem_shared>>)
      tpu.yield
    }) : () -> ()
    "tpu.region"() ({
      %run_scoped3A = tpu.sem_alloc : memref<!tpu.dma_semaphore, #tpu.memory_space<semaphore_mem>>
      %dma_start3A = arith.constant 0 : i32
      %dma_start3A_17 = tpu.memref_slice %arg3[%mul3A_2, %dma_start3A] : memref<2560x128xi32, #tpu.memory_space<hbm>> -> memref<8x128xi32, #tpu.memory_space<hbm>>
      %dma_start3A_18 = arith.constant 0 : i32
      %dma_start3A_19 = tpu.memref_slice %arg3[%mul3A_2, %dma_start3A_18] : memref<2560x128xi32, #tpu.memory_space<hbm>> -> memref<8x128xi32, #tpu.memory_space<hbm>>
      tpu.enqueue_dma source(%dma_start3A_19 : memref<8x128xi32, #tpu.memory_space<hbm>>) target(%arg7 : memref<8x128xi32, #tpu.memory_space<vmem>>) target_semaphore(%run_scoped3A : memref<!tpu.dma_semaphore, #tpu.memory_space<semaphore_mem>>)
      %dma_wait3A = arith.constant 0 : i32
      %dma_wait3A_20 = tpu.memref_slice %arg3[%mul3A_2, %dma_wait3A] : memref<2560x128xi32, #tpu.memory_space<hbm>> -> memref<8x128xi32, #tpu.memory_space<hbm>>
      %dma_wait3A_21 = arith.constant 0 : i32
      %dma_wait3A_22 = tpu.memref_slice %arg3[%mul3A_2, %dma_wait3A_21] : memref<2560x128xi32, #tpu.memory_space<hbm>> -> memref<8x128xi32, #tpu.memory_space<hbm>>
      tpu.wait_dma2 semaphore(%run_scoped3A : memref<!tpu.dma_semaphore, #tpu.memory_space<semaphore_mem>>) src(%dma_wait3A_22 : memref<8x128xi32, #tpu.memory_space<hbm>>) dst(%arg7 : memref<8x128xi32, #tpu.memory_space<vmem>>)
      tpu.yield
    }) : () -> ()
    "tpu.region"() ({
      %run_scoped3A = tpu.sem_alloc : memref<!tpu.dma_semaphore, #tpu.memory_space<semaphore_mem>>
      %dma_start3A = arith.constant 0 : i32
      %dma_start3A_17 = tpu.memref_slice %arg4[%mul3A_2, %dma_start3A] : memref<2560x128xi32, #tpu.memory_space<hbm>> -> memref<8x128xi32, #tpu.memory_space<hbm>>
      %dma_start3A_18 = arith.constant 0 : i32
      %dma_start3A_19 = tpu.memref_slice %arg4[%mul3A_2, %dma_start3A_18] : memref<2560x128xi32, #tpu.memory_space<hbm>> -> memref<8x128xi32, #tpu.memory_space<hbm>>
      tpu.enqueue_dma source(%dma_start3A_19 : memref<8x128xi32, #tpu.memory_space<hbm>>) target(%arg9 : memref<8x128xi32, #tpu.memory_space<vmem>>) target_semaphore(%run_scoped3A : memref<!tpu.dma_semaphore, #tpu.memory_space<semaphore_mem>>)
      %dma_wait3A = arith.constant 0 : i32
      %dma_wait3A_20 = tpu.memref_slice %arg4[%mul3A_2, %dma_wait3A] : memref<2560x128xi32, #tpu.memory_space<hbm>> -> memref<8x128xi32, #tpu.memory_space<hbm>>
      %dma_wait3A_21 = arith.constant 0 : i32
      %dma_wait3A_22 = tpu.memref_slice %arg4[%mul3A_2, %dma_wait3A_21] : memref<2560x128xi32, #tpu.memory_space<hbm>> -> memref<8x128xi32, #tpu.memory_space<hbm>>
      tpu.wait_dma2 semaphore(%run_scoped3A : memref<!tpu.dma_semaphore, #tpu.memory_space<semaphore_mem>>) src(%dma_wait3A_22 : memref<8x128xi32, #tpu.memory_space<hbm>>) dst(%arg9 : memref<8x128xi32, #tpu.memory_space<vmem>>)
      tpu.yield
    }) : () -> ()
    %barrier3A = arith.constant 0 : index
    tpu.barrier barrier_id(%barrier3A)
    %scan3A = arith.constant 0 : i32
    %scan3A_7 = arith.constant 0 : i32
    %scan3A_8 = arith.constant 5 : i32
    %scan3A_9 = arith.addi %scan3A_7, %scan3A_8 : i32
    %scan3A_10 = arith.constant 1 : i32
    scf.for %scan3A_17 = %scan3A_7 to %scan3A_9 step %scan3A_10  : i32 {
      %mul3A_18 = arith.constant 2 : i32
      %mul3A_19 = arith.muli %scan3A_17, %mul3A_18 : i32
      %add3A_20 = arith.constant 0 : i32
      %add3A_21 = arith.addi %mul3A_19, %add3A_20 : i32
      %add3A_22 = arith.constant 1 : i32
      %add3A_23 = arith.addi %add3A_21, %add3A_22 : i32
      %lt3A = arith.constant 10 : i32
      %lt3A_24 = arith.cmpi slt, %add3A_23, %lt3A : i32
      %convert_element_type3A = arith.extui %lt3A_24 : i1 to i32
      %cond3A = arith.constant 0 : i32
      %cond3A_25 = arith.cmpi ne, %convert_element_type3A, %cond3A : i32
      scf.if %cond3A_25 {
        %add3A_90 = arith.constant 1 : i32
        %add3A_91 = arith.addi %add3A_21, %add3A_90 : i32
        %mul3A_92 = arith.constant 8 : i32
        %mul3A_93 = arith.muli %add3A_91, %mul3A_92 : i32
        %add3A_94 = arith.addi %mul3A_2, %mul3A_93 : i32
        %dma_start3A_95 = arith.constant 0 : i32
        %dma_start3A_96 = tpu.memref_slice %arg3[%add3A_94, %dma_start3A_95] : memref<2560x128xi32, #tpu.memory_space<hbm>> -> memref<8x128xi32, #tpu.memory_space<hbm>>
        %dma_start3A_97 = arith.constant 0 : i32
        %dma_start3A_98 = tpu.memref_slice %arg3[%add3A_94, %dma_start3A_97] : memref<2560x128xi32, #tpu.memory_space<hbm>> -> memref<8x128xi32, #tpu.memory_space<hbm>>
        tpu.enqueue_dma source(%dma_start3A_98 : memref<8x128xi32, #tpu.memory_space<hbm>>) target(%arg8 : memref<8x128xi32, #tpu.memory_space<vmem>>) target_semaphore(%arg17 : memref<!tpu.dma_semaphore, #tpu.memory_space<semaphore_mem>>)
        %add3A_99 = arith.constant 1 : i32
        %add3A_100 = arith.addi %add3A_21, %add3A_99 : i32
        %mul3A_101 = arith.constant 8 : i32
        %mul3A_102 = arith.muli %add3A_100, %mul3A_101 : i32
        %add3A_103 = arith.addi %mul3A_2, %mul3A_102 : i32
        %dma_start3A_104 = arith.constant 0 : i32
        %dma_start3A_105 = tpu.memref_slice %arg4[%add3A_103, %dma_start3A_104] : memref<2560x128xi32, #tpu.memory_space<hbm>> -> memref<8x128xi32, #tpu.memory_space<hbm>>
        %dma_start3A_106 = arith.constant 0 : i32
        %dma_start3A_107 = tpu.memref_slice %arg4[%add3A_103, %dma_start3A_106] : memref<2560x128xi32, #tpu.memory_space<hbm>> -> memref<8x128xi32, #tpu.memory_space<hbm>>
        tpu.enqueue_dma source(%dma_start3A_107 : memref<8x128xi32, #tpu.memory_space<hbm>>) target(%arg10 : memref<8x128xi32, #tpu.memory_space<vmem>>) target_semaphore(%arg17 : memref<!tpu.dma_semaphore, #tpu.memory_space<semaphore_mem>>)
      } else {
      }
      %dma_start3A = arith.constant 0 : i32
      %dma_start3A_26 = arith.constant 0 : i32
      %dma_start3A_27 = tpu.memref_slice %arg7[%dma_start3A, %dma_start3A_26] : memref<8x128xi32, #tpu.memory_space<vmem>> -> memref<1x128xi32, #tpu.memory_space<vmem>>
      %dma_start3A_28 = tpu.memref_squeeze %dma_start3A_27 : memref<1x128xi32, #tpu.memory_space<vmem>> -> memref<128xi32, #tpu.memory_space<vmem>>
      %dma_start3A_29 = arith.constant 0 : i32
      %dma_start3A_30 = arith.constant 0 : i32
      %dma_start3A_31 = tpu.memref_slice %arg2[%dma_start3A_29, %dma_start3A_30] : memref<10240x128xf32, #tpu.memory_space<hbm>> -> memref<10240x128xf32, #tpu.memory_space<hbm>>
      tpu.enqueue_indirect_dma source(%dma_start3A_31 : memref<10240x128xf32, #tpu.memory_space<hbm>>) target(%arg11 : memref<128x128xf32, #tpu.memory_space<vmem>>) offsets(%dma_start3A_28 : memref<128xi32, #tpu.memory_space<vmem>>) semaphore(%arg14 : memref<!tpu.dma_semaphore, #tpu.memory_space<semaphore_mem>>)
      %dma_start3A_32 = arith.constant 1 : i32
      %dma_start3A_33 = arith.constant 0 : i32
      %dma_start3A_34 = tpu.memref_slice %arg7[%dma_start3A_32, %dma_start3A_33] : memref<8x128xi32, #tpu.memory_space<vmem>> -> memref<1x128xi32, #tpu.memory_space<vmem>>
      %dma_start3A_35 = tpu.memref_squeeze %dma_start3A_34 : memref<1x128xi32, #tpu.memory_space<vmem>> -> memref<128xi32, #tpu.memory_space<vmem>>
      %dma_start3A_36 = arith.constant 0 : i32
      %dma_start3A_37 = arith.constant 0 : i32
      %dma_start3A_38 = tpu.memref_slice %arg2[%dma_start3A_36, %dma_start3A_37] : memref<10240x128xf32, #tpu.memory_space<hbm>> -> memref<10240x128xf32, #tpu.memory_space<hbm>>
      tpu.enqueue_indirect_dma source(%dma_start3A_38 : memref<10240x128xf32, #tpu.memory_space<hbm>>) target(%arg12 : memref<128x128xf32, #tpu.memory_space<vmem>>) offsets(%dma_start3A_35 : memref<128xi32, #tpu.memory_space<vmem>>) semaphore(%arg15 : memref<!tpu.dma_semaphore, #tpu.memory_space<semaphore_mem>>)
      %scan3A_39 = arith.constant 0 : i32
      %scan3A_40 = arith.constant 0 : i32
      %scan3A_41 = arith.constant 4 : i32
      %scan3A_42 = arith.addi %scan3A_40, %scan3A_41 : i32
      %scan3A_43 = arith.constant 1 : i32
      scf.for %scan3A_90 = %scan3A_40 to %scan3A_42 step %scan3A_43  : i32 {
        %mul3A_91 = arith.constant 2 : i32
        %mul3A_92 = arith.muli %scan3A_90, %mul3A_91 : i32
        %add3A_93 = arith.constant 0 : i32
        %add3A_94 = arith.addi %mul3A_92, %add3A_93 : i32
        %dma_wait3A = arith.constant 0 : i32
        %dma_wait3A_95 = tpu.memref_slice %arg7[%add3A_94, %dma_wait3A] : memref<8x128xi32, #tpu.memory_space<vmem>> -> memref<1x128xi32, #tpu.memory_space<vmem>>
        %dma_wait3A_96 = tpu.memref_squeeze %dma_wait3A_95 : memref<1x128xi32, #tpu.memory_space<vmem>> -> memref<128xi32, #tpu.memory_space<vmem>>
        %dma_wait3A_97 = arith.constant 0 : i32
        %dma_wait3A_98 = arith.constant 0 : i32
        %dma_wait3A_99 = tpu.memref_slice %arg2[%dma_wait3A_97, %dma_wait3A_98] : memref<10240x128xf32, #tpu.memory_space<hbm>> -> memref<10240x128xf32, #tpu.memory_space<hbm>>
        tpu.wait_indirect_dma semaphore(%arg14 : memref<!tpu.dma_semaphore, #tpu.memory_space<semaphore_mem>>) src(%dma_wait3A_99 : memref<10240x128xf32, #tpu.memory_space<hbm>>) dst(%arg11 : memref<128x128xf32, #tpu.memory_space<vmem>>)
        "tpu.region"() ({
          %run_scoped3A = tpu.sem_alloc : memref<!tpu.dma_semaphore, #tpu.memory_space<semaphore_mem>>
          %dma_start3A_124 = arith.constant 0 : i32
          %dma_start3A_125 = tpu.memref_slice %arg9[%add3A_94, %dma_start3A_124] : memref<8x128xi32, #tpu.memory_space<vmem>> -> memref<1x128xi32, #tpu.memory_space<vmem>>
          %dma_start3A_126 = tpu.memref_squeeze %dma_start3A_125 : memref<1x128xi32, #tpu.memory_space<vmem>> -> memref<128xi32, #tpu.memory_space<vmem>>
          %dma_start3A_127 = arith.constant 0 : i32
          %dma_start3A_128 = arith.constant 0 : i32
          %dma_start3A_129 = tpu.memref_slice %arg13[%dma_start3A_127, %dma_start3A_128] : memref<10240x128xf32, #tpu.memory_space<vmem_shared>> -> memref<10240x128xf32, #tpu.memory_space<vmem_shared>>
          tpu.enqueue_indirect_dma source(%arg11 : memref<128x128xf32, #tpu.memory_space<vmem>>) target(%dma_start3A_129 : memref<10240x128xf32, #tpu.memory_space<vmem_shared>>) offsets(%dma_start3A_126 : memref<128xi32, #tpu.memory_space<vmem>>) semaphore(%run_scoped3A : memref<!tpu.dma_semaphore, #tpu.memory_space<semaphore_mem>>) {add = true}
          %dma_wait3A_130 = arith.constant 0 : i32
          %dma_wait3A_131 = tpu.memref_slice %arg9[%add3A_94, %dma_wait3A_130] : memref<8x128xi32, #tpu.memory_space<vmem>> -> memref<1x128xi32, #tpu.memory_space<vmem>>
          %dma_wait3A_132 = tpu.memref_squeeze %dma_wait3A_131 : memref<1x128xi32, #tpu.memory_space<vmem>> -> memref<128xi32, #tpu.memory_space<vmem>>
          %dma_wait3A_133 = arith.constant 0 : i32
          %dma_wait3A_134 = arith.constant 0 : i32
          %dma_wait3A_135 = tpu.memref_slice %arg13[%dma_wait3A_133, %dma_wait3A_134] : memref<10240x128xf32, #tpu.memory_space<vmem_shared>> -> memref<10240x128xf32, #tpu.memory_space<vmem_shared>>
          tpu.wait_indirect_dma semaphore(%run_scoped3A : memref<!tpu.dma_semaphore, #tpu.memory_space<semaphore_mem>>) src(%arg11 : memref<128x128xf32, #tpu.memory_space<vmem>>) dst(%dma_wait3A_135 : memref<10240x128xf32, #tpu.memory_space<vmem_shared>>)
          tpu.yield
        }) : () -> ()
        %add3A_100 = arith.constant 2 : i32
        %add3A_101 = arith.addi %add3A_94, %add3A_100 : i32
        %lt3A_102 = arith.constant 8 : i32
        %lt3A_103 = arith.cmpi slt, %add3A_101, %lt3A_102 : i32
        %convert_element_type3A_104 = arith.extui %lt3A_103 : i1 to i32
        %cond3A_105 = arith.constant 0 : i32
        %cond3A_106 = arith.cmpi ne, %convert_element_type3A_104, %cond3A_105 : i32
        scf.if %cond3A_106 {
          %add3A_124 = arith.constant 2 : i32
          %add3A_125 = arith.addi %add3A_94, %add3A_124 : i32
          %dma_start3A_126 = arith.constant 0 : i32
          %dma_start3A_127 = tpu.memref_slice %arg7[%add3A_125, %dma_start3A_126] : memref<8x128xi32, #tpu.memory_space<vmem>> -> memref<1x128xi32, #tpu.memory_space<vmem>>
          %dma_start3A_128 = tpu.memref_squeeze %dma_start3A_127 : memref<1x128xi32, #tpu.memory_space<vmem>> -> memref<128xi32, #tpu.memory_space<vmem>>
          %dma_start3A_129 = arith.constant 0 : i32
          %dma_start3A_130 = arith.constant 0 : i32
          %dma_start3A_131 = tpu.memref_slice %arg2[%dma_start3A_129, %dma_start3A_130] : memref<10240x128xf32, #tpu.memory_space<hbm>> -> memref<10240x128xf32, #tpu.memory_space<hbm>>
          tpu.enqueue_indirect_dma source(%dma_start3A_131 : memref<10240x128xf32, #tpu.memory_space<hbm>>) target(%arg11 : memref<128x128xf32, #tpu.memory_space<vmem>>) offsets(%dma_start3A_128 : memref<128xi32, #tpu.memory_space<vmem>>) semaphore(%arg14 : memref<!tpu.dma_semaphore, #tpu.memory_space<semaphore_mem>>)
        } else {
        }
        %mul3A_107 = arith.constant 2 : i32
        %mul3A_108 = arith.muli %scan3A_90, %mul3A_107 : i32
        %add3A_109 = arith.constant 1 : i32
        %add3A_110 = arith.addi %mul3A_108, %add3A_109 : i32
        %dma_wait3A_111 = arith.constant 0 : i32
        %dma_wait3A_112 = tpu.memref_slice %arg7[%add3A_110, %dma_wait3A_111] : memref<8x128xi32, #tpu.memory_space<vmem>> -> memref<1x128xi32, #tpu.memory_space<vmem>>
        %dma_wait3A_113 = tpu.memref_squeeze %dma_wait3A_112 : memref<1x128xi32, #tpu.memory_space<vmem>> -> memref<128xi32, #tpu.memory_space<vmem>>
        %dma_wait3A_114 = arith.constant 0 : i32
        %dma_wait3A_115 = arith.constant 0 : i32
        %dma_wait3A_116 = tpu.memref_slice %arg2[%dma_wait3A_114, %dma_wait3A_115] : memref<10240x128xf32, #tpu.memory_space<hbm>> -> memref<10240x128xf32, #tpu.memory_space<hbm>>
        tpu.wait_indirect_dma semaphore(%arg15 : memref<!tpu.dma_semaphore, #tpu.memory_space<semaphore_mem>>) src(%dma_wait3A_116 : memref<10240x128xf32, #tpu.memory_space<hbm>>) dst(%arg12 : memref<128x128xf32, #tpu.memory_space<vmem>>)
        "tpu.region"() ({
          %run_scoped3A = tpu.sem_alloc : memref<!tpu.dma_semaphore, #tpu.memory_space<semaphore_mem>>
          %dma_start3A_124 = arith.constant 0 : i32
          %dma_start3A_125 = tpu.memref_slice %arg9[%add3A_110, %dma_start3A_124] : memref<8x128xi32, #tpu.memory_space<vmem>> -> memref<1x128xi32, #tpu.memory_space<vmem>>
          %dma_start3A_126 = tpu.memref_squeeze %dma_start3A_125 : memref<1x128xi32, #tpu.memory_space<vmem>> -> memref<128xi32, #tpu.memory_space<vmem>>
          %dma_start3A_127 = arith.constant 0 : i32
          %dma_start3A_128 = arith.constant 0 : i32
          %dma_start3A_129 = tpu.memref_slice %arg13[%dma_start3A_127, %dma_start3A_128] : memref<10240x128xf32, #tpu.memory_space<vmem_shared>> -> memref<10240x128xf32, #tpu.memory_space<vmem_shared>>
          tpu.enqueue_indirect_dma source(%arg12 : memref<128x128xf32, #tpu.memory_space<vmem>>) target(%dma_start3A_129 : memref<10240x128xf32, #tpu.memory_space<vmem_shared>>) offsets(%dma_start3A_126 : memref<128xi32, #tpu.memory_space<vmem>>) semaphore(%run_scoped3A : memref<!tpu.dma_semaphore, #tpu.memory_space<semaphore_mem>>) {add = true}
          %dma_wait3A_130 = arith.constant 0 : i32
          %dma_wait3A_131 = tpu.memref_slice %arg9[%add3A_110, %dma_wait3A_130] : memref<8x128xi32, #tpu.memory_space<vmem>> -> memref<1x128xi32, #tpu.memory_space<vmem>>
          %dma_wait3A_132 = tpu.memref_squeeze %dma_wait3A_131 : memref<1x128xi32, #tpu.memory_space<vmem>> -> memref<128xi32, #tpu.memory_space<vmem>>
          %dma_wait3A_133 = arith.constant 0 : i32
          %dma_wait3A_134 = arith.constant 0 : i32
          %dma_wait3A_135 = tpu.memref_slice %arg13[%dma_wait3A_133, %dma_wait3A_134] : memref<10240x128xf32, #tpu.memory_space<vmem_shared>> -> memref<10240x128xf32, #tpu.memory_space<vmem_shared>>
          tpu.wait_indirect_dma semaphore(%run_scoped3A : memref<!tpu.dma_semaphore, #tpu.memory_space<semaphore_mem>>) src(%arg12 : memref<128x128xf32, #tpu.memory_space<vmem>>) dst(%dma_wait3A_135 : memref<10240x128xf32, #tpu.memory_space<vmem_shared>>)
          tpu.yield
        }) : () -> ()
        %add3A_117 = arith.constant 2 : i32
        %add3A_118 = arith.addi %add3A_110, %add3A_117 : i32
        %lt3A_119 = arith.constant 8 : i32
        %lt3A_120 = arith.cmpi slt, %add3A_118, %lt3A_119 : i32
        %convert_element_type3A_121 = arith.extui %lt3A_120 : i1 to i32
        %cond3A_122 = arith.constant 0 : i32
        %cond3A_123 = arith.cmpi ne, %convert_element_type3A_121, %cond3A_122 : i32
        scf.if %cond3A_123 {
          %add3A_124 = arith.constant 2 : i32
          %add3A_125 = arith.addi %add3A_110, %add3A_124 : i32
          %dma_start3A_126 = arith.constant 0 : i32
          %dma_start3A_127 = tpu.memref_slice %arg7[%add3A_125, %dma_start3A_126] : memref<8x128xi32, #tpu.memory_space<vmem>> -> memref<1x128xi32, #tpu.memory_space<vmem>>
          %dma_start3A_128 = tpu.memref_squeeze %dma_start3A_127 : memref<1x128xi32, #tpu.memory_space<vmem>> -> memref<128xi32, #tpu.memory_space<vmem>>
          %dma_start3A_129 = arith.constant 0 : i32
          %dma_start3A_130 = arith.constant 0 : i32
          %dma_start3A_131 = tpu.memref_slice %arg2[%dma_start3A_129, %dma_start3A_130] : memref<10240x128xf32, #tpu.memory_space<hbm>> -> memref<10240x128xf32, #tpu.memory_space<hbm>>
          tpu.enqueue_indirect_dma source(%dma_start3A_131 : memref<10240x128xf32, #tpu.memory_space<hbm>>) target(%arg12 : memref<128x128xf32, #tpu.memory_space<vmem>>) offsets(%dma_start3A_128 : memref<128xi32, #tpu.memory_space<vmem>>) semaphore(%arg15 : memref<!tpu.dma_semaphore, #tpu.memory_space<semaphore_mem>>)
        } else {
        }
      }
      %scan3A_44 = arith.constant 4 : i32
      %add3A_45 = arith.constant 1 : i32
      %add3A_46 = arith.addi %add3A_21, %add3A_45 : i32
      %lt3A_47 = arith.constant 10 : i32
      %lt3A_48 = arith.cmpi slt, %add3A_46, %lt3A_47 : i32
      %convert_element_type3A_49 = arith.extui %lt3A_48 : i1 to i32
      %cond3A_50 = arith.constant 0 : i32
      %cond3A_51 = arith.cmpi ne, %convert_element_type3A_49, %cond3A_50 : i32
      scf.if %cond3A_51 {
        %add3A_90 = arith.constant 1 : i32
        %add3A_91 = arith.addi %add3A_21, %add3A_90 : i32
        %mul3A_92 = arith.constant 8 : i32
        %mul3A_93 = arith.muli %add3A_91, %mul3A_92 : i32
        %add3A_94 = arith.addi %mul3A_2, %mul3A_93 : i32
        %dma_wait3A = arith.constant 0 : i32
        %dma_wait3A_95 = tpu.memref_slice %arg3[%add3A_94, %dma_wait3A] : memref<2560x128xi32, #tpu.memory_space<hbm>> -> memref<8x128xi32, #tpu.memory_space<hbm>>
        %dma_wait3A_96 = arith.constant 0 : i32
        %dma_wait3A_97 = tpu.memref_slice %arg3[%add3A_94, %dma_wait3A_96] : memref<2560x128xi32, #tpu.memory_space<hbm>> -> memref<8x128xi32, #tpu.memory_space<hbm>>
        tpu.wait_dma2 semaphore(%arg17 : memref<!tpu.dma_semaphore, #tpu.memory_space<semaphore_mem>>) src(%dma_wait3A_97 : memref<8x128xi32, #tpu.memory_space<hbm>>) dst(%arg8 : memref<8x128xi32, #tpu.memory_space<vmem>>)
        %add3A_98 = arith.constant 1 : i32
        %add3A_99 = arith.addi %add3A_21, %add3A_98 : i32
        %mul3A_100 = arith.constant 8 : i32
        %mul3A_101 = arith.muli %add3A_99, %mul3A_100 : i32
        %add3A_102 = arith.addi %mul3A_2, %mul3A_101 : i32
        %dma_wait3A_103 = arith.constant 0 : i32
        %dma_wait3A_104 = tpu.memref_slice %arg4[%add3A_102, %dma_wait3A_103] : memref<2560x128xi32, #tpu.memory_space<hbm>> -> memref<8x128xi32, #tpu.memory_space<hbm>>
        %dma_wait3A_105 = arith.constant 0 : i32
        %dma_wait3A_106 = tpu.memref_slice %arg4[%add3A_102, %dma_wait3A_105] : memref<2560x128xi32, #tpu.memory_space<hbm>> -> memref<8x128xi32, #tpu.memory_space<hbm>>
        tpu.wait_dma2 semaphore(%arg17 : memref<!tpu.dma_semaphore, #tpu.memory_space<semaphore_mem>>) src(%dma_wait3A_106 : memref<8x128xi32, #tpu.memory_space<hbm>>) dst(%arg10 : memref<8x128xi32, #tpu.memory_space<vmem>>)
      } else {
      }
      %mul3A_52 = arith.constant 2 : i32
      %mul3A_53 = arith.muli %scan3A_17, %mul3A_52 : i32
      %add3A_54 = arith.constant 1 : i32
      %add3A_55 = arith.addi %mul3A_53, %add3A_54 : i32
      %add3A_56 = arith.constant 1 : i32
      %add3A_57 = arith.addi %add3A_55, %add3A_56 : i32
      %lt3A_58 = arith.constant 10 : i32
      %lt3A_59 = arith.cmpi slt, %add3A_57, %lt3A_58 : i32
      %convert_element_type3A_60 = arith.extui %lt3A_59 : i1 to i32
      %cond3A_61 = arith.constant 0 : i32
      %cond3A_62 = arith.cmpi ne, %convert_element_type3A_60, %cond3A_61 : i32
      scf.if %cond3A_62 {
        %add3A_90 = arith.constant 1 : i32
        %add3A_91 = arith.addi %add3A_55, %add3A_90 : i32
        %mul3A_92 = arith.constant 8 : i32
        %mul3A_93 = arith.muli %add3A_91, %mul3A_92 : i32
        %add3A_94 = arith.addi %mul3A_2, %mul3A_93 : i32
        %dma_start3A_95 = arith.constant 0 : i32
        %dma_start3A_96 = tpu.memref_slice %arg3[%add3A_94, %dma_start3A_95] : memref<2560x128xi32, #tpu.memory_space<hbm>> -> memref<8x128xi32, #tpu.memory_space<hbm>>
        %dma_start3A_97 = arith.constant 0 : i32
        %dma_start3A_98 = tpu.memref_slice %arg3[%add3A_94, %dma_start3A_97] : memref<2560x128xi32, #tpu.memory_space<hbm>> -> memref<8x128xi32, #tpu.memory_space<hbm>>
        tpu.enqueue_dma source(%dma_start3A_98 : memref<8x128xi32, #tpu.memory_space<hbm>>) target(%arg7 : memref<8x128xi32, #tpu.memory_space<vmem>>) target_semaphore(%arg16 : memref<!tpu.dma_semaphore, #tpu.memory_space<semaphore_mem>>)
        %add3A_99 = arith.constant 1 : i32
        %add3A_100 = arith.addi %add3A_55, %add3A_99 : i32
        %mul3A_101 = arith.constant 8 : i32
        %mul3A_102 = arith.muli %add3A_100, %mul3A_101 : i32
        %add3A_103 = arith.addi %mul3A_2, %mul3A_102 : i32
        %dma_start3A_104 = arith.constant 0 : i32
        %dma_start3A_105 = tpu.memref_slice %arg4[%add3A_103, %dma_start3A_104] : memref<2560x128xi32, #tpu.memory_space<hbm>> -> memref<8x128xi32, #tpu.memory_space<hbm>>
        %dma_start3A_106 = arith.constant 0 : i32
        %dma_start3A_107 = tpu.memref_slice %arg4[%add3A_103, %dma_start3A_106] : memref<2560x128xi32, #tpu.memory_space<hbm>> -> memref<8x128xi32, #tpu.memory_space<hbm>>
        tpu.enqueue_dma source(%dma_start3A_107 : memref<8x128xi32, #tpu.memory_space<hbm>>) target(%arg9 : memref<8x128xi32, #tpu.memory_space<vmem>>) target_semaphore(%arg16 : memref<!tpu.dma_semaphore, #tpu.memory_space<semaphore_mem>>)
      } else {
      }
      %dma_start3A_63 = arith.constant 0 : i32
      %dma_start3A_64 = arith.constant 0 : i32
      %dma_start3A_65 = tpu.memref_slice %arg8[%dma_start3A_63, %dma_start3A_64] : memref<8x128xi32, #tpu.memory_space<vmem>> -> memref<1x128xi32, #tpu.memory_space<vmem>>
      %dma_start3A_66 = tpu.memref_squeeze %dma_start3A_65 : memref<1x128xi32, #tpu.memory_space<vmem>> -> memref<128xi32, #tpu.memory_space<vmem>>
      %dma_start3A_67 = arith.constant 0 : i32
      %dma_start3A_68 = arith.constant 0 : i32
      %dma_start3A_69 = tpu.memref_slice %arg2[%dma_start3A_67, %dma_start3A_68] : memref<10240x128xf32, #tpu.memory_space<hbm>> -> memref<10240x128xf32, #tpu.memory_space<hbm>>
      tpu.enqueue_indirect_dma source(%dma_start3A_69 : memref<10240x128xf32, #tpu.memory_space<hbm>>) target(%arg11 : memref<128x128xf32, #tpu.memory_space<vmem>>) offsets(%dma_start3A_66 : memref<128xi32, #tpu.memory_space<vmem>>) semaphore(%arg14 : memref<!tpu.dma_semaphore, #tpu.memory_space<semaphore_mem>>)
      %dma_start3A_70 = arith.constant 1 : i32
      %dma_start3A_71 = arith.constant 0 : i32
      %dma_start3A_72 = tpu.memref_slice %arg8[%dma_start3A_70, %dma_start3A_71] : memref<8x128xi32, #tpu.memory_space<vmem>> -> memref<1x128xi32, #tpu.memory_space<vmem>>
      %dma_start3A_73 = tpu.memref_squeeze %dma_start3A_72 : memref<1x128xi32, #tpu.memory_space<vmem>> -> memref<128xi32, #tpu.memory_space<vmem>>
      %dma_start3A_74 = arith.constant 0 : i32
      %dma_start3A_75 = arith.constant 0 : i32
      %dma_start3A_76 = tpu.memref_slice %arg2[%dma_start3A_74, %dma_start3A_75] : memref<10240x128xf32, #tpu.memory_space<hbm>> -> memref<10240x128xf32, #tpu.memory_space<hbm>>
      tpu.enqueue_indirect_dma source(%dma_start3A_76 : memref<10240x128xf32, #tpu.memory_space<hbm>>) target(%arg12 : memref<128x128xf32, #tpu.memory_space<vmem>>) offsets(%dma_start3A_73 : memref<128xi32, #tpu.memory_space<vmem>>) semaphore(%arg15 : memref<!tpu.dma_semaphore, #tpu.memory_space<semaphore_mem>>)
      %scan3A_77 = arith.constant 0 : i32
      %scan3A_78 = arith.constant 0 : i32
      %scan3A_79 = arith.constant 4 : i32
      %scan3A_80 = arith.addi %scan3A_78, %scan3A_79 : i32
      %scan3A_81 = arith.constant 1 : i32
      scf.for %scan3A_90 = %scan3A_78 to %scan3A_80 step %scan3A_81  : i32 {
        %mul3A_91 = arith.constant 2 : i32
        %mul3A_92 = arith.muli %scan3A_90, %mul3A_91 : i32
        %add3A_93 = arith.constant 0 : i32
        %add3A_94 = arith.addi %mul3A_92, %add3A_93 : i32
        %dma_wait3A = arith.constant 0 : i32
        %dma_wait3A_95 = tpu.memref_slice %arg8[%add3A_94, %dma_wait3A] : memref<8x128xi32, #tpu.memory_space<vmem>> -> memref<1x128xi32, #tpu.memory_space<vmem>>
        %dma_wait3A_96 = tpu.memref_squeeze %dma_wait3A_95 : memref<1x128xi32, #tpu.memory_space<vmem>> -> memref<128xi32, #tpu.memory_space<vmem>>
        %dma_wait3A_97 = arith.constant 0 : i32
        %dma_wait3A_98 = arith.constant 0 : i32
        %dma_wait3A_99 = tpu.memref_slice %arg2[%dma_wait3A_97, %dma_wait3A_98] : memref<10240x128xf32, #tpu.memory_space<hbm>> -> memref<10240x128xf32, #tpu.memory_space<hbm>>
        tpu.wait_indirect_dma semaphore(%arg14 : memref<!tpu.dma_semaphore, #tpu.memory_space<semaphore_mem>>) src(%dma_wait3A_99 : memref<10240x128xf32, #tpu.memory_space<hbm>>) dst(%arg11 : memref<128x128xf32, #tpu.memory_space<vmem>>)
        "tpu.region"() ({
          %run_scoped3A = tpu.sem_alloc : memref<!tpu.dma_semaphore, #tpu.memory_space<semaphore_mem>>
          %dma_start3A_124 = arith.constant 0 : i32
          %dma_start3A_125 = tpu.memref_slice %arg10[%add3A_94, %dma_start3A_124] : memref<8x128xi32, #tpu.memory_space<vmem>> -> memref<1x128xi32, #tpu.memory_space<vmem>>
          %dma_start3A_126 = tpu.memref_squeeze %dma_start3A_125 : memref<1x128xi32, #tpu.memory_space<vmem>> -> memref<128xi32, #tpu.memory_space<vmem>>
          %dma_start3A_127 = arith.constant 0 : i32
          %dma_start3A_128 = arith.constant 0 : i32
          %dma_start3A_129 = tpu.memref_slice %arg13[%dma_start3A_127, %dma_start3A_128] : memref<10240x128xf32, #tpu.memory_space<vmem_shared>> -> memref<10240x128xf32, #tpu.memory_space<vmem_shared>>
          tpu.enqueue_indirect_dma source(%arg11 : memref<128x128xf32, #tpu.memory_space<vmem>>) target(%dma_start3A_129 : memref<10240x128xf32, #tpu.memory_space<vmem_shared>>) offsets(%dma_start3A_126 : memref<128xi32, #tpu.memory_space<vmem>>) semaphore(%run_scoped3A : memref<!tpu.dma_semaphore, #tpu.memory_space<semaphore_mem>>) {add = true}
          %dma_wait3A_130 = arith.constant 0 : i32
          %dma_wait3A_131 = tpu.memref_slice %arg10[%add3A_94, %dma_wait3A_130] : memref<8x128xi32, #tpu.memory_space<vmem>> -> memref<1x128xi32, #tpu.memory_space<vmem>>
          %dma_wait3A_132 = tpu.memref_squeeze %dma_wait3A_131 : memref<1x128xi32, #tpu.memory_space<vmem>> -> memref<128xi32, #tpu.memory_space<vmem>>
          %dma_wait3A_133 = arith.constant 0 : i32
          %dma_wait3A_134 = arith.constant 0 : i32
          %dma_wait3A_135 = tpu.memref_slice %arg13[%dma_wait3A_133, %dma_wait3A_134] : memref<10240x128xf32, #tpu.memory_space<vmem_shared>> -> memref<10240x128xf32, #tpu.memory_space<vmem_shared>>
          tpu.wait_indirect_dma semaphore(%run_scoped3A : memref<!tpu.dma_semaphore, #tpu.memory_space<semaphore_mem>>) src(%arg11 : memref<128x128xf32, #tpu.memory_space<vmem>>) dst(%dma_wait3A_135 : memref<10240x128xf32, #tpu.memory_space<vmem_shared>>)
          tpu.yield
        }) : () -> ()
        %add3A_100 = arith.constant 2 : i32
        %add3A_101 = arith.addi %add3A_94, %add3A_100 : i32
        %lt3A_102 = arith.constant 8 : i32
        %lt3A_103 = arith.cmpi slt, %add3A_101, %lt3A_102 : i32
        %convert_element_type3A_104 = arith.extui %lt3A_103 : i1 to i32
        %cond3A_105 = arith.constant 0 : i32
        %cond3A_106 = arith.cmpi ne, %convert_element_type3A_104, %cond3A_105 : i32
        scf.if %cond3A_106 {
          %add3A_124 = arith.constant 2 : i32
          %add3A_125 = arith.addi %add3A_94, %add3A_124 : i32
          %dma_start3A_126 = arith.constant 0 : i32
          %dma_start3A_127 = tpu.memref_slice %arg8[%add3A_125, %dma_start3A_126] : memref<8x128xi32, #tpu.memory_space<vmem>> -> memref<1x128xi32, #tpu.memory_space<vmem>>
          %dma_start3A_128 = tpu.memref_squeeze %dma_start3A_127 : memref<1x128xi32, #tpu.memory_space<vmem>> -> memref<128xi32, #tpu.memory_space<vmem>>
          %dma_start3A_129 = arith.constant 0 : i32
          %dma_start3A_130 = arith.constant 0 : i32
          %dma_start3A_131 = tpu.memref_slice %arg2[%dma_start3A_129, %dma_start3A_130] : memref<10240x128xf32, #tpu.memory_space<hbm>> -> memref<10240x128xf32, #tpu.memory_space<hbm>>
          tpu.enqueue_indirect_dma source(%dma_start3A_131 : memref<10240x128xf32, #tpu.memory_space<hbm>>) target(%arg11 : memref<128x128xf32, #tpu.memory_space<vmem>>) offsets(%dma_start3A_128 : memref<128xi32, #tpu.memory_space<vmem>>) semaphore(%arg14 : memref<!tpu.dma_semaphore, #tpu.memory_space<semaphore_mem>>)
        } else {
        }
        %mul3A_107 = arith.constant 2 : i32
        %mul3A_108 = arith.muli %scan3A_90, %mul3A_107 : i32
        %add3A_109 = arith.constant 1 : i32
        %add3A_110 = arith.addi %mul3A_108, %add3A_109 : i32
        %dma_wait3A_111 = arith.constant 0 : i32
        %dma_wait3A_112 = tpu.memref_slice %arg8[%add3A_110, %dma_wait3A_111] : memref<8x128xi32, #tpu.memory_space<vmem>> -> memref<1x128xi32, #tpu.memory_space<vmem>>
        %dma_wait3A_113 = tpu.memref_squeeze %dma_wait3A_112 : memref<1x128xi32, #tpu.memory_space<vmem>> -> memref<128xi32, #tpu.memory_space<vmem>>
        %dma_wait3A_114 = arith.constant 0 : i32
        %dma_wait3A_115 = arith.constant 0 : i32
        %dma_wait3A_116 = tpu.memref_slice %arg2[%dma_wait3A_114, %dma_wait3A_115] : memref<10240x128xf32, #tpu.memory_space<hbm>> -> memref<10240x128xf32, #tpu.memory_space<hbm>>
        tpu.wait_indirect_dma semaphore(%arg15 : memref<!tpu.dma_semaphore, #tpu.memory_space<semaphore_mem>>) src(%dma_wait3A_116 : memref<10240x128xf32, #tpu.memory_space<hbm>>) dst(%arg12 : memref<128x128xf32, #tpu.memory_space<vmem>>)
        "tpu.region"() ({
          %run_scoped3A = tpu.sem_alloc : memref<!tpu.dma_semaphore, #tpu.memory_space<semaphore_mem>>
          %dma_start3A_124 = arith.constant 0 : i32
          %dma_start3A_125 = tpu.memref_slice %arg10[%add3A_110, %dma_start3A_124] : memref<8x128xi32, #tpu.memory_space<vmem>> -> memref<1x128xi32, #tpu.memory_space<vmem>>
          %dma_start3A_126 = tpu.memref_squeeze %dma_start3A_125 : memref<1x128xi32, #tpu.memory_space<vmem>> -> memref<128xi32, #tpu.memory_space<vmem>>
          %dma_start3A_127 = arith.constant 0 : i32
          %dma_start3A_128 = arith.constant 0 : i32
          %dma_start3A_129 = tpu.memref_slice %arg13[%dma_start3A_127, %dma_start3A_128] : memref<10240x128xf32, #tpu.memory_space<vmem_shared>> -> memref<10240x128xf32, #tpu.memory_space<vmem_shared>>
          tpu.enqueue_indirect_dma source(%arg12 : memref<128x128xf32, #tpu.memory_space<vmem>>) target(%dma_start3A_129 : memref<10240x128xf32, #tpu.memory_space<vmem_shared>>) offsets(%dma_start3A_126 : memref<128xi32, #tpu.memory_space<vmem>>) semaphore(%run_scoped3A : memref<!tpu.dma_semaphore, #tpu.memory_space<semaphore_mem>>) {add = true}
          %dma_wait3A_130 = arith.constant 0 : i32
          %dma_wait3A_131 = tpu.memref_slice %arg10[%add3A_110, %dma_wait3A_130] : memref<8x128xi32, #tpu.memory_space<vmem>> -> memref<1x128xi32, #tpu.memory_space<vmem>>
          %dma_wait3A_132 = tpu.memref_squeeze %dma_wait3A_131 : memref<1x128xi32, #tpu.memory_space<vmem>> -> memref<128xi32, #tpu.memory_space<vmem>>
          %dma_wait3A_133 = arith.constant 0 : i32
          %dma_wait3A_134 = arith.constant 0 : i32
          %dma_wait3A_135 = tpu.memref_slice %arg13[%dma_wait3A_133, %dma_wait3A_134] : memref<10240x128xf32, #tpu.memory_space<vmem_shared>> -> memref<10240x128xf32, #tpu.memory_space<vmem_shared>>
          tpu.wait_indirect_dma semaphore(%run_scoped3A : memref<!tpu.dma_semaphore, #tpu.memory_space<semaphore_mem>>) src(%arg12 : memref<128x128xf32, #tpu.memory_space<vmem>>) dst(%dma_wait3A_135 : memref<10240x128xf32, #tpu.memory_space<vmem_shared>>)
          tpu.yield
        }) : () -> ()
        %add3A_117 = arith.constant 2 : i32
        %add3A_118 = arith.addi %add3A_110, %add3A_117 : i32
        %lt3A_119 = arith.constant 8 : i32
        %lt3A_120 = arith.cmpi slt, %add3A_118, %lt3A_119 : i32
        %convert_element_type3A_121 = arith.extui %lt3A_120 : i1 to i32
        %cond3A_122 = arith.constant 0 : i32
        %cond3A_123 = arith.cmpi ne, %convert_element_type3A_121, %cond3A_122 : i32
        scf.if %cond3A_123 {
          %add3A_124 = arith.constant 2 : i32
          %add3A_125 = arith.addi %add3A_110, %add3A_124 : i32
          %dma_start3A_126 = arith.constant 0 : i32
          %dma_start3A_127 = tpu.memref_slice %arg8[%add3A_125, %dma_start3A_126] : memref<8x128xi32, #tpu.memory_space<vmem>> -> memref<1x128xi32, #tpu.memory_space<vmem>>
          %dma_start3A_128 = tpu.memref_squeeze %dma_start3A_127 : memref<1x128xi32, #tpu.memory_space<vmem>> -> memref<128xi32, #tpu.memory_space<vmem>>
          %dma_start3A_129 = arith.constant 0 : i32
          %dma_start3A_130 = arith.constant 0 : i32
          %dma_start3A_131 = tpu.memref_slice %arg2[%dma_start3A_129, %dma_start3A_130] : memref<10240x128xf32, #tpu.memory_space<hbm>> -> memref<10240x128xf32, #tpu.memory_space<hbm>>
          tpu.enqueue_indirect_dma source(%dma_start3A_131 : memref<10240x128xf32, #tpu.memory_space<hbm>>) target(%arg12 : memref<128x128xf32, #tpu.memory_space<vmem>>) offsets(%dma_start3A_128 : memref<128xi32, #tpu.memory_space<vmem>>) semaphore(%arg15 : memref<!tpu.dma_semaphore, #tpu.memory_space<semaphore_mem>>)
        } else {
        }
      }
      %scan3A_82 = arith.constant 4 : i32
      %add3A_83 = arith.constant 1 : i32
      %add3A_84 = arith.addi %add3A_55, %add3A_83 : i32
      %lt3A_85 = arith.constant 10 : i32
      %lt3A_86 = arith.cmpi slt, %add3A_84, %lt3A_85 : i32
      %convert_element_type3A_87 = arith.extui %lt3A_86 : i1 to i32
      %cond3A_88 = arith.constant 0 : i32
      %cond3A_89 = arith.cmpi ne, %convert_element_type3A_87, %cond3A_88 : i32
      scf.if %cond3A_89 {
        %add3A_90 = arith.constant 1 : i32
        %add3A_91 = arith.addi %add3A_55, %add3A_90 : i32
        %mul3A_92 = arith.constant 8 : i32
        %mul3A_93 = arith.muli %add3A_91, %mul3A_92 : i32
        %add3A_94 = arith.addi %mul3A_2, %mul3A_93 : i32
        %dma_wait3A = arith.constant 0 : i32
        %dma_wait3A_95 = tpu.memref_slice %arg3[%add3A_94, %dma_wait3A] : memref<2560x128xi32, #tpu.memory_space<hbm>> -> memref<8x128xi32, #tpu.memory_space<hbm>>
        %dma_wait3A_96 = arith.constant 0 : i32
        %dma_wait3A_97 = tpu.memref_slice %arg3[%add3A_94, %dma_wait3A_96] : memref<2560x128xi32, #tpu.memory_space<hbm>> -> memref<8x128xi32, #tpu.memory_space<hbm>>
        tpu.wait_dma2 semaphore(%arg16 : memref<!tpu.dma_semaphore, #tpu.memory_space<semaphore_mem>>) src(%dma_wait3A_97 : memref<8x128xi32, #tpu.memory_space<hbm>>) dst(%arg7 : memref<8x128xi32, #tpu.memory_space<vmem>>)
        %add3A_98 = arith.constant 1 : i32
        %add3A_99 = arith.addi %add3A_55, %add3A_98 : i32
        %mul3A_100 = arith.constant 8 : i32
        %mul3A_101 = arith.muli %add3A_99, %mul3A_100 : i32
        %add3A_102 = arith.addi %mul3A_2, %mul3A_101 : i32
        %dma_wait3A_103 = arith.constant 0 : i32
        %dma_wait3A_104 = tpu.memref_slice %arg4[%add3A_102, %dma_wait3A_103] : memref<2560x128xi32, #tpu.memory_space<hbm>> -> memref<8x128xi32, #tpu.memory_space<hbm>>
        %dma_wait3A_105 = arith.constant 0 : i32
        %dma_wait3A_106 = tpu.memref_slice %arg4[%add3A_102, %dma_wait3A_105] : memref<2560x128xi32, #tpu.memory_space<hbm>> -> memref<8x128xi32, #tpu.memory_space<hbm>>
        tpu.wait_dma2 semaphore(%arg16 : memref<!tpu.dma_semaphore, #tpu.memory_space<semaphore_mem>>) src(%dma_wait3A_106 : memref<8x128xi32, #tpu.memory_space<hbm>>) dst(%arg9 : memref<8x128xi32, #tpu.memory_space<vmem>>)
      } else {
      }
    }
    %scan3A_11 = arith.constant 5 : i32
    %barrier3A_12 = arith.constant 0 : index
    tpu.barrier barrier_id(%barrier3A_12)
    %mul3A_13 = arith.constant 640 : i32
    %mul3A_14 = arith.muli %arg1, %mul3A_13 : i32
    %mul3A_15 = arith.constant 640 : i32
    %mul3A_16 = arith.muli %arg1, %mul3A_15 : i32
    "tpu.region"() ({
      %run_scoped3A = tpu.sem_alloc : memref<!tpu.dma_semaphore, #tpu.memory_space<semaphore_mem>>
      %dma_start3A = arith.constant 0 : i32
      %dma_start3A_17 = tpu.memref_slice %arg6[%arg0, %mul3A_16, %dma_start3A] : memref<2x10240x128xf32, #tpu.memory_space<hbm>> -> memref<1x640x128xf32, #tpu.memory_space<hbm>>
      %dma_start3A_18 = tpu.memref_squeeze %dma_start3A_17 : memref<1x640x128xf32, #tpu.memory_space<hbm>> -> memref<640x128xf32, #tpu.memory_space<hbm>>
      %dma_start3A_19 = arith.constant 0 : i32
      %dma_start3A_20 = tpu.memref_slice %arg13[%mul3A_14, %dma_start3A_19] : memref<10240x128xf32, #tpu.memory_space<vmem_shared>> -> memref<640x128xf32, #tpu.memory_space<vmem_shared>>
      tpu.enqueue_dma source(%dma_start3A_20 : memref<640x128xf32, #tpu.memory_space<vmem_shared>>) target(%dma_start3A_18 : memref<640x128xf32, #tpu.memory_space<hbm>>) target_semaphore(%run_scoped3A : memref<!tpu.dma_semaphore, #tpu.memory_space<semaphore_mem>>)
      %dma_wait3A = arith.constant 0 : i32
      %dma_wait3A_21 = tpu.memref_slice %arg6[%arg0, %mul3A_16, %dma_wait3A] : memref<2x10240x128xf32, #tpu.memory_space<hbm>> -> memref<1x640x128xf32, #tpu.memory_space<hbm>>
      %dma_wait3A_22 = tpu.memref_squeeze %dma_wait3A_21 : memref<1x640x128xf32, #tpu.memory_space<hbm>> -> memref<640x128xf32, #tpu.memory_space<hbm>>
      %dma_wait3A_23 = arith.constant 0 : i32
      %dma_wait3A_24 = tpu.memref_slice %arg13[%mul3A_14, %dma_wait3A_23] : memref<10240x128xf32, #tpu.memory_space<vmem_shared>> -> memref<640x128xf32, #tpu.memory_space<vmem_shared>>
      tpu.wait_dma2 semaphore(%run_scoped3A : memref<!tpu.dma_semaphore, #tpu.memory_space<semaphore_mem>>) src(%dma_wait3A_24 : memref<640x128xf32, #tpu.memory_space<vmem_shared>>) dst(%dma_wait3A_22 : memref<640x128xf32, #tpu.memory_space<hbm>>)
      tpu.yield
    }) : () -> ()
    return
  }
}

#map = affine_map<(d0, d1) -> (0, 0)>
#map1 = affine_map<(d0, d1) -> (0, 0, 0)>
module attributes {stable_mosaic.version = 14 : i64} {
  func.func @_agg_body(%arg0: i32, %arg1: i32, %arg2: memref<10240x128xf32, #tpu.memory_space<hbm>>, %arg3: memref<2560x128xi32, #tpu.memory_space<hbm>>, %arg4: memref<2560x128xi32, #tpu.memory_space<hbm>>, %arg5: memref<10240x128xf32, #tpu.memory_space<hbm>>, %arg6: memref<2x10240x128xf32, #tpu.memory_space<hbm>>, %arg7: memref<8x128xi32, #tpu.memory_space<vmem>>, %arg8: memref<8x128xi32, #tpu.memory_space<vmem>>, %arg9: memref<8x128xi32, #tpu.memory_space<vmem>>, %arg10: memref<8x128xi32, #tpu.memory_space<vmem>>, %arg11: memref<128x128xf32, #tpu.memory_space<vmem>>, %arg12: memref<128x128xf32, #tpu.memory_space<vmem>>, %arg13: memref<10240x128xf32, #tpu.memory_space<vmem_shared>>, %arg14: memref<!tpu.dma_semaphore, #tpu.memory_space<semaphore_mem>>, %arg15: memref<!tpu.dma_semaphore, #tpu.memory_space<semaphore_mem>>, %arg16: memref<!tpu.dma_semaphore, #tpu.memory_space<semaphore_mem>>, %arg17: memref<!tpu.dma_semaphore, #tpu.memory_space<semaphore_mem>>) attributes {dimension_semantics = [#tpu.dimension_semantics<core_parallel>, #tpu.dimension_semantics<subcore_parallel>], iteration_bounds = array<i64: 2, 16>, scalar_prefetch = 0 : i64, scratch_operands = 11 : i64, tpu.core_type = #tpu.core_type<sc_vector_subcore>, window_params = [{transform_indices = #map}, {transform_indices = #map}, {transform_indices = #map}, {transform_indices = #map}, {transform_indices = #map1}]} {
    %mul3A = arith.constant 16 : i32
    %mul3A_0 = arith.muli %arg0, %mul3A : i32
    %add3A = arith.addi %mul3A_0, %arg1 : i32
    %mul3A_1 = arith.constant 80 : i32
    %mul3A_2 = arith.muli %add3A, %mul3A_1 : i32
    %mul3A_3 = arith.constant 640 : i32
    %mul3A_4 = arith.muli %arg1, %mul3A_3 : i32
    %mul3A_5 = arith.constant 640 : i32
    %mul3A_6 = arith.muli %arg1, %mul3A_5 : i32
    "tpu.region"() ({
      %run_scoped3A = tpu.sem_alloc : memref<!tpu.dma_semaphore, #tpu.memory_space<semaphore_mem>>
      %dma_start3A = arith.constant 0 : i32
      %dma_start3A_17 = tpu.memref_slice %arg13[%mul3A_6, %dma_start3A] : memref<10240x128xf32, #tpu.memory_space<vmem_shared>> -> memref<640x128xf32, #tpu.memory_space<vmem_shared>>
      %dma_start3A_18 = arith.constant 0 : i32
      %dma_start3A_19 = tpu.memref_slice %arg5[%mul3A_4, %dma_start3A_18] : memref<10240x128xf32, #tpu.memory_space<hbm>> -> memref<640x128xf32, #tpu.memory_space<hbm>>
      tpu.enqueue_dma source(%dma_start3A_19 : memref<640x128xf32, #tpu.memory_space<hbm>>) target(%dma_start3A_17 : memref<640x128xf32, #tpu.memory_space<vmem_shared>>) target_semaphore(%run_scoped3A : memref<!tpu.dma_semaphore, #tpu.memory_space<semaphore_mem>>)
      %dma_wait3A = arith.constant 0 : i32
      %dma_wait3A_20 = tpu.memref_slice %arg13[%mul3A_6, %dma_wait3A] : memref<10240x128xf32, #tpu.memory_space<vmem_shared>> -> memref<640x128xf32, #tpu.memory_space<vmem_shared>>
      %dma_wait3A_21 = arith.constant 0 : i32
      %dma_wait3A_22 = tpu.memref_slice %arg5[%mul3A_4, %dma_wait3A_21] : memref<10240x128xf32, #tpu.memory_space<hbm>> -> memref<640x128xf32, #tpu.memory_space<hbm>>
      tpu.wait_dma2 semaphore(%run_scoped3A : memref<!tpu.dma_semaphore, #tpu.memory_space<semaphore_mem>>) src(%dma_wait3A_22 : memref<640x128xf32, #tpu.memory_space<hbm>>) dst(%dma_wait3A_20 : memref<640x128xf32, #tpu.memory_space<vmem_shared>>)
      tpu.yield
    }) : () -> ()
    "tpu.region"() ({
      %run_scoped3A = tpu.sem_alloc : memref<!tpu.dma_semaphore, #tpu.memory_space<semaphore_mem>>
      %dma_start3A = arith.constant 0 : i32
      %dma_start3A_17 = tpu.memref_slice %arg3[%mul3A_2, %dma_start3A] : memref<2560x128xi32, #tpu.memory_space<hbm>> -> memref<8x128xi32, #tpu.memory_space<hbm>>
      %dma_start3A_18 = arith.constant 0 : i32
      %dma_start3A_19 = tpu.memref_slice %arg3[%mul3A_2, %dma_start3A_18] : memref<2560x128xi32, #tpu.memory_space<hbm>> -> memref<8x128xi32, #tpu.memory_space<hbm>>
      tpu.enqueue_dma source(%dma_start3A_19 : memref<8x128xi32, #tpu.memory_space<hbm>>) target(%arg7 : memref<8x128xi32, #tpu.memory_space<vmem>>) target_semaphore(%run_scoped3A : memref<!tpu.dma_semaphore, #tpu.memory_space<semaphore_mem>>)
      %dma_wait3A = arith.constant 0 : i32
      %dma_wait3A_20 = tpu.memref_slice %arg3[%mul3A_2, %dma_wait3A] : memref<2560x128xi32, #tpu.memory_space<hbm>> -> memref<8x128xi32, #tpu.memory_space<hbm>>
      %dma_wait3A_21 = arith.constant 0 : i32
      %dma_wait3A_22 = tpu.memref_slice %arg3[%mul3A_2, %dma_wait3A_21] : memref<2560x128xi32, #tpu.memory_space<hbm>> -> memref<8x128xi32, #tpu.memory_space<hbm>>
      tpu.wait_dma2 semaphore(%run_scoped3A : memref<!tpu.dma_semaphore, #tpu.memory_space<semaphore_mem>>) src(%dma_wait3A_22 : memref<8x128xi32, #tpu.memory_space<hbm>>) dst(%arg7 : memref<8x128xi32, #tpu.memory_space<vmem>>)
      tpu.yield
    }) : () -> ()
    "tpu.region"() ({
      %run_scoped3A = tpu.sem_alloc : memref<!tpu.dma_semaphore, #tpu.memory_space<semaphore_mem>>
      %dma_start3A = arith.constant 0 : i32
      %dma_start3A_17 = tpu.memref_slice %arg4[%mul3A_2, %dma_start3A] : memref<2560x128xi32, #tpu.memory_space<hbm>> -> memref<8x128xi32, #tpu.memory_space<hbm>>
      %dma_start3A_18 = arith.constant 0 : i32
      %dma_start3A_19 = tpu.memref_slice %arg4[%mul3A_2, %dma_start3A_18] : memref<2560x128xi32, #tpu.memory_space<hbm>> -> memref<8x128xi32, #tpu.memory_space<hbm>>
      tpu.enqueue_dma source(%dma_start3A_19 : memref<8x128xi32, #tpu.memory_space<hbm>>) target(%arg9 : memref<8x128xi32, #tpu.memory_space<vmem>>) target_semaphore(%run_scoped3A : memref<!tpu.dma_semaphore, #tpu.memory_space<semaphore_mem>>)
      %dma_wait3A = arith.constant 0 : i32
      %dma_wait3A_20 = tpu.memref_slice %arg4[%mul3A_2, %dma_wait3A] : memref<2560x128xi32, #tpu.memory_space<hbm>> -> memref<8x128xi32, #tpu.memory_space<hbm>>
      %dma_wait3A_21 = arith.constant 0 : i32
      %dma_wait3A_22 = tpu.memref_slice %arg4[%mul3A_2, %dma_wait3A_21] : memref<2560x128xi32, #tpu.memory_space<hbm>> -> memref<8x128xi32, #tpu.memory_space<hbm>>
      tpu.wait_dma2 semaphore(%run_scoped3A : memref<!tpu.dma_semaphore, #tpu.memory_space<semaphore_mem>>) src(%dma_wait3A_22 : memref<8x128xi32, #tpu.memory_space<hbm>>) dst(%arg9 : memref<8x128xi32, #tpu.memory_space<vmem>>)
      tpu.yield
    }) : () -> ()
    %barrier3A = arith.constant 0 : index
    tpu.barrier barrier_id(%barrier3A)
    %scan3A = arith.constant 0 : i32
    %scan3A_7 = arith.constant 0 : i32
    %scan3A_8 = arith.constant 5 : i32
    %scan3A_9 = arith.addi %scan3A_7, %scan3A_8 : i32
    %scan3A_10 = arith.constant 1 : i32
    scf.for %scan3A_17 = %scan3A_7 to %scan3A_9 step %scan3A_10  : i32 {
      %mul3A_18 = arith.constant 2 : i32
      %mul3A_19 = arith.muli %scan3A_17, %mul3A_18 : i32
      %add3A_20 = arith.constant 0 : i32
      %add3A_21 = arith.addi %mul3A_19, %add3A_20 : i32
      %add3A_22 = arith.constant 1 : i32
      %add3A_23 = arith.addi %add3A_21, %add3A_22 : i32
      %lt3A = arith.constant 10 : i32
      %lt3A_24 = arith.cmpi slt, %add3A_23, %lt3A : i32
      %convert_element_type3A = arith.extui %lt3A_24 : i1 to i32
      %cond3A = arith.constant 0 : i32
      %cond3A_25 = arith.cmpi ne, %convert_element_type3A, %cond3A : i32
      scf.if %cond3A_25 {
        %add3A_90 = arith.constant 1 : i32
        %add3A_91 = arith.addi %add3A_21, %add3A_90 : i32
        %mul3A_92 = arith.constant 8 : i32
        %mul3A_93 = arith.muli %add3A_91, %mul3A_92 : i32
        %add3A_94 = arith.addi %mul3A_2, %mul3A_93 : i32
        %dma_start3A_95 = arith.constant 0 : i32
        %dma_start3A_96 = tpu.memref_slice %arg3[%add3A_94, %dma_start3A_95] : memref<2560x128xi32, #tpu.memory_space<hbm>> -> memref<8x128xi32, #tpu.memory_space<hbm>>
        %dma_start3A_97 = arith.constant 0 : i32
        %dma_start3A_98 = tpu.memref_slice %arg3[%add3A_94, %dma_start3A_97] : memref<2560x128xi32, #tpu.memory_space<hbm>> -> memref<8x128xi32, #tpu.memory_space<hbm>>
        tpu.enqueue_dma source(%dma_start3A_98 : memref<8x128xi32, #tpu.memory_space<hbm>>) target(%arg8 : memref<8x128xi32, #tpu.memory_space<vmem>>) target_semaphore(%arg17 : memref<!tpu.dma_semaphore, #tpu.memory_space<semaphore_mem>>)
        %add3A_99 = arith.constant 1 : i32
        %add3A_100 = arith.addi %add3A_21, %add3A_99 : i32
        %mul3A_101 = arith.constant 8 : i32
        %mul3A_102 = arith.muli %add3A_100, %mul3A_101 : i32
        %add3A_103 = arith.addi %mul3A_2, %mul3A_102 : i32
        %dma_start3A_104 = arith.constant 0 : i32
        %dma_start3A_105 = tpu.memref_slice %arg4[%add3A_103, %dma_start3A_104] : memref<2560x128xi32, #tpu.memory_space<hbm>> -> memref<8x128xi32, #tpu.memory_space<hbm>>
        %dma_start3A_106 = arith.constant 0 : i32
        %dma_start3A_107 = tpu.memref_slice %arg4[%add3A_103, %dma_start3A_106] : memref<2560x128xi32, #tpu.memory_space<hbm>> -> memref<8x128xi32, #tpu.memory_space<hbm>>
        tpu.enqueue_dma source(%dma_start3A_107 : memref<8x128xi32, #tpu.memory_space<hbm>>) target(%arg10 : memref<8x128xi32, #tpu.memory_space<vmem>>) target_semaphore(%arg17 : memref<!tpu.dma_semaphore, #tpu.memory_space<semaphore_mem>>)
      } else {
      }
      %dma_start3A = arith.constant 0 : i32
      %dma_start3A_26 = arith.constant 0 : i32
      %dma_start3A_27 = tpu.memref_slice %arg7[%dma_start3A, %dma_start3A_26] : memref<8x128xi32, #tpu.memory_space<vmem>> -> memref<1x128xi32, #tpu.memory_space<vmem>>
      %dma_start3A_28 = tpu.memref_squeeze %dma_start3A_27 : memref<1x128xi32, #tpu.memory_space<vmem>> -> memref<128xi32, #tpu.memory_space<vmem>>
      %dma_start3A_29 = arith.constant 0 : i32
      %dma_start3A_30 = arith.constant 0 : i32
      %dma_start3A_31 = tpu.memref_slice %arg2[%dma_start3A_29, %dma_start3A_30] : memref<10240x128xf32, #tpu.memory_space<hbm>> -> memref<10240x128xf32, #tpu.memory_space<hbm>>
      tpu.enqueue_indirect_dma source(%dma_start3A_31 : memref<10240x128xf32, #tpu.memory_space<hbm>>) target(%arg11 : memref<128x128xf32, #tpu.memory_space<vmem>>) offsets(%dma_start3A_28 : memref<128xi32, #tpu.memory_space<vmem>>) semaphore(%arg14 : memref<!tpu.dma_semaphore, #tpu.memory_space<semaphore_mem>>)
      %dma_start3A_32 = arith.constant 1 : i32
      %dma_start3A_33 = arith.constant 0 : i32
      %dma_start3A_34 = tpu.memref_slice %arg7[%dma_start3A_32, %dma_start3A_33] : memref<8x128xi32, #tpu.memory_space<vmem>> -> memref<1x128xi32, #tpu.memory_space<vmem>>
      %dma_start3A_35 = tpu.memref_squeeze %dma_start3A_34 : memref<1x128xi32, #tpu.memory_space<vmem>> -> memref<128xi32, #tpu.memory_space<vmem>>
      %dma_start3A_36 = arith.constant 0 : i32
      %dma_start3A_37 = arith.constant 0 : i32
      %dma_start3A_38 = tpu.memref_slice %arg2[%dma_start3A_36, %dma_start3A_37] : memref<10240x128xf32, #tpu.memory_space<hbm>> -> memref<10240x128xf32, #tpu.memory_space<hbm>>
      tpu.enqueue_indirect_dma source(%dma_start3A_38 : memref<10240x128xf32, #tpu.memory_space<hbm>>) target(%arg12 : memref<128x128xf32, #tpu.memory_space<vmem>>) offsets(%dma_start3A_35 : memref<128xi32, #tpu.memory_space<vmem>>) semaphore(%arg15 : memref<!tpu.dma_semaphore, #tpu.memory_space<semaphore_mem>>)
      %scan3A_39 = arith.constant 0 : i32
      %scan3A_40 = arith.constant 0 : i32
      %scan3A_41 = arith.constant 4 : i32
      %scan3A_42 = arith.addi %scan3A_40, %scan3A_41 : i32
      %scan3A_43 = arith.constant 1 : i32
      scf.for %scan3A_90 = %scan3A_40 to %scan3A_42 step %scan3A_43  : i32 {
        %mul3A_91 = arith.constant 2 : i32
        %mul3A_92 = arith.muli %scan3A_90, %mul3A_91 : i32
        %add3A_93 = arith.constant 0 : i32
        %add3A_94 = arith.addi %mul3A_92, %add3A_93 : i32
        %dma_wait3A = arith.constant 0 : i32
        %dma_wait3A_95 = tpu.memref_slice %arg7[%add3A_94, %dma_wait3A] : memref<8x128xi32, #tpu.memory_space<vmem>> -> memref<1x128xi32, #tpu.memory_space<vmem>>
        %dma_wait3A_96 = tpu.memref_squeeze %dma_wait3A_95 : memref<1x128xi32, #tpu.memory_space<vmem>> -> memref<128xi32, #tpu.memory_space<vmem>>
        %dma_wait3A_97 = arith.constant 0 : i32
        %dma_wait3A_98 = arith.constant 0 : i32
        %dma_wait3A_99 = tpu.memref_slice %arg2[%dma_wait3A_97, %dma_wait3A_98] : memref<10240x128xf32, #tpu.memory_space<hbm>> -> memref<10240x128xf32, #tpu.memory_space<hbm>>
        tpu.wait_indirect_dma semaphore(%arg14 : memref<!tpu.dma_semaphore, #tpu.memory_space<semaphore_mem>>) src(%dma_wait3A_99 : memref<10240x128xf32, #tpu.memory_space<hbm>>) dst(%arg11 : memref<128x128xf32, #tpu.memory_space<vmem>>)
        "tpu.region"() ({
          %run_scoped3A = tpu.sem_alloc : memref<!tpu.dma_semaphore, #tpu.memory_space<semaphore_mem>>
          %dma_start3A_124 = arith.constant 0 : i32
          %dma_start3A_125 = tpu.memref_slice %arg9[%add3A_94, %dma_start3A_124] : memref<8x128xi32, #tpu.memory_space<vmem>> -> memref<1x128xi32, #tpu.memory_space<vmem>>
          %dma_start3A_126 = tpu.memref_squeeze %dma_start3A_125 : memref<1x128xi32, #tpu.memory_space<vmem>> -> memref<128xi32, #tpu.memory_space<vmem>>
          %dma_start3A_127 = arith.constant 0 : i32
          %dma_start3A_128 = arith.constant 0 : i32
          %dma_start3A_129 = tpu.memref_slice %arg13[%dma_start3A_127, %dma_start3A_128] : memref<10240x128xf32, #tpu.memory_space<vmem_shared>> -> memref<10240x128xf32, #tpu.memory_space<vmem_shared>>
          tpu.enqueue_indirect_dma source(%arg11 : memref<128x128xf32, #tpu.memory_space<vmem>>) target(%dma_start3A_129 : memref<10240x128xf32, #tpu.memory_space<vmem_shared>>) offsets(%dma_start3A_126 : memref<128xi32, #tpu.memory_space<vmem>>) semaphore(%run_scoped3A : memref<!tpu.dma_semaphore, #tpu.memory_space<semaphore_mem>>) {add = true}
          %dma_wait3A_130 = arith.constant 0 : i32
          %dma_wait3A_131 = tpu.memref_slice %arg9[%add3A_94, %dma_wait3A_130] : memref<8x128xi32, #tpu.memory_space<vmem>> -> memref<1x128xi32, #tpu.memory_space<vmem>>
          %dma_wait3A_132 = tpu.memref_squeeze %dma_wait3A_131 : memref<1x128xi32, #tpu.memory_space<vmem>> -> memref<128xi32, #tpu.memory_space<vmem>>
          %dma_wait3A_133 = arith.constant 0 : i32
          %dma_wait3A_134 = arith.constant 0 : i32
          %dma_wait3A_135 = tpu.memref_slice %arg13[%dma_wait3A_133, %dma_wait3A_134] : memref<10240x128xf32, #tpu.memory_space<vmem_shared>> -> memref<10240x128xf32, #tpu.memory_space<vmem_shared>>
          tpu.wait_indirect_dma semaphore(%run_scoped3A : memref<!tpu.dma_semaphore, #tpu.memory_space<semaphore_mem>>) src(%arg11 : memref<128x128xf32, #tpu.memory_space<vmem>>) dst(%dma_wait3A_135 : memref<10240x128xf32, #tpu.memory_space<vmem_shared>>)
          tpu.yield
        }) : () -> ()
        %add3A_100 = arith.constant 2 : i32
        %add3A_101 = arith.addi %add3A_94, %add3A_100 : i32
        %lt3A_102 = arith.constant 8 : i32
        %lt3A_103 = arith.cmpi slt, %add3A_101, %lt3A_102 : i32
        %convert_element_type3A_104 = arith.extui %lt3A_103 : i1 to i32
        %cond3A_105 = arith.constant 0 : i32
        %cond3A_106 = arith.cmpi ne, %convert_element_type3A_104, %cond3A_105 : i32
        scf.if %cond3A_106 {
          %add3A_124 = arith.constant 2 : i32
          %add3A_125 = arith.addi %add3A_94, %add3A_124 : i32
          %dma_start3A_126 = arith.constant 0 : i32
          %dma_start3A_127 = tpu.memref_slice %arg7[%add3A_125, %dma_start3A_126] : memref<8x128xi32, #tpu.memory_space<vmem>> -> memref<1x128xi32, #tpu.memory_space<vmem>>
          %dma_start3A_128 = tpu.memref_squeeze %dma_start3A_127 : memref<1x128xi32, #tpu.memory_space<vmem>> -> memref<128xi32, #tpu.memory_space<vmem>>
          %dma_start3A_129 = arith.constant 0 : i32
          %dma_start3A_130 = arith.constant 0 : i32
          %dma_start3A_131 = tpu.memref_slice %arg2[%dma_start3A_129, %dma_start3A_130] : memref<10240x128xf32, #tpu.memory_space<hbm>> -> memref<10240x128xf32, #tpu.memory_space<hbm>>
          tpu.enqueue_indirect_dma source(%dma_start3A_131 : memref<10240x128xf32, #tpu.memory_space<hbm>>) target(%arg11 : memref<128x128xf32, #tpu.memory_space<vmem>>) offsets(%dma_start3A_128 : memref<128xi32, #tpu.memory_space<vmem>>) semaphore(%arg14 : memref<!tpu.dma_semaphore, #tpu.memory_space<semaphore_mem>>)
        } else {
        }
        %mul3A_107 = arith.constant 2 : i32
        %mul3A_108 = arith.muli %scan3A_90, %mul3A_107 : i32
        %add3A_109 = arith.constant 1 : i32
        %add3A_110 = arith.addi %mul3A_108, %add3A_109 : i32
        %dma_wait3A_111 = arith.constant 0 : i32
        %dma_wait3A_112 = tpu.memref_slice %arg7[%add3A_110, %dma_wait3A_111] : memref<8x128xi32, #tpu.memory_space<vmem>> -> memref<1x128xi32, #tpu.memory_space<vmem>>
        %dma_wait3A_113 = tpu.memref_squeeze %dma_wait3A_112 : memref<1x128xi32, #tpu.memory_space<vmem>> -> memref<128xi32, #tpu.memory_space<vmem>>
        %dma_wait3A_114 = arith.constant 0 : i32
        %dma_wait3A_115 = arith.constant 0 : i32
        %dma_wait3A_116 = tpu.memref_slice %arg2[%dma_wait3A_114, %dma_wait3A_115] : memref<10240x128xf32, #tpu.memory_space<hbm>> -> memref<10240x128xf32, #tpu.memory_space<hbm>>
        tpu.wait_indirect_dma semaphore(%arg15 : memref<!tpu.dma_semaphore, #tpu.memory_space<semaphore_mem>>) src(%dma_wait3A_116 : memref<10240x128xf32, #tpu.memory_space<hbm>>) dst(%arg12 : memref<128x128xf32, #tpu.memory_space<vmem>>)
        "tpu.region"() ({
          %run_scoped3A = tpu.sem_alloc : memref<!tpu.dma_semaphore, #tpu.memory_space<semaphore_mem>>
          %dma_start3A_124 = arith.constant 0 : i32
          %dma_start3A_125 = tpu.memref_slice %arg9[%add3A_110, %dma_start3A_124] : memref<8x128xi32, #tpu.memory_space<vmem>> -> memref<1x128xi32, #tpu.memory_space<vmem>>
          %dma_start3A_126 = tpu.memref_squeeze %dma_start3A_125 : memref<1x128xi32, #tpu.memory_space<vmem>> -> memref<128xi32, #tpu.memory_space<vmem>>
          %dma_start3A_127 = arith.constant 0 : i32
          %dma_start3A_128 = arith.constant 0 : i32
          %dma_start3A_129 = tpu.memref_slice %arg13[%dma_start3A_127, %dma_start3A_128] : memref<10240x128xf32, #tpu.memory_space<vmem_shared>> -> memref<10240x128xf32, #tpu.memory_space<vmem_shared>>
          tpu.enqueue_indirect_dma source(%arg12 : memref<128x128xf32, #tpu.memory_space<vmem>>) target(%dma_start3A_129 : memref<10240x128xf32, #tpu.memory_space<vmem_shared>>) offsets(%dma_start3A_126 : memref<128xi32, #tpu.memory_space<vmem>>) semaphore(%run_scoped3A : memref<!tpu.dma_semaphore, #tpu.memory_space<semaphore_mem>>) {add = true}
          %dma_wait3A_130 = arith.constant 0 : i32
          %dma_wait3A_131 = tpu.memref_slice %arg9[%add3A_110, %dma_wait3A_130] : memref<8x128xi32, #tpu.memory_space<vmem>> -> memref<1x128xi32, #tpu.memory_space<vmem>>
          %dma_wait3A_132 = tpu.memref_squeeze %dma_wait3A_131 : memref<1x128xi32, #tpu.memory_space<vmem>> -> memref<128xi32, #tpu.memory_space<vmem>>
          %dma_wait3A_133 = arith.constant 0 : i32
          %dma_wait3A_134 = arith.constant 0 : i32
          %dma_wait3A_135 = tpu.memref_slice %arg13[%dma_wait3A_133, %dma_wait3A_134] : memref<10240x128xf32, #tpu.memory_space<vmem_shared>> -> memref<10240x128xf32, #tpu.memory_space<vmem_shared>>
          tpu.wait_indirect_dma semaphore(%run_scoped3A : memref<!tpu.dma_semaphore, #tpu.memory_space<semaphore_mem>>) src(%arg12 : memref<128x128xf32, #tpu.memory_space<vmem>>) dst(%dma_wait3A_135 : memref<10240x128xf32, #tpu.memory_space<vmem_shared>>)
          tpu.yield
        }) : () -> ()
        %add3A_117 = arith.constant 2 : i32
        %add3A_118 = arith.addi %add3A_110, %add3A_117 : i32
        %lt3A_119 = arith.constant 8 : i32
        %lt3A_120 = arith.cmpi slt, %add3A_118, %lt3A_119 : i32
        %convert_element_type3A_121 = arith.extui %lt3A_120 : i1 to i32
        %cond3A_122 = arith.constant 0 : i32
        %cond3A_123 = arith.cmpi ne, %convert_element_type3A_121, %cond3A_122 : i32
        scf.if %cond3A_123 {
          %add3A_124 = arith.constant 2 : i32
          %add3A_125 = arith.addi %add3A_110, %add3A_124 : i32
          %dma_start3A_126 = arith.constant 0 : i32
          %dma_start3A_127 = tpu.memref_slice %arg7[%add3A_125, %dma_start3A_126] : memref<8x128xi32, #tpu.memory_space<vmem>> -> memref<1x128xi32, #tpu.memory_space<vmem>>
          %dma_start3A_128 = tpu.memref_squeeze %dma_start3A_127 : memref<1x128xi32, #tpu.memory_space<vmem>> -> memref<128xi32, #tpu.memory_space<vmem>>
          %dma_start3A_129 = arith.constant 0 : i32
          %dma_start3A_130 = arith.constant 0 : i32
          %dma_start3A_131 = tpu.memref_slice %arg2[%dma_start3A_129, %dma_start3A_130] : memref<10240x128xf32, #tpu.memory_space<hbm>> -> memref<10240x128xf32, #tpu.memory_space<hbm>>
          tpu.enqueue_indirect_dma source(%dma_start3A_131 : memref<10240x128xf32, #tpu.memory_space<hbm>>) target(%arg12 : memref<128x128xf32, #tpu.memory_space<vmem>>) offsets(%dma_start3A_128 : memref<128xi32, #tpu.memory_space<vmem>>) semaphore(%arg15 : memref<!tpu.dma_semaphore, #tpu.memory_space<semaphore_mem>>)
        } else {
        }
      }
      %scan3A_44 = arith.constant 4 : i32
      %add3A_45 = arith.constant 1 : i32
      %add3A_46 = arith.addi %add3A_21, %add3A_45 : i32
      %lt3A_47 = arith.constant 10 : i32
      %lt3A_48 = arith.cmpi slt, %add3A_46, %lt3A_47 : i32
      %convert_element_type3A_49 = arith.extui %lt3A_48 : i1 to i32
      %cond3A_50 = arith.constant 0 : i32
      %cond3A_51 = arith.cmpi ne, %convert_element_type3A_49, %cond3A_50 : i32
      scf.if %cond3A_51 {
        %add3A_90 = arith.constant 1 : i32
        %add3A_91 = arith.addi %add3A_21, %add3A_90 : i32
        %mul3A_92 = arith.constant 8 : i32
        %mul3A_93 = arith.muli %add3A_91, %mul3A_92 : i32
        %add3A_94 = arith.addi %mul3A_2, %mul3A_93 : i32
        %dma_wait3A = arith.constant 0 : i32
        %dma_wait3A_95 = tpu.memref_slice %arg3[%add3A_94, %dma_wait3A] : memref<2560x128xi32, #tpu.memory_space<hbm>> -> memref<8x128xi32, #tpu.memory_space<hbm>>
        %dma_wait3A_96 = arith.constant 0 : i32
        %dma_wait3A_97 = tpu.memref_slice %arg3[%add3A_94, %dma_wait3A_96] : memref<2560x128xi32, #tpu.memory_space<hbm>> -> memref<8x128xi32, #tpu.memory_space<hbm>>
        tpu.wait_dma2 semaphore(%arg17 : memref<!tpu.dma_semaphore, #tpu.memory_space<semaphore_mem>>) src(%dma_wait3A_97 : memref<8x128xi32, #tpu.memory_space<hbm>>) dst(%arg8 : memref<8x128xi32, #tpu.memory_space<vmem>>)
        %add3A_98 = arith.constant 1 : i32
        %add3A_99 = arith.addi %add3A_21, %add3A_98 : i32
        %mul3A_100 = arith.constant 8 : i32
        %mul3A_101 = arith.muli %add3A_99, %mul3A_100 : i32
        %add3A_102 = arith.addi %mul3A_2, %mul3A_101 : i32
        %dma_wait3A_103 = arith.constant 0 : i32
        %dma_wait3A_104 = tpu.memref_slice %arg4[%add3A_102, %dma_wait3A_103] : memref<2560x128xi32, #tpu.memory_space<hbm>> -> memref<8x128xi32, #tpu.memory_space<hbm>>
        %dma_wait3A_105 = arith.constant 0 : i32
        %dma_wait3A_106 = tpu.memref_slice %arg4[%add3A_102, %dma_wait3A_105] : memref<2560x128xi32, #tpu.memory_space<hbm>> -> memref<8x128xi32, #tpu.memory_space<hbm>>
        tpu.wait_dma2 semaphore(%arg17 : memref<!tpu.dma_semaphore, #tpu.memory_space<semaphore_mem>>) src(%dma_wait3A_106 : memref<8x128xi32, #tpu.memory_space<hbm>>) dst(%arg10 : memref<8x128xi32, #tpu.memory_space<vmem>>)
      } else {
      }
      %mul3A_52 = arith.constant 2 : i32
      %mul3A_53 = arith.muli %scan3A_17, %mul3A_52 : i32
      %add3A_54 = arith.constant 1 : i32
      %add3A_55 = arith.addi %mul3A_53, %add3A_54 : i32
      %add3A_56 = arith.constant 1 : i32
      %add3A_57 = arith.addi %add3A_55, %add3A_56 : i32
      %lt3A_58 = arith.constant 10 : i32
      %lt3A_59 = arith.cmpi slt, %add3A_57, %lt3A_58 : i32
      %convert_element_type3A_60 = arith.extui %lt3A_59 : i1 to i32
      %cond3A_61 = arith.constant 0 : i32
      %cond3A_62 = arith.cmpi ne, %convert_element_type3A_60, %cond3A_61 : i32
      scf.if %cond3A_62 {
        %add3A_90 = arith.constant 1 : i32
        %add3A_91 = arith.addi %add3A_55, %add3A_90 : i32
        %mul3A_92 = arith.constant 8 : i32
        %mul3A_93 = arith.muli %add3A_91, %mul3A_92 : i32
        %add3A_94 = arith.addi %mul3A_2, %mul3A_93 : i32
        %dma_start3A_95 = arith.constant 0 : i32
        %dma_start3A_96 = tpu.memref_slice %arg3[%add3A_94, %dma_start3A_95] : memref<2560x128xi32, #tpu.memory_space<hbm>> -> memref<8x128xi32, #tpu.memory_space<hbm>>
        %dma_start3A_97 = arith.constant 0 : i32
        %dma_start3A_98 = tpu.memref_slice %arg3[%add3A_94, %dma_start3A_97] : memref<2560x128xi32, #tpu.memory_space<hbm>> -> memref<8x128xi32, #tpu.memory_space<hbm>>
        tpu.enqueue_dma source(%dma_start3A_98 : memref<8x128xi32, #tpu.memory_space<hbm>>) target(%arg7 : memref<8x128xi32, #tpu.memory_space<vmem>>) target_semaphore(%arg16 : memref<!tpu.dma_semaphore, #tpu.memory_space<semaphore_mem>>)
        %add3A_99 = arith.constant 1 : i32
        %add3A_100 = arith.addi %add3A_55, %add3A_99 : i32
        %mul3A_101 = arith.constant 8 : i32
        %mul3A_102 = arith.muli %add3A_100, %mul3A_101 : i32
        %add3A_103 = arith.addi %mul3A_2, %mul3A_102 : i32
        %dma_start3A_104 = arith.constant 0 : i32
        %dma_start3A_105 = tpu.memref_slice %arg4[%add3A_103, %dma_start3A_104] : memref<2560x128xi32, #tpu.memory_space<hbm>> -> memref<8x128xi32, #tpu.memory_space<hbm>>
        %dma_start3A_106 = arith.constant 0 : i32
        %dma_start3A_107 = tpu.memref_slice %arg4[%add3A_103, %dma_start3A_106] : memref<2560x128xi32, #tpu.memory_space<hbm>> -> memref<8x128xi32, #tpu.memory_space<hbm>>
        tpu.enqueue_dma source(%dma_start3A_107 : memref<8x128xi32, #tpu.memory_space<hbm>>) target(%arg9 : memref<8x128xi32, #tpu.memory_space<vmem>>) target_semaphore(%arg16 : memref<!tpu.dma_semaphore, #tpu.memory_space<semaphore_mem>>)
      } else {
      }
      %dma_start3A_63 = arith.constant 0 : i32
      %dma_start3A_64 = arith.constant 0 : i32
      %dma_start3A_65 = tpu.memref_slice %arg8[%dma_start3A_63, %dma_start3A_64] : memref<8x128xi32, #tpu.memory_space<vmem>> -> memref<1x128xi32, #tpu.memory_space<vmem>>
      %dma_start3A_66 = tpu.memref_squeeze %dma_start3A_65 : memref<1x128xi32, #tpu.memory_space<vmem>> -> memref<128xi32, #tpu.memory_space<vmem>>
      %dma_start3A_67 = arith.constant 0 : i32
      %dma_start3A_68 = arith.constant 0 : i32
      %dma_start3A_69 = tpu.memref_slice %arg2[%dma_start3A_67, %dma_start3A_68] : memref<10240x128xf32, #tpu.memory_space<hbm>> -> memref<10240x128xf32, #tpu.memory_space<hbm>>
      tpu.enqueue_indirect_dma source(%dma_start3A_69 : memref<10240x128xf32, #tpu.memory_space<hbm>>) target(%arg11 : memref<128x128xf32, #tpu.memory_space<vmem>>) offsets(%dma_start3A_66 : memref<128xi32, #tpu.memory_space<vmem>>) semaphore(%arg14 : memref<!tpu.dma_semaphore, #tpu.memory_space<semaphore_mem>>)
      %dma_start3A_70 = arith.constant 1 : i32
      %dma_start3A_71 = arith.constant 0 : i32
      %dma_start3A_72 = tpu.memref_slice %arg8[%dma_start3A_70, %dma_start3A_71] : memref<8x128xi32, #tpu.memory_space<vmem>> -> memref<1x128xi32, #tpu.memory_space<vmem>>
      %dma_start3A_73 = tpu.memref_squeeze %dma_start3A_72 : memref<1x128xi32, #tpu.memory_space<vmem>> -> memref<128xi32, #tpu.memory_space<vmem>>
      %dma_start3A_74 = arith.constant 0 : i32
      %dma_start3A_75 = arith.constant 0 : i32
      %dma_start3A_76 = tpu.memref_slice %arg2[%dma_start3A_74, %dma_start3A_75] : memref<10240x128xf32, #tpu.memory_space<hbm>> -> memref<10240x128xf32, #tpu.memory_space<hbm>>
      tpu.enqueue_indirect_dma source(%dma_start3A_76 : memref<10240x128xf32, #tpu.memory_space<hbm>>) target(%arg12 : memref<128x128xf32, #tpu.memory_space<vmem>>) offsets(%dma_start3A_73 : memref<128xi32, #tpu.memory_space<vmem>>) semaphore(%arg15 : memref<!tpu.dma_semaphore, #tpu.memory_space<semaphore_mem>>)
      %scan3A_77 = arith.constant 0 : i32
      %scan3A_78 = arith.constant 0 : i32
      %scan3A_79 = arith.constant 4 : i32
      %scan3A_80 = arith.addi %scan3A_78, %scan3A_79 : i32
      %scan3A_81 = arith.constant 1 : i32
      scf.for %scan3A_90 = %scan3A_78 to %scan3A_80 step %scan3A_81  : i32 {
        %mul3A_91 = arith.constant 2 : i32
        %mul3A_92 = arith.muli %scan3A_90, %mul3A_91 : i32
        %add3A_93 = arith.constant 0 : i32
        %add3A_94 = arith.addi %mul3A_92, %add3A_93 : i32
        %dma_wait3A = arith.constant 0 : i32
        %dma_wait3A_95 = tpu.memref_slice %arg8[%add3A_94, %dma_wait3A] : memref<8x128xi32, #tpu.memory_space<vmem>> -> memref<1x128xi32, #tpu.memory_space<vmem>>
        %dma_wait3A_96 = tpu.memref_squeeze %dma_wait3A_95 : memref<1x128xi32, #tpu.memory_space<vmem>> -> memref<128xi32, #tpu.memory_space<vmem>>
        %dma_wait3A_97 = arith.constant 0 : i32
        %dma_wait3A_98 = arith.constant 0 : i32
        %dma_wait3A_99 = tpu.memref_slice %arg2[%dma_wait3A_97, %dma_wait3A_98] : memref<10240x128xf32, #tpu.memory_space<hbm>> -> memref<10240x128xf32, #tpu.memory_space<hbm>>
        tpu.wait_indirect_dma semaphore(%arg14 : memref<!tpu.dma_semaphore, #tpu.memory_space<semaphore_mem>>) src(%dma_wait3A_99 : memref<10240x128xf32, #tpu.memory_space<hbm>>) dst(%arg11 : memref<128x128xf32, #tpu.memory_space<vmem>>)
        "tpu.region"() ({
          %run_scoped3A = tpu.sem_alloc : memref<!tpu.dma_semaphore, #tpu.memory_space<semaphore_mem>>
          %dma_start3A_124 = arith.constant 0 : i32
          %dma_start3A_125 = tpu.memref_slice %arg10[%add3A_94, %dma_start3A_124] : memref<8x128xi32, #tpu.memory_space<vmem>> -> memref<1x128xi32, #tpu.memory_space<vmem>>
          %dma_start3A_126 = tpu.memref_squeeze %dma_start3A_125 : memref<1x128xi32, #tpu.memory_space<vmem>> -> memref<128xi32, #tpu.memory_space<vmem>>
          %dma_start3A_127 = arith.constant 0 : i32
          %dma_start3A_128 = arith.constant 0 : i32
          %dma_start3A_129 = tpu.memref_slice %arg13[%dma_start3A_127, %dma_start3A_128] : memref<10240x128xf32, #tpu.memory_space<vmem_shared>> -> memref<10240x128xf32, #tpu.memory_space<vmem_shared>>
          tpu.enqueue_indirect_dma source(%arg11 : memref<128x128xf32, #tpu.memory_space<vmem>>) target(%dma_start3A_129 : memref<10240x128xf32, #tpu.memory_space<vmem_shared>>) offsets(%dma_start3A_126 : memref<128xi32, #tpu.memory_space<vmem>>) semaphore(%run_scoped3A : memref<!tpu.dma_semaphore, #tpu.memory_space<semaphore_mem>>) {add = true}
          %dma_wait3A_130 = arith.constant 0 : i32
          %dma_wait3A_131 = tpu.memref_slice %arg10[%add3A_94, %dma_wait3A_130] : memref<8x128xi32, #tpu.memory_space<vmem>> -> memref<1x128xi32, #tpu.memory_space<vmem>>
          %dma_wait3A_132 = tpu.memref_squeeze %dma_wait3A_131 : memref<1x128xi32, #tpu.memory_space<vmem>> -> memref<128xi32, #tpu.memory_space<vmem>>
          %dma_wait3A_133 = arith.constant 0 : i32
          %dma_wait3A_134 = arith.constant 0 : i32
          %dma_wait3A_135 = tpu.memref_slice %arg13[%dma_wait3A_133, %dma_wait3A_134] : memref<10240x128xf32, #tpu.memory_space<vmem_shared>> -> memref<10240x128xf32, #tpu.memory_space<vmem_shared>>
          tpu.wait_indirect_dma semaphore(%run_scoped3A : memref<!tpu.dma_semaphore, #tpu.memory_space<semaphore_mem>>) src(%arg11 : memref<128x128xf32, #tpu.memory_space<vmem>>) dst(%dma_wait3A_135 : memref<10240x128xf32, #tpu.memory_space<vmem_shared>>)
          tpu.yield
        }) : () -> ()
        %add3A_100 = arith.constant 2 : i32
        %add3A_101 = arith.addi %add3A_94, %add3A_100 : i32
        %lt3A_102 = arith.constant 8 : i32
        %lt3A_103 = arith.cmpi slt, %add3A_101, %lt3A_102 : i32
        %convert_element_type3A_104 = arith.extui %lt3A_103 : i1 to i32
        %cond3A_105 = arith.constant 0 : i32
        %cond3A_106 = arith.cmpi ne, %convert_element_type3A_104, %cond3A_105 : i32
        scf.if %cond3A_106 {
          %add3A_124 = arith.constant 2 : i32
          %add3A_125 = arith.addi %add3A_94, %add3A_124 : i32
          %dma_start3A_126 = arith.constant 0 : i32
          %dma_start3A_127 = tpu.memref_slice %arg8[%add3A_125, %dma_start3A_126] : memref<8x128xi32, #tpu.memory_space<vmem>> -> memref<1x128xi32, #tpu.memory_space<vmem>>
          %dma_start3A_128 = tpu.memref_squeeze %dma_start3A_127 : memref<1x128xi32, #tpu.memory_space<vmem>> -> memref<128xi32, #tpu.memory_space<vmem>>
          %dma_start3A_129 = arith.constant 0 : i32
          %dma_start3A_130 = arith.constant 0 : i32
          %dma_start3A_131 = tpu.memref_slice %arg2[%dma_start3A_129, %dma_start3A_130] : memref<10240x128xf32, #tpu.memory_space<hbm>> -> memref<10240x128xf32, #tpu.memory_space<hbm>>
          tpu.enqueue_indirect_dma source(%dma_start3A_131 : memref<10240x128xf32, #tpu.memory_space<hbm>>) target(%arg11 : memref<128x128xf32, #tpu.memory_space<vmem>>) offsets(%dma_start3A_128 : memref<128xi32, #tpu.memory_space<vmem>>) semaphore(%arg14 : memref<!tpu.dma_semaphore, #tpu.memory_space<semaphore_mem>>)
        } else {
        }
        %mul3A_107 = arith.constant 2 : i32
        %mul3A_108 = arith.muli %scan3A_90, %mul3A_107 : i32
        %add3A_109 = arith.constant 1 : i32
        %add3A_110 = arith.addi %mul3A_108, %add3A_109 : i32
        %dma_wait3A_111 = arith.constant 0 : i32
        %dma_wait3A_112 = tpu.memref_slice %arg8[%add3A_110, %dma_wait3A_111] : memref<8x128xi32, #tpu.memory_space<vmem>> -> memref<1x128xi32, #tpu.memory_space<vmem>>
        %dma_wait3A_113 = tpu.memref_squeeze %dma_wait3A_112 : memref<1x128xi32, #tpu.memory_space<vmem>> -> memref<128xi32, #tpu.memory_space<vmem>>
        %dma_wait3A_114 = arith.constant 0 : i32
        %dma_wait3A_115 = arith.constant 0 : i32
        %dma_wait3A_116 = tpu.memref_slice %arg2[%dma_wait3A_114, %dma_wait3A_115] : memref<10240x128xf32, #tpu.memory_space<hbm>> -> memref<10240x128xf32, #tpu.memory_space<hbm>>
        tpu.wait_indirect_dma semaphore(%arg15 : memref<!tpu.dma_semaphore, #tpu.memory_space<semaphore_mem>>) src(%dma_wait3A_116 : memref<10240x128xf32, #tpu.memory_space<hbm>>) dst(%arg12 : memref<128x128xf32, #tpu.memory_space<vmem>>)
        "tpu.region"() ({
          %run_scoped3A = tpu.sem_alloc : memref<!tpu.dma_semaphore, #tpu.memory_space<semaphore_mem>>
          %dma_start3A_124 = arith.constant 0 : i32
          %dma_start3A_125 = tpu.memref_slice %arg10[%add3A_110, %dma_start3A_124] : memref<8x128xi32, #tpu.memory_space<vmem>> -> memref<1x128xi32, #tpu.memory_space<vmem>>
          %dma_start3A_126 = tpu.memref_squeeze %dma_start3A_125 : memref<1x128xi32, #tpu.memory_space<vmem>> -> memref<128xi32, #tpu.memory_space<vmem>>
          %dma_start3A_127 = arith.constant 0 : i32
          %dma_start3A_128 = arith.constant 0 : i32
          %dma_start3A_129 = tpu.memref_slice %arg13[%dma_start3A_127, %dma_start3A_128] : memref<10240x128xf32, #tpu.memory_space<vmem_shared>> -> memref<10240x128xf32, #tpu.memory_space<vmem_shared>>
          tpu.enqueue_indirect_dma source(%arg12 : memref<128x128xf32, #tpu.memory_space<vmem>>) target(%dma_start3A_129 : memref<10240x128xf32, #tpu.memory_space<vmem_shared>>) offsets(%dma_start3A_126 : memref<128xi32, #tpu.memory_space<vmem>>) semaphore(%run_scoped3A : memref<!tpu.dma_semaphore, #tpu.memory_space<semaphore_mem>>) {add = true}
          %dma_wait3A_130 = arith.constant 0 : i32
          %dma_wait3A_131 = tpu.memref_slice %arg10[%add3A_110, %dma_wait3A_130] : memref<8x128xi32, #tpu.memory_space<vmem>> -> memref<1x128xi32, #tpu.memory_space<vmem>>
          %dma_wait3A_132 = tpu.memref_squeeze %dma_wait3A_131 : memref<1x128xi32, #tpu.memory_space<vmem>> -> memref<128xi32, #tpu.memory_space<vmem>>
          %dma_wait3A_133 = arith.constant 0 : i32
          %dma_wait3A_134 = arith.constant 0 : i32
          %dma_wait3A_135 = tpu.memref_slice %arg13[%dma_wait3A_133, %dma_wait3A_134] : memref<10240x128xf32, #tpu.memory_space<vmem_shared>> -> memref<10240x128xf32, #tpu.memory_space<vmem_shared>>
          tpu.wait_indirect_dma semaphore(%run_scoped3A : memref<!tpu.dma_semaphore, #tpu.memory_space<semaphore_mem>>) src(%arg12 : memref<128x128xf32, #tpu.memory_space<vmem>>) dst(%dma_wait3A_135 : memref<10240x128xf32, #tpu.memory_space<vmem_shared>>)
          tpu.yield
        }) : () -> ()
        %add3A_117 = arith.constant 2 : i32
        %add3A_118 = arith.addi %add3A_110, %add3A_117 : i32
        %lt3A_119 = arith.constant 8 : i32
        %lt3A_120 = arith.cmpi slt, %add3A_118, %lt3A_119 : i32
        %convert_element_type3A_121 = arith.extui %lt3A_120 : i1 to i32
        %cond3A_122 = arith.constant 0 : i32
        %cond3A_123 = arith.cmpi ne, %convert_element_type3A_121, %cond3A_122 : i32
        scf.if %cond3A_123 {
          %add3A_124 = arith.constant 2 : i32
          %add3A_125 = arith.addi %add3A_110, %add3A_124 : i32
          %dma_start3A_126 = arith.constant 0 : i32
          %dma_start3A_127 = tpu.memref_slice %arg8[%add3A_125, %dma_start3A_126] : memref<8x128xi32, #tpu.memory_space<vmem>> -> memref<1x128xi32, #tpu.memory_space<vmem>>
          %dma_start3A_128 = tpu.memref_squeeze %dma_start3A_127 : memref<1x128xi32, #tpu.memory_space<vmem>> -> memref<128xi32, #tpu.memory_space<vmem>>
          %dma_start3A_129 = arith.constant 0 : i32
          %dma_start3A_130 = arith.constant 0 : i32
          %dma_start3A_131 = tpu.memref_slice %arg2[%dma_start3A_129, %dma_start3A_130] : memref<10240x128xf32, #tpu.memory_space<hbm>> -> memref<10240x128xf32, #tpu.memory_space<hbm>>
          tpu.enqueue_indirect_dma source(%dma_start3A_131 : memref<10240x128xf32, #tpu.memory_space<hbm>>) target(%arg12 : memref<128x128xf32, #tpu.memory_space<vmem>>) offsets(%dma_start3A_128 : memref<128xi32, #tpu.memory_space<vmem>>) semaphore(%arg15 : memref<!tpu.dma_semaphore, #tpu.memory_space<semaphore_mem>>)
        } else {
        }
      }
      %scan3A_82 = arith.constant 4 : i32
      %add3A_83 = arith.constant 1 : i32
      %add3A_84 = arith.addi %add3A_55, %add3A_83 : i32
      %lt3A_85 = arith.constant 10 : i32
      %lt3A_86 = arith.cmpi slt, %add3A_84, %lt3A_85 : i32
      %convert_element_type3A_87 = arith.extui %lt3A_86 : i1 to i32
      %cond3A_88 = arith.constant 0 : i32
      %cond3A_89 = arith.cmpi ne, %convert_element_type3A_87, %cond3A_88 : i32
      scf.if %cond3A_89 {
        %add3A_90 = arith.constant 1 : i32
        %add3A_91 = arith.addi %add3A_55, %add3A_90 : i32
        %mul3A_92 = arith.constant 8 : i32
        %mul3A_93 = arith.muli %add3A_91, %mul3A_92 : i32
        %add3A_94 = arith.addi %mul3A_2, %mul3A_93 : i32
        %dma_wait3A = arith.constant 0 : i32
        %dma_wait3A_95 = tpu.memref_slice %arg3[%add3A_94, %dma_wait3A] : memref<2560x128xi32, #tpu.memory_space<hbm>> -> memref<8x128xi32, #tpu.memory_space<hbm>>
        %dma_wait3A_96 = arith.constant 0 : i32
        %dma_wait3A_97 = tpu.memref_slice %arg3[%add3A_94, %dma_wait3A_96] : memref<2560x128xi32, #tpu.memory_space<hbm>> -> memref<8x128xi32, #tpu.memory_space<hbm>>
        tpu.wait_dma2 semaphore(%arg16 : memref<!tpu.dma_semaphore, #tpu.memory_space<semaphore_mem>>) src(%dma_wait3A_97 : memref<8x128xi32, #tpu.memory_space<hbm>>) dst(%arg7 : memref<8x128xi32, #tpu.memory_space<vmem>>)
        %add3A_98 = arith.constant 1 : i32
        %add3A_99 = arith.addi %add3A_55, %add3A_98 : i32
        %mul3A_100 = arith.constant 8 : i32
        %mul3A_101 = arith.muli %add3A_99, %mul3A_100 : i32
        %add3A_102 = arith.addi %mul3A_2, %mul3A_101 : i32
        %dma_wait3A_103 = arith.constant 0 : i32
        %dma_wait3A_104 = tpu.memref_slice %arg4[%add3A_102, %dma_wait3A_103] : memref<2560x128xi32, #tpu.memory_space<hbm>> -> memref<8x128xi32, #tpu.memory_space<hbm>>
        %dma_wait3A_105 = arith.constant 0 : i32
        %dma_wait3A_106 = tpu.memref_slice %arg4[%add3A_102, %dma_wait3A_105] : memref<2560x128xi32, #tpu.memory_space<hbm>> -> memref<8x128xi32, #tpu.memory_space<hbm>>
        tpu.wait_dma2 semaphore(%arg16 : memref<!tpu.dma_semaphore, #tpu.memory_space<semaphore_mem>>) src(%dma_wait3A_106 : memref<8x128xi32, #tpu.memory_space<hbm>>) dst(%arg9 : memref<8x128xi32, #tpu.memory_space<vmem>>)
      } else {
      }
    }
    %scan3A_11 = arith.constant 5 : i32
    %barrier3A_12 = arith.constant 0 : index
    tpu.barrier barrier_id(%barrier3A_12)
    %mul3A_13 = arith.constant 640 : i32
    %mul3A_14 = arith.muli %arg1, %mul3A_13 : i32
    %mul3A_15 = arith.constant 640 : i32
    %mul3A_16 = arith.muli %arg1, %mul3A_15 : i32
    "tpu.region"() ({
      %run_scoped3A = tpu.sem_alloc : memref<!tpu.dma_semaphore, #tpu.memory_space<semaphore_mem>>
      %dma_start3A = arith.constant 0 : i32
      %dma_start3A_17 = tpu.memref_slice %arg6[%arg0, %mul3A_16, %dma_start3A] : memref<2x10240x128xf32, #tpu.memory_space<hbm>> -> memref<1x640x128xf32, #tpu.memory_space<hbm>>
      %dma_start3A_18 = tpu.memref_squeeze %dma_start3A_17 : memref<1x640x128xf32, #tpu.memory_space<hbm>> -> memref<640x128xf32, #tpu.memory_space<hbm>>
      %dma_start3A_19 = arith.constant 0 : i32
      %dma_start3A_20 = tpu.memref_slice %arg13[%mul3A_14, %dma_start3A_19] : memref<10240x128xf32, #tpu.memory_space<vmem_shared>> -> memref<640x128xf32, #tpu.memory_space<vmem_shared>>
      tpu.enqueue_dma source(%dma_start3A_20 : memref<640x128xf32, #tpu.memory_space<vmem_shared>>) target(%dma_start3A_18 : memref<640x128xf32, #tpu.memory_space<hbm>>) target_semaphore(%run_scoped3A : memref<!tpu.dma_semaphore, #tpu.memory_space<semaphore_mem>>)
      %dma_wait3A = arith.constant 0 : i32
      %dma_wait3A_21 = tpu.memref_slice %arg6[%arg0, %mul3A_16, %dma_wait3A] : memref<2x10240x128xf32, #tpu.memory_space<hbm>> -> memref<1x640x128xf32, #tpu.memory_space<hbm>>
      %dma_wait3A_22 = tpu.memref_squeeze %dma_wait3A_21 : memref<1x640x128xf32, #tpu.memory_space<hbm>> -> memref<640x128xf32, #tpu.memory_space<hbm>>
      %dma_wait3A_23 = arith.constant 0 : i32
      %dma_wait3A_24 = tpu.memref_slice %arg13[%mul3A_14, %dma_wait3A_23] : memref<10240x128xf32, #tpu.memory_space<vmem_shared>> -> memref<640x128xf32, #tpu.memory_space<vmem_shared>>
      tpu.wait_dma2 semaphore(%run_scoped3A : memref<!tpu.dma_semaphore, #tpu.memory_space<semaphore_mem>>) src(%dma_wait3A_24 : memref<640x128xf32, #tpu.memory_space<vmem_shared>>) dst(%dma_wait3A_22 : memref<640x128xf32, #tpu.memory_space<hbm>>)
      tpu.yield
    }) : () -> ()
    return
  }
}

#map = affine_map<(d0, d1) -> (0, 0)>
#map1 = affine_map<(d0, d1) -> (0, 0, 0)>
module attributes {stable_mosaic.version = 14 : i64} {
  func.func @_agg_body(%arg0: i32, %arg1: i32, %arg2: memref<10240x128xf32, #tpu.memory_space<hbm>>, %arg3: memref<2560x128xi32, #tpu.memory_space<hbm>>, %arg4: memref<2560x128xi32, #tpu.memory_space<hbm>>, %arg5: memref<10240x128xf32, #tpu.memory_space<hbm>>, %arg6: memref<2x10240x128xf32, #tpu.memory_space<hbm>>, %arg7: memref<8x128xi32, #tpu.memory_space<vmem>>, %arg8: memref<8x128xi32, #tpu.memory_space<vmem>>, %arg9: memref<8x128xi32, #tpu.memory_space<vmem>>, %arg10: memref<8x128xi32, #tpu.memory_space<vmem>>, %arg11: memref<128x128xf32, #tpu.memory_space<vmem>>, %arg12: memref<128x128xf32, #tpu.memory_space<vmem>>, %arg13: memref<10240x128xf32, #tpu.memory_space<vmem_shared>>, %arg14: memref<!tpu.dma_semaphore, #tpu.memory_space<semaphore_mem>>, %arg15: memref<!tpu.dma_semaphore, #tpu.memory_space<semaphore_mem>>, %arg16: memref<!tpu.dma_semaphore, #tpu.memory_space<semaphore_mem>>, %arg17: memref<!tpu.dma_semaphore, #tpu.memory_space<semaphore_mem>>) attributes {dimension_semantics = [#tpu.dimension_semantics<core_parallel>, #tpu.dimension_semantics<subcore_parallel>], iteration_bounds = array<i64: 2, 16>, scalar_prefetch = 0 : i64, scratch_operands = 11 : i64, tpu.core_type = #tpu.core_type<sc_vector_subcore>, window_params = [{transform_indices = #map}, {transform_indices = #map}, {transform_indices = #map}, {transform_indices = #map}, {transform_indices = #map1}]} {
    %mul3A = arith.constant 16 : i32
    %mul3A_0 = arith.muli %arg0, %mul3A : i32
    %add3A = arith.addi %mul3A_0, %arg1 : i32
    %mul3A_1 = arith.constant 80 : i32
    %mul3A_2 = arith.muli %add3A, %mul3A_1 : i32
    %mul3A_3 = arith.constant 640 : i32
    %mul3A_4 = arith.muli %arg1, %mul3A_3 : i32
    %mul3A_5 = arith.constant 640 : i32
    %mul3A_6 = arith.muli %arg1, %mul3A_5 : i32
    "tpu.region"() ({
      %run_scoped3A = tpu.sem_alloc : memref<!tpu.dma_semaphore, #tpu.memory_space<semaphore_mem>>
      %dma_start3A = arith.constant 0 : i32
      %dma_start3A_17 = tpu.memref_slice %arg13[%mul3A_6, %dma_start3A] : memref<10240x128xf32, #tpu.memory_space<vmem_shared>> -> memref<640x128xf32, #tpu.memory_space<vmem_shared>>
      %dma_start3A_18 = arith.constant 0 : i32
      %dma_start3A_19 = tpu.memref_slice %arg5[%mul3A_4, %dma_start3A_18] : memref<10240x128xf32, #tpu.memory_space<hbm>> -> memref<640x128xf32, #tpu.memory_space<hbm>>
      tpu.enqueue_dma source(%dma_start3A_19 : memref<640x128xf32, #tpu.memory_space<hbm>>) target(%dma_start3A_17 : memref<640x128xf32, #tpu.memory_space<vmem_shared>>) target_semaphore(%run_scoped3A : memref<!tpu.dma_semaphore, #tpu.memory_space<semaphore_mem>>)
      %dma_wait3A = arith.constant 0 : i32
      %dma_wait3A_20 = tpu.memref_slice %arg13[%mul3A_6, %dma_wait3A] : memref<10240x128xf32, #tpu.memory_space<vmem_shared>> -> memref<640x128xf32, #tpu.memory_space<vmem_shared>>
      %dma_wait3A_21 = arith.constant 0 : i32
      %dma_wait3A_22 = tpu.memref_slice %arg5[%mul3A_4, %dma_wait3A_21] : memref<10240x128xf32, #tpu.memory_space<hbm>> -> memref<640x128xf32, #tpu.memory_space<hbm>>
      tpu.wait_dma2 semaphore(%run_scoped3A : memref<!tpu.dma_semaphore, #tpu.memory_space<semaphore_mem>>) src(%dma_wait3A_22 : memref<640x128xf32, #tpu.memory_space<hbm>>) dst(%dma_wait3A_20 : memref<640x128xf32, #tpu.memory_space<vmem_shared>>)
      tpu.yield
    }) : () -> ()
    "tpu.region"() ({
      %run_scoped3A = tpu.sem_alloc : memref<!tpu.dma_semaphore, #tpu.memory_space<semaphore_mem>>
      %dma_start3A = arith.constant 0 : i32
      %dma_start3A_17 = tpu.memref_slice %arg3[%mul3A_2, %dma_start3A] : memref<2560x128xi32, #tpu.memory_space<hbm>> -> memref<8x128xi32, #tpu.memory_space<hbm>>
      %dma_start3A_18 = arith.constant 0 : i32
      %dma_start3A_19 = tpu.memref_slice %arg3[%mul3A_2, %dma_start3A_18] : memref<2560x128xi32, #tpu.memory_space<hbm>> -> memref<8x128xi32, #tpu.memory_space<hbm>>
      tpu.enqueue_dma source(%dma_start3A_19 : memref<8x128xi32, #tpu.memory_space<hbm>>) target(%arg7 : memref<8x128xi32, #tpu.memory_space<vmem>>) target_semaphore(%run_scoped3A : memref<!tpu.dma_semaphore, #tpu.memory_space<semaphore_mem>>)
      %dma_wait3A = arith.constant 0 : i32
      %dma_wait3A_20 = tpu.memref_slice %arg3[%mul3A_2, %dma_wait3A] : memref<2560x128xi32, #tpu.memory_space<hbm>> -> memref<8x128xi32, #tpu.memory_space<hbm>>
      %dma_wait3A_21 = arith.constant 0 : i32
      %dma_wait3A_22 = tpu.memref_slice %arg3[%mul3A_2, %dma_wait3A_21] : memref<2560x128xi32, #tpu.memory_space<hbm>> -> memref<8x128xi32, #tpu.memory_space<hbm>>
      tpu.wait_dma2 semaphore(%run_scoped3A : memref<!tpu.dma_semaphore, #tpu.memory_space<semaphore_mem>>) src(%dma_wait3A_22 : memref<8x128xi32, #tpu.memory_space<hbm>>) dst(%arg7 : memref<8x128xi32, #tpu.memory_space<vmem>>)
      tpu.yield
    }) : () -> ()
    "tpu.region"() ({
      %run_scoped3A = tpu.sem_alloc : memref<!tpu.dma_semaphore, #tpu.memory_space<semaphore_mem>>
      %dma_start3A = arith.constant 0 : i32
      %dma_start3A_17 = tpu.memref_slice %arg4[%mul3A_2, %dma_start3A] : memref<2560x128xi32, #tpu.memory_space<hbm>> -> memref<8x128xi32, #tpu.memory_space<hbm>>
      %dma_start3A_18 = arith.constant 0 : i32
      %dma_start3A_19 = tpu.memref_slice %arg4[%mul3A_2, %dma_start3A_18] : memref<2560x128xi32, #tpu.memory_space<hbm>> -> memref<8x128xi32, #tpu.memory_space<hbm>>
      tpu.enqueue_dma source(%dma_start3A_19 : memref<8x128xi32, #tpu.memory_space<hbm>>) target(%arg9 : memref<8x128xi32, #tpu.memory_space<vmem>>) target_semaphore(%run_scoped3A : memref<!tpu.dma_semaphore, #tpu.memory_space<semaphore_mem>>)
      %dma_wait3A = arith.constant 0 : i32
      %dma_wait3A_20 = tpu.memref_slice %arg4[%mul3A_2, %dma_wait3A] : memref<2560x128xi32, #tpu.memory_space<hbm>> -> memref<8x128xi32, #tpu.memory_space<hbm>>
      %dma_wait3A_21 = arith.constant 0 : i32
      %dma_wait3A_22 = tpu.memref_slice %arg4[%mul3A_2, %dma_wait3A_21] : memref<2560x128xi32, #tpu.memory_space<hbm>> -> memref<8x128xi32, #tpu.memory_space<hbm>>
      tpu.wait_dma2 semaphore(%run_scoped3A : memref<!tpu.dma_semaphore, #tpu.memory_space<semaphore_mem>>) src(%dma_wait3A_22 : memref<8x128xi32, #tpu.memory_space<hbm>>) dst(%arg9 : memref<8x128xi32, #tpu.memory_space<vmem>>)
      tpu.yield
    }) : () -> ()
    %barrier3A = arith.constant 0 : index
    tpu.barrier barrier_id(%barrier3A)
    %scan3A = arith.constant 0 : i32
    %scan3A_7 = arith.constant 0 : i32
    %scan3A_8 = arith.constant 5 : i32
    %scan3A_9 = arith.addi %scan3A_7, %scan3A_8 : i32
    %scan3A_10 = arith.constant 1 : i32
    scf.for %scan3A_17 = %scan3A_7 to %scan3A_9 step %scan3A_10  : i32 {
      %mul3A_18 = arith.constant 2 : i32
      %mul3A_19 = arith.muli %scan3A_17, %mul3A_18 : i32
      %add3A_20 = arith.constant 0 : i32
      %add3A_21 = arith.addi %mul3A_19, %add3A_20 : i32
      %add3A_22 = arith.constant 1 : i32
      %add3A_23 = arith.addi %add3A_21, %add3A_22 : i32
      %lt3A = arith.constant 10 : i32
      %lt3A_24 = arith.cmpi slt, %add3A_23, %lt3A : i32
      %convert_element_type3A = arith.extui %lt3A_24 : i1 to i32
      %cond3A = arith.constant 0 : i32
      %cond3A_25 = arith.cmpi ne, %convert_element_type3A, %cond3A : i32
      scf.if %cond3A_25 {
        %add3A_90 = arith.constant 1 : i32
        %add3A_91 = arith.addi %add3A_21, %add3A_90 : i32
        %mul3A_92 = arith.constant 8 : i32
        %mul3A_93 = arith.muli %add3A_91, %mul3A_92 : i32
        %add3A_94 = arith.addi %mul3A_2, %mul3A_93 : i32
        %dma_start3A_95 = arith.constant 0 : i32
        %dma_start3A_96 = tpu.memref_slice %arg3[%add3A_94, %dma_start3A_95] : memref<2560x128xi32, #tpu.memory_space<hbm>> -> memref<8x128xi32, #tpu.memory_space<hbm>>
        %dma_start3A_97 = arith.constant 0 : i32
        %dma_start3A_98 = tpu.memref_slice %arg3[%add3A_94, %dma_start3A_97] : memref<2560x128xi32, #tpu.memory_space<hbm>> -> memref<8x128xi32, #tpu.memory_space<hbm>>
        tpu.enqueue_dma source(%dma_start3A_98 : memref<8x128xi32, #tpu.memory_space<hbm>>) target(%arg8 : memref<8x128xi32, #tpu.memory_space<vmem>>) target_semaphore(%arg17 : memref<!tpu.dma_semaphore, #tpu.memory_space<semaphore_mem>>)
        %add3A_99 = arith.constant 1 : i32
        %add3A_100 = arith.addi %add3A_21, %add3A_99 : i32
        %mul3A_101 = arith.constant 8 : i32
        %mul3A_102 = arith.muli %add3A_100, %mul3A_101 : i32
        %add3A_103 = arith.addi %mul3A_2, %mul3A_102 : i32
        %dma_start3A_104 = arith.constant 0 : i32
        %dma_start3A_105 = tpu.memref_slice %arg4[%add3A_103, %dma_start3A_104] : memref<2560x128xi32, #tpu.memory_space<hbm>> -> memref<8x128xi32, #tpu.memory_space<hbm>>
        %dma_start3A_106 = arith.constant 0 : i32
        %dma_start3A_107 = tpu.memref_slice %arg4[%add3A_103, %dma_start3A_106] : memref<2560x128xi32, #tpu.memory_space<hbm>> -> memref<8x128xi32, #tpu.memory_space<hbm>>
        tpu.enqueue_dma source(%dma_start3A_107 : memref<8x128xi32, #tpu.memory_space<hbm>>) target(%arg10 : memref<8x128xi32, #tpu.memory_space<vmem>>) target_semaphore(%arg17 : memref<!tpu.dma_semaphore, #tpu.memory_space<semaphore_mem>>)
      } else {
      }
      %dma_start3A = arith.constant 0 : i32
      %dma_start3A_26 = arith.constant 0 : i32
      %dma_start3A_27 = tpu.memref_slice %arg7[%dma_start3A, %dma_start3A_26] : memref<8x128xi32, #tpu.memory_space<vmem>> -> memref<1x128xi32, #tpu.memory_space<vmem>>
      %dma_start3A_28 = tpu.memref_squeeze %dma_start3A_27 : memref<1x128xi32, #tpu.memory_space<vmem>> -> memref<128xi32, #tpu.memory_space<vmem>>
      %dma_start3A_29 = arith.constant 0 : i32
      %dma_start3A_30 = arith.constant 0 : i32
      %dma_start3A_31 = tpu.memref_slice %arg2[%dma_start3A_29, %dma_start3A_30] : memref<10240x128xf32, #tpu.memory_space<hbm>> -> memref<10240x128xf32, #tpu.memory_space<hbm>>
      tpu.enqueue_indirect_dma source(%dma_start3A_31 : memref<10240x128xf32, #tpu.memory_space<hbm>>) target(%arg11 : memref<128x128xf32, #tpu.memory_space<vmem>>) offsets(%dma_start3A_28 : memref<128xi32, #tpu.memory_space<vmem>>) semaphore(%arg14 : memref<!tpu.dma_semaphore, #tpu.memory_space<semaphore_mem>>)
      %dma_start3A_32 = arith.constant 1 : i32
      %dma_start3A_33 = arith.constant 0 : i32
      %dma_start3A_34 = tpu.memref_slice %arg7[%dma_start3A_32, %dma_start3A_33] : memref<8x128xi32, #tpu.memory_space<vmem>> -> memref<1x128xi32, #tpu.memory_space<vmem>>
      %dma_start3A_35 = tpu.memref_squeeze %dma_start3A_34 : memref<1x128xi32, #tpu.memory_space<vmem>> -> memref<128xi32, #tpu.memory_space<vmem>>
      %dma_start3A_36 = arith.constant 0 : i32
      %dma_start3A_37 = arith.constant 0 : i32
      %dma_start3A_38 = tpu.memref_slice %arg2[%dma_start3A_36, %dma_start3A_37] : memref<10240x128xf32, #tpu.memory_space<hbm>> -> memref<10240x128xf32, #tpu.memory_space<hbm>>
      tpu.enqueue_indirect_dma source(%dma_start3A_38 : memref<10240x128xf32, #tpu.memory_space<hbm>>) target(%arg12 : memref<128x128xf32, #tpu.memory_space<vmem>>) offsets(%dma_start3A_35 : memref<128xi32, #tpu.memory_space<vmem>>) semaphore(%arg15 : memref<!tpu.dma_semaphore, #tpu.memory_space<semaphore_mem>>)
      %scan3A_39 = arith.constant 0 : i32
      %scan3A_40 = arith.constant 0 : i32
      %scan3A_41 = arith.constant 4 : i32
      %scan3A_42 = arith.addi %scan3A_40, %scan3A_41 : i32
      %scan3A_43 = arith.constant 1 : i32
      scf.for %scan3A_90 = %scan3A_40 to %scan3A_42 step %scan3A_43  : i32 {
        %mul3A_91 = arith.constant 2 : i32
        %mul3A_92 = arith.muli %scan3A_90, %mul3A_91 : i32
        %add3A_93 = arith.constant 0 : i32
        %add3A_94 = arith.addi %mul3A_92, %add3A_93 : i32
        %dma_wait3A = arith.constant 0 : i32
        %dma_wait3A_95 = tpu.memref_slice %arg7[%add3A_94, %dma_wait3A] : memref<8x128xi32, #tpu.memory_space<vmem>> -> memref<1x128xi32, #tpu.memory_space<vmem>>
        %dma_wait3A_96 = tpu.memref_squeeze %dma_wait3A_95 : memref<1x128xi32, #tpu.memory_space<vmem>> -> memref<128xi32, #tpu.memory_space<vmem>>
        %dma_wait3A_97 = arith.constant 0 : i32
        %dma_wait3A_98 = arith.constant 0 : i32
        %dma_wait3A_99 = tpu.memref_slice %arg2[%dma_wait3A_97, %dma_wait3A_98] : memref<10240x128xf32, #tpu.memory_space<hbm>> -> memref<10240x128xf32, #tpu.memory_space<hbm>>
        tpu.wait_indirect_dma semaphore(%arg14 : memref<!tpu.dma_semaphore, #tpu.memory_space<semaphore_mem>>) src(%dma_wait3A_99 : memref<10240x128xf32, #tpu.memory_space<hbm>>) dst(%arg11 : memref<128x128xf32, #tpu.memory_space<vmem>>)
        "tpu.region"() ({
          %run_scoped3A = tpu.sem_alloc : memref<!tpu.dma_semaphore, #tpu.memory_space<semaphore_mem>>
          %dma_start3A_124 = arith.constant 0 : i32
          %dma_start3A_125 = tpu.memref_slice %arg9[%add3A_94, %dma_start3A_124] : memref<8x128xi32, #tpu.memory_space<vmem>> -> memref<1x128xi32, #tpu.memory_space<vmem>>
          %dma_start3A_126 = tpu.memref_squeeze %dma_start3A_125 : memref<1x128xi32, #tpu.memory_space<vmem>> -> memref<128xi32, #tpu.memory_space<vmem>>
          %dma_start3A_127 = arith.constant 0 : i32
          %dma_start3A_128 = arith.constant 0 : i32
          %dma_start3A_129 = tpu.memref_slice %arg13[%dma_start3A_127, %dma_start3A_128] : memref<10240x128xf32, #tpu.memory_space<vmem_shared>> -> memref<10240x128xf32, #tpu.memory_space<vmem_shared>>
          tpu.enqueue_indirect_dma source(%arg11 : memref<128x128xf32, #tpu.memory_space<vmem>>) target(%dma_start3A_129 : memref<10240x128xf32, #tpu.memory_space<vmem_shared>>) offsets(%dma_start3A_126 : memref<128xi32, #tpu.memory_space<vmem>>) semaphore(%run_scoped3A : memref<!tpu.dma_semaphore, #tpu.memory_space<semaphore_mem>>) {add = true}
          %dma_wait3A_130 = arith.constant 0 : i32
          %dma_wait3A_131 = tpu.memref_slice %arg9[%add3A_94, %dma_wait3A_130] : memref<8x128xi32, #tpu.memory_space<vmem>> -> memref<1x128xi32, #tpu.memory_space<vmem>>
          %dma_wait3A_132 = tpu.memref_squeeze %dma_wait3A_131 : memref<1x128xi32, #tpu.memory_space<vmem>> -> memref<128xi32, #tpu.memory_space<vmem>>
          %dma_wait3A_133 = arith.constant 0 : i32
          %dma_wait3A_134 = arith.constant 0 : i32
          %dma_wait3A_135 = tpu.memref_slice %arg13[%dma_wait3A_133, %dma_wait3A_134] : memref<10240x128xf32, #tpu.memory_space<vmem_shared>> -> memref<10240x128xf32, #tpu.memory_space<vmem_shared>>
          tpu.wait_indirect_dma semaphore(%run_scoped3A : memref<!tpu.dma_semaphore, #tpu.memory_space<semaphore_mem>>) src(%arg11 : memref<128x128xf32, #tpu.memory_space<vmem>>) dst(%dma_wait3A_135 : memref<10240x128xf32, #tpu.memory_space<vmem_shared>>)
          tpu.yield
        }) : () -> ()
        %add3A_100 = arith.constant 2 : i32
        %add3A_101 = arith.addi %add3A_94, %add3A_100 : i32
        %lt3A_102 = arith.constant 8 : i32
        %lt3A_103 = arith.cmpi slt, %add3A_101, %lt3A_102 : i32
        %convert_element_type3A_104 = arith.extui %lt3A_103 : i1 to i32
        %cond3A_105 = arith.constant 0 : i32
        %cond3A_106 = arith.cmpi ne, %convert_element_type3A_104, %cond3A_105 : i32
        scf.if %cond3A_106 {
          %add3A_124 = arith.constant 2 : i32
          %add3A_125 = arith.addi %add3A_94, %add3A_124 : i32
          %dma_start3A_126 = arith.constant 0 : i32
          %dma_start3A_127 = tpu.memref_slice %arg7[%add3A_125, %dma_start3A_126] : memref<8x128xi32, #tpu.memory_space<vmem>> -> memref<1x128xi32, #tpu.memory_space<vmem>>
          %dma_start3A_128 = tpu.memref_squeeze %dma_start3A_127 : memref<1x128xi32, #tpu.memory_space<vmem>> -> memref<128xi32, #tpu.memory_space<vmem>>
          %dma_start3A_129 = arith.constant 0 : i32
          %dma_start3A_130 = arith.constant 0 : i32
          %dma_start3A_131 = tpu.memref_slice %arg2[%dma_start3A_129, %dma_start3A_130] : memref<10240x128xf32, #tpu.memory_space<hbm>> -> memref<10240x128xf32, #tpu.memory_space<hbm>>
          tpu.enqueue_indirect_dma source(%dma_start3A_131 : memref<10240x128xf32, #tpu.memory_space<hbm>>) target(%arg11 : memref<128x128xf32, #tpu.memory_space<vmem>>) offsets(%dma_start3A_128 : memref<128xi32, #tpu.memory_space<vmem>>) semaphore(%arg14 : memref<!tpu.dma_semaphore, #tpu.memory_space<semaphore_mem>>)
        } else {
        }
        %mul3A_107 = arith.constant 2 : i32
        %mul3A_108 = arith.muli %scan3A_90, %mul3A_107 : i32
        %add3A_109 = arith.constant 1 : i32
        %add3A_110 = arith.addi %mul3A_108, %add3A_109 : i32
        %dma_wait3A_111 = arith.constant 0 : i32
        %dma_wait3A_112 = tpu.memref_slice %arg7[%add3A_110, %dma_wait3A_111] : memref<8x128xi32, #tpu.memory_space<vmem>> -> memref<1x128xi32, #tpu.memory_space<vmem>>
        %dma_wait3A_113 = tpu.memref_squeeze %dma_wait3A_112 : memref<1x128xi32, #tpu.memory_space<vmem>> -> memref<128xi32, #tpu.memory_space<vmem>>
        %dma_wait3A_114 = arith.constant 0 : i32
        %dma_wait3A_115 = arith.constant 0 : i32
        %dma_wait3A_116 = tpu.memref_slice %arg2[%dma_wait3A_114, %dma_wait3A_115] : memref<10240x128xf32, #tpu.memory_space<hbm>> -> memref<10240x128xf32, #tpu.memory_space<hbm>>
        tpu.wait_indirect_dma semaphore(%arg15 : memref<!tpu.dma_semaphore, #tpu.memory_space<semaphore_mem>>) src(%dma_wait3A_116 : memref<10240x128xf32, #tpu.memory_space<hbm>>) dst(%arg12 : memref<128x128xf32, #tpu.memory_space<vmem>>)
        "tpu.region"() ({
          %run_scoped3A = tpu.sem_alloc : memref<!tpu.dma_semaphore, #tpu.memory_space<semaphore_mem>>
          %dma_start3A_124 = arith.constant 0 : i32
          %dma_start3A_125 = tpu.memref_slice %arg9[%add3A_110, %dma_start3A_124] : memref<8x128xi32, #tpu.memory_space<vmem>> -> memref<1x128xi32, #tpu.memory_space<vmem>>
          %dma_start3A_126 = tpu.memref_squeeze %dma_start3A_125 : memref<1x128xi32, #tpu.memory_space<vmem>> -> memref<128xi32, #tpu.memory_space<vmem>>
          %dma_start3A_127 = arith.constant 0 : i32
          %dma_start3A_128 = arith.constant 0 : i32
          %dma_start3A_129 = tpu.memref_slice %arg13[%dma_start3A_127, %dma_start3A_128] : memref<10240x128xf32, #tpu.memory_space<vmem_shared>> -> memref<10240x128xf32, #tpu.memory_space<vmem_shared>>
          tpu.enqueue_indirect_dma source(%arg12 : memref<128x128xf32, #tpu.memory_space<vmem>>) target(%dma_start3A_129 : memref<10240x128xf32, #tpu.memory_space<vmem_shared>>) offsets(%dma_start3A_126 : memref<128xi32, #tpu.memory_space<vmem>>) semaphore(%run_scoped3A : memref<!tpu.dma_semaphore, #tpu.memory_space<semaphore_mem>>) {add = true}
          %dma_wait3A_130 = arith.constant 0 : i32
          %dma_wait3A_131 = tpu.memref_slice %arg9[%add3A_110, %dma_wait3A_130] : memref<8x128xi32, #tpu.memory_space<vmem>> -> memref<1x128xi32, #tpu.memory_space<vmem>>
          %dma_wait3A_132 = tpu.memref_squeeze %dma_wait3A_131 : memref<1x128xi32, #tpu.memory_space<vmem>> -> memref<128xi32, #tpu.memory_space<vmem>>
          %dma_wait3A_133 = arith.constant 0 : i32
          %dma_wait3A_134 = arith.constant 0 : i32
          %dma_wait3A_135 = tpu.memref_slice %arg13[%dma_wait3A_133, %dma_wait3A_134] : memref<10240x128xf32, #tpu.memory_space<vmem_shared>> -> memref<10240x128xf32, #tpu.memory_space<vmem_shared>>
          tpu.wait_indirect_dma semaphore(%run_scoped3A : memref<!tpu.dma_semaphore, #tpu.memory_space<semaphore_mem>>) src(%arg12 : memref<128x128xf32, #tpu.memory_space<vmem>>) dst(%dma_wait3A_135 : memref<10240x128xf32, #tpu.memory_space<vmem_shared>>)
          tpu.yield
        }) : () -> ()
        %add3A_117 = arith.constant 2 : i32
        %add3A_118 = arith.addi %add3A_110, %add3A_117 : i32
        %lt3A_119 = arith.constant 8 : i32
        %lt3A_120 = arith.cmpi slt, %add3A_118, %lt3A_119 : i32
        %convert_element_type3A_121 = arith.extui %lt3A_120 : i1 to i32
        %cond3A_122 = arith.constant 0 : i32
        %cond3A_123 = arith.cmpi ne, %convert_element_type3A_121, %cond3A_122 : i32
        scf.if %cond3A_123 {
          %add3A_124 = arith.constant 2 : i32
          %add3A_125 = arith.addi %add3A_110, %add3A_124 : i32
          %dma_start3A_126 = arith.constant 0 : i32
          %dma_start3A_127 = tpu.memref_slice %arg7[%add3A_125, %dma_start3A_126] : memref<8x128xi32, #tpu.memory_space<vmem>> -> memref<1x128xi32, #tpu.memory_space<vmem>>
          %dma_start3A_128 = tpu.memref_squeeze %dma_start3A_127 : memref<1x128xi32, #tpu.memory_space<vmem>> -> memref<128xi32, #tpu.memory_space<vmem>>
          %dma_start3A_129 = arith.constant 0 : i32
          %dma_start3A_130 = arith.constant 0 : i32
          %dma_start3A_131 = tpu.memref_slice %arg2[%dma_start3A_129, %dma_start3A_130] : memref<10240x128xf32, #tpu.memory_space<hbm>> -> memref<10240x128xf32, #tpu.memory_space<hbm>>
          tpu.enqueue_indirect_dma source(%dma_start3A_131 : memref<10240x128xf32, #tpu.memory_space<hbm>>) target(%arg12 : memref<128x128xf32, #tpu.memory_space<vmem>>) offsets(%dma_start3A_128 : memref<128xi32, #tpu.memory_space<vmem>>) semaphore(%arg15 : memref<!tpu.dma_semaphore, #tpu.memory_space<semaphore_mem>>)
        } else {
        }
      }
      %scan3A_44 = arith.constant 4 : i32
      %add3A_45 = arith.constant 1 : i32
      %add3A_46 = arith.addi %add3A_21, %add3A_45 : i32
      %lt3A_47 = arith.constant 10 : i32
      %lt3A_48 = arith.cmpi slt, %add3A_46, %lt3A_47 : i32
      %convert_element_type3A_49 = arith.extui %lt3A_48 : i1 to i32
      %cond3A_50 = arith.constant 0 : i32
      %cond3A_51 = arith.cmpi ne, %convert_element_type3A_49, %cond3A_50 : i32
      scf.if %cond3A_51 {
        %add3A_90 = arith.constant 1 : i32
        %add3A_91 = arith.addi %add3A_21, %add3A_90 : i32
        %mul3A_92 = arith.constant 8 : i32
        %mul3A_93 = arith.muli %add3A_91, %mul3A_92 : i32
        %add3A_94 = arith.addi %mul3A_2, %mul3A_93 : i32
        %dma_wait3A = arith.constant 0 : i32
        %dma_wait3A_95 = tpu.memref_slice %arg3[%add3A_94, %dma_wait3A] : memref<2560x128xi32, #tpu.memory_space<hbm>> -> memref<8x128xi32, #tpu.memory_space<hbm>>
        %dma_wait3A_96 = arith.constant 0 : i32
        %dma_wait3A_97 = tpu.memref_slice %arg3[%add3A_94, %dma_wait3A_96] : memref<2560x128xi32, #tpu.memory_space<hbm>> -> memref<8x128xi32, #tpu.memory_space<hbm>>
        tpu.wait_dma2 semaphore(%arg17 : memref<!tpu.dma_semaphore, #tpu.memory_space<semaphore_mem>>) src(%dma_wait3A_97 : memref<8x128xi32, #tpu.memory_space<hbm>>) dst(%arg8 : memref<8x128xi32, #tpu.memory_space<vmem>>)
        %add3A_98 = arith.constant 1 : i32
        %add3A_99 = arith.addi %add3A_21, %add3A_98 : i32
        %mul3A_100 = arith.constant 8 : i32
        %mul3A_101 = arith.muli %add3A_99, %mul3A_100 : i32
        %add3A_102 = arith.addi %mul3A_2, %mul3A_101 : i32
        %dma_wait3A_103 = arith.constant 0 : i32
        %dma_wait3A_104 = tpu.memref_slice %arg4[%add3A_102, %dma_wait3A_103] : memref<2560x128xi32, #tpu.memory_space<hbm>> -> memref<8x128xi32, #tpu.memory_space<hbm>>
        %dma_wait3A_105 = arith.constant 0 : i32
        %dma_wait3A_106 = tpu.memref_slice %arg4[%add3A_102, %dma_wait3A_105] : memref<2560x128xi32, #tpu.memory_space<hbm>> -> memref<8x128xi32, #tpu.memory_space<hbm>>
        tpu.wait_dma2 semaphore(%arg17 : memref<!tpu.dma_semaphore, #tpu.memory_space<semaphore_mem>>) src(%dma_wait3A_106 : memref<8x128xi32, #tpu.memory_space<hbm>>) dst(%arg10 : memref<8x128xi32, #tpu.memory_space<vmem>>)
      } else {
      }
      %mul3A_52 = arith.constant 2 : i32
      %mul3A_53 = arith.muli %scan3A_17, %mul3A_52 : i32
      %add3A_54 = arith.constant 1 : i32
      %add3A_55 = arith.addi %mul3A_53, %add3A_54 : i32
      %add3A_56 = arith.constant 1 : i32
      %add3A_57 = arith.addi %add3A_55, %add3A_56 : i32
      %lt3A_58 = arith.constant 10 : i32
      %lt3A_59 = arith.cmpi slt, %add3A_57, %lt3A_58 : i32
      %convert_element_type3A_60 = arith.extui %lt3A_59 : i1 to i32
      %cond3A_61 = arith.constant 0 : i32
      %cond3A_62 = arith.cmpi ne, %convert_element_type3A_60, %cond3A_61 : i32
      scf.if %cond3A_62 {
        %add3A_90 = arith.constant 1 : i32
        %add3A_91 = arith.addi %add3A_55, %add3A_90 : i32
        %mul3A_92 = arith.constant 8 : i32
        %mul3A_93 = arith.muli %add3A_91, %mul3A_92 : i32
        %add3A_94 = arith.addi %mul3A_2, %mul3A_93 : i32
        %dma_start3A_95 = arith.constant 0 : i32
        %dma_start3A_96 = tpu.memref_slice %arg3[%add3A_94, %dma_start3A_95] : memref<2560x128xi32, #tpu.memory_space<hbm>> -> memref<8x128xi32, #tpu.memory_space<hbm>>
        %dma_start3A_97 = arith.constant 0 : i32
        %dma_start3A_98 = tpu.memref_slice %arg3[%add3A_94, %dma_start3A_97] : memref<2560x128xi32, #tpu.memory_space<hbm>> -> memref<8x128xi32, #tpu.memory_space<hbm>>
        tpu.enqueue_dma source(%dma_start3A_98 : memref<8x128xi32, #tpu.memory_space<hbm>>) target(%arg7 : memref<8x128xi32, #tpu.memory_space<vmem>>) target_semaphore(%arg16 : memref<!tpu.dma_semaphore, #tpu.memory_space<semaphore_mem>>)
        %add3A_99 = arith.constant 1 : i32
        %add3A_100 = arith.addi %add3A_55, %add3A_99 : i32
        %mul3A_101 = arith.constant 8 : i32
        %mul3A_102 = arith.muli %add3A_100, %mul3A_101 : i32
        %add3A_103 = arith.addi %mul3A_2, %mul3A_102 : i32
        %dma_start3A_104 = arith.constant 0 : i32
        %dma_start3A_105 = tpu.memref_slice %arg4[%add3A_103, %dma_start3A_104] : memref<2560x128xi32, #tpu.memory_space<hbm>> -> memref<8x128xi32, #tpu.memory_space<hbm>>
        %dma_start3A_106 = arith.constant 0 : i32
        %dma_start3A_107 = tpu.memref_slice %arg4[%add3A_103, %dma_start3A_106] : memref<2560x128xi32, #tpu.memory_space<hbm>> -> memref<8x128xi32, #tpu.memory_space<hbm>>
        tpu.enqueue_dma source(%dma_start3A_107 : memref<8x128xi32, #tpu.memory_space<hbm>>) target(%arg9 : memref<8x128xi32, #tpu.memory_space<vmem>>) target_semaphore(%arg16 : memref<!tpu.dma_semaphore, #tpu.memory_space<semaphore_mem>>)
      } else {
      }
      %dma_start3A_63 = arith.constant 0 : i32
      %dma_start3A_64 = arith.constant 0 : i32
      %dma_start3A_65 = tpu.memref_slice %arg8[%dma_start3A_63, %dma_start3A_64] : memref<8x128xi32, #tpu.memory_space<vmem>> -> memref<1x128xi32, #tpu.memory_space<vmem>>
      %dma_start3A_66 = tpu.memref_squeeze %dma_start3A_65 : memref<1x128xi32, #tpu.memory_space<vmem>> -> memref<128xi32, #tpu.memory_space<vmem>>
      %dma_start3A_67 = arith.constant 0 : i32
      %dma_start3A_68 = arith.constant 0 : i32
      %dma_start3A_69 = tpu.memref_slice %arg2[%dma_start3A_67, %dma_start3A_68] : memref<10240x128xf32, #tpu.memory_space<hbm>> -> memref<10240x128xf32, #tpu.memory_space<hbm>>
      tpu.enqueue_indirect_dma source(%dma_start3A_69 : memref<10240x128xf32, #tpu.memory_space<hbm>>) target(%arg11 : memref<128x128xf32, #tpu.memory_space<vmem>>) offsets(%dma_start3A_66 : memref<128xi32, #tpu.memory_space<vmem>>) semaphore(%arg14 : memref<!tpu.dma_semaphore, #tpu.memory_space<semaphore_mem>>)
      %dma_start3A_70 = arith.constant 1 : i32
      %dma_start3A_71 = arith.constant 0 : i32
      %dma_start3A_72 = tpu.memref_slice %arg8[%dma_start3A_70, %dma_start3A_71] : memref<8x128xi32, #tpu.memory_space<vmem>> -> memref<1x128xi32, #tpu.memory_space<vmem>>
      %dma_start3A_73 = tpu.memref_squeeze %dma_start3A_72 : memref<1x128xi32, #tpu.memory_space<vmem>> -> memref<128xi32, #tpu.memory_space<vmem>>
      %dma_start3A_74 = arith.constant 0 : i32
      %dma_start3A_75 = arith.constant 0 : i32
      %dma_start3A_76 = tpu.memref_slice %arg2[%dma_start3A_74, %dma_start3A_75] : memref<10240x128xf32, #tpu.memory_space<hbm>> -> memref<10240x128xf32, #tpu.memory_space<hbm>>
      tpu.enqueue_indirect_dma source(%dma_start3A_76 : memref<10240x128xf32, #tpu.memory_space<hbm>>) target(%arg12 : memref<128x128xf32, #tpu.memory_space<vmem>>) offsets(%dma_start3A_73 : memref<128xi32, #tpu.memory_space<vmem>>) semaphore(%arg15 : memref<!tpu.dma_semaphore, #tpu.memory_space<semaphore_mem>>)
      %scan3A_77 = arith.constant 0 : i32
      %scan3A_78 = arith.constant 0 : i32
      %scan3A_79 = arith.constant 4 : i32
      %scan3A_80 = arith.addi %scan3A_78, %scan3A_79 : i32
      %scan3A_81 = arith.constant 1 : i32
      scf.for %scan3A_90 = %scan3A_78 to %scan3A_80 step %scan3A_81  : i32 {
        %mul3A_91 = arith.constant 2 : i32
        %mul3A_92 = arith.muli %scan3A_90, %mul3A_91 : i32
        %add3A_93 = arith.constant 0 : i32
        %add3A_94 = arith.addi %mul3A_92, %add3A_93 : i32
        %dma_wait3A = arith.constant 0 : i32
        %dma_wait3A_95 = tpu.memref_slice %arg8[%add3A_94, %dma_wait3A] : memref<8x128xi32, #tpu.memory_space<vmem>> -> memref<1x128xi32, #tpu.memory_space<vmem>>
        %dma_wait3A_96 = tpu.memref_squeeze %dma_wait3A_95 : memref<1x128xi32, #tpu.memory_space<vmem>> -> memref<128xi32, #tpu.memory_space<vmem>>
        %dma_wait3A_97 = arith.constant 0 : i32
        %dma_wait3A_98 = arith.constant 0 : i32
        %dma_wait3A_99 = tpu.memref_slice %arg2[%dma_wait3A_97, %dma_wait3A_98] : memref<10240x128xf32, #tpu.memory_space<hbm>> -> memref<10240x128xf32, #tpu.memory_space<hbm>>
        tpu.wait_indirect_dma semaphore(%arg14 : memref<!tpu.dma_semaphore, #tpu.memory_space<semaphore_mem>>) src(%dma_wait3A_99 : memref<10240x128xf32, #tpu.memory_space<hbm>>) dst(%arg11 : memref<128x128xf32, #tpu.memory_space<vmem>>)
        "tpu.region"() ({
          %run_scoped3A = tpu.sem_alloc : memref<!tpu.dma_semaphore, #tpu.memory_space<semaphore_mem>>
          %dma_start3A_124 = arith.constant 0 : i32
          %dma_start3A_125 = tpu.memref_slice %arg10[%add3A_94, %dma_start3A_124] : memref<8x128xi32, #tpu.memory_space<vmem>> -> memref<1x128xi32, #tpu.memory_space<vmem>>
          %dma_start3A_126 = tpu.memref_squeeze %dma_start3A_125 : memref<1x128xi32, #tpu.memory_space<vmem>> -> memref<128xi32, #tpu.memory_space<vmem>>
          %dma_start3A_127 = arith.constant 0 : i32
          %dma_start3A_128 = arith.constant 0 : i32
          %dma_start3A_129 = tpu.memref_slice %arg13[%dma_start3A_127, %dma_start3A_128] : memref<10240x128xf32, #tpu.memory_space<vmem_shared>> -> memref<10240x128xf32, #tpu.memory_space<vmem_shared>>
          tpu.enqueue_indirect_dma source(%arg11 : memref<128x128xf32, #tpu.memory_space<vmem>>) target(%dma_start3A_129 : memref<10240x128xf32, #tpu.memory_space<vmem_shared>>) offsets(%dma_start3A_126 : memref<128xi32, #tpu.memory_space<vmem>>) semaphore(%run_scoped3A : memref<!tpu.dma_semaphore, #tpu.memory_space<semaphore_mem>>) {add = true}
          %dma_wait3A_130 = arith.constant 0 : i32
          %dma_wait3A_131 = tpu.memref_slice %arg10[%add3A_94, %dma_wait3A_130] : memref<8x128xi32, #tpu.memory_space<vmem>> -> memref<1x128xi32, #tpu.memory_space<vmem>>
          %dma_wait3A_132 = tpu.memref_squeeze %dma_wait3A_131 : memref<1x128xi32, #tpu.memory_space<vmem>> -> memref<128xi32, #tpu.memory_space<vmem>>
          %dma_wait3A_133 = arith.constant 0 : i32
          %dma_wait3A_134 = arith.constant 0 : i32
          %dma_wait3A_135 = tpu.memref_slice %arg13[%dma_wait3A_133, %dma_wait3A_134] : memref<10240x128xf32, #tpu.memory_space<vmem_shared>> -> memref<10240x128xf32, #tpu.memory_space<vmem_shared>>
          tpu.wait_indirect_dma semaphore(%run_scoped3A : memref<!tpu.dma_semaphore, #tpu.memory_space<semaphore_mem>>) src(%arg11 : memref<128x128xf32, #tpu.memory_space<vmem>>) dst(%dma_wait3A_135 : memref<10240x128xf32, #tpu.memory_space<vmem_shared>>)
          tpu.yield
        }) : () -> ()
        %add3A_100 = arith.constant 2 : i32
        %add3A_101 = arith.addi %add3A_94, %add3A_100 : i32
        %lt3A_102 = arith.constant 8 : i32
        %lt3A_103 = arith.cmpi slt, %add3A_101, %lt3A_102 : i32
        %convert_element_type3A_104 = arith.extui %lt3A_103 : i1 to i32
        %cond3A_105 = arith.constant 0 : i32
        %cond3A_106 = arith.cmpi ne, %convert_element_type3A_104, %cond3A_105 : i32
        scf.if %cond3A_106 {
          %add3A_124 = arith.constant 2 : i32
          %add3A_125 = arith.addi %add3A_94, %add3A_124 : i32
          %dma_start3A_126 = arith.constant 0 : i32
          %dma_start3A_127 = tpu.memref_slice %arg8[%add3A_125, %dma_start3A_126] : memref<8x128xi32, #tpu.memory_space<vmem>> -> memref<1x128xi32, #tpu.memory_space<vmem>>
          %dma_start3A_128 = tpu.memref_squeeze %dma_start3A_127 : memref<1x128xi32, #tpu.memory_space<vmem>> -> memref<128xi32, #tpu.memory_space<vmem>>
          %dma_start3A_129 = arith.constant 0 : i32
          %dma_start3A_130 = arith.constant 0 : i32
          %dma_start3A_131 = tpu.memref_slice %arg2[%dma_start3A_129, %dma_start3A_130] : memref<10240x128xf32, #tpu.memory_space<hbm>> -> memref<10240x128xf32, #tpu.memory_space<hbm>>
          tpu.enqueue_indirect_dma source(%dma_start3A_131 : memref<10240x128xf32, #tpu.memory_space<hbm>>) target(%arg11 : memref<128x128xf32, #tpu.memory_space<vmem>>) offsets(%dma_start3A_128 : memref<128xi32, #tpu.memory_space<vmem>>) semaphore(%arg14 : memref<!tpu.dma_semaphore, #tpu.memory_space<semaphore_mem>>)
        } else {
        }
        %mul3A_107 = arith.constant 2 : i32
        %mul3A_108 = arith.muli %scan3A_90, %mul3A_107 : i32
        %add3A_109 = arith.constant 1 : i32
        %add3A_110 = arith.addi %mul3A_108, %add3A_109 : i32
        %dma_wait3A_111 = arith.constant 0 : i32
        %dma_wait3A_112 = tpu.memref_slice %arg8[%add3A_110, %dma_wait3A_111] : memref<8x128xi32, #tpu.memory_space<vmem>> -> memref<1x128xi32, #tpu.memory_space<vmem>>
        %dma_wait3A_113 = tpu.memref_squeeze %dma_wait3A_112 : memref<1x128xi32, #tpu.memory_space<vmem>> -> memref<128xi32, #tpu.memory_space<vmem>>
        %dma_wait3A_114 = arith.constant 0 : i32
        %dma_wait3A_115 = arith.constant 0 : i32
        %dma_wait3A_116 = tpu.memref_slice %arg2[%dma_wait3A_114, %dma_wait3A_115] : memref<10240x128xf32, #tpu.memory_space<hbm>> -> memref<10240x128xf32, #tpu.memory_space<hbm>>
        tpu.wait_indirect_dma semaphore(%arg15 : memref<!tpu.dma_semaphore, #tpu.memory_space<semaphore_mem>>) src(%dma_wait3A_116 : memref<10240x128xf32, #tpu.memory_space<hbm>>) dst(%arg12 : memref<128x128xf32, #tpu.memory_space<vmem>>)
        "tpu.region"() ({
          %run_scoped3A = tpu.sem_alloc : memref<!tpu.dma_semaphore, #tpu.memory_space<semaphore_mem>>
          %dma_start3A_124 = arith.constant 0 : i32
          %dma_start3A_125 = tpu.memref_slice %arg10[%add3A_110, %dma_start3A_124] : memref<8x128xi32, #tpu.memory_space<vmem>> -> memref<1x128xi32, #tpu.memory_space<vmem>>
          %dma_start3A_126 = tpu.memref_squeeze %dma_start3A_125 : memref<1x128xi32, #tpu.memory_space<vmem>> -> memref<128xi32, #tpu.memory_space<vmem>>
          %dma_start3A_127 = arith.constant 0 : i32
          %dma_start3A_128 = arith.constant 0 : i32
          %dma_start3A_129 = tpu.memref_slice %arg13[%dma_start3A_127, %dma_start3A_128] : memref<10240x128xf32, #tpu.memory_space<vmem_shared>> -> memref<10240x128xf32, #tpu.memory_space<vmem_shared>>
          tpu.enqueue_indirect_dma source(%arg12 : memref<128x128xf32, #tpu.memory_space<vmem>>) target(%dma_start3A_129 : memref<10240x128xf32, #tpu.memory_space<vmem_shared>>) offsets(%dma_start3A_126 : memref<128xi32, #tpu.memory_space<vmem>>) semaphore(%run_scoped3A : memref<!tpu.dma_semaphore, #tpu.memory_space<semaphore_mem>>) {add = true}
          %dma_wait3A_130 = arith.constant 0 : i32
          %dma_wait3A_131 = tpu.memref_slice %arg10[%add3A_110, %dma_wait3A_130] : memref<8x128xi32, #tpu.memory_space<vmem>> -> memref<1x128xi32, #tpu.memory_space<vmem>>
          %dma_wait3A_132 = tpu.memref_squeeze %dma_wait3A_131 : memref<1x128xi32, #tpu.memory_space<vmem>> -> memref<128xi32, #tpu.memory_space<vmem>>
          %dma_wait3A_133 = arith.constant 0 : i32
          %dma_wait3A_134 = arith.constant 0 : i32
          %dma_wait3A_135 = tpu.memref_slice %arg13[%dma_wait3A_133, %dma_wait3A_134] : memref<10240x128xf32, #tpu.memory_space<vmem_shared>> -> memref<10240x128xf32, #tpu.memory_space<vmem_shared>>
          tpu.wait_indirect_dma semaphore(%run_scoped3A : memref<!tpu.dma_semaphore, #tpu.memory_space<semaphore_mem>>) src(%arg12 : memref<128x128xf32, #tpu.memory_space<vmem>>) dst(%dma_wait3A_135 : memref<10240x128xf32, #tpu.memory_space<vmem_shared>>)
          tpu.yield
        }) : () -> ()
        %add3A_117 = arith.constant 2 : i32
        %add3A_118 = arith.addi %add3A_110, %add3A_117 : i32
        %lt3A_119 = arith.constant 8 : i32
        %lt3A_120 = arith.cmpi slt, %add3A_118, %lt3A_119 : i32
        %convert_element_type3A_121 = arith.extui %lt3A_120 : i1 to i32
        %cond3A_122 = arith.constant 0 : i32
        %cond3A_123 = arith.cmpi ne, %convert_element_type3A_121, %cond3A_122 : i32
        scf.if %cond3A_123 {
          %add3A_124 = arith.constant 2 : i32
          %add3A_125 = arith.addi %add3A_110, %add3A_124 : i32
          %dma_start3A_126 = arith.constant 0 : i32
          %dma_start3A_127 = tpu.memref_slice %arg8[%add3A_125, %dma_start3A_126] : memref<8x128xi32, #tpu.memory_space<vmem>> -> memref<1x128xi32, #tpu.memory_space<vmem>>
          %dma_start3A_128 = tpu.memref_squeeze %dma_start3A_127 : memref<1x128xi32, #tpu.memory_space<vmem>> -> memref<128xi32, #tpu.memory_space<vmem>>
          %dma_start3A_129 = arith.constant 0 : i32
          %dma_start3A_130 = arith.constant 0 : i32
          %dma_start3A_131 = tpu.memref_slice %arg2[%dma_start3A_129, %dma_start3A_130] : memref<10240x128xf32, #tpu.memory_space<hbm>> -> memref<10240x128xf32, #tpu.memory_space<hbm>>
          tpu.enqueue_indirect_dma source(%dma_start3A_131 : memref<10240x128xf32, #tpu.memory_space<hbm>>) target(%arg12 : memref<128x128xf32, #tpu.memory_space<vmem>>) offsets(%dma_start3A_128 : memref<128xi32, #tpu.memory_space<vmem>>) semaphore(%arg15 : memref<!tpu.dma_semaphore, #tpu.memory_space<semaphore_mem>>)
        } else {
        }
      }
      %scan3A_82 = arith.constant 4 : i32
      %add3A_83 = arith.constant 1 : i32
      %add3A_84 = arith.addi %add3A_55, %add3A_83 : i32
      %lt3A_85 = arith.constant 10 : i32
      %lt3A_86 = arith.cmpi slt, %add3A_84, %lt3A_85 : i32
      %convert_element_type3A_87 = arith.extui %lt3A_86 : i1 to i32
      %cond3A_88 = arith.constant 0 : i32
      %cond3A_89 = arith.cmpi ne, %convert_element_type3A_87, %cond3A_88 : i32
      scf.if %cond3A_89 {
        %add3A_90 = arith.constant 1 : i32
        %add3A_91 = arith.addi %add3A_55, %add3A_90 : i32
        %mul3A_92 = arith.constant 8 : i32
        %mul3A_93 = arith.muli %add3A_91, %mul3A_92 : i32
        %add3A_94 = arith.addi %mul3A_2, %mul3A_93 : i32
        %dma_wait3A = arith.constant 0 : i32
        %dma_wait3A_95 = tpu.memref_slice %arg3[%add3A_94, %dma_wait3A] : memref<2560x128xi32, #tpu.memory_space<hbm>> -> memref<8x128xi32, #tpu.memory_space<hbm>>
        %dma_wait3A_96 = arith.constant 0 : i32
        %dma_wait3A_97 = tpu.memref_slice %arg3[%add3A_94, %dma_wait3A_96] : memref<2560x128xi32, #tpu.memory_space<hbm>> -> memref<8x128xi32, #tpu.memory_space<hbm>>
        tpu.wait_dma2 semaphore(%arg16 : memref<!tpu.dma_semaphore, #tpu.memory_space<semaphore_mem>>) src(%dma_wait3A_97 : memref<8x128xi32, #tpu.memory_space<hbm>>) dst(%arg7 : memref<8x128xi32, #tpu.memory_space<vmem>>)
        %add3A_98 = arith.constant 1 : i32
        %add3A_99 = arith.addi %add3A_55, %add3A_98 : i32
        %mul3A_100 = arith.constant 8 : i32
        %mul3A_101 = arith.muli %add3A_99, %mul3A_100 : i32
        %add3A_102 = arith.addi %mul3A_2, %mul3A_101 : i32
        %dma_wait3A_103 = arith.constant 0 : i32
        %dma_wait3A_104 = tpu.memref_slice %arg4[%add3A_102, %dma_wait3A_103] : memref<2560x128xi32, #tpu.memory_space<hbm>> -> memref<8x128xi32, #tpu.memory_space<hbm>>
        %dma_wait3A_105 = arith.constant 0 : i32
        %dma_wait3A_106 = tpu.memref_slice %arg4[%add3A_102, %dma_wait3A_105] : memref<2560x128xi32, #tpu.memory_space<hbm>> -> memref<8x128xi32, #tpu.memory_space<hbm>>
        tpu.wait_dma2 semaphore(%arg16 : memref<!tpu.dma_semaphore, #tpu.memory_space<semaphore_mem>>) src(%dma_wait3A_106 : memref<8x128xi32, #tpu.memory_space<hbm>>) dst(%arg9 : memref<8x128xi32, #tpu.memory_space<vmem>>)
      } else {
      }
    }
    %scan3A_11 = arith.constant 5 : i32
    %barrier3A_12 = arith.constant 0 : index
    tpu.barrier barrier_id(%barrier3A_12)
    %mul3A_13 = arith.constant 640 : i32
    %mul3A_14 = arith.muli %arg1, %mul3A_13 : i32
    %mul3A_15 = arith.constant 640 : i32
    %mul3A_16 = arith.muli %arg1, %mul3A_15 : i32
    "tpu.region"() ({
      %run_scoped3A = tpu.sem_alloc : memref<!tpu.dma_semaphore, #tpu.memory_space<semaphore_mem>>
      %dma_start3A = arith.constant 0 : i32
      %dma_start3A_17 = tpu.memref_slice %arg6[%arg0, %mul3A_16, %dma_start3A] : memref<2x10240x128xf32, #tpu.memory_space<hbm>> -> memref<1x640x128xf32, #tpu.memory_space<hbm>>
      %dma_start3A_18 = tpu.memref_squeeze %dma_start3A_17 : memref<1x640x128xf32, #tpu.memory_space<hbm>> -> memref<640x128xf32, #tpu.memory_space<hbm>>
      %dma_start3A_19 = arith.constant 0 : i32
      %dma_start3A_20 = tpu.memref_slice %arg13[%mul3A_14, %dma_start3A_19] : memref<10240x128xf32, #tpu.memory_space<vmem_shared>> -> memref<640x128xf32, #tpu.memory_space<vmem_shared>>
      tpu.enqueue_dma source(%dma_start3A_20 : memref<640x128xf32, #tpu.memory_space<vmem_shared>>) target(%dma_start3A_18 : memref<640x128xf32, #tpu.memory_space<hbm>>) target_semaphore(%run_scoped3A : memref<!tpu.dma_semaphore, #tpu.memory_space<semaphore_mem>>)
      %dma_wait3A = arith.constant 0 : i32
      %dma_wait3A_21 = tpu.memref_slice %arg6[%arg0, %mul3A_16, %dma_wait3A] : memref<2x10240x128xf32, #tpu.memory_space<hbm>> -> memref<1x640x128xf32, #tpu.memory_space<hbm>>
      %dma_wait3A_22 = tpu.memref_squeeze %dma_wait3A_21 : memref<1x640x128xf32, #tpu.memory_space<hbm>> -> memref<640x128xf32, #tpu.memory_space<hbm>>
      %dma_wait3A_23 = arith.constant 0 : i32
      %dma_wait3A_24 = tpu.memref_slice %arg13[%mul3A_14, %dma_wait3A_23] : memref<10240x128xf32, #tpu.memory_space<vmem_shared>> -> memref<640x128xf32, #tpu.memory_space<vmem_shared>>
      tpu.wait_dma2 semaphore(%run_scoped3A : memref<!tpu.dma_semaphore, #tpu.memory_space<semaphore_mem>>) src(%dma_wait3A_24 : memref<640x128xf32, #tpu.memory_space<vmem_shared>>) dst(%dma_wait3A_22 : memref<640x128xf32, #tpu.memory_space<hbm>>)
      tpu.yield
    }) : () -> ()
    return
  }
}

#map = affine_map<(d0, d1) -> (0, 0)>
#map1 = affine_map<(d0, d1) -> (0, 0, 0)>
module attributes {stable_mosaic.version = 14 : i64} {
  func.func @_agg_body(%arg0: i32, %arg1: i32, %arg2: memref<10240x128xf32, #tpu.memory_space<hbm>>, %arg3: memref<2560x128xi32, #tpu.memory_space<hbm>>, %arg4: memref<2560x128xi32, #tpu.memory_space<hbm>>, %arg5: memref<10240x128xf32, #tpu.memory_space<hbm>>, %arg6: memref<2x10240x128xf32, #tpu.memory_space<hbm>>, %arg7: memref<8x128xi32, #tpu.memory_space<vmem>>, %arg8: memref<8x128xi32, #tpu.memory_space<vmem>>, %arg9: memref<8x128xi32, #tpu.memory_space<vmem>>, %arg10: memref<8x128xi32, #tpu.memory_space<vmem>>, %arg11: memref<128x128xf32, #tpu.memory_space<vmem>>, %arg12: memref<128x128xf32, #tpu.memory_space<vmem>>, %arg13: memref<10240x128xf32, #tpu.memory_space<vmem_shared>>, %arg14: memref<!tpu.dma_semaphore, #tpu.memory_space<semaphore_mem>>, %arg15: memref<!tpu.dma_semaphore, #tpu.memory_space<semaphore_mem>>, %arg16: memref<!tpu.dma_semaphore, #tpu.memory_space<semaphore_mem>>, %arg17: memref<!tpu.dma_semaphore, #tpu.memory_space<semaphore_mem>>) attributes {dimension_semantics = [#tpu.dimension_semantics<core_parallel>, #tpu.dimension_semantics<subcore_parallel>], iteration_bounds = array<i64: 2, 16>, scalar_prefetch = 0 : i64, scratch_operands = 11 : i64, tpu.core_type = #tpu.core_type<sc_vector_subcore>, window_params = [{transform_indices = #map}, {transform_indices = #map}, {transform_indices = #map}, {transform_indices = #map}, {transform_indices = #map1}]} {
    %mul3A = arith.constant 16 : i32
    %mul3A_0 = arith.muli %arg0, %mul3A : i32
    %add3A = arith.addi %mul3A_0, %arg1 : i32
    %mul3A_1 = arith.constant 80 : i32
    %mul3A_2 = arith.muli %add3A, %mul3A_1 : i32
    %mul3A_3 = arith.constant 640 : i32
    %mul3A_4 = arith.muli %arg1, %mul3A_3 : i32
    %mul3A_5 = arith.constant 640 : i32
    %mul3A_6 = arith.muli %arg1, %mul3A_5 : i32
    "tpu.region"() ({
      %run_scoped3A = tpu.sem_alloc : memref<!tpu.dma_semaphore, #tpu.memory_space<semaphore_mem>>
      %dma_start3A = arith.constant 0 : i32
      %dma_start3A_17 = tpu.memref_slice %arg13[%mul3A_6, %dma_start3A] : memref<10240x128xf32, #tpu.memory_space<vmem_shared>> -> memref<640x128xf32, #tpu.memory_space<vmem_shared>>
      %dma_start3A_18 = arith.constant 0 : i32
      %dma_start3A_19 = tpu.memref_slice %arg5[%mul3A_4, %dma_start3A_18] : memref<10240x128xf32, #tpu.memory_space<hbm>> -> memref<640x128xf32, #tpu.memory_space<hbm>>
      tpu.enqueue_dma source(%dma_start3A_19 : memref<640x128xf32, #tpu.memory_space<hbm>>) target(%dma_start3A_17 : memref<640x128xf32, #tpu.memory_space<vmem_shared>>) target_semaphore(%run_scoped3A : memref<!tpu.dma_semaphore, #tpu.memory_space<semaphore_mem>>)
      %dma_wait3A = arith.constant 0 : i32
      %dma_wait3A_20 = tpu.memref_slice %arg13[%mul3A_6, %dma_wait3A] : memref<10240x128xf32, #tpu.memory_space<vmem_shared>> -> memref<640x128xf32, #tpu.memory_space<vmem_shared>>
      %dma_wait3A_21 = arith.constant 0 : i32
      %dma_wait3A_22 = tpu.memref_slice %arg5[%mul3A_4, %dma_wait3A_21] : memref<10240x128xf32, #tpu.memory_space<hbm>> -> memref<640x128xf32, #tpu.memory_space<hbm>>
      tpu.wait_dma2 semaphore(%run_scoped3A : memref<!tpu.dma_semaphore, #tpu.memory_space<semaphore_mem>>) src(%dma_wait3A_22 : memref<640x128xf32, #tpu.memory_space<hbm>>) dst(%dma_wait3A_20 : memref<640x128xf32, #tpu.memory_space<vmem_shared>>)
      tpu.yield
    }) : () -> ()
    "tpu.region"() ({
      %run_scoped3A = tpu.sem_alloc : memref<!tpu.dma_semaphore, #tpu.memory_space<semaphore_mem>>
      %dma_start3A = arith.constant 0 : i32
      %dma_start3A_17 = tpu.memref_slice %arg3[%mul3A_2, %dma_start3A] : memref<2560x128xi32, #tpu.memory_space<hbm>> -> memref<8x128xi32, #tpu.memory_space<hbm>>
      %dma_start3A_18 = arith.constant 0 : i32
      %dma_start3A_19 = tpu.memref_slice %arg3[%mul3A_2, %dma_start3A_18] : memref<2560x128xi32, #tpu.memory_space<hbm>> -> memref<8x128xi32, #tpu.memory_space<hbm>>
      tpu.enqueue_dma source(%dma_start3A_19 : memref<8x128xi32, #tpu.memory_space<hbm>>) target(%arg7 : memref<8x128xi32, #tpu.memory_space<vmem>>) target_semaphore(%run_scoped3A : memref<!tpu.dma_semaphore, #tpu.memory_space<semaphore_mem>>)
      %dma_wait3A = arith.constant 0 : i32
      %dma_wait3A_20 = tpu.memref_slice %arg3[%mul3A_2, %dma_wait3A] : memref<2560x128xi32, #tpu.memory_space<hbm>> -> memref<8x128xi32, #tpu.memory_space<hbm>>
      %dma_wait3A_21 = arith.constant 0 : i32
      %dma_wait3A_22 = tpu.memref_slice %arg3[%mul3A_2, %dma_wait3A_21] : memref<2560x128xi32, #tpu.memory_space<hbm>> -> memref<8x128xi32, #tpu.memory_space<hbm>>
      tpu.wait_dma2 semaphore(%run_scoped3A : memref<!tpu.dma_semaphore, #tpu.memory_space<semaphore_mem>>) src(%dma_wait3A_22 : memref<8x128xi32, #tpu.memory_space<hbm>>) dst(%arg7 : memref<8x128xi32, #tpu.memory_space<vmem>>)
      tpu.yield
    }) : () -> ()
    "tpu.region"() ({
      %run_scoped3A = tpu.sem_alloc : memref<!tpu.dma_semaphore, #tpu.memory_space<semaphore_mem>>
      %dma_start3A = arith.constant 0 : i32
      %dma_start3A_17 = tpu.memref_slice %arg4[%mul3A_2, %dma_start3A] : memref<2560x128xi32, #tpu.memory_space<hbm>> -> memref<8x128xi32, #tpu.memory_space<hbm>>
      %dma_start3A_18 = arith.constant 0 : i32
      %dma_start3A_19 = tpu.memref_slice %arg4[%mul3A_2, %dma_start3A_18] : memref<2560x128xi32, #tpu.memory_space<hbm>> -> memref<8x128xi32, #tpu.memory_space<hbm>>
      tpu.enqueue_dma source(%dma_start3A_19 : memref<8x128xi32, #tpu.memory_space<hbm>>) target(%arg9 : memref<8x128xi32, #tpu.memory_space<vmem>>) target_semaphore(%run_scoped3A : memref<!tpu.dma_semaphore, #tpu.memory_space<semaphore_mem>>)
      %dma_wait3A = arith.constant 0 : i32
      %dma_wait3A_20 = tpu.memref_slice %arg4[%mul3A_2, %dma_wait3A] : memref<2560x128xi32, #tpu.memory_space<hbm>> -> memref<8x128xi32, #tpu.memory_space<hbm>>
      %dma_wait3A_21 = arith.constant 0 : i32
      %dma_wait3A_22 = tpu.memref_slice %arg4[%mul3A_2, %dma_wait3A_21] : memref<2560x128xi32, #tpu.memory_space<hbm>> -> memref<8x128xi32, #tpu.memory_space<hbm>>
      tpu.wait_dma2 semaphore(%run_scoped3A : memref<!tpu.dma_semaphore, #tpu.memory_space<semaphore_mem>>) src(%dma_wait3A_22 : memref<8x128xi32, #tpu.memory_space<hbm>>) dst(%arg9 : memref<8x128xi32, #tpu.memory_space<vmem>>)
      tpu.yield
    }) : () -> ()
    %barrier3A = arith.constant 0 : index
    tpu.barrier barrier_id(%barrier3A)
    %scan3A = arith.constant 0 : i32
    %scan3A_7 = arith.constant 0 : i32
    %scan3A_8 = arith.constant 5 : i32
    %scan3A_9 = arith.addi %scan3A_7, %scan3A_8 : i32
    %scan3A_10 = arith.constant 1 : i32
    scf.for %scan3A_17 = %scan3A_7 to %scan3A_9 step %scan3A_10  : i32 {
      %mul3A_18 = arith.constant 2 : i32
      %mul3A_19 = arith.muli %scan3A_17, %mul3A_18 : i32
      %add3A_20 = arith.constant 0 : i32
      %add3A_21 = arith.addi %mul3A_19, %add3A_20 : i32
      %add3A_22 = arith.constant 1 : i32
      %add3A_23 = arith.addi %add3A_21, %add3A_22 : i32
      %lt3A = arith.constant 10 : i32
      %lt3A_24 = arith.cmpi slt, %add3A_23, %lt3A : i32
      %convert_element_type3A = arith.extui %lt3A_24 : i1 to i32
      %cond3A = arith.constant 0 : i32
      %cond3A_25 = arith.cmpi ne, %convert_element_type3A, %cond3A : i32
      scf.if %cond3A_25 {
        %add3A_90 = arith.constant 1 : i32
        %add3A_91 = arith.addi %add3A_21, %add3A_90 : i32
        %mul3A_92 = arith.constant 8 : i32
        %mul3A_93 = arith.muli %add3A_91, %mul3A_92 : i32
        %add3A_94 = arith.addi %mul3A_2, %mul3A_93 : i32
        %dma_start3A_95 = arith.constant 0 : i32
        %dma_start3A_96 = tpu.memref_slice %arg3[%add3A_94, %dma_start3A_95] : memref<2560x128xi32, #tpu.memory_space<hbm>> -> memref<8x128xi32, #tpu.memory_space<hbm>>
        %dma_start3A_97 = arith.constant 0 : i32
        %dma_start3A_98 = tpu.memref_slice %arg3[%add3A_94, %dma_start3A_97] : memref<2560x128xi32, #tpu.memory_space<hbm>> -> memref<8x128xi32, #tpu.memory_space<hbm>>
        tpu.enqueue_dma source(%dma_start3A_98 : memref<8x128xi32, #tpu.memory_space<hbm>>) target(%arg8 : memref<8x128xi32, #tpu.memory_space<vmem>>) target_semaphore(%arg17 : memref<!tpu.dma_semaphore, #tpu.memory_space<semaphore_mem>>)
        %add3A_99 = arith.constant 1 : i32
        %add3A_100 = arith.addi %add3A_21, %add3A_99 : i32
        %mul3A_101 = arith.constant 8 : i32
        %mul3A_102 = arith.muli %add3A_100, %mul3A_101 : i32
        %add3A_103 = arith.addi %mul3A_2, %mul3A_102 : i32
        %dma_start3A_104 = arith.constant 0 : i32
        %dma_start3A_105 = tpu.memref_slice %arg4[%add3A_103, %dma_start3A_104] : memref<2560x128xi32, #tpu.memory_space<hbm>> -> memref<8x128xi32, #tpu.memory_space<hbm>>
        %dma_start3A_106 = arith.constant 0 : i32
        %dma_start3A_107 = tpu.memref_slice %arg4[%add3A_103, %dma_start3A_106] : memref<2560x128xi32, #tpu.memory_space<hbm>> -> memref<8x128xi32, #tpu.memory_space<hbm>>
        tpu.enqueue_dma source(%dma_start3A_107 : memref<8x128xi32, #tpu.memory_space<hbm>>) target(%arg10 : memref<8x128xi32, #tpu.memory_space<vmem>>) target_semaphore(%arg17 : memref<!tpu.dma_semaphore, #tpu.memory_space<semaphore_mem>>)
      } else {
      }
      %dma_start3A = arith.constant 0 : i32
      %dma_start3A_26 = arith.constant 0 : i32
      %dma_start3A_27 = tpu.memref_slice %arg7[%dma_start3A, %dma_start3A_26] : memref<8x128xi32, #tpu.memory_space<vmem>> -> memref<1x128xi32, #tpu.memory_space<vmem>>
      %dma_start3A_28 = tpu.memref_squeeze %dma_start3A_27 : memref<1x128xi32, #tpu.memory_space<vmem>> -> memref<128xi32, #tpu.memory_space<vmem>>
      %dma_start3A_29 = arith.constant 0 : i32
      %dma_start3A_30 = arith.constant 0 : i32
      %dma_start3A_31 = tpu.memref_slice %arg2[%dma_start3A_29, %dma_start3A_30] : memref<10240x128xf32, #tpu.memory_space<hbm>> -> memref<10240x128xf32, #tpu.memory_space<hbm>>
      tpu.enqueue_indirect_dma source(%dma_start3A_31 : memref<10240x128xf32, #tpu.memory_space<hbm>>) target(%arg11 : memref<128x128xf32, #tpu.memory_space<vmem>>) offsets(%dma_start3A_28 : memref<128xi32, #tpu.memory_space<vmem>>) semaphore(%arg14 : memref<!tpu.dma_semaphore, #tpu.memory_space<semaphore_mem>>)
      %dma_start3A_32 = arith.constant 1 : i32
      %dma_start3A_33 = arith.constant 0 : i32
      %dma_start3A_34 = tpu.memref_slice %arg7[%dma_start3A_32, %dma_start3A_33] : memref<8x128xi32, #tpu.memory_space<vmem>> -> memref<1x128xi32, #tpu.memory_space<vmem>>
      %dma_start3A_35 = tpu.memref_squeeze %dma_start3A_34 : memref<1x128xi32, #tpu.memory_space<vmem>> -> memref<128xi32, #tpu.memory_space<vmem>>
      %dma_start3A_36 = arith.constant 0 : i32
      %dma_start3A_37 = arith.constant 0 : i32
      %dma_start3A_38 = tpu.memref_slice %arg2[%dma_start3A_36, %dma_start3A_37] : memref<10240x128xf32, #tpu.memory_space<hbm>> -> memref<10240x128xf32, #tpu.memory_space<hbm>>
      tpu.enqueue_indirect_dma source(%dma_start3A_38 : memref<10240x128xf32, #tpu.memory_space<hbm>>) target(%arg12 : memref<128x128xf32, #tpu.memory_space<vmem>>) offsets(%dma_start3A_35 : memref<128xi32, #tpu.memory_space<vmem>>) semaphore(%arg15 : memref<!tpu.dma_semaphore, #tpu.memory_space<semaphore_mem>>)
      %scan3A_39 = arith.constant 0 : i32
      %scan3A_40 = arith.constant 0 : i32
      %scan3A_41 = arith.constant 4 : i32
      %scan3A_42 = arith.addi %scan3A_40, %scan3A_41 : i32
      %scan3A_43 = arith.constant 1 : i32
      scf.for %scan3A_90 = %scan3A_40 to %scan3A_42 step %scan3A_43  : i32 {
        %mul3A_91 = arith.constant 2 : i32
        %mul3A_92 = arith.muli %scan3A_90, %mul3A_91 : i32
        %add3A_93 = arith.constant 0 : i32
        %add3A_94 = arith.addi %mul3A_92, %add3A_93 : i32
        %dma_wait3A = arith.constant 0 : i32
        %dma_wait3A_95 = tpu.memref_slice %arg7[%add3A_94, %dma_wait3A] : memref<8x128xi32, #tpu.memory_space<vmem>> -> memref<1x128xi32, #tpu.memory_space<vmem>>
        %dma_wait3A_96 = tpu.memref_squeeze %dma_wait3A_95 : memref<1x128xi32, #tpu.memory_space<vmem>> -> memref<128xi32, #tpu.memory_space<vmem>>
        %dma_wait3A_97 = arith.constant 0 : i32
        %dma_wait3A_98 = arith.constant 0 : i32
        %dma_wait3A_99 = tpu.memref_slice %arg2[%dma_wait3A_97, %dma_wait3A_98] : memref<10240x128xf32, #tpu.memory_space<hbm>> -> memref<10240x128xf32, #tpu.memory_space<hbm>>
        tpu.wait_indirect_dma semaphore(%arg14 : memref<!tpu.dma_semaphore, #tpu.memory_space<semaphore_mem>>) src(%dma_wait3A_99 : memref<10240x128xf32, #tpu.memory_space<hbm>>) dst(%arg11 : memref<128x128xf32, #tpu.memory_space<vmem>>)
        "tpu.region"() ({
          %run_scoped3A = tpu.sem_alloc : memref<!tpu.dma_semaphore, #tpu.memory_space<semaphore_mem>>
          %dma_start3A_124 = arith.constant 0 : i32
          %dma_start3A_125 = tpu.memref_slice %arg9[%add3A_94, %dma_start3A_124] : memref<8x128xi32, #tpu.memory_space<vmem>> -> memref<1x128xi32, #tpu.memory_space<vmem>>
          %dma_start3A_126 = tpu.memref_squeeze %dma_start3A_125 : memref<1x128xi32, #tpu.memory_space<vmem>> -> memref<128xi32, #tpu.memory_space<vmem>>
          %dma_start3A_127 = arith.constant 0 : i32
          %dma_start3A_128 = arith.constant 0 : i32
          %dma_start3A_129 = tpu.memref_slice %arg13[%dma_start3A_127, %dma_start3A_128] : memref<10240x128xf32, #tpu.memory_space<vmem_shared>> -> memref<10240x128xf32, #tpu.memory_space<vmem_shared>>
          tpu.enqueue_indirect_dma source(%arg11 : memref<128x128xf32, #tpu.memory_space<vmem>>) target(%dma_start3A_129 : memref<10240x128xf32, #tpu.memory_space<vmem_shared>>) offsets(%dma_start3A_126 : memref<128xi32, #tpu.memory_space<vmem>>) semaphore(%run_scoped3A : memref<!tpu.dma_semaphore, #tpu.memory_space<semaphore_mem>>) {add = true}
          %dma_wait3A_130 = arith.constant 0 : i32
          %dma_wait3A_131 = tpu.memref_slice %arg9[%add3A_94, %dma_wait3A_130] : memref<8x128xi32, #tpu.memory_space<vmem>> -> memref<1x128xi32, #tpu.memory_space<vmem>>
          %dma_wait3A_132 = tpu.memref_squeeze %dma_wait3A_131 : memref<1x128xi32, #tpu.memory_space<vmem>> -> memref<128xi32, #tpu.memory_space<vmem>>
          %dma_wait3A_133 = arith.constant 0 : i32
          %dma_wait3A_134 = arith.constant 0 : i32
          %dma_wait3A_135 = tpu.memref_slice %arg13[%dma_wait3A_133, %dma_wait3A_134] : memref<10240x128xf32, #tpu.memory_space<vmem_shared>> -> memref<10240x128xf32, #tpu.memory_space<vmem_shared>>
          tpu.wait_indirect_dma semaphore(%run_scoped3A : memref<!tpu.dma_semaphore, #tpu.memory_space<semaphore_mem>>) src(%arg11 : memref<128x128xf32, #tpu.memory_space<vmem>>) dst(%dma_wait3A_135 : memref<10240x128xf32, #tpu.memory_space<vmem_shared>>)
          tpu.yield
        }) : () -> ()
        %add3A_100 = arith.constant 2 : i32
        %add3A_101 = arith.addi %add3A_94, %add3A_100 : i32
        %lt3A_102 = arith.constant 8 : i32
        %lt3A_103 = arith.cmpi slt, %add3A_101, %lt3A_102 : i32
        %convert_element_type3A_104 = arith.extui %lt3A_103 : i1 to i32
        %cond3A_105 = arith.constant 0 : i32
        %cond3A_106 = arith.cmpi ne, %convert_element_type3A_104, %cond3A_105 : i32
        scf.if %cond3A_106 {
          %add3A_124 = arith.constant 2 : i32
          %add3A_125 = arith.addi %add3A_94, %add3A_124 : i32
          %dma_start3A_126 = arith.constant 0 : i32
          %dma_start3A_127 = tpu.memref_slice %arg7[%add3A_125, %dma_start3A_126] : memref<8x128xi32, #tpu.memory_space<vmem>> -> memref<1x128xi32, #tpu.memory_space<vmem>>
          %dma_start3A_128 = tpu.memref_squeeze %dma_start3A_127 : memref<1x128xi32, #tpu.memory_space<vmem>> -> memref<128xi32, #tpu.memory_space<vmem>>
          %dma_start3A_129 = arith.constant 0 : i32
          %dma_start3A_130 = arith.constant 0 : i32
          %dma_start3A_131 = tpu.memref_slice %arg2[%dma_start3A_129, %dma_start3A_130] : memref<10240x128xf32, #tpu.memory_space<hbm>> -> memref<10240x128xf32, #tpu.memory_space<hbm>>
          tpu.enqueue_indirect_dma source(%dma_start3A_131 : memref<10240x128xf32, #tpu.memory_space<hbm>>) target(%arg11 : memref<128x128xf32, #tpu.memory_space<vmem>>) offsets(%dma_start3A_128 : memref<128xi32, #tpu.memory_space<vmem>>) semaphore(%arg14 : memref<!tpu.dma_semaphore, #tpu.memory_space<semaphore_mem>>)
        } else {
        }
        %mul3A_107 = arith.constant 2 : i32
        %mul3A_108 = arith.muli %scan3A_90, %mul3A_107 : i32
        %add3A_109 = arith.constant 1 : i32
        %add3A_110 = arith.addi %mul3A_108, %add3A_109 : i32
        %dma_wait3A_111 = arith.constant 0 : i32
        %dma_wait3A_112 = tpu.memref_slice %arg7[%add3A_110, %dma_wait3A_111] : memref<8x128xi32, #tpu.memory_space<vmem>> -> memref<1x128xi32, #tpu.memory_space<vmem>>
        %dma_wait3A_113 = tpu.memref_squeeze %dma_wait3A_112 : memref<1x128xi32, #tpu.memory_space<vmem>> -> memref<128xi32, #tpu.memory_space<vmem>>
        %dma_wait3A_114 = arith.constant 0 : i32
        %dma_wait3A_115 = arith.constant 0 : i32
        %dma_wait3A_116 = tpu.memref_slice %arg2[%dma_wait3A_114, %dma_wait3A_115] : memref<10240x128xf32, #tpu.memory_space<hbm>> -> memref<10240x128xf32, #tpu.memory_space<hbm>>
        tpu.wait_indirect_dma semaphore(%arg15 : memref<!tpu.dma_semaphore, #tpu.memory_space<semaphore_mem>>) src(%dma_wait3A_116 : memref<10240x128xf32, #tpu.memory_space<hbm>>) dst(%arg12 : memref<128x128xf32, #tpu.memory_space<vmem>>)
        "tpu.region"() ({
          %run_scoped3A = tpu.sem_alloc : memref<!tpu.dma_semaphore, #tpu.memory_space<semaphore_mem>>
          %dma_start3A_124 = arith.constant 0 : i32
          %dma_start3A_125 = tpu.memref_slice %arg9[%add3A_110, %dma_start3A_124] : memref<8x128xi32, #tpu.memory_space<vmem>> -> memref<1x128xi32, #tpu.memory_space<vmem>>
          %dma_start3A_126 = tpu.memref_squeeze %dma_start3A_125 : memref<1x128xi32, #tpu.memory_space<vmem>> -> memref<128xi32, #tpu.memory_space<vmem>>
          %dma_start3A_127 = arith.constant 0 : i32
          %dma_start3A_128 = arith.constant 0 : i32
          %dma_start3A_129 = tpu.memref_slice %arg13[%dma_start3A_127, %dma_start3A_128] : memref<10240x128xf32, #tpu.memory_space<vmem_shared>> -> memref<10240x128xf32, #tpu.memory_space<vmem_shared>>
          tpu.enqueue_indirect_dma source(%arg12 : memref<128x128xf32, #tpu.memory_space<vmem>>) target(%dma_start3A_129 : memref<10240x128xf32, #tpu.memory_space<vmem_shared>>) offsets(%dma_start3A_126 : memref<128xi32, #tpu.memory_space<vmem>>) semaphore(%run_scoped3A : memref<!tpu.dma_semaphore, #tpu.memory_space<semaphore_mem>>) {add = true}
          %dma_wait3A_130 = arith.constant 0 : i32
          %dma_wait3A_131 = tpu.memref_slice %arg9[%add3A_110, %dma_wait3A_130] : memref<8x128xi32, #tpu.memory_space<vmem>> -> memref<1x128xi32, #tpu.memory_space<vmem>>
          %dma_wait3A_132 = tpu.memref_squeeze %dma_wait3A_131 : memref<1x128xi32, #tpu.memory_space<vmem>> -> memref<128xi32, #tpu.memory_space<vmem>>
          %dma_wait3A_133 = arith.constant 0 : i32
          %dma_wait3A_134 = arith.constant 0 : i32
          %dma_wait3A_135 = tpu.memref_slice %arg13[%dma_wait3A_133, %dma_wait3A_134] : memref<10240x128xf32, #tpu.memory_space<vmem_shared>> -> memref<10240x128xf32, #tpu.memory_space<vmem_shared>>
          tpu.wait_indirect_dma semaphore(%run_scoped3A : memref<!tpu.dma_semaphore, #tpu.memory_space<semaphore_mem>>) src(%arg12 : memref<128x128xf32, #tpu.memory_space<vmem>>) dst(%dma_wait3A_135 : memref<10240x128xf32, #tpu.memory_space<vmem_shared>>)
          tpu.yield
        }) : () -> ()
        %add3A_117 = arith.constant 2 : i32
        %add3A_118 = arith.addi %add3A_110, %add3A_117 : i32
        %lt3A_119 = arith.constant 8 : i32
        %lt3A_120 = arith.cmpi slt, %add3A_118, %lt3A_119 : i32
        %convert_element_type3A_121 = arith.extui %lt3A_120 : i1 to i32
        %cond3A_122 = arith.constant 0 : i32
        %cond3A_123 = arith.cmpi ne, %convert_element_type3A_121, %cond3A_122 : i32
        scf.if %cond3A_123 {
          %add3A_124 = arith.constant 2 : i32
          %add3A_125 = arith.addi %add3A_110, %add3A_124 : i32
          %dma_start3A_126 = arith.constant 0 : i32
          %dma_start3A_127 = tpu.memref_slice %arg7[%add3A_125, %dma_start3A_126] : memref<8x128xi32, #tpu.memory_space<vmem>> -> memref<1x128xi32, #tpu.memory_space<vmem>>
          %dma_start3A_128 = tpu.memref_squeeze %dma_start3A_127 : memref<1x128xi32, #tpu.memory_space<vmem>> -> memref<128xi32, #tpu.memory_space<vmem>>
          %dma_start3A_129 = arith.constant 0 : i32
          %dma_start3A_130 = arith.constant 0 : i32
          %dma_start3A_131 = tpu.memref_slice %arg2[%dma_start3A_129, %dma_start3A_130] : memref<10240x128xf32, #tpu.memory_space<hbm>> -> memref<10240x128xf32, #tpu.memory_space<hbm>>
          tpu.enqueue_indirect_dma source(%dma_start3A_131 : memref<10240x128xf32, #tpu.memory_space<hbm>>) target(%arg12 : memref<128x128xf32, #tpu.memory_space<vmem>>) offsets(%dma_start3A_128 : memref<128xi32, #tpu.memory_space<vmem>>) semaphore(%arg15 : memref<!tpu.dma_semaphore, #tpu.memory_space<semaphore_mem>>)
        } else {
        }
      }
      %scan3A_44 = arith.constant 4 : i32
      %add3A_45 = arith.constant 1 : i32
      %add3A_46 = arith.addi %add3A_21, %add3A_45 : i32
      %lt3A_47 = arith.constant 10 : i32
      %lt3A_48 = arith.cmpi slt, %add3A_46, %lt3A_47 : i32
      %convert_element_type3A_49 = arith.extui %lt3A_48 : i1 to i32
      %cond3A_50 = arith.constant 0 : i32
      %cond3A_51 = arith.cmpi ne, %convert_element_type3A_49, %cond3A_50 : i32
      scf.if %cond3A_51 {
        %add3A_90 = arith.constant 1 : i32
        %add3A_91 = arith.addi %add3A_21, %add3A_90 : i32
        %mul3A_92 = arith.constant 8 : i32
        %mul3A_93 = arith.muli %add3A_91, %mul3A_92 : i32
        %add3A_94 = arith.addi %mul3A_2, %mul3A_93 : i32
        %dma_wait3A = arith.constant 0 : i32
        %dma_wait3A_95 = tpu.memref_slice %arg3[%add3A_94, %dma_wait3A] : memref<2560x128xi32, #tpu.memory_space<hbm>> -> memref<8x128xi32, #tpu.memory_space<hbm>>
        %dma_wait3A_96 = arith.constant 0 : i32
        %dma_wait3A_97 = tpu.memref_slice %arg3[%add3A_94, %dma_wait3A_96] : memref<2560x128xi32, #tpu.memory_space<hbm>> -> memref<8x128xi32, #tpu.memory_space<hbm>>
        tpu.wait_dma2 semaphore(%arg17 : memref<!tpu.dma_semaphore, #tpu.memory_space<semaphore_mem>>) src(%dma_wait3A_97 : memref<8x128xi32, #tpu.memory_space<hbm>>) dst(%arg8 : memref<8x128xi32, #tpu.memory_space<vmem>>)
        %add3A_98 = arith.constant 1 : i32
        %add3A_99 = arith.addi %add3A_21, %add3A_98 : i32
        %mul3A_100 = arith.constant 8 : i32
        %mul3A_101 = arith.muli %add3A_99, %mul3A_100 : i32
        %add3A_102 = arith.addi %mul3A_2, %mul3A_101 : i32
        %dma_wait3A_103 = arith.constant 0 : i32
        %dma_wait3A_104 = tpu.memref_slice %arg4[%add3A_102, %dma_wait3A_103] : memref<2560x128xi32, #tpu.memory_space<hbm>> -> memref<8x128xi32, #tpu.memory_space<hbm>>
        %dma_wait3A_105 = arith.constant 0 : i32
        %dma_wait3A_106 = tpu.memref_slice %arg4[%add3A_102, %dma_wait3A_105] : memref<2560x128xi32, #tpu.memory_space<hbm>> -> memref<8x128xi32, #tpu.memory_space<hbm>>
        tpu.wait_dma2 semaphore(%arg17 : memref<!tpu.dma_semaphore, #tpu.memory_space<semaphore_mem>>) src(%dma_wait3A_106 : memref<8x128xi32, #tpu.memory_space<hbm>>) dst(%arg10 : memref<8x128xi32, #tpu.memory_space<vmem>>)
      } else {
      }
      %mul3A_52 = arith.constant 2 : i32
      %mul3A_53 = arith.muli %scan3A_17, %mul3A_52 : i32
      %add3A_54 = arith.constant 1 : i32
      %add3A_55 = arith.addi %mul3A_53, %add3A_54 : i32
      %add3A_56 = arith.constant 1 : i32
      %add3A_57 = arith.addi %add3A_55, %add3A_56 : i32
      %lt3A_58 = arith.constant 10 : i32
      %lt3A_59 = arith.cmpi slt, %add3A_57, %lt3A_58 : i32
      %convert_element_type3A_60 = arith.extui %lt3A_59 : i1 to i32
      %cond3A_61 = arith.constant 0 : i32
      %cond3A_62 = arith.cmpi ne, %convert_element_type3A_60, %cond3A_61 : i32
      scf.if %cond3A_62 {
        %add3A_90 = arith.constant 1 : i32
        %add3A_91 = arith.addi %add3A_55, %add3A_90 : i32
        %mul3A_92 = arith.constant 8 : i32
        %mul3A_93 = arith.muli %add3A_91, %mul3A_92 : i32
        %add3A_94 = arith.addi %mul3A_2, %mul3A_93 : i32
        %dma_start3A_95 = arith.constant 0 : i32
        %dma_start3A_96 = tpu.memref_slice %arg3[%add3A_94, %dma_start3A_95] : memref<2560x128xi32, #tpu.memory_space<hbm>> -> memref<8x128xi32, #tpu.memory_space<hbm>>
        %dma_start3A_97 = arith.constant 0 : i32
        %dma_start3A_98 = tpu.memref_slice %arg3[%add3A_94, %dma_start3A_97] : memref<2560x128xi32, #tpu.memory_space<hbm>> -> memref<8x128xi32, #tpu.memory_space<hbm>>
        tpu.enqueue_dma source(%dma_start3A_98 : memref<8x128xi32, #tpu.memory_space<hbm>>) target(%arg7 : memref<8x128xi32, #tpu.memory_space<vmem>>) target_semaphore(%arg16 : memref<!tpu.dma_semaphore, #tpu.memory_space<semaphore_mem>>)
        %add3A_99 = arith.constant 1 : i32
        %add3A_100 = arith.addi %add3A_55, %add3A_99 : i32
        %mul3A_101 = arith.constant 8 : i32
        %mul3A_102 = arith.muli %add3A_100, %mul3A_101 : i32
        %add3A_103 = arith.addi %mul3A_2, %mul3A_102 : i32
        %dma_start3A_104 = arith.constant 0 : i32
        %dma_start3A_105 = tpu.memref_slice %arg4[%add3A_103, %dma_start3A_104] : memref<2560x128xi32, #tpu.memory_space<hbm>> -> memref<8x128xi32, #tpu.memory_space<hbm>>
        %dma_start3A_106 = arith.constant 0 : i32
        %dma_start3A_107 = tpu.memref_slice %arg4[%add3A_103, %dma_start3A_106] : memref<2560x128xi32, #tpu.memory_space<hbm>> -> memref<8x128xi32, #tpu.memory_space<hbm>>
        tpu.enqueue_dma source(%dma_start3A_107 : memref<8x128xi32, #tpu.memory_space<hbm>>) target(%arg9 : memref<8x128xi32, #tpu.memory_space<vmem>>) target_semaphore(%arg16 : memref<!tpu.dma_semaphore, #tpu.memory_space<semaphore_mem>>)
      } else {
      }
      %dma_start3A_63 = arith.constant 0 : i32
      %dma_start3A_64 = arith.constant 0 : i32
      %dma_start3A_65 = tpu.memref_slice %arg8[%dma_start3A_63, %dma_start3A_64] : memref<8x128xi32, #tpu.memory_space<vmem>> -> memref<1x128xi32, #tpu.memory_space<vmem>>
      %dma_start3A_66 = tpu.memref_squeeze %dma_start3A_65 : memref<1x128xi32, #tpu.memory_space<vmem>> -> memref<128xi32, #tpu.memory_space<vmem>>
      %dma_start3A_67 = arith.constant 0 : i32
      %dma_start3A_68 = arith.constant 0 : i32
      %dma_start3A_69 = tpu.memref_slice %arg2[%dma_start3A_67, %dma_start3A_68] : memref<10240x128xf32, #tpu.memory_space<hbm>> -> memref<10240x128xf32, #tpu.memory_space<hbm>>
      tpu.enqueue_indirect_dma source(%dma_start3A_69 : memref<10240x128xf32, #tpu.memory_space<hbm>>) target(%arg11 : memref<128x128xf32, #tpu.memory_space<vmem>>) offsets(%dma_start3A_66 : memref<128xi32, #tpu.memory_space<vmem>>) semaphore(%arg14 : memref<!tpu.dma_semaphore, #tpu.memory_space<semaphore_mem>>)
      %dma_start3A_70 = arith.constant 1 : i32
      %dma_start3A_71 = arith.constant 0 : i32
      %dma_start3A_72 = tpu.memref_slice %arg8[%dma_start3A_70, %dma_start3A_71] : memref<8x128xi32, #tpu.memory_space<vmem>> -> memref<1x128xi32, #tpu.memory_space<vmem>>
      %dma_start3A_73 = tpu.memref_squeeze %dma_start3A_72 : memref<1x128xi32, #tpu.memory_space<vmem>> -> memref<128xi32, #tpu.memory_space<vmem>>
      %dma_start3A_74 = arith.constant 0 : i32
      %dma_start3A_75 = arith.constant 0 : i32
      %dma_start3A_76 = tpu.memref_slice %arg2[%dma_start3A_74, %dma_start3A_75] : memref<10240x128xf32, #tpu.memory_space<hbm>> -> memref<10240x128xf32, #tpu.memory_space<hbm>>
      tpu.enqueue_indirect_dma source(%dma_start3A_76 : memref<10240x128xf32, #tpu.memory_space<hbm>>) target(%arg12 : memref<128x128xf32, #tpu.memory_space<vmem>>) offsets(%dma_start3A_73 : memref<128xi32, #tpu.memory_space<vmem>>) semaphore(%arg15 : memref<!tpu.dma_semaphore, #tpu.memory_space<semaphore_mem>>)
      %scan3A_77 = arith.constant 0 : i32
      %scan3A_78 = arith.constant 0 : i32
      %scan3A_79 = arith.constant 4 : i32
      %scan3A_80 = arith.addi %scan3A_78, %scan3A_79 : i32
      %scan3A_81 = arith.constant 1 : i32
      scf.for %scan3A_90 = %scan3A_78 to %scan3A_80 step %scan3A_81  : i32 {
        %mul3A_91 = arith.constant 2 : i32
        %mul3A_92 = arith.muli %scan3A_90, %mul3A_91 : i32
        %add3A_93 = arith.constant 0 : i32
        %add3A_94 = arith.addi %mul3A_92, %add3A_93 : i32
        %dma_wait3A = arith.constant 0 : i32
        %dma_wait3A_95 = tpu.memref_slice %arg8[%add3A_94, %dma_wait3A] : memref<8x128xi32, #tpu.memory_space<vmem>> -> memref<1x128xi32, #tpu.memory_space<vmem>>
        %dma_wait3A_96 = tpu.memref_squeeze %dma_wait3A_95 : memref<1x128xi32, #tpu.memory_space<vmem>> -> memref<128xi32, #tpu.memory_space<vmem>>
        %dma_wait3A_97 = arith.constant 0 : i32
        %dma_wait3A_98 = arith.constant 0 : i32
        %dma_wait3A_99 = tpu.memref_slice %arg2[%dma_wait3A_97, %dma_wait3A_98] : memref<10240x128xf32, #tpu.memory_space<hbm>> -> memref<10240x128xf32, #tpu.memory_space<hbm>>
        tpu.wait_indirect_dma semaphore(%arg14 : memref<!tpu.dma_semaphore, #tpu.memory_space<semaphore_mem>>) src(%dma_wait3A_99 : memref<10240x128xf32, #tpu.memory_space<hbm>>) dst(%arg11 : memref<128x128xf32, #tpu.memory_space<vmem>>)
        "tpu.region"() ({
          %run_scoped3A = tpu.sem_alloc : memref<!tpu.dma_semaphore, #tpu.memory_space<semaphore_mem>>
          %dma_start3A_124 = arith.constant 0 : i32
          %dma_start3A_125 = tpu.memref_slice %arg10[%add3A_94, %dma_start3A_124] : memref<8x128xi32, #tpu.memory_space<vmem>> -> memref<1x128xi32, #tpu.memory_space<vmem>>
          %dma_start3A_126 = tpu.memref_squeeze %dma_start3A_125 : memref<1x128xi32, #tpu.memory_space<vmem>> -> memref<128xi32, #tpu.memory_space<vmem>>
          %dma_start3A_127 = arith.constant 0 : i32
          %dma_start3A_128 = arith.constant 0 : i32
          %dma_start3A_129 = tpu.memref_slice %arg13[%dma_start3A_127, %dma_start3A_128] : memref<10240x128xf32, #tpu.memory_space<vmem_shared>> -> memref<10240x128xf32, #tpu.memory_space<vmem_shared>>
          tpu.enqueue_indirect_dma source(%arg11 : memref<128x128xf32, #tpu.memory_space<vmem>>) target(%dma_start3A_129 : memref<10240x128xf32, #tpu.memory_space<vmem_shared>>) offsets(%dma_start3A_126 : memref<128xi32, #tpu.memory_space<vmem>>) semaphore(%run_scoped3A : memref<!tpu.dma_semaphore, #tpu.memory_space<semaphore_mem>>) {add = true}
          %dma_wait3A_130 = arith.constant 0 : i32
          %dma_wait3A_131 = tpu.memref_slice %arg10[%add3A_94, %dma_wait3A_130] : memref<8x128xi32, #tpu.memory_space<vmem>> -> memref<1x128xi32, #tpu.memory_space<vmem>>
          %dma_wait3A_132 = tpu.memref_squeeze %dma_wait3A_131 : memref<1x128xi32, #tpu.memory_space<vmem>> -> memref<128xi32, #tpu.memory_space<vmem>>
          %dma_wait3A_133 = arith.constant 0 : i32
          %dma_wait3A_134 = arith.constant 0 : i32
          %dma_wait3A_135 = tpu.memref_slice %arg13[%dma_wait3A_133, %dma_wait3A_134] : memref<10240x128xf32, #tpu.memory_space<vmem_shared>> -> memref<10240x128xf32, #tpu.memory_space<vmem_shared>>
          tpu.wait_indirect_dma semaphore(%run_scoped3A : memref<!tpu.dma_semaphore, #tpu.memory_space<semaphore_mem>>) src(%arg11 : memref<128x128xf32, #tpu.memory_space<vmem>>) dst(%dma_wait3A_135 : memref<10240x128xf32, #tpu.memory_space<vmem_shared>>)
          tpu.yield
        }) : () -> ()
        %add3A_100 = arith.constant 2 : i32
        %add3A_101 = arith.addi %add3A_94, %add3A_100 : i32
        %lt3A_102 = arith.constant 8 : i32
        %lt3A_103 = arith.cmpi slt, %add3A_101, %lt3A_102 : i32
        %convert_element_type3A_104 = arith.extui %lt3A_103 : i1 to i32
        %cond3A_105 = arith.constant 0 : i32
        %cond3A_106 = arith.cmpi ne, %convert_element_type3A_104, %cond3A_105 : i32
        scf.if %cond3A_106 {
          %add3A_124 = arith.constant 2 : i32
          %add3A_125 = arith.addi %add3A_94, %add3A_124 : i32
          %dma_start3A_126 = arith.constant 0 : i32
          %dma_start3A_127 = tpu.memref_slice %arg8[%add3A_125, %dma_start3A_126] : memref<8x128xi32, #tpu.memory_space<vmem>> -> memref<1x128xi32, #tpu.memory_space<vmem>>
          %dma_start3A_128 = tpu.memref_squeeze %dma_start3A_127 : memref<1x128xi32, #tpu.memory_space<vmem>> -> memref<128xi32, #tpu.memory_space<vmem>>
          %dma_start3A_129 = arith.constant 0 : i32
          %dma_start3A_130 = arith.constant 0 : i32
          %dma_start3A_131 = tpu.memref_slice %arg2[%dma_start3A_129, %dma_start3A_130] : memref<10240x128xf32, #tpu.memory_space<hbm>> -> memref<10240x128xf32, #tpu.memory_space<hbm>>
          tpu.enqueue_indirect_dma source(%dma_start3A_131 : memref<10240x128xf32, #tpu.memory_space<hbm>>) target(%arg11 : memref<128x128xf32, #tpu.memory_space<vmem>>) offsets(%dma_start3A_128 : memref<128xi32, #tpu.memory_space<vmem>>) semaphore(%arg14 : memref<!tpu.dma_semaphore, #tpu.memory_space<semaphore_mem>>)
        } else {
        }
        %mul3A_107 = arith.constant 2 : i32
        %mul3A_108 = arith.muli %scan3A_90, %mul3A_107 : i32
        %add3A_109 = arith.constant 1 : i32
        %add3A_110 = arith.addi %mul3A_108, %add3A_109 : i32
        %dma_wait3A_111 = arith.constant 0 : i32
        %dma_wait3A_112 = tpu.memref_slice %arg8[%add3A_110, %dma_wait3A_111] : memref<8x128xi32, #tpu.memory_space<vmem>> -> memref<1x128xi32, #tpu.memory_space<vmem>>
        %dma_wait3A_113 = tpu.memref_squeeze %dma_wait3A_112 : memref<1x128xi32, #tpu.memory_space<vmem>> -> memref<128xi32, #tpu.memory_space<vmem>>
        %dma_wait3A_114 = arith.constant 0 : i32
        %dma_wait3A_115 = arith.constant 0 : i32
        %dma_wait3A_116 = tpu.memref_slice %arg2[%dma_wait3A_114, %dma_wait3A_115] : memref<10240x128xf32, #tpu.memory_space<hbm>> -> memref<10240x128xf32, #tpu.memory_space<hbm>>
        tpu.wait_indirect_dma semaphore(%arg15 : memref<!tpu.dma_semaphore, #tpu.memory_space<semaphore_mem>>) src(%dma_wait3A_116 : memref<10240x128xf32, #tpu.memory_space<hbm>>) dst(%arg12 : memref<128x128xf32, #tpu.memory_space<vmem>>)
        "tpu.region"() ({
          %run_scoped3A = tpu.sem_alloc : memref<!tpu.dma_semaphore, #tpu.memory_space<semaphore_mem>>
          %dma_start3A_124 = arith.constant 0 : i32
          %dma_start3A_125 = tpu.memref_slice %arg10[%add3A_110, %dma_start3A_124] : memref<8x128xi32, #tpu.memory_space<vmem>> -> memref<1x128xi32, #tpu.memory_space<vmem>>
          %dma_start3A_126 = tpu.memref_squeeze %dma_start3A_125 : memref<1x128xi32, #tpu.memory_space<vmem>> -> memref<128xi32, #tpu.memory_space<vmem>>
          %dma_start3A_127 = arith.constant 0 : i32
          %dma_start3A_128 = arith.constant 0 : i32
          %dma_start3A_129 = tpu.memref_slice %arg13[%dma_start3A_127, %dma_start3A_128] : memref<10240x128xf32, #tpu.memory_space<vmem_shared>> -> memref<10240x128xf32, #tpu.memory_space<vmem_shared>>
          tpu.enqueue_indirect_dma source(%arg12 : memref<128x128xf32, #tpu.memory_space<vmem>>) target(%dma_start3A_129 : memref<10240x128xf32, #tpu.memory_space<vmem_shared>>) offsets(%dma_start3A_126 : memref<128xi32, #tpu.memory_space<vmem>>) semaphore(%run_scoped3A : memref<!tpu.dma_semaphore, #tpu.memory_space<semaphore_mem>>) {add = true}
          %dma_wait3A_130 = arith.constant 0 : i32
          %dma_wait3A_131 = tpu.memref_slice %arg10[%add3A_110, %dma_wait3A_130] : memref<8x128xi32, #tpu.memory_space<vmem>> -> memref<1x128xi32, #tpu.memory_space<vmem>>
          %dma_wait3A_132 = tpu.memref_squeeze %dma_wait3A_131 : memref<1x128xi32, #tpu.memory_space<vmem>> -> memref<128xi32, #tpu.memory_space<vmem>>
          %dma_wait3A_133 = arith.constant 0 : i32
          %dma_wait3A_134 = arith.constant 0 : i32
          %dma_wait3A_135 = tpu.memref_slice %arg13[%dma_wait3A_133, %dma_wait3A_134] : memref<10240x128xf32, #tpu.memory_space<vmem_shared>> -> memref<10240x128xf32, #tpu.memory_space<vmem_shared>>
          tpu.wait_indirect_dma semaphore(%run_scoped3A : memref<!tpu.dma_semaphore, #tpu.memory_space<semaphore_mem>>) src(%arg12 : memref<128x128xf32, #tpu.memory_space<vmem>>) dst(%dma_wait3A_135 : memref<10240x128xf32, #tpu.memory_space<vmem_shared>>)
          tpu.yield
        }) : () -> ()
        %add3A_117 = arith.constant 2 : i32
        %add3A_118 = arith.addi %add3A_110, %add3A_117 : i32
        %lt3A_119 = arith.constant 8 : i32
        %lt3A_120 = arith.cmpi slt, %add3A_118, %lt3A_119 : i32
        %convert_element_type3A_121 = arith.extui %lt3A_120 : i1 to i32
        %cond3A_122 = arith.constant 0 : i32
        %cond3A_123 = arith.cmpi ne, %convert_element_type3A_121, %cond3A_122 : i32
        scf.if %cond3A_123 {
          %add3A_124 = arith.constant 2 : i32
          %add3A_125 = arith.addi %add3A_110, %add3A_124 : i32
          %dma_start3A_126 = arith.constant 0 : i32
          %dma_start3A_127 = tpu.memref_slice %arg8[%add3A_125, %dma_start3A_126] : memref<8x128xi32, #tpu.memory_space<vmem>> -> memref<1x128xi32, #tpu.memory_space<vmem>>
          %dma_start3A_128 = tpu.memref_squeeze %dma_start3A_127 : memref<1x128xi32, #tpu.memory_space<vmem>> -> memref<128xi32, #tpu.memory_space<vmem>>
          %dma_start3A_129 = arith.constant 0 : i32
          %dma_start3A_130 = arith.constant 0 : i32
          %dma_start3A_131 = tpu.memref_slice %arg2[%dma_start3A_129, %dma_start3A_130] : memref<10240x128xf32, #tpu.memory_space<hbm>> -> memref<10240x128xf32, #tpu.memory_space<hbm>>
          tpu.enqueue_indirect_dma source(%dma_start3A_131 : memref<10240x128xf32, #tpu.memory_space<hbm>>) target(%arg12 : memref<128x128xf32, #tpu.memory_space<vmem>>) offsets(%dma_start3A_128 : memref<128xi32, #tpu.memory_space<vmem>>) semaphore(%arg15 : memref<!tpu.dma_semaphore, #tpu.memory_space<semaphore_mem>>)
        } else {
        }
      }
      %scan3A_82 = arith.constant 4 : i32
      %add3A_83 = arith.constant 1 : i32
      %add3A_84 = arith.addi %add3A_55, %add3A_83 : i32
      %lt3A_85 = arith.constant 10 : i32
      %lt3A_86 = arith.cmpi slt, %add3A_84, %lt3A_85 : i32
      %convert_element_type3A_87 = arith.extui %lt3A_86 : i1 to i32
      %cond3A_88 = arith.constant 0 : i32
      %cond3A_89 = arith.cmpi ne, %convert_element_type3A_87, %cond3A_88 : i32
      scf.if %cond3A_89 {
        %add3A_90 = arith.constant 1 : i32
        %add3A_91 = arith.addi %add3A_55, %add3A_90 : i32
        %mul3A_92 = arith.constant 8 : i32
        %mul3A_93 = arith.muli %add3A_91, %mul3A_92 : i32
        %add3A_94 = arith.addi %mul3A_2, %mul3A_93 : i32
        %dma_wait3A = arith.constant 0 : i32
        %dma_wait3A_95 = tpu.memref_slice %arg3[%add3A_94, %dma_wait3A] : memref<2560x128xi32, #tpu.memory_space<hbm>> -> memref<8x128xi32, #tpu.memory_space<hbm>>
        %dma_wait3A_96 = arith.constant 0 : i32
        %dma_wait3A_97 = tpu.memref_slice %arg3[%add3A_94, %dma_wait3A_96] : memref<2560x128xi32, #tpu.memory_space<hbm>> -> memref<8x128xi32, #tpu.memory_space<hbm>>
        tpu.wait_dma2 semaphore(%arg16 : memref<!tpu.dma_semaphore, #tpu.memory_space<semaphore_mem>>) src(%dma_wait3A_97 : memref<8x128xi32, #tpu.memory_space<hbm>>) dst(%arg7 : memref<8x128xi32, #tpu.memory_space<vmem>>)
        %add3A_98 = arith.constant 1 : i32
        %add3A_99 = arith.addi %add3A_55, %add3A_98 : i32
        %mul3A_100 = arith.constant 8 : i32
        %mul3A_101 = arith.muli %add3A_99, %mul3A_100 : i32
        %add3A_102 = arith.addi %mul3A_2, %mul3A_101 : i32
        %dma_wait3A_103 = arith.constant 0 : i32
        %dma_wait3A_104 = tpu.memref_slice %arg4[%add3A_102, %dma_wait3A_103] : memref<2560x128xi32, #tpu.memory_space<hbm>> -> memref<8x128xi32, #tpu.memory_space<hbm>>
        %dma_wait3A_105 = arith.constant 0 : i32
        %dma_wait3A_106 = tpu.memref_slice %arg4[%add3A_102, %dma_wait3A_105] : memref<2560x128xi32, #tpu.memory_space<hbm>> -> memref<8x128xi32, #tpu.memory_space<hbm>>
        tpu.wait_dma2 semaphore(%arg16 : memref<!tpu.dma_semaphore, #tpu.memory_space<semaphore_mem>>) src(%dma_wait3A_106 : memref<8x128xi32, #tpu.memory_space<hbm>>) dst(%arg9 : memref<8x128xi32, #tpu.memory_space<vmem>>)
      } else {
      }
    }
    %scan3A_11 = arith.constant 5 : i32
    %barrier3A_12 = arith.constant 0 : index
    tpu.barrier barrier_id(%barrier3A_12)
    %mul3A_13 = arith.constant 640 : i32
    %mul3A_14 = arith.muli %arg1, %mul3A_13 : i32
    %mul3A_15 = arith.constant 640 : i32
    %mul3A_16 = arith.muli %arg1, %mul3A_15 : i32
    "tpu.region"() ({
      %run_scoped3A = tpu.sem_alloc : memref<!tpu.dma_semaphore, #tpu.memory_space<semaphore_mem>>
      %dma_start3A = arith.constant 0 : i32
      %dma_start3A_17 = tpu.memref_slice %arg6[%arg0, %mul3A_16, %dma_start3A] : memref<2x10240x128xf32, #tpu.memory_space<hbm>> -> memref<1x640x128xf32, #tpu.memory_space<hbm>>
      %dma_start3A_18 = tpu.memref_squeeze %dma_start3A_17 : memref<1x640x128xf32, #tpu.memory_space<hbm>> -> memref<640x128xf32, #tpu.memory_space<hbm>>
      %dma_start3A_19 = arith.constant 0 : i32
      %dma_start3A_20 = tpu.memref_slice %arg13[%mul3A_14, %dma_start3A_19] : memref<10240x128xf32, #tpu.memory_space<vmem_shared>> -> memref<640x128xf32, #tpu.memory_space<vmem_shared>>
      tpu.enqueue_dma source(%dma_start3A_20 : memref<640x128xf32, #tpu.memory_space<vmem_shared>>) target(%dma_start3A_18 : memref<640x128xf32, #tpu.memory_space<hbm>>) target_semaphore(%run_scoped3A : memref<!tpu.dma_semaphore, #tpu.memory_space<semaphore_mem>>)
      %dma_wait3A = arith.constant 0 : i32
      %dma_wait3A_21 = tpu.memref_slice %arg6[%arg0, %mul3A_16, %dma_wait3A] : memref<2x10240x128xf32, #tpu.memory_space<hbm>> -> memref<1x640x128xf32, #tpu.memory_space<hbm>>
      %dma_wait3A_22 = tpu.memref_squeeze %dma_wait3A_21 : memref<1x640x128xf32, #tpu.memory_space<hbm>> -> memref<640x128xf32, #tpu.memory_space<hbm>>
      %dma_wait3A_23 = arith.constant 0 : i32
      %dma_wait3A_24 = tpu.memref_slice %arg13[%mul3A_14, %dma_wait3A_23] : memref<10240x128xf32, #tpu.memory_space<vmem_shared>> -> memref<640x128xf32, #tpu.memory_space<vmem_shared>>
      tpu.wait_dma2 semaphore(%run_scoped3A : memref<!tpu.dma_semaphore, #tpu.memory_space<semaphore_mem>>) src(%dma_wait3A_24 : memref<640x128xf32, #tpu.memory_space<vmem_shared>>) dst(%dma_wait3A_22 : memref<640x128xf32, #tpu.memory_space<hbm>>)
      tpu.yield
    }) : () -> ()
    return
  }
}

#map = affine_map<(d0, d1) -> (0, 0)>
#map1 = affine_map<(d0, d1) -> (0, 0, 0)>
module attributes {stable_mosaic.version = 14 : i64} {
  func.func @_agg_body(%arg0: i32, %arg1: i32, %arg2: memref<10240x128xf32, #tpu.memory_space<hbm>>, %arg3: memref<2560x128xi32, #tpu.memory_space<hbm>>, %arg4: memref<2560x128xi32, #tpu.memory_space<hbm>>, %arg5: memref<10240x128xf32, #tpu.memory_space<hbm>>, %arg6: memref<2x10240x128xf32, #tpu.memory_space<hbm>>, %arg7: memref<8x128xi32, #tpu.memory_space<vmem>>, %arg8: memref<8x128xi32, #tpu.memory_space<vmem>>, %arg9: memref<8x128xi32, #tpu.memory_space<vmem>>, %arg10: memref<8x128xi32, #tpu.memory_space<vmem>>, %arg11: memref<128x128xf32, #tpu.memory_space<vmem>>, %arg12: memref<128x128xf32, #tpu.memory_space<vmem>>, %arg13: memref<10240x128xf32, #tpu.memory_space<vmem_shared>>, %arg14: memref<!tpu.dma_semaphore, #tpu.memory_space<semaphore_mem>>, %arg15: memref<!tpu.dma_semaphore, #tpu.memory_space<semaphore_mem>>, %arg16: memref<!tpu.dma_semaphore, #tpu.memory_space<semaphore_mem>>, %arg17: memref<!tpu.dma_semaphore, #tpu.memory_space<semaphore_mem>>) attributes {dimension_semantics = [#tpu.dimension_semantics<core_parallel>, #tpu.dimension_semantics<subcore_parallel>], iteration_bounds = array<i64: 2, 16>, scalar_prefetch = 0 : i64, scratch_operands = 11 : i64, tpu.core_type = #tpu.core_type<sc_vector_subcore>, window_params = [{transform_indices = #map}, {transform_indices = #map}, {transform_indices = #map}, {transform_indices = #map}, {transform_indices = #map1}]} {
    %mul3A = arith.constant 16 : i32
    %mul3A_0 = arith.muli %arg0, %mul3A : i32
    %add3A = arith.addi %mul3A_0, %arg1 : i32
    %mul3A_1 = arith.constant 80 : i32
    %mul3A_2 = arith.muli %add3A, %mul3A_1 : i32
    %mul3A_3 = arith.constant 640 : i32
    %mul3A_4 = arith.muli %arg1, %mul3A_3 : i32
    %mul3A_5 = arith.constant 640 : i32
    %mul3A_6 = arith.muli %arg1, %mul3A_5 : i32
    "tpu.region"() ({
      %run_scoped3A = tpu.sem_alloc : memref<!tpu.dma_semaphore, #tpu.memory_space<semaphore_mem>>
      %dma_start3A = arith.constant 0 : i32
      %dma_start3A_17 = tpu.memref_slice %arg13[%mul3A_6, %dma_start3A] : memref<10240x128xf32, #tpu.memory_space<vmem_shared>> -> memref<640x128xf32, #tpu.memory_space<vmem_shared>>
      %dma_start3A_18 = arith.constant 0 : i32
      %dma_start3A_19 = tpu.memref_slice %arg5[%mul3A_4, %dma_start3A_18] : memref<10240x128xf32, #tpu.memory_space<hbm>> -> memref<640x128xf32, #tpu.memory_space<hbm>>
      tpu.enqueue_dma source(%dma_start3A_19 : memref<640x128xf32, #tpu.memory_space<hbm>>) target(%dma_start3A_17 : memref<640x128xf32, #tpu.memory_space<vmem_shared>>) target_semaphore(%run_scoped3A : memref<!tpu.dma_semaphore, #tpu.memory_space<semaphore_mem>>)
      %dma_wait3A = arith.constant 0 : i32
      %dma_wait3A_20 = tpu.memref_slice %arg13[%mul3A_6, %dma_wait3A] : memref<10240x128xf32, #tpu.memory_space<vmem_shared>> -> memref<640x128xf32, #tpu.memory_space<vmem_shared>>
      %dma_wait3A_21 = arith.constant 0 : i32
      %dma_wait3A_22 = tpu.memref_slice %arg5[%mul3A_4, %dma_wait3A_21] : memref<10240x128xf32, #tpu.memory_space<hbm>> -> memref<640x128xf32, #tpu.memory_space<hbm>>
      tpu.wait_dma2 semaphore(%run_scoped3A : memref<!tpu.dma_semaphore, #tpu.memory_space<semaphore_mem>>) src(%dma_wait3A_22 : memref<640x128xf32, #tpu.memory_space<hbm>>) dst(%dma_wait3A_20 : memref<640x128xf32, #tpu.memory_space<vmem_shared>>)
      tpu.yield
    }) : () -> ()
    "tpu.region"() ({
      %run_scoped3A = tpu.sem_alloc : memref<!tpu.dma_semaphore, #tpu.memory_space<semaphore_mem>>
      %dma_start3A = arith.constant 0 : i32
      %dma_start3A_17 = tpu.memref_slice %arg3[%mul3A_2, %dma_start3A] : memref<2560x128xi32, #tpu.memory_space<hbm>> -> memref<8x128xi32, #tpu.memory_space<hbm>>
      %dma_start3A_18 = arith.constant 0 : i32
      %dma_start3A_19 = tpu.memref_slice %arg3[%mul3A_2, %dma_start3A_18] : memref<2560x128xi32, #tpu.memory_space<hbm>> -> memref<8x128xi32, #tpu.memory_space<hbm>>
      tpu.enqueue_dma source(%dma_start3A_19 : memref<8x128xi32, #tpu.memory_space<hbm>>) target(%arg7 : memref<8x128xi32, #tpu.memory_space<vmem>>) target_semaphore(%run_scoped3A : memref<!tpu.dma_semaphore, #tpu.memory_space<semaphore_mem>>)
      %dma_wait3A = arith.constant 0 : i32
      %dma_wait3A_20 = tpu.memref_slice %arg3[%mul3A_2, %dma_wait3A] : memref<2560x128xi32, #tpu.memory_space<hbm>> -> memref<8x128xi32, #tpu.memory_space<hbm>>
      %dma_wait3A_21 = arith.constant 0 : i32
      %dma_wait3A_22 = tpu.memref_slice %arg3[%mul3A_2, %dma_wait3A_21] : memref<2560x128xi32, #tpu.memory_space<hbm>> -> memref<8x128xi32, #tpu.memory_space<hbm>>
      tpu.wait_dma2 semaphore(%run_scoped3A : memref<!tpu.dma_semaphore, #tpu.memory_space<semaphore_mem>>) src(%dma_wait3A_22 : memref<8x128xi32, #tpu.memory_space<hbm>>) dst(%arg7 : memref<8x128xi32, #tpu.memory_space<vmem>>)
      tpu.yield
    }) : () -> ()
    "tpu.region"() ({
      %run_scoped3A = tpu.sem_alloc : memref<!tpu.dma_semaphore, #tpu.memory_space<semaphore_mem>>
      %dma_start3A = arith.constant 0 : i32
      %dma_start3A_17 = tpu.memref_slice %arg4[%mul3A_2, %dma_start3A] : memref<2560x128xi32, #tpu.memory_space<hbm>> -> memref<8x128xi32, #tpu.memory_space<hbm>>
      %dma_start3A_18 = arith.constant 0 : i32
      %dma_start3A_19 = tpu.memref_slice %arg4[%mul3A_2, %dma_start3A_18] : memref<2560x128xi32, #tpu.memory_space<hbm>> -> memref<8x128xi32, #tpu.memory_space<hbm>>
      tpu.enqueue_dma source(%dma_start3A_19 : memref<8x128xi32, #tpu.memory_space<hbm>>) target(%arg9 : memref<8x128xi32, #tpu.memory_space<vmem>>) target_semaphore(%run_scoped3A : memref<!tpu.dma_semaphore, #tpu.memory_space<semaphore_mem>>)
      %dma_wait3A = arith.constant 0 : i32
      %dma_wait3A_20 = tpu.memref_slice %arg4[%mul3A_2, %dma_wait3A] : memref<2560x128xi32, #tpu.memory_space<hbm>> -> memref<8x128xi32, #tpu.memory_space<hbm>>
      %dma_wait3A_21 = arith.constant 0 : i32
      %dma_wait3A_22 = tpu.memref_slice %arg4[%mul3A_2, %dma_wait3A_21] : memref<2560x128xi32, #tpu.memory_space<hbm>> -> memref<8x128xi32, #tpu.memory_space<hbm>>
      tpu.wait_dma2 semaphore(%run_scoped3A : memref<!tpu.dma_semaphore, #tpu.memory_space<semaphore_mem>>) src(%dma_wait3A_22 : memref<8x128xi32, #tpu.memory_space<hbm>>) dst(%arg9 : memref<8x128xi32, #tpu.memory_space<vmem>>)
      tpu.yield
    }) : () -> ()
    %barrier3A = arith.constant 0 : index
    tpu.barrier barrier_id(%barrier3A)
    %scan3A = arith.constant 0 : i32
    %scan3A_7 = arith.constant 0 : i32
    %scan3A_8 = arith.constant 5 : i32
    %scan3A_9 = arith.addi %scan3A_7, %scan3A_8 : i32
    %scan3A_10 = arith.constant 1 : i32
    scf.for %scan3A_17 = %scan3A_7 to %scan3A_9 step %scan3A_10  : i32 {
      %mul3A_18 = arith.constant 2 : i32
      %mul3A_19 = arith.muli %scan3A_17, %mul3A_18 : i32
      %add3A_20 = arith.constant 0 : i32
      %add3A_21 = arith.addi %mul3A_19, %add3A_20 : i32
      %add3A_22 = arith.constant 1 : i32
      %add3A_23 = arith.addi %add3A_21, %add3A_22 : i32
      %lt3A = arith.constant 10 : i32
      %lt3A_24 = arith.cmpi slt, %add3A_23, %lt3A : i32
      %convert_element_type3A = arith.extui %lt3A_24 : i1 to i32
      %cond3A = arith.constant 0 : i32
      %cond3A_25 = arith.cmpi ne, %convert_element_type3A, %cond3A : i32
      scf.if %cond3A_25 {
        %add3A_90 = arith.constant 1 : i32
        %add3A_91 = arith.addi %add3A_21, %add3A_90 : i32
        %mul3A_92 = arith.constant 8 : i32
        %mul3A_93 = arith.muli %add3A_91, %mul3A_92 : i32
        %add3A_94 = arith.addi %mul3A_2, %mul3A_93 : i32
        %dma_start3A_95 = arith.constant 0 : i32
        %dma_start3A_96 = tpu.memref_slice %arg3[%add3A_94, %dma_start3A_95] : memref<2560x128xi32, #tpu.memory_space<hbm>> -> memref<8x128xi32, #tpu.memory_space<hbm>>
        %dma_start3A_97 = arith.constant 0 : i32
        %dma_start3A_98 = tpu.memref_slice %arg3[%add3A_94, %dma_start3A_97] : memref<2560x128xi32, #tpu.memory_space<hbm>> -> memref<8x128xi32, #tpu.memory_space<hbm>>
        tpu.enqueue_dma source(%dma_start3A_98 : memref<8x128xi32, #tpu.memory_space<hbm>>) target(%arg8 : memref<8x128xi32, #tpu.memory_space<vmem>>) target_semaphore(%arg17 : memref<!tpu.dma_semaphore, #tpu.memory_space<semaphore_mem>>)
        %add3A_99 = arith.constant 1 : i32
        %add3A_100 = arith.addi %add3A_21, %add3A_99 : i32
        %mul3A_101 = arith.constant 8 : i32
        %mul3A_102 = arith.muli %add3A_100, %mul3A_101 : i32
        %add3A_103 = arith.addi %mul3A_2, %mul3A_102 : i32
        %dma_start3A_104 = arith.constant 0 : i32
        %dma_start3A_105 = tpu.memref_slice %arg4[%add3A_103, %dma_start3A_104] : memref<2560x128xi32, #tpu.memory_space<hbm>> -> memref<8x128xi32, #tpu.memory_space<hbm>>
        %dma_start3A_106 = arith.constant 0 : i32
        %dma_start3A_107 = tpu.memref_slice %arg4[%add3A_103, %dma_start3A_106] : memref<2560x128xi32, #tpu.memory_space<hbm>> -> memref<8x128xi32, #tpu.memory_space<hbm>>
        tpu.enqueue_dma source(%dma_start3A_107 : memref<8x128xi32, #tpu.memory_space<hbm>>) target(%arg10 : memref<8x128xi32, #tpu.memory_space<vmem>>) target_semaphore(%arg17 : memref<!tpu.dma_semaphore, #tpu.memory_space<semaphore_mem>>)
      } else {
      }
      %dma_start3A = arith.constant 0 : i32
      %dma_start3A_26 = arith.constant 0 : i32
      %dma_start3A_27 = tpu.memref_slice %arg7[%dma_start3A, %dma_start3A_26] : memref<8x128xi32, #tpu.memory_space<vmem>> -> memref<1x128xi32, #tpu.memory_space<vmem>>
      %dma_start3A_28 = tpu.memref_squeeze %dma_start3A_27 : memref<1x128xi32, #tpu.memory_space<vmem>> -> memref<128xi32, #tpu.memory_space<vmem>>
      %dma_start3A_29 = arith.constant 0 : i32
      %dma_start3A_30 = arith.constant 0 : i32
      %dma_start3A_31 = tpu.memref_slice %arg2[%dma_start3A_29, %dma_start3A_30] : memref<10240x128xf32, #tpu.memory_space<hbm>> -> memref<10240x128xf32, #tpu.memory_space<hbm>>
      tpu.enqueue_indirect_dma source(%dma_start3A_31 : memref<10240x128xf32, #tpu.memory_space<hbm>>) target(%arg11 : memref<128x128xf32, #tpu.memory_space<vmem>>) offsets(%dma_start3A_28 : memref<128xi32, #tpu.memory_space<vmem>>) semaphore(%arg14 : memref<!tpu.dma_semaphore, #tpu.memory_space<semaphore_mem>>)
      %dma_start3A_32 = arith.constant 1 : i32
      %dma_start3A_33 = arith.constant 0 : i32
      %dma_start3A_34 = tpu.memref_slice %arg7[%dma_start3A_32, %dma_start3A_33] : memref<8x128xi32, #tpu.memory_space<vmem>> -> memref<1x128xi32, #tpu.memory_space<vmem>>
      %dma_start3A_35 = tpu.memref_squeeze %dma_start3A_34 : memref<1x128xi32, #tpu.memory_space<vmem>> -> memref<128xi32, #tpu.memory_space<vmem>>
      %dma_start3A_36 = arith.constant 0 : i32
      %dma_start3A_37 = arith.constant 0 : i32
      %dma_start3A_38 = tpu.memref_slice %arg2[%dma_start3A_36, %dma_start3A_37] : memref<10240x128xf32, #tpu.memory_space<hbm>> -> memref<10240x128xf32, #tpu.memory_space<hbm>>
      tpu.enqueue_indirect_dma source(%dma_start3A_38 : memref<10240x128xf32, #tpu.memory_space<hbm>>) target(%arg12 : memref<128x128xf32, #tpu.memory_space<vmem>>) offsets(%dma_start3A_35 : memref<128xi32, #tpu.memory_space<vmem>>) semaphore(%arg15 : memref<!tpu.dma_semaphore, #tpu.memory_space<semaphore_mem>>)
      %scan3A_39 = arith.constant 0 : i32
      %scan3A_40 = arith.constant 0 : i32
      %scan3A_41 = arith.constant 4 : i32
      %scan3A_42 = arith.addi %scan3A_40, %scan3A_41 : i32
      %scan3A_43 = arith.constant 1 : i32
      scf.for %scan3A_90 = %scan3A_40 to %scan3A_42 step %scan3A_43  : i32 {
        %mul3A_91 = arith.constant 2 : i32
        %mul3A_92 = arith.muli %scan3A_90, %mul3A_91 : i32
        %add3A_93 = arith.constant 0 : i32
        %add3A_94 = arith.addi %mul3A_92, %add3A_93 : i32
        %dma_wait3A = arith.constant 0 : i32
        %dma_wait3A_95 = tpu.memref_slice %arg7[%add3A_94, %dma_wait3A] : memref<8x128xi32, #tpu.memory_space<vmem>> -> memref<1x128xi32, #tpu.memory_space<vmem>>
        %dma_wait3A_96 = tpu.memref_squeeze %dma_wait3A_95 : memref<1x128xi32, #tpu.memory_space<vmem>> -> memref<128xi32, #tpu.memory_space<vmem>>
        %dma_wait3A_97 = arith.constant 0 : i32
        %dma_wait3A_98 = arith.constant 0 : i32
        %dma_wait3A_99 = tpu.memref_slice %arg2[%dma_wait3A_97, %dma_wait3A_98] : memref<10240x128xf32, #tpu.memory_space<hbm>> -> memref<10240x128xf32, #tpu.memory_space<hbm>>
        tpu.wait_indirect_dma semaphore(%arg14 : memref<!tpu.dma_semaphore, #tpu.memory_space<semaphore_mem>>) src(%dma_wait3A_99 : memref<10240x128xf32, #tpu.memory_space<hbm>>) dst(%arg11 : memref<128x128xf32, #tpu.memory_space<vmem>>)
        "tpu.region"() ({
          %run_scoped3A = tpu.sem_alloc : memref<!tpu.dma_semaphore, #tpu.memory_space<semaphore_mem>>
          %dma_start3A_124 = arith.constant 0 : i32
          %dma_start3A_125 = tpu.memref_slice %arg9[%add3A_94, %dma_start3A_124] : memref<8x128xi32, #tpu.memory_space<vmem>> -> memref<1x128xi32, #tpu.memory_space<vmem>>
          %dma_start3A_126 = tpu.memref_squeeze %dma_start3A_125 : memref<1x128xi32, #tpu.memory_space<vmem>> -> memref<128xi32, #tpu.memory_space<vmem>>
          %dma_start3A_127 = arith.constant 0 : i32
          %dma_start3A_128 = arith.constant 0 : i32
          %dma_start3A_129 = tpu.memref_slice %arg13[%dma_start3A_127, %dma_start3A_128] : memref<10240x128xf32, #tpu.memory_space<vmem_shared>> -> memref<10240x128xf32, #tpu.memory_space<vmem_shared>>
          tpu.enqueue_indirect_dma source(%arg11 : memref<128x128xf32, #tpu.memory_space<vmem>>) target(%dma_start3A_129 : memref<10240x128xf32, #tpu.memory_space<vmem_shared>>) offsets(%dma_start3A_126 : memref<128xi32, #tpu.memory_space<vmem>>) semaphore(%run_scoped3A : memref<!tpu.dma_semaphore, #tpu.memory_space<semaphore_mem>>) {add = true}
          %dma_wait3A_130 = arith.constant 0 : i32
          %dma_wait3A_131 = tpu.memref_slice %arg9[%add3A_94, %dma_wait3A_130] : memref<8x128xi32, #tpu.memory_space<vmem>> -> memref<1x128xi32, #tpu.memory_space<vmem>>
          %dma_wait3A_132 = tpu.memref_squeeze %dma_wait3A_131 : memref<1x128xi32, #tpu.memory_space<vmem>> -> memref<128xi32, #tpu.memory_space<vmem>>
          %dma_wait3A_133 = arith.constant 0 : i32
          %dma_wait3A_134 = arith.constant 0 : i32
          %dma_wait3A_135 = tpu.memref_slice %arg13[%dma_wait3A_133, %dma_wait3A_134] : memref<10240x128xf32, #tpu.memory_space<vmem_shared>> -> memref<10240x128xf32, #tpu.memory_space<vmem_shared>>
          tpu.wait_indirect_dma semaphore(%run_scoped3A : memref<!tpu.dma_semaphore, #tpu.memory_space<semaphore_mem>>) src(%arg11 : memref<128x128xf32, #tpu.memory_space<vmem>>) dst(%dma_wait3A_135 : memref<10240x128xf32, #tpu.memory_space<vmem_shared>>)
          tpu.yield
        }) : () -> ()
        %add3A_100 = arith.constant 2 : i32
        %add3A_101 = arith.addi %add3A_94, %add3A_100 : i32
        %lt3A_102 = arith.constant 8 : i32
        %lt3A_103 = arith.cmpi slt, %add3A_101, %lt3A_102 : i32
        %convert_element_type3A_104 = arith.extui %lt3A_103 : i1 to i32
        %cond3A_105 = arith.constant 0 : i32
        %cond3A_106 = arith.cmpi ne, %convert_element_type3A_104, %cond3A_105 : i32
        scf.if %cond3A_106 {
          %add3A_124 = arith.constant 2 : i32
          %add3A_125 = arith.addi %add3A_94, %add3A_124 : i32
          %dma_start3A_126 = arith.constant 0 : i32
          %dma_start3A_127 = tpu.memref_slice %arg7[%add3A_125, %dma_start3A_126] : memref<8x128xi32, #tpu.memory_space<vmem>> -> memref<1x128xi32, #tpu.memory_space<vmem>>
          %dma_start3A_128 = tpu.memref_squeeze %dma_start3A_127 : memref<1x128xi32, #tpu.memory_space<vmem>> -> memref<128xi32, #tpu.memory_space<vmem>>
          %dma_start3A_129 = arith.constant 0 : i32
          %dma_start3A_130 = arith.constant 0 : i32
          %dma_start3A_131 = tpu.memref_slice %arg2[%dma_start3A_129, %dma_start3A_130] : memref<10240x128xf32, #tpu.memory_space<hbm>> -> memref<10240x128xf32, #tpu.memory_space<hbm>>
          tpu.enqueue_indirect_dma source(%dma_start3A_131 : memref<10240x128xf32, #tpu.memory_space<hbm>>) target(%arg11 : memref<128x128xf32, #tpu.memory_space<vmem>>) offsets(%dma_start3A_128 : memref<128xi32, #tpu.memory_space<vmem>>) semaphore(%arg14 : memref<!tpu.dma_semaphore, #tpu.memory_space<semaphore_mem>>)
        } else {
        }
        %mul3A_107 = arith.constant 2 : i32
        %mul3A_108 = arith.muli %scan3A_90, %mul3A_107 : i32
        %add3A_109 = arith.constant 1 : i32
        %add3A_110 = arith.addi %mul3A_108, %add3A_109 : i32
        %dma_wait3A_111 = arith.constant 0 : i32
        %dma_wait3A_112 = tpu.memref_slice %arg7[%add3A_110, %dma_wait3A_111] : memref<8x128xi32, #tpu.memory_space<vmem>> -> memref<1x128xi32, #tpu.memory_space<vmem>>
        %dma_wait3A_113 = tpu.memref_squeeze %dma_wait3A_112 : memref<1x128xi32, #tpu.memory_space<vmem>> -> memref<128xi32, #tpu.memory_space<vmem>>
        %dma_wait3A_114 = arith.constant 0 : i32
        %dma_wait3A_115 = arith.constant 0 : i32
        %dma_wait3A_116 = tpu.memref_slice %arg2[%dma_wait3A_114, %dma_wait3A_115] : memref<10240x128xf32, #tpu.memory_space<hbm>> -> memref<10240x128xf32, #tpu.memory_space<hbm>>
        tpu.wait_indirect_dma semaphore(%arg15 : memref<!tpu.dma_semaphore, #tpu.memory_space<semaphore_mem>>) src(%dma_wait3A_116 : memref<10240x128xf32, #tpu.memory_space<hbm>>) dst(%arg12 : memref<128x128xf32, #tpu.memory_space<vmem>>)
        "tpu.region"() ({
          %run_scoped3A = tpu.sem_alloc : memref<!tpu.dma_semaphore, #tpu.memory_space<semaphore_mem>>
          %dma_start3A_124 = arith.constant 0 : i32
          %dma_start3A_125 = tpu.memref_slice %arg9[%add3A_110, %dma_start3A_124] : memref<8x128xi32, #tpu.memory_space<vmem>> -> memref<1x128xi32, #tpu.memory_space<vmem>>
          %dma_start3A_126 = tpu.memref_squeeze %dma_start3A_125 : memref<1x128xi32, #tpu.memory_space<vmem>> -> memref<128xi32, #tpu.memory_space<vmem>>
          %dma_start3A_127 = arith.constant 0 : i32
          %dma_start3A_128 = arith.constant 0 : i32
          %dma_start3A_129 = tpu.memref_slice %arg13[%dma_start3A_127, %dma_start3A_128] : memref<10240x128xf32, #tpu.memory_space<vmem_shared>> -> memref<10240x128xf32, #tpu.memory_space<vmem_shared>>
          tpu.enqueue_indirect_dma source(%arg12 : memref<128x128xf32, #tpu.memory_space<vmem>>) target(%dma_start3A_129 : memref<10240x128xf32, #tpu.memory_space<vmem_shared>>) offsets(%dma_start3A_126 : memref<128xi32, #tpu.memory_space<vmem>>) semaphore(%run_scoped3A : memref<!tpu.dma_semaphore, #tpu.memory_space<semaphore_mem>>) {add = true}
          %dma_wait3A_130 = arith.constant 0 : i32
          %dma_wait3A_131 = tpu.memref_slice %arg9[%add3A_110, %dma_wait3A_130] : memref<8x128xi32, #tpu.memory_space<vmem>> -> memref<1x128xi32, #tpu.memory_space<vmem>>
          %dma_wait3A_132 = tpu.memref_squeeze %dma_wait3A_131 : memref<1x128xi32, #tpu.memory_space<vmem>> -> memref<128xi32, #tpu.memory_space<vmem>>
          %dma_wait3A_133 = arith.constant 0 : i32
          %dma_wait3A_134 = arith.constant 0 : i32
          %dma_wait3A_135 = tpu.memref_slice %arg13[%dma_wait3A_133, %dma_wait3A_134] : memref<10240x128xf32, #tpu.memory_space<vmem_shared>> -> memref<10240x128xf32, #tpu.memory_space<vmem_shared>>
          tpu.wait_indirect_dma semaphore(%run_scoped3A : memref<!tpu.dma_semaphore, #tpu.memory_space<semaphore_mem>>) src(%arg12 : memref<128x128xf32, #tpu.memory_space<vmem>>) dst(%dma_wait3A_135 : memref<10240x128xf32, #tpu.memory_space<vmem_shared>>)
          tpu.yield
        }) : () -> ()
        %add3A_117 = arith.constant 2 : i32
        %add3A_118 = arith.addi %add3A_110, %add3A_117 : i32
        %lt3A_119 = arith.constant 8 : i32
        %lt3A_120 = arith.cmpi slt, %add3A_118, %lt3A_119 : i32
        %convert_element_type3A_121 = arith.extui %lt3A_120 : i1 to i32
        %cond3A_122 = arith.constant 0 : i32
        %cond3A_123 = arith.cmpi ne, %convert_element_type3A_121, %cond3A_122 : i32
        scf.if %cond3A_123 {
          %add3A_124 = arith.constant 2 : i32
          %add3A_125 = arith.addi %add3A_110, %add3A_124 : i32
          %dma_start3A_126 = arith.constant 0 : i32
          %dma_start3A_127 = tpu.memref_slice %arg7[%add3A_125, %dma_start3A_126] : memref<8x128xi32, #tpu.memory_space<vmem>> -> memref<1x128xi32, #tpu.memory_space<vmem>>
          %dma_start3A_128 = tpu.memref_squeeze %dma_start3A_127 : memref<1x128xi32, #tpu.memory_space<vmem>> -> memref<128xi32, #tpu.memory_space<vmem>>
          %dma_start3A_129 = arith.constant 0 : i32
          %dma_start3A_130 = arith.constant 0 : i32
          %dma_start3A_131 = tpu.memref_slice %arg2[%dma_start3A_129, %dma_start3A_130] : memref<10240x128xf32, #tpu.memory_space<hbm>> -> memref<10240x128xf32, #tpu.memory_space<hbm>>
          tpu.enqueue_indirect_dma source(%dma_start3A_131 : memref<10240x128xf32, #tpu.memory_space<hbm>>) target(%arg12 : memref<128x128xf32, #tpu.memory_space<vmem>>) offsets(%dma_start3A_128 : memref<128xi32, #tpu.memory_space<vmem>>) semaphore(%arg15 : memref<!tpu.dma_semaphore, #tpu.memory_space<semaphore_mem>>)
        } else {
        }
      }
      %scan3A_44 = arith.constant 4 : i32
      %add3A_45 = arith.constant 1 : i32
      %add3A_46 = arith.addi %add3A_21, %add3A_45 : i32
      %lt3A_47 = arith.constant 10 : i32
      %lt3A_48 = arith.cmpi slt, %add3A_46, %lt3A_47 : i32
      %convert_element_type3A_49 = arith.extui %lt3A_48 : i1 to i32
      %cond3A_50 = arith.constant 0 : i32
      %cond3A_51 = arith.cmpi ne, %convert_element_type3A_49, %cond3A_50 : i32
      scf.if %cond3A_51 {
        %add3A_90 = arith.constant 1 : i32
        %add3A_91 = arith.addi %add3A_21, %add3A_90 : i32
        %mul3A_92 = arith.constant 8 : i32
        %mul3A_93 = arith.muli %add3A_91, %mul3A_92 : i32
        %add3A_94 = arith.addi %mul3A_2, %mul3A_93 : i32
        %dma_wait3A = arith.constant 0 : i32
        %dma_wait3A_95 = tpu.memref_slice %arg3[%add3A_94, %dma_wait3A] : memref<2560x128xi32, #tpu.memory_space<hbm>> -> memref<8x128xi32, #tpu.memory_space<hbm>>
        %dma_wait3A_96 = arith.constant 0 : i32
        %dma_wait3A_97 = tpu.memref_slice %arg3[%add3A_94, %dma_wait3A_96] : memref<2560x128xi32, #tpu.memory_space<hbm>> -> memref<8x128xi32, #tpu.memory_space<hbm>>
        tpu.wait_dma2 semaphore(%arg17 : memref<!tpu.dma_semaphore, #tpu.memory_space<semaphore_mem>>) src(%dma_wait3A_97 : memref<8x128xi32, #tpu.memory_space<hbm>>) dst(%arg8 : memref<8x128xi32, #tpu.memory_space<vmem>>)
        %add3A_98 = arith.constant 1 : i32
        %add3A_99 = arith.addi %add3A_21, %add3A_98 : i32
        %mul3A_100 = arith.constant 8 : i32
        %mul3A_101 = arith.muli %add3A_99, %mul3A_100 : i32
        %add3A_102 = arith.addi %mul3A_2, %mul3A_101 : i32
        %dma_wait3A_103 = arith.constant 0 : i32
        %dma_wait3A_104 = tpu.memref_slice %arg4[%add3A_102, %dma_wait3A_103] : memref<2560x128xi32, #tpu.memory_space<hbm>> -> memref<8x128xi32, #tpu.memory_space<hbm>>
        %dma_wait3A_105 = arith.constant 0 : i32
        %dma_wait3A_106 = tpu.memref_slice %arg4[%add3A_102, %dma_wait3A_105] : memref<2560x128xi32, #tpu.memory_space<hbm>> -> memref<8x128xi32, #tpu.memory_space<hbm>>
        tpu.wait_dma2 semaphore(%arg17 : memref<!tpu.dma_semaphore, #tpu.memory_space<semaphore_mem>>) src(%dma_wait3A_106 : memref<8x128xi32, #tpu.memory_space<hbm>>) dst(%arg10 : memref<8x128xi32, #tpu.memory_space<vmem>>)
      } else {
      }
      %mul3A_52 = arith.constant 2 : i32
      %mul3A_53 = arith.muli %scan3A_17, %mul3A_52 : i32
      %add3A_54 = arith.constant 1 : i32
      %add3A_55 = arith.addi %mul3A_53, %add3A_54 : i32
      %add3A_56 = arith.constant 1 : i32
      %add3A_57 = arith.addi %add3A_55, %add3A_56 : i32
      %lt3A_58 = arith.constant 10 : i32
      %lt3A_59 = arith.cmpi slt, %add3A_57, %lt3A_58 : i32
      %convert_element_type3A_60 = arith.extui %lt3A_59 : i1 to i32
      %cond3A_61 = arith.constant 0 : i32
      %cond3A_62 = arith.cmpi ne, %convert_element_type3A_60, %cond3A_61 : i32
      scf.if %cond3A_62 {
        %add3A_90 = arith.constant 1 : i32
        %add3A_91 = arith.addi %add3A_55, %add3A_90 : i32
        %mul3A_92 = arith.constant 8 : i32
        %mul3A_93 = arith.muli %add3A_91, %mul3A_92 : i32
        %add3A_94 = arith.addi %mul3A_2, %mul3A_93 : i32
        %dma_start3A_95 = arith.constant 0 : i32
        %dma_start3A_96 = tpu.memref_slice %arg3[%add3A_94, %dma_start3A_95] : memref<2560x128xi32, #tpu.memory_space<hbm>> -> memref<8x128xi32, #tpu.memory_space<hbm>>
        %dma_start3A_97 = arith.constant 0 : i32
        %dma_start3A_98 = tpu.memref_slice %arg3[%add3A_94, %dma_start3A_97] : memref<2560x128xi32, #tpu.memory_space<hbm>> -> memref<8x128xi32, #tpu.memory_space<hbm>>
        tpu.enqueue_dma source(%dma_start3A_98 : memref<8x128xi32, #tpu.memory_space<hbm>>) target(%arg7 : memref<8x128xi32, #tpu.memory_space<vmem>>) target_semaphore(%arg16 : memref<!tpu.dma_semaphore, #tpu.memory_space<semaphore_mem>>)
        %add3A_99 = arith.constant 1 : i32
        %add3A_100 = arith.addi %add3A_55, %add3A_99 : i32
        %mul3A_101 = arith.constant 8 : i32
        %mul3A_102 = arith.muli %add3A_100, %mul3A_101 : i32
        %add3A_103 = arith.addi %mul3A_2, %mul3A_102 : i32
        %dma_start3A_104 = arith.constant 0 : i32
        %dma_start3A_105 = tpu.memref_slice %arg4[%add3A_103, %dma_start3A_104] : memref<2560x128xi32, #tpu.memory_space<hbm>> -> memref<8x128xi32, #tpu.memory_space<hbm>>
        %dma_start3A_106 = arith.constant 0 : i32
        %dma_start3A_107 = tpu.memref_slice %arg4[%add3A_103, %dma_start3A_106] : memref<2560x128xi32, #tpu.memory_space<hbm>> -> memref<8x128xi32, #tpu.memory_space<hbm>>
        tpu.enqueue_dma source(%dma_start3A_107 : memref<8x128xi32, #tpu.memory_space<hbm>>) target(%arg9 : memref<8x128xi32, #tpu.memory_space<vmem>>) target_semaphore(%arg16 : memref<!tpu.dma_semaphore, #tpu.memory_space<semaphore_mem>>)
      } else {
      }
      %dma_start3A_63 = arith.constant 0 : i32
      %dma_start3A_64 = arith.constant 0 : i32
      %dma_start3A_65 = tpu.memref_slice %arg8[%dma_start3A_63, %dma_start3A_64] : memref<8x128xi32, #tpu.memory_space<vmem>> -> memref<1x128xi32, #tpu.memory_space<vmem>>
      %dma_start3A_66 = tpu.memref_squeeze %dma_start3A_65 : memref<1x128xi32, #tpu.memory_space<vmem>> -> memref<128xi32, #tpu.memory_space<vmem>>
      %dma_start3A_67 = arith.constant 0 : i32
      %dma_start3A_68 = arith.constant 0 : i32
      %dma_start3A_69 = tpu.memref_slice %arg2[%dma_start3A_67, %dma_start3A_68] : memref<10240x128xf32, #tpu.memory_space<hbm>> -> memref<10240x128xf32, #tpu.memory_space<hbm>>
      tpu.enqueue_indirect_dma source(%dma_start3A_69 : memref<10240x128xf32, #tpu.memory_space<hbm>>) target(%arg11 : memref<128x128xf32, #tpu.memory_space<vmem>>) offsets(%dma_start3A_66 : memref<128xi32, #tpu.memory_space<vmem>>) semaphore(%arg14 : memref<!tpu.dma_semaphore, #tpu.memory_space<semaphore_mem>>)
      %dma_start3A_70 = arith.constant 1 : i32
      %dma_start3A_71 = arith.constant 0 : i32
      %dma_start3A_72 = tpu.memref_slice %arg8[%dma_start3A_70, %dma_start3A_71] : memref<8x128xi32, #tpu.memory_space<vmem>> -> memref<1x128xi32, #tpu.memory_space<vmem>>
      %dma_start3A_73 = tpu.memref_squeeze %dma_start3A_72 : memref<1x128xi32, #tpu.memory_space<vmem>> -> memref<128xi32, #tpu.memory_space<vmem>>
      %dma_start3A_74 = arith.constant 0 : i32
      %dma_start3A_75 = arith.constant 0 : i32
      %dma_start3A_76 = tpu.memref_slice %arg2[%dma_start3A_74, %dma_start3A_75] : memref<10240x128xf32, #tpu.memory_space<hbm>> -> memref<10240x128xf32, #tpu.memory_space<hbm>>
      tpu.enqueue_indirect_dma source(%dma_start3A_76 : memref<10240x128xf32, #tpu.memory_space<hbm>>) target(%arg12 : memref<128x128xf32, #tpu.memory_space<vmem>>) offsets(%dma_start3A_73 : memref<128xi32, #tpu.memory_space<vmem>>) semaphore(%arg15 : memref<!tpu.dma_semaphore, #tpu.memory_space<semaphore_mem>>)
      %scan3A_77 = arith.constant 0 : i32
      %scan3A_78 = arith.constant 0 : i32
      %scan3A_79 = arith.constant 4 : i32
      %scan3A_80 = arith.addi %scan3A_78, %scan3A_79 : i32
      %scan3A_81 = arith.constant 1 : i32
      scf.for %scan3A_90 = %scan3A_78 to %scan3A_80 step %scan3A_81  : i32 {
        %mul3A_91 = arith.constant 2 : i32
        %mul3A_92 = arith.muli %scan3A_90, %mul3A_91 : i32
        %add3A_93 = arith.constant 0 : i32
        %add3A_94 = arith.addi %mul3A_92, %add3A_93 : i32
        %dma_wait3A = arith.constant 0 : i32
        %dma_wait3A_95 = tpu.memref_slice %arg8[%add3A_94, %dma_wait3A] : memref<8x128xi32, #tpu.memory_space<vmem>> -> memref<1x128xi32, #tpu.memory_space<vmem>>
        %dma_wait3A_96 = tpu.memref_squeeze %dma_wait3A_95 : memref<1x128xi32, #tpu.memory_space<vmem>> -> memref<128xi32, #tpu.memory_space<vmem>>
        %dma_wait3A_97 = arith.constant 0 : i32
        %dma_wait3A_98 = arith.constant 0 : i32
        %dma_wait3A_99 = tpu.memref_slice %arg2[%dma_wait3A_97, %dma_wait3A_98] : memref<10240x128xf32, #tpu.memory_space<hbm>> -> memref<10240x128xf32, #tpu.memory_space<hbm>>
        tpu.wait_indirect_dma semaphore(%arg14 : memref<!tpu.dma_semaphore, #tpu.memory_space<semaphore_mem>>) src(%dma_wait3A_99 : memref<10240x128xf32, #tpu.memory_space<hbm>>) dst(%arg11 : memref<128x128xf32, #tpu.memory_space<vmem>>)
        "tpu.region"() ({
          %run_scoped3A = tpu.sem_alloc : memref<!tpu.dma_semaphore, #tpu.memory_space<semaphore_mem>>
          %dma_start3A_124 = arith.constant 0 : i32
          %dma_start3A_125 = tpu.memref_slice %arg10[%add3A_94, %dma_start3A_124] : memref<8x128xi32, #tpu.memory_space<vmem>> -> memref<1x128xi32, #tpu.memory_space<vmem>>
          %dma_start3A_126 = tpu.memref_squeeze %dma_start3A_125 : memref<1x128xi32, #tpu.memory_space<vmem>> -> memref<128xi32, #tpu.memory_space<vmem>>
          %dma_start3A_127 = arith.constant 0 : i32
          %dma_start3A_128 = arith.constant 0 : i32
          %dma_start3A_129 = tpu.memref_slice %arg13[%dma_start3A_127, %dma_start3A_128] : memref<10240x128xf32, #tpu.memory_space<vmem_shared>> -> memref<10240x128xf32, #tpu.memory_space<vmem_shared>>
          tpu.enqueue_indirect_dma source(%arg11 : memref<128x128xf32, #tpu.memory_space<vmem>>) target(%dma_start3A_129 : memref<10240x128xf32, #tpu.memory_space<vmem_shared>>) offsets(%dma_start3A_126 : memref<128xi32, #tpu.memory_space<vmem>>) semaphore(%run_scoped3A : memref<!tpu.dma_semaphore, #tpu.memory_space<semaphore_mem>>) {add = true}
          %dma_wait3A_130 = arith.constant 0 : i32
          %dma_wait3A_131 = tpu.memref_slice %arg10[%add3A_94, %dma_wait3A_130] : memref<8x128xi32, #tpu.memory_space<vmem>> -> memref<1x128xi32, #tpu.memory_space<vmem>>
          %dma_wait3A_132 = tpu.memref_squeeze %dma_wait3A_131 : memref<1x128xi32, #tpu.memory_space<vmem>> -> memref<128xi32, #tpu.memory_space<vmem>>
          %dma_wait3A_133 = arith.constant 0 : i32
          %dma_wait3A_134 = arith.constant 0 : i32
          %dma_wait3A_135 = tpu.memref_slice %arg13[%dma_wait3A_133, %dma_wait3A_134] : memref<10240x128xf32, #tpu.memory_space<vmem_shared>> -> memref<10240x128xf32, #tpu.memory_space<vmem_shared>>
          tpu.wait_indirect_dma semaphore(%run_scoped3A : memref<!tpu.dma_semaphore, #tpu.memory_space<semaphore_mem>>) src(%arg11 : memref<128x128xf32, #tpu.memory_space<vmem>>) dst(%dma_wait3A_135 : memref<10240x128xf32, #tpu.memory_space<vmem_shared>>)
          tpu.yield
        }) : () -> ()
        %add3A_100 = arith.constant 2 : i32
        %add3A_101 = arith.addi %add3A_94, %add3A_100 : i32
        %lt3A_102 = arith.constant 8 : i32
        %lt3A_103 = arith.cmpi slt, %add3A_101, %lt3A_102 : i32
        %convert_element_type3A_104 = arith.extui %lt3A_103 : i1 to i32
        %cond3A_105 = arith.constant 0 : i32
        %cond3A_106 = arith.cmpi ne, %convert_element_type3A_104, %cond3A_105 : i32
        scf.if %cond3A_106 {
          %add3A_124 = arith.constant 2 : i32
          %add3A_125 = arith.addi %add3A_94, %add3A_124 : i32
          %dma_start3A_126 = arith.constant 0 : i32
          %dma_start3A_127 = tpu.memref_slice %arg8[%add3A_125, %dma_start3A_126] : memref<8x128xi32, #tpu.memory_space<vmem>> -> memref<1x128xi32, #tpu.memory_space<vmem>>
          %dma_start3A_128 = tpu.memref_squeeze %dma_start3A_127 : memref<1x128xi32, #tpu.memory_space<vmem>> -> memref<128xi32, #tpu.memory_space<vmem>>
          %dma_start3A_129 = arith.constant 0 : i32
          %dma_start3A_130 = arith.constant 0 : i32
          %dma_start3A_131 = tpu.memref_slice %arg2[%dma_start3A_129, %dma_start3A_130] : memref<10240x128xf32, #tpu.memory_space<hbm>> -> memref<10240x128xf32, #tpu.memory_space<hbm>>
          tpu.enqueue_indirect_dma source(%dma_start3A_131 : memref<10240x128xf32, #tpu.memory_space<hbm>>) target(%arg11 : memref<128x128xf32, #tpu.memory_space<vmem>>) offsets(%dma_start3A_128 : memref<128xi32, #tpu.memory_space<vmem>>) semaphore(%arg14 : memref<!tpu.dma_semaphore, #tpu.memory_space<semaphore_mem>>)
        } else {
        }
        %mul3A_107 = arith.constant 2 : i32
        %mul3A_108 = arith.muli %scan3A_90, %mul3A_107 : i32
        %add3A_109 = arith.constant 1 : i32
        %add3A_110 = arith.addi %mul3A_108, %add3A_109 : i32
        %dma_wait3A_111 = arith.constant 0 : i32
        %dma_wait3A_112 = tpu.memref_slice %arg8[%add3A_110, %dma_wait3A_111] : memref<8x128xi32, #tpu.memory_space<vmem>> -> memref<1x128xi32, #tpu.memory_space<vmem>>
        %dma_wait3A_113 = tpu.memref_squeeze %dma_wait3A_112 : memref<1x128xi32, #tpu.memory_space<vmem>> -> memref<128xi32, #tpu.memory_space<vmem>>
        %dma_wait3A_114 = arith.constant 0 : i32
        %dma_wait3A_115 = arith.constant 0 : i32
        %dma_wait3A_116 = tpu.memref_slice %arg2[%dma_wait3A_114, %dma_wait3A_115] : memref<10240x128xf32, #tpu.memory_space<hbm>> -> memref<10240x128xf32, #tpu.memory_space<hbm>>
        tpu.wait_indirect_dma semaphore(%arg15 : memref<!tpu.dma_semaphore, #tpu.memory_space<semaphore_mem>>) src(%dma_wait3A_116 : memref<10240x128xf32, #tpu.memory_space<hbm>>) dst(%arg12 : memref<128x128xf32, #tpu.memory_space<vmem>>)
        "tpu.region"() ({
          %run_scoped3A = tpu.sem_alloc : memref<!tpu.dma_semaphore, #tpu.memory_space<semaphore_mem>>
          %dma_start3A_124 = arith.constant 0 : i32
          %dma_start3A_125 = tpu.memref_slice %arg10[%add3A_110, %dma_start3A_124] : memref<8x128xi32, #tpu.memory_space<vmem>> -> memref<1x128xi32, #tpu.memory_space<vmem>>
          %dma_start3A_126 = tpu.memref_squeeze %dma_start3A_125 : memref<1x128xi32, #tpu.memory_space<vmem>> -> memref<128xi32, #tpu.memory_space<vmem>>
          %dma_start3A_127 = arith.constant 0 : i32
          %dma_start3A_128 = arith.constant 0 : i32
          %dma_start3A_129 = tpu.memref_slice %arg13[%dma_start3A_127, %dma_start3A_128] : memref<10240x128xf32, #tpu.memory_space<vmem_shared>> -> memref<10240x128xf32, #tpu.memory_space<vmem_shared>>
          tpu.enqueue_indirect_dma source(%arg12 : memref<128x128xf32, #tpu.memory_space<vmem>>) target(%dma_start3A_129 : memref<10240x128xf32, #tpu.memory_space<vmem_shared>>) offsets(%dma_start3A_126 : memref<128xi32, #tpu.memory_space<vmem>>) semaphore(%run_scoped3A : memref<!tpu.dma_semaphore, #tpu.memory_space<semaphore_mem>>) {add = true}
          %dma_wait3A_130 = arith.constant 0 : i32
          %dma_wait3A_131 = tpu.memref_slice %arg10[%add3A_110, %dma_wait3A_130] : memref<8x128xi32, #tpu.memory_space<vmem>> -> memref<1x128xi32, #tpu.memory_space<vmem>>
          %dma_wait3A_132 = tpu.memref_squeeze %dma_wait3A_131 : memref<1x128xi32, #tpu.memory_space<vmem>> -> memref<128xi32, #tpu.memory_space<vmem>>
          %dma_wait3A_133 = arith.constant 0 : i32
          %dma_wait3A_134 = arith.constant 0 : i32
          %dma_wait3A_135 = tpu.memref_slice %arg13[%dma_wait3A_133, %dma_wait3A_134] : memref<10240x128xf32, #tpu.memory_space<vmem_shared>> -> memref<10240x128xf32, #tpu.memory_space<vmem_shared>>
          tpu.wait_indirect_dma semaphore(%run_scoped3A : memref<!tpu.dma_semaphore, #tpu.memory_space<semaphore_mem>>) src(%arg12 : memref<128x128xf32, #tpu.memory_space<vmem>>) dst(%dma_wait3A_135 : memref<10240x128xf32, #tpu.memory_space<vmem_shared>>)
          tpu.yield
        }) : () -> ()
        %add3A_117 = arith.constant 2 : i32
        %add3A_118 = arith.addi %add3A_110, %add3A_117 : i32
        %lt3A_119 = arith.constant 8 : i32
        %lt3A_120 = arith.cmpi slt, %add3A_118, %lt3A_119 : i32
        %convert_element_type3A_121 = arith.extui %lt3A_120 : i1 to i32
        %cond3A_122 = arith.constant 0 : i32
        %cond3A_123 = arith.cmpi ne, %convert_element_type3A_121, %cond3A_122 : i32
        scf.if %cond3A_123 {
          %add3A_124 = arith.constant 2 : i32
          %add3A_125 = arith.addi %add3A_110, %add3A_124 : i32
          %dma_start3A_126 = arith.constant 0 : i32
          %dma_start3A_127 = tpu.memref_slice %arg8[%add3A_125, %dma_start3A_126] : memref<8x128xi32, #tpu.memory_space<vmem>> -> memref<1x128xi32, #tpu.memory_space<vmem>>
          %dma_start3A_128 = tpu.memref_squeeze %dma_start3A_127 : memref<1x128xi32, #tpu.memory_space<vmem>> -> memref<128xi32, #tpu.memory_space<vmem>>
          %dma_start3A_129 = arith.constant 0 : i32
          %dma_start3A_130 = arith.constant 0 : i32
          %dma_start3A_131 = tpu.memref_slice %arg2[%dma_start3A_129, %dma_start3A_130] : memref<10240x128xf32, #tpu.memory_space<hbm>> -> memref<10240x128xf32, #tpu.memory_space<hbm>>
          tpu.enqueue_indirect_dma source(%dma_start3A_131 : memref<10240x128xf32, #tpu.memory_space<hbm>>) target(%arg12 : memref<128x128xf32, #tpu.memory_space<vmem>>) offsets(%dma_start3A_128 : memref<128xi32, #tpu.memory_space<vmem>>) semaphore(%arg15 : memref<!tpu.dma_semaphore, #tpu.memory_space<semaphore_mem>>)
        } else {
        }
      }
      %scan3A_82 = arith.constant 4 : i32
      %add3A_83 = arith.constant 1 : i32
      %add3A_84 = arith.addi %add3A_55, %add3A_83 : i32
      %lt3A_85 = arith.constant 10 : i32
      %lt3A_86 = arith.cmpi slt, %add3A_84, %lt3A_85 : i32
      %convert_element_type3A_87 = arith.extui %lt3A_86 : i1 to i32
      %cond3A_88 = arith.constant 0 : i32
      %cond3A_89 = arith.cmpi ne, %convert_element_type3A_87, %cond3A_88 : i32
      scf.if %cond3A_89 {
        %add3A_90 = arith.constant 1 : i32
        %add3A_91 = arith.addi %add3A_55, %add3A_90 : i32
        %mul3A_92 = arith.constant 8 : i32
        %mul3A_93 = arith.muli %add3A_91, %mul3A_92 : i32
        %add3A_94 = arith.addi %mul3A_2, %mul3A_93 : i32
        %dma_wait3A = arith.constant 0 : i32
        %dma_wait3A_95 = tpu.memref_slice %arg3[%add3A_94, %dma_wait3A] : memref<2560x128xi32, #tpu.memory_space<hbm>> -> memref<8x128xi32, #tpu.memory_space<hbm>>
        %dma_wait3A_96 = arith.constant 0 : i32
        %dma_wait3A_97 = tpu.memref_slice %arg3[%add3A_94, %dma_wait3A_96] : memref<2560x128xi32, #tpu.memory_space<hbm>> -> memref<8x128xi32, #tpu.memory_space<hbm>>
        tpu.wait_dma2 semaphore(%arg16 : memref<!tpu.dma_semaphore, #tpu.memory_space<semaphore_mem>>) src(%dma_wait3A_97 : memref<8x128xi32, #tpu.memory_space<hbm>>) dst(%arg7 : memref<8x128xi32, #tpu.memory_space<vmem>>)
        %add3A_98 = arith.constant 1 : i32
        %add3A_99 = arith.addi %add3A_55, %add3A_98 : i32
        %mul3A_100 = arith.constant 8 : i32
        %mul3A_101 = arith.muli %add3A_99, %mul3A_100 : i32
        %add3A_102 = arith.addi %mul3A_2, %mul3A_101 : i32
        %dma_wait3A_103 = arith.constant 0 : i32
        %dma_wait3A_104 = tpu.memref_slice %arg4[%add3A_102, %dma_wait3A_103] : memref<2560x128xi32, #tpu.memory_space<hbm>> -> memref<8x128xi32, #tpu.memory_space<hbm>>
        %dma_wait3A_105 = arith.constant 0 : i32
        %dma_wait3A_106 = tpu.memref_slice %arg4[%add3A_102, %dma_wait3A_105] : memref<2560x128xi32, #tpu.memory_space<hbm>> -> memref<8x128xi32, #tpu.memory_space<hbm>>
        tpu.wait_dma2 semaphore(%arg16 : memref<!tpu.dma_semaphore, #tpu.memory_space<semaphore_mem>>) src(%dma_wait3A_106 : memref<8x128xi32, #tpu.memory_space<hbm>>) dst(%arg9 : memref<8x128xi32, #tpu.memory_space<vmem>>)
      } else {
      }
    }
    %scan3A_11 = arith.constant 5 : i32
    %barrier3A_12 = arith.constant 0 : index
    tpu.barrier barrier_id(%barrier3A_12)
    %mul3A_13 = arith.constant 640 : i32
    %mul3A_14 = arith.muli %arg1, %mul3A_13 : i32
    %mul3A_15 = arith.constant 640 : i32
    %mul3A_16 = arith.muli %arg1, %mul3A_15 : i32
    "tpu.region"() ({
      %run_scoped3A = tpu.sem_alloc : memref<!tpu.dma_semaphore, #tpu.memory_space<semaphore_mem>>
      %dma_start3A = arith.constant 0 : i32
      %dma_start3A_17 = tpu.memref_slice %arg6[%arg0, %mul3A_16, %dma_start3A] : memref<2x10240x128xf32, #tpu.memory_space<hbm>> -> memref<1x640x128xf32, #tpu.memory_space<hbm>>
      %dma_start3A_18 = tpu.memref_squeeze %dma_start3A_17 : memref<1x640x128xf32, #tpu.memory_space<hbm>> -> memref<640x128xf32, #tpu.memory_space<hbm>>
      %dma_start3A_19 = arith.constant 0 : i32
      %dma_start3A_20 = tpu.memref_slice %arg13[%mul3A_14, %dma_start3A_19] : memref<10240x128xf32, #tpu.memory_space<vmem_shared>> -> memref<640x128xf32, #tpu.memory_space<vmem_shared>>
      tpu.enqueue_dma source(%dma_start3A_20 : memref<640x128xf32, #tpu.memory_space<vmem_shared>>) target(%dma_start3A_18 : memref<640x128xf32, #tpu.memory_space<hbm>>) target_semaphore(%run_scoped3A : memref<!tpu.dma_semaphore, #tpu.memory_space<semaphore_mem>>)
      %dma_wait3A = arith.constant 0 : i32
      %dma_wait3A_21 = tpu.memref_slice %arg6[%arg0, %mul3A_16, %dma_wait3A] : memref<2x10240x128xf32, #tpu.memory_space<hbm>> -> memref<1x640x128xf32, #tpu.memory_space<hbm>>
      %dma_wait3A_22 = tpu.memref_squeeze %dma_wait3A_21 : memref<1x640x128xf32, #tpu.memory_space<hbm>> -> memref<640x128xf32, #tpu.memory_space<hbm>>
      %dma_wait3A_23 = arith.constant 0 : i32
      %dma_wait3A_24 = tpu.memref_slice %arg13[%mul3A_14, %dma_wait3A_23] : memref<10240x128xf32, #tpu.memory_space<vmem_shared>> -> memref<640x128xf32, #tpu.memory_space<vmem_shared>>
      tpu.wait_dma2 semaphore(%run_scoped3A : memref<!tpu.dma_semaphore, #tpu.memory_space<semaphore_mem>>) src(%dma_wait3A_24 : memref<640x128xf32, #tpu.memory_space<vmem_shared>>) dst(%dma_wait3A_22 : memref<640x128xf32, #tpu.memory_space<hbm>>)
      tpu.yield
    }) : () -> ()
    return
  }
}

module attributes {stable_mosaic.version = 14 : i64} {
  func.func @_mm_first_body(%arg0: i32, %arg1: memref<2048x128xf32, #tpu.memory_space<vmem>>, %arg2: memref<128x256xf32, #tpu.memory_space<vmem>>, %arg3: memref<2048x128xf32, #tpu.memory_space<vmem>>, %arg4: memref<2048x128xf32, #tpu.memory_space<vmem>>) attributes {dimension_semantics = [#tpu.dimension_semantics<arbitrary>], iteration_bounds = array<i64: 5>, scalar_prefetch = 0 : i64, scratch_operands = 0 : i64, tpu.core_type = #tpu.core_type<tc>, window_params = [{transform_indices = @transform_0, window_bounds = array<i64: 2048, 128>}, {pipeline_mode = #tpu.pipeline_mode<synchronous>, transform_indices = @transform_1, window_bounds = array<i64: 128, 256>}, {transform_indices = @transform_2, window_bounds = array<i64: 2048, 128>}, {transform_indices = @transform_3, window_bounds = array<i64: 2048, 128>}]} {
    %get3A = arith.constant 0 : index
    %get3A_0 = arith.constant 0 : index
    %get3A_1 = vector.load %arg1[%get3A, %get3A_0] : memref<2048x128xf32, #tpu.memory_space<vmem>>, vector<2048x128xf32>
    %get3A_2 = arith.constant 0 : index
    %get3A_3 = arith.constant 0 : index
    %get3A_4 = vector.load %arg2[%get3A_2, %get3A_3] : memref<128x256xf32, #tpu.memory_space<vmem>>, vector<128x256xf32>
    %dot_general3A = arith.constant dense<0.000000e+00> : vector<2048x256xf32>
    %dot_general3A_5 = tpu.matmul %get3A_1, %get3A_4, %dot_general3A {dimension_numbers = #tpu.dot_dimension_numbers<[1], [0], [0], [1], [0, 0, 1, 1], [], []>, transpose_lhs_hint = false} : vector<2048x128xf32>, vector<128x256xf32>, vector<2048x256xf32> -> vector<2048x256xf32>
    %slice3A = vector.extract_strided_slice %dot_general3A_5 {offsets = [0, 0], sizes = [2048, 128], strides = [1, 1]} : vector<2048x256xf32> to vector<2048x128xf32>
    %swap3A = arith.constant 0 : index
    %swap3A_6 = arith.constant 0 : index
    %swap3A_7 = vector.load %arg3[%swap3A, %swap3A_6] : memref<2048x128xf32, #tpu.memory_space<vmem>>, vector<2048x128xf32>
    tpu.vector_store %arg3[%swap3A, %swap3A_6], %slice3A {strides = array<i32>} : memref<2048x128xf32, #tpu.memory_space<vmem>>, vector<2048x128xf32>,
    %slice3A_8 = vector.extract_strided_slice %dot_general3A_5 {offsets = [0, 128], sizes = [2048, 128], strides = [1, 1]} : vector<2048x256xf32> to vector<2048x128xf32>
    %swap3A_9 = arith.constant 0 : index
    %swap3A_10 = arith.constant 0 : index
    %swap3A_11 = vector.load %arg4[%swap3A_9, %swap3A_10] : memref<2048x128xf32, #tpu.memory_space<vmem>>, vector<2048x128xf32>
    tpu.vector_store %arg4[%swap3A_9, %swap3A_10], %slice3A_8 {strides = array<i32>} : memref<2048x128xf32, #tpu.memory_space<vmem>>, vector<2048x128xf32>,
    return
  }
  func.func @transform_0(%arg0: i32) -> (i32, i32) {
    %c0_i32 = arith.constant 0 : i32
    %c0_i32_0 = arith.constant 0 : i32
    return %arg0, %c0_i32 : i32, i32
  }
  func.func @transform_1(%arg0: i32) -> (i32, i32) {
    %c0_i32 = arith.constant 0 : i32
    %c0_i32_0 = arith.constant 0 : i32
    %c0_i32_1 = arith.constant 0 : i32
    return %c0_i32, %c0_i32_0 : i32, i32
  }
  func.func @transform_2(%arg0: i32) -> (i32, i32) {
    %c0_i32 = arith.constant 0 : i32
    %c0_i32_0 = arith.constant 0 : i32
    return %arg0, %c0_i32 : i32, i32
  }
  func.func @transform_3(%arg0: i32) -> (i32, i32) {
    %c0_i32 = arith.constant 0 : i32
    %c0_i32_0 = arith.constant 0 : i32
    return %arg0, %c0_i32 : i32, i32
  }
}

module attributes {stable_mosaic.version = 14 : i64} {
  func.func @_mm_mid_body(%arg0: i32, %arg1: memref<2048x128xf32, #tpu.memory_space<vmem>>, %arg2: memref<2048x128xf32, #tpu.memory_space<vmem>>, %arg3: memref<2048x16xf32, #tpu.memory_space<vmem>>, %arg4: memref<2048x16xf32, #tpu.memory_space<vmem>>, %arg5: memref<2048x128xf32, #tpu.memory_space<vmem>>, %arg6: memref<1x128xf32, #tpu.memory_space<vmem>>, %arg7: memref<128x256xf32, #tpu.memory_space<vmem>>, %arg8: memref<2048x128xf32, #tpu.memory_space<vmem>>, %arg9: memref<2048x128xf32, #tpu.memory_space<vmem>>) attributes {dimension_semantics = [#tpu.dimension_semantics<arbitrary>], iteration_bounds = array<i64: 5>, scalar_prefetch = 0 : i64, scratch_operands = 0 : i64, tpu.core_type = #tpu.core_type<tc>, window_params = [{transform_indices = @transform_0, window_bounds = array<i64: 2048, 128>}, {transform_indices = @transform_1, window_bounds = array<i64: 2048, 128>}, {transform_indices = @transform_2, window_bounds = array<i64: 2048, 16>}, {transform_indices = @transform_3, window_bounds = array<i64: 2048, 16>}, {transform_indices = @transform_4, window_bounds = array<i64: 2048, 128>}, {pipeline_mode = #tpu.pipeline_mode<synchronous>, transform_indices = @transform_5, window_bounds = array<i64: 1, 128>}, {pipeline_mode = #tpu.pipeline_mode<synchronous>, transform_indices = @transform_6, window_bounds = array<i64: 128, 256>}, {transform_indices = @transform_7, window_bounds = array<i64: 2048, 128>}, {transform_indices = @transform_8, window_bounds = array<i64: 2048, 128>}]} {
    %get3A = arith.constant 0 : index
    %get3A_0 = arith.constant 0 : index
    %get3A_1 = vector.load %arg3[%get3A, %get3A_0] : memref<2048x16xf32, #tpu.memory_space<vmem>>, vector<2048x16xf32>
    %slice3A = vector.extract_strided_slice %get3A_1 {offsets = [0, 0], sizes = [2048, 1], strides = [1, 1]} : vector<2048x16xf32> to vector<2048x1xf32>
    %get3A_2 = arith.constant 0 : index
    %get3A_3 = arith.constant 0 : index
    %get3A_4 = vector.load %arg4[%get3A_2, %get3A_3] : memref<2048x16xf32, #tpu.memory_space<vmem>>, vector<2048x16xf32>
    %slice3A_5 = vector.extract_strided_slice %get3A_4 {offsets = [0, 0], sizes = [2048, 1], strides = [1, 1]} : vector<2048x16xf32> to vector<2048x1xf32>
    %add3A = arith.addf %slice3A, %slice3A_5 : vector<2048x1xf32>
    %max3A = arith.constant 1.000000e+00 : f32
    %max3A_6 = vector.broadcast %max3A : f32 to vector<2048x1xf32>
    %max3A_7 = arith.maximumf %add3A, %max3A_6 : vector<2048x1xf32>
    %div3A = arith.constant 1.000000e+00 : f32
    %div3A_8 = vector.broadcast %div3A : f32 to vector<2048x1xf32>
    %div3A_9 = arith.divf %div3A_8, %max3A_7 : vector<2048x1xf32>
    %get3A_10 = arith.constant 0 : index
    %get3A_11 = arith.constant 0 : index
    %get3A_12 = vector.load %arg1[%get3A_10, %get3A_11] : memref<2048x128xf32, #tpu.memory_space<vmem>>, vector<2048x128xf32>
    %get3A_13 = arith.constant 0 : index
    %get3A_14 = arith.constant 0 : index
    %get3A_15 = vector.load %arg2[%get3A_13, %get3A_14] : memref<2048x128xf32, #tpu.memory_space<vmem>>, vector<2048x128xf32>
    %add3A_16 = arith.addf %get3A_12, %get3A_15 : vector<2048x128xf32>
    %mul3A = vector.broadcast %div3A_9 : vector<2048x1xf32> to vector<2048x128xf32>
    %mul3A_17 = arith.mulf %add3A_16, %mul3A : vector<2048x128xf32>
    %get3A_18 = arith.constant 0 : index
    %get3A_19 = arith.constant 0 : index
    %get3A_20 = vector.load %arg5[%get3A_18, %get3A_19] : memref<2048x128xf32, #tpu.memory_space<vmem>>, vector<2048x128xf32>
    %add3A_21 = arith.addf %mul3A_17, %get3A_20 : vector<2048x128xf32>
    %get3A_22 = arith.constant 0 : index
    %get3A_23 = arith.constant 0 : index
    %get3A_24 = vector.load %arg6[%get3A_22, %get3A_23] : memref<1x128xf32, #tpu.memory_space<vmem>>, vector<1x128xf32>
    %add3A_25 = vector.broadcast %get3A_24 : vector<1x128xf32> to vector<2048x128xf32>
    %add3A_26 = arith.addf %add3A_21, %add3A_25 : vector<2048x128xf32>
    %get3A_27 = arith.constant 0 : index
    %get3A_28 = arith.constant 0 : index
    %get3A_29 = vector.load %arg7[%get3A_27, %get3A_28] : memref<128x256xf32, #tpu.memory_space<vmem>>, vector<128x256xf32>
    %dot_general3A = arith.constant dense<0.000000e+00> : vector<2048x256xf32>
    %dot_general3A_30 = tpu.matmul %add3A_26, %get3A_29, %dot_general3A {dimension_numbers = #tpu.dot_dimension_numbers<[1], [0], [0], [1], [0, 0, 1, 1], [], []>, transpose_lhs_hint = false} : vector<2048x128xf32>, vector<128x256xf32>, vector<2048x256xf32> -> vector<2048x256xf32>
    %slice3A_31 = vector.extract_strided_slice %dot_general3A_30 {offsets = [0, 0], sizes = [2048, 128], strides = [1, 1]} : vector<2048x256xf32> to vector<2048x128xf32>
    %swap3A = arith.constant 0 : index
    %swap3A_32 = arith.constant 0 : index
    %swap3A_33 = vector.load %arg8[%swap3A, %swap3A_32] : memref<2048x128xf32, #tpu.memory_space<vmem>>, vector<2048x128xf32>
    tpu.vector_store %arg8[%swap3A, %swap3A_32], %slice3A_31 {strides = array<i32>} : memref<2048x128xf32, #tpu.memory_space<vmem>>, vector<2048x128xf32>,
    %slice3A_34 = vector.extract_strided_slice %dot_general3A_30 {offsets = [0, 128], sizes = [2048, 128], strides = [1, 1]} : vector<2048x256xf32> to vector<2048x128xf32>
    %swap3A_35 = arith.constant 0 : index
    %swap3A_36 = arith.constant 0 : index
    %swap3A_37 = vector.load %arg9[%swap3A_35, %swap3A_36] : memref<2048x128xf32, #tpu.memory_space<vmem>>, vector<2048x128xf32>
    tpu.vector_store %arg9[%swap3A_35, %swap3A_36], %slice3A_34 {strides = array<i32>} : memref<2048x128xf32, #tpu.memory_space<vmem>>, vector<2048x128xf32>,
    return
  }
  func.func @transform_0(%arg0: i32) -> (i32, i32) {
    %c0_i32 = arith.constant 0 : i32
    %c0_i32_0 = arith.constant 0 : i32
    return %arg0, %c0_i32 : i32, i32
  }
  func.func @transform_1(%arg0: i32) -> (i32, i32) {
    %c0_i32 = arith.constant 0 : i32
    %c0_i32_0 = arith.constant 0 : i32
    return %arg0, %c0_i32 : i32, i32
  }
  func.func @transform_2(%arg0: i32) -> (i32, i32) {
    %c0_i32 = arith.constant 0 : i32
    %c0_i32_0 = arith.constant 0 : i32
    return %arg0, %c0_i32 : i32, i32
  }
  func.func @transform_3(%arg0: i32) -> (i32, i32) {
    %c0_i32 = arith.constant 0 : i32
    %c0_i32_0 = arith.constant 0 : i32
    return %arg0, %c0_i32 : i32, i32
  }
  func.func @transform_4(%arg0: i32) -> (i32, i32) {
    %c0_i32 = arith.constant 0 : i32
    %c0_i32_0 = arith.constant 0 : i32
    return %arg0, %c0_i32 : i32, i32
  }
  func.func @transform_5(%arg0: i32) -> (i32, i32) {
    %c0_i32 = arith.constant 0 : i32
    %c0_i32_0 = arith.constant 0 : i32
    %c0_i32_1 = arith.constant 0 : i32
    return %c0_i32, %c0_i32_0 : i32, i32
  }
  func.func @transform_6(%arg0: i32) -> (i32, i32) {
    %c0_i32 = arith.constant 0 : i32
    %c0_i32_0 = arith.constant 0 : i32
    %c0_i32_1 = arith.constant 0 : i32
    return %c0_i32, %c0_i32_0 : i32, i32
  }
  func.func @transform_7(%arg0: i32) -> (i32, i32) {
    %c0_i32 = arith.constant 0 : i32
    %c0_i32_0 = arith.constant 0 : i32
    return %arg0, %c0_i32 : i32, i32
  }
  func.func @transform_8(%arg0: i32) -> (i32, i32) {
    %c0_i32 = arith.constant 0 : i32
    %c0_i32_0 = arith.constant 0 : i32
    return %arg0, %c0_i32 : i32, i32
  }
}

module attributes {stable_mosaic.version = 14 : i64} {
  func.func @_final_body(%arg0: memref<10240x128xf32, #tpu.memory_space<vmem>>, %arg1: memref<10240x128xf32, #tpu.memory_space<vmem>>, %arg2: memref<10240x16xf32, #tpu.memory_space<vmem>>, %arg3: memref<10240x16xf32, #tpu.memory_space<vmem>>, %arg4: memref<10240x128xf32, #tpu.memory_space<vmem>>, %arg5: memref<1x128xf32, #tpu.memory_space<vmem>>, %arg6: memref<1x128xf32, #tpu.memory_space<vmem>>, %arg7: memref<1x128xf32, #tpu.memory_space<vmem>>, %arg8: memref<16x1xi32, #tpu.memory_space<vmem>>, %arg9: memref<16x1xi32, #tpu.memory_space<vmem>>, %arg10: memref<16x128xf32, #tpu.memory_space<vmem>>) attributes {dimension_semantics = [], scalar_prefetch = 0 : i64, scratch_operands = 0 : i64, tpu.core_type = #tpu.core_type<tc>} {
    %get3A = arith.constant 0 : index
    %get3A_0 = arith.constant 0 : index
    %get3A_1 = vector.load %arg2[%get3A, %get3A_0] : memref<10240x16xf32, #tpu.memory_space<vmem>>, vector<10240x16xf32>
    %slice3A = vector.extract_strided_slice %get3A_1 {offsets = [0, 0], sizes = [10240, 1], strides = [1, 1]} : vector<10240x16xf32> to vector<10240x1xf32>
    %get3A_2 = arith.constant 0 : index
    %get3A_3 = arith.constant 0 : index
    %get3A_4 = vector.load %arg3[%get3A_2, %get3A_3] : memref<10240x16xf32, #tpu.memory_space<vmem>>, vector<10240x16xf32>
    %slice3A_5 = vector.extract_strided_slice %get3A_4 {offsets = [0, 0], sizes = [10240, 1], strides = [1, 1]} : vector<10240x16xf32> to vector<10240x1xf32>
    %add3A = arith.addf %slice3A, %slice3A_5 : vector<10240x1xf32>
    %max3A = arith.constant 1.000000e+00 : f32
    %max3A_6 = vector.broadcast %max3A : f32 to vector<10240x1xf32>
    %max3A_7 = arith.maximumf %add3A, %max3A_6 : vector<10240x1xf32>
    %div3A = arith.constant 1.000000e+00 : f32
    %div3A_8 = vector.broadcast %div3A : f32 to vector<10240x1xf32>
    %div3A_9 = arith.divf %div3A_8, %max3A_7 : vector<10240x1xf32>
    %get3A_10 = arith.constant 0 : index
    %get3A_11 = arith.constant 0 : index
    %get3A_12 = vector.load %arg0[%get3A_10, %get3A_11] : memref<10240x128xf32, #tpu.memory_space<vmem>>, vector<10240x128xf32>
    %get3A_13 = arith.constant 0 : index
    %get3A_14 = arith.constant 0 : index
    %get3A_15 = vector.load %arg1[%get3A_13, %get3A_14] : memref<10240x128xf32, #tpu.memory_space<vmem>>, vector<10240x128xf32>
    %add3A_16 = arith.addf %get3A_12, %get3A_15 : vector<10240x128xf32>
    %mul3A = vector.broadcast %div3A_9 : vector<10240x1xf32> to vector<10240x128xf32>
    %mul3A_17 = arith.mulf %add3A_16, %mul3A : vector<10240x128xf32>
    %get3A_18 = arith.constant 0 : index
    %get3A_19 = arith.constant 0 : index
    %get3A_20 = vector.load %arg4[%get3A_18, %get3A_19] : memref<10240x128xf32, #tpu.memory_space<vmem>>, vector<10240x128xf32>
    %add3A_21 = arith.addf %mul3A_17, %get3A_20 : vector<10240x128xf32>
    %get3A_22 = arith.constant 0 : index
    %get3A_23 = arith.constant 0 : index
    %get3A_24 = vector.load %arg5[%get3A_22, %get3A_23] : memref<1x128xf32, #tpu.memory_space<vmem>>, vector<1x128xf32>
    %add3A_25 = vector.broadcast %get3A_24 : vector<1x128xf32> to vector<10240x128xf32>
    %add3A_26 = arith.addf %add3A_21, %add3A_25 : vector<10240x128xf32>
    %iota3A = tpu.iota {dimensions = array<i32: 0>} : vector<10240x1xi32>
    %lt3A = arith.constant 10000 : i32
    %lt3A_27 = vector.broadcast %lt3A : i32 to vector<10240x1xi32>
    %lt3A_28 = arith.cmpi slt, %iota3A, %lt3A_27 : vector<10240x1xi32>
    %jit3A = arith.constant 1.000000e+00 : f32
    %jit3A_29 = arith.constant 0.000000e+00 : f32
    %broadcast_in_dim3A = vector.broadcast %jit3A : f32 to vector<10240x1xf32>
    %broadcast_in_dim3A_30 = vector.broadcast %jit3A_29 : f32 to vector<10240x1xf32>
    %select_n3A = arith.select %lt3A_28, %broadcast_in_dim3A, %broadcast_in_dim3A_30 : vector<10240x1xi1>, vector<10240x1xf32>
    %mul3A_31 = vector.broadcast %select_n3A : vector<10240x1xf32> to vector<10240x128xf32>
    %mul3A_32 = arith.mulf %add3A_26, %mul3A_31 : vector<10240x128xf32>
    %reduce_sum3A = arith.constant dense<0.000000e+00> : vector<128xf32>
    %reduce_sum3A_33 = vector.multi_reduction <add>, %mul3A_32, %reduce_sum3A [0] : vector<10240x128xf32> to vector<128xf32>
    %broadcast_in_dim3A_34 = vector.shape_cast %reduce_sum3A_33 : vector<128xf32> to vector<1x128xf32>
    %div3A_35 = arith.constant 1.000000e+04 : f32
    %div3A_36 = vector.broadcast %div3A_35 : f32 to vector<1x128xf32>
    %div3A_37 = arith.divf %broadcast_in_dim3A_34, %div3A_36 : vector<1x128xf32>
    %sub3A = vector.broadcast %div3A_37 : vector<1x128xf32> to vector<10240x128xf32>
    %sub3A_38 = arith.subf %add3A_26, %sub3A : vector<10240x128xf32>
    %mul3A_39 = vector.broadcast %select_n3A : vector<10240x1xf32> to vector<10240x128xf32>
    %mul3A_40 = arith.mulf %sub3A_38, %mul3A_39 : vector<10240x128xf32>
    %mul3A_41 = arith.mulf %mul3A_40, %mul3A_40 : vector<10240x128xf32>
    %reduce_sum3A_42 = arith.constant dense<0.000000e+00> : vector<128xf32>
    %reduce_sum3A_43 = vector.multi_reduction <add>, %mul3A_41, %reduce_sum3A_42 [0] : vector<10240x128xf32> to vector<128xf32>
    %broadcast_in_dim3A_44 = vector.shape_cast %reduce_sum3A_43 : vector<128xf32> to vector<1x128xf32>
    %div3A_45 = arith.constant 1.000000e+04 : f32
    %div3A_46 = vector.broadcast %div3A_45 : f32 to vector<1x128xf32>
    %div3A_47 = arith.divf %broadcast_in_dim3A_44, %div3A_46 : vector<1x128xf32>
    %sub3A_48 = vector.broadcast %div3A_37 : vector<1x128xf32> to vector<10240x128xf32>
    %sub3A_49 = arith.subf %add3A_26, %sub3A_48 : vector<10240x128xf32>
    %add3A_50 = arith.constant 9.99999974E-6 : f32
    %add3A_51 = vector.broadcast %add3A_50 : f32 to vector<1x128xf32>
    %add3A_52 = arith.addf %div3A_47, %add3A_51 : vector<1x128xf32>
    %rsqrt3A = math.rsqrt %add3A_52 : vector<1x128xf32>
    %mul3A_53 = vector.broadcast %rsqrt3A : vector<1x128xf32> to vector<10240x128xf32>
    %mul3A_54 = arith.mulf %sub3A_49, %mul3A_53 : vector<10240x128xf32>
    %get3A_55 = arith.constant 0 : index
    %get3A_56 = arith.constant 0 : index
    %get3A_57 = vector.load %arg6[%get3A_55, %get3A_56] : memref<1x128xf32, #tpu.memory_space<vmem>>, vector<1x128xf32>
    %mul3A_58 = vector.broadcast %get3A_57 : vector<1x128xf32> to vector<10240x128xf32>
    %mul3A_59 = arith.mulf %mul3A_54, %mul3A_58 : vector<10240x128xf32>
    %get3A_60 = arith.constant 0 : index
    %get3A_61 = arith.constant 0 : index
    %get3A_62 = vector.load %arg7[%get3A_60, %get3A_61] : memref<1x128xf32, #tpu.memory_space<vmem>>, vector<1x128xf32>
    %add3A_63 = vector.broadcast %get3A_62 : vector<1x128xf32> to vector<10240x128xf32>
    %add3A_64 = arith.addf %mul3A_59, %add3A_63 : vector<10240x128xf32>
    %max3A_65 = arith.constant 0.000000e+00 : f32
    %max3A_66 = vector.broadcast %max3A_65 : f32 to vector<10240x128xf32>
    %max3A_67 = arith.maximumf %add3A_64, %max3A_66 : vector<10240x128xf32>
    %iota3A_68 = tpu.iota {dimensions = array<i32: 1>} : vector<16x10240xi32>
    %get3A_69 = arith.constant 0 : index
    %get3A_70 = arith.constant 0 : index
    %get3A_71 = vector.load %arg8[%get3A_69, %get3A_70] : memref<16x1xi32, #tpu.memory_space<vmem>>, vector<16x1xi32>
    %ge3A = vector.broadcast %get3A_71 : vector<16x1xi32> to vector<16x10240xi32>
    %ge3A_72 = arith.cmpi sge, %iota3A_68, %ge3A : vector<16x10240xi32>
    %get3A_73 = arith.constant 0 : index
    %get3A_74 = arith.constant 0 : index
    %get3A_75 = vector.load %arg9[%get3A_73, %get3A_74] : memref<16x1xi32, #tpu.memory_space<vmem>>, vector<16x1xi32>
    %lt3A_76 = vector.broadcast %get3A_75 : vector<16x1xi32> to vector<16x10240xi32>
    %lt3A_77 = arith.cmpi slt, %iota3A_68, %lt3A_76 : vector<16x10240xi32>
    %and3A = arith.andi %ge3A_72, %lt3A_77 : vector<16x10240xi1>
    %jit3A_78 = arith.constant 1.000000e+00 : f32
    %jit3A_79 = arith.constant 0.000000e+00 : f32
    %broadcast_in_dim3A_80 = vector.broadcast %jit3A_78 : f32 to vector<16x10240xf32>
    %broadcast_in_dim3A_81 = vector.broadcast %jit3A_79 : f32 to vector<16x10240xf32>
    %select_n3A_82 = arith.select %and3A, %broadcast_in_dim3A_80, %broadcast_in_dim3A_81 : vector<16x10240xi1>, vector<16x10240xf32>
    %dot_general3A = arith.constant dense<0.000000e+00> : vector<16x128xf32>
    %dot_general3A_83 = tpu.matmul %select_n3A_82, %max3A_67, %dot_general3A {dimension_numbers = #tpu.dot_dimension_numbers<[1], [0], [0], [1], [0, 0, 1, 1], [], []>, transpose_lhs_hint = false} : vector<16x10240xf32>, vector<10240x128xf32>, vector<16x128xf32> -> vector<16x128xf32>
    %swap3A = arith.constant 0 : index
    %swap3A_84 = arith.constant 0 : index
    %swap3A_85 = vector.load %arg10[%swap3A, %swap3A_84] : memref<16x128xf32, #tpu.memory_space<vmem>>, vector<16x128xf32>
    tpu.vector_store %arg10[%swap3A, %swap3A_84], %dot_general3A_83 {strides = array<i32>} : memref<16x128xf32, #tpu.memory_space<vmem>>, vector<16x128xf32>,
    return
  }
}

</mosaic_0001>

<sc_bundles>
// kernel: kernel.14.cloned.1.call-start
scs
__scs_entry_jumppad:
0x0: {  	(pc) =	sbr.rel $0x88, $3  }
0x1: {  	(tag) =	ssettag $0x0;
	lr =	simm.s32 $0x1  }
0x2: {  	[smem:$0x3F8D] =	sst lr;
	_ =	strace $0xD0000000  }
0x3: {  	_ = 	snop  }
0x4: {  	_ = 	snop  }
0x5: {  	_ = 	snop  }
0x6: {  	_ = 	snop  }
0x7: {  	_ = 	snop  }
__scs_overlays_trampoline_lowered:
0x8: {  	[smem:$0x3F9C] =	sst s0  }
0x9: {  	[smem:$0x3F9D] =	sst s1  }
0xa: {  	[smem:$0x3F9E] =	sst s2  }
0xb: {  	[smem:$0x3F9F] =	sst s3  }
0xc: {  	[smem:$0x3FA0] =	sst s4  }
0xd: {  	[smem:$0x3FA1] =	sst s5  }
0xe: {  	[smem:$0x3FA2] =	sst s6  }
0xf: {  	[smem:$0x3FA3] =	sst s7  }
0x10: {  	[smem:$0x3FA4] =	sst s8  }
0x11: {  	[smem:$0x3FA5] =	sst s9;
	s0 =	simm.s32 @!p0 $0x0  }
0x12: {  	s1 =	sld [smem:$0x3F8B];
	s0 =	simm.s32 @p0 $0x1  }
0x13: {  	[smem:$0x3FA6] =	sst s0;
	s0 =	simm.s32 @!p1 $0x0  }
0x14: {  	s2 =	sld [smem:$0x3F8A];
	s0 =	simm.s32 @p1 $0x1  }
0x15: {  	[smem:$0x3FA7] =	sst s0;
	s0 =	simm.s32 @!p2 $0x0  }
0x16: {  	s3 =	sld [smem:$0x3FDB];
	s0 =	simm.s32 @p2 $0x1  }
0x17: {  	s4 =	simm.s32 $0x1BF5;
	[smem:$0x3FA9] =	sst s0  }
0x18: {  	s0 =	sld [smem:$0x3F8C];
	_ =	swait.ge [sflag:s4], $0x0  }
0x19: {  	s7 =	sld [smem:$0x3F8D]  }
0x1a: {  	s8 =	sadd.s32 $0xFFFFE003, lr  }
0x1b: {  	s9 =	sadd.s32 $0xFFFFFEF7, lr;
	s5 =	simm.s32 $0xFFFFFFFF;
	p2 =	slt.u32 s8, $0xFFFFF086  }
0x1c: {  	p1 =	slt.u32 s9, $0xF7A;
	s5 =	simm.s32 @!p2 $0x0  }
0x1d: {  	s5 =	simm.s32 @p1 $0x1;
	p0 =	seq.s32 s7, s2  }
0x1e: {  	s7 =	smul.u32 @!p0 $0xF7A, s2;
	p2 =	seq.s32 @!p0 s5, $0x0  }
0x1f: {  	s9 =	smul.u32 $0xF7A, s1;
	s8 =	simm.s32 @!p0 $0x1BF5;
	p2 =	por !p2, p0  }
0x20: {  	[sflag:s8] =	ssyncset.s32 @!p0 $0xFFFFF086;
	s6 =	sadd.s32 @!p0 s3, s7;
	s7 =	simm.s32 @!p0 $0x108  }
0x21: {  	s3 =	sadd.s32 s3, s9;
	s6 =	sadd.s32 @!p0 $0x88, s6;
	s7 =	simm.s32 @p2 $0x1082  }
0x22: {  	[simem:s7], [sflag:s8] =	dma.local @!p0 [hbm:s6], $0xF7A  }
0x23: {  	s9 =	sor.u32 $0xD0000000, s2;
	s6 =	simm.s32 $0x108;
	_ =	swait.ge @!p0 [sflag:s8], $0x0  }
0x24: {  	s3 =	sadd.s32 $0x88, s3;
	s6 =	simm.s32 @!p1 $0x1082;
	[sflag:s4] =	ssyncset.s32 $0xFFFFF086  }
0x25: {  	[simem:s6], [sflag:s4] =	dma.local [hbm:s3], $0xF7A  }
0x26: {  	[smem:$0x3F8D] =	sst s1;
	(tag) =	ssettag s2;
	_ =	strace s9  }
0x27: {  	s1 =	sld [smem:$0x3F9D]  }
0x28: {  	s2 =	sld [smem:$0x3F9E]  }
0x29: {  	s4 =	sld [smem:$0x3FA0]  }
0x2a: {  	p0 =	seq.s32 s5, $0x0;
	s5 =	sld [smem:$0x3FA1]  }
0x2b: {  	s6 =	sld [smem:$0x3FA2]  }
0x2c: {  	s7 =	sld [smem:$0x3FA3]  }
0x2d: {  	s3 =	simm.s32 $0x108;
	s8 =	sld [smem:$0x3FA4]  }
0x2e: {  	s3 =	simm.s32 @!p0 $0x1082;
	s9 =	sld [smem:$0x3FA5]  }
0x2f: {  	lr =	sadd.s32 s0, s3;
	s0 =	sld [smem:$0x3F9C]  }
0x30: {  	s3 =	sld [smem:$0x3F9F]  }
0x31: {  	[smem:$0x3FA8] =	sst s10  }
0x32: {  	s10 =	sld [smem:$0x3FA6];
	_ =	sdelay $0x3  }
0x33: {  	p0 =	seq.s32 s10, $0x1;
	s10 =	sld [smem:$0x3FA8];
	_ =	sdelay $0x3  }
0x34: {  	[smem:$0x3FA8] =	sst s10  }
0x35: {  	s10 =	sld [smem:$0x3FA7];
	_ =	sdelay $0x3  }
0x36: {  	p1 =	seq.s32 s10, $0x1;
	s10 =	sld [smem:$0x3FA8];
	_ =	sdelay $0x3  }
0x37: {  	[smem:$0x3FA8] =	sst s10  }
0x38: {  	s10 =	sld [smem:$0x3FA9]  }
0x39: {  	_ = 	snop;
	(pc) =	sbr.ind lr, $3  }
0x3a: {  	_ = 	snop  }
0x3b: {  	_ = 	snop  }
0x3c: {  	p2 =	seq.s32 s10, $0x1;
	s10 =	sld [smem:$0x3FA8]  }
0x3d: {  	_ =	shalt  }
0x3e: {  	_ =	shalt  }
0x3f: {  	_ =	shalt  }
0x40: {  	_ =	shalt  }
0x41: {  	_ =	shalt  }
0x42: {  	_ =	shalt  }
0x43: {  	_ =	shalt  }
0x44: {  	_ =	shalt  }
0x45: {  	_ =	shalt  }
0x46: {  	_ =	shalt  }
0x47: {  	_ =	shalt  }
0x48: {  	_ =	shalt  }
0x49: {  	_ =	shalt  }
0x4a: {  	_ =	shalt  }
0x4b: {  	_ =	shalt  }
0x4c: {  	_ =	shalt  }
0x4d: {  	_ =	shalt  }
0x4e: {  	_ =	shalt  }
0x4f: {  	_ =	shalt  }
0x50: {  	_ =	shalt  }
0x51: {  	_ =	shalt  }
0x52: {  	_ =	shalt  }
0x53: {  	_ =	shalt  }
0x54: {  	_ =	shalt  }
0x55: {  	_ =	shalt  }
0x56: {  	_ =	shalt  }
0x57: {  	_ =	shalt  }
0x58: {  	_ =	shalt  }
0x59: {  	_ =	shalt  }
0x5a: {  	_ =	shalt  }
0x5b: {  	_ =	shalt  }
0x5c: {  	_ =	shalt  }
0x5d: {  	_ =	shalt  }
0x5e: {  	_ =	shalt  }
0x5f: {  	_ =	shalt  }
0x60: {  	_ =	shalt  }
0x61: {  	_ =	shalt  }
0x62: {  	_ =	shalt  }
0x63: {  	_ =	shalt  }
0x64: {  	_ =	shalt  }
0x65: {  	_ =	shalt  }
0x66: {  	_ =	shalt  }
0x67: {  	_ =	shalt  }
0x68: {  	_ =	shalt  }
0x69: {  	_ =	shalt  }
0x6a: {  	_ =	shalt  }
0x6b: {  	_ =	shalt  }
0x6c: {  	_ =	shalt  }
0x6d: {  	_ =	shalt  }
0x6e: {  	_ =	shalt  }
0x6f: {  	_ =	shalt  }
0x70: {  	_ =	shalt  }
0x71: {  	_ =	shalt  }
0x72: {  	_ =	shalt  }
0x73: {  	_ =	shalt  }
0x74: {  	_ =	shalt  }
0x75: {  	_ =	shalt  }
0x76: {  	_ =	shalt  }
0x77: {  	_ =	shalt  }
0x78: {  	_ =	shalt  }
0x79: {  	_ =	shalt  }
0x7a: {  	_ =	shalt  }
0x7b: {  	_ =	shalt  }
0x7c: {  	_ =	shalt  }
0x7d: {  	_ =	shalt  }
0x7e: {  	_ =	shalt  }
0x7f: {  	_ =	shalt  }
0x80: {  	_ =	shalt  }
0x81: {  	_ =	shalt  }
0x82: {  	_ =	shalt  }
0x83: {  	_ =	shalt  }
0x84: {  	_ =	shalt  }
0x85: {  	_ =	shalt  }
0x86: {  	_ =	shalt  }
0x87: {  	_ =	shalt  }
.Lfunc_end0:
.L_simem_size_0:
called_computation_lowered:
.L_overlay_start_0:
0x88: {  	s2 =	sld [smem:$0x3FD9]  }
0x89: {  	s3 =	sld [smem:$0x3FFE];
	_ =	sdelay $0x1  }
0x8a: {  	s1 =	srdreg.scid  }
0x8b: {  	s0 =	sand.u32 $0x1, s1  }
0x8c: {  	s16 =	sshll.u32 s0, $0xA;
	s2 =	sadd.s32 s3, s2  }
0x8d: {  	s2 =	sadd.s32 s2, s16  }
0x8e: {  	[smem:$0x3FB4] =	sst s2  }
0x8f: {  	_ = 	snop  }
0x90: {  	(tm) =	ssettm $0x1  }
0x91: {  	s17 =	sld [smem:$0x3FFB];
	_ =	sdelay $0x3  }
0x92: {  	_ =	strace s17  }
0x93: {  	s2 =	sld [smem:$0x3FFC];
	_ =	sdelay $0x3  }
0x94: {  	_ =	strace s2  }
0x95: {  	s2 =	sld [smem:$0x3FFD];
	_ =	sdelay $0x3  }
0x96: {  	_ =	strace s2  }
0x97: {  	_ =	strace $0x8FFFFFFF  }
0x98: {  	s18 =	sld [smem:$0x3FDB];
	_ =	sdelay $0x1  }
0x99: {  	s19 =	simm.s32 $_scs_section_size  }
0x9a: {  	s4 =	simm.s32 $_size__tile_overlayer_lowered;
	s5 =	simm.s32 $_tile_overlayer_lowered  }
0x9b: {  	s22 =	simm.s32 $0x1BFF;
	s21 =	sshll.u32 s5, $0x1;
	s2 =	sadd.s32 s19, s18  }
0x9c: {  	s6 =	simm.s32 $0x0;
	s20 =	sshll.u32 s4, $0x1;
	s4 =	sadd.s32 s21, s2  }
0x9d: {  	[timem:s6], [sflag:s22] =	dma.local [hbm:s4], s20  }
0x9e: {  	_ =	swait.ge [sflag:s22], s20  }
0x9f: {  	s3 =	ssub.s32 $0x0, s20;
	[sflag:s22] =	ssyncset.done $0x0  }
0xa0: {  	[sflag:s22] =	ssyncadd.s32 s3;
	_ =	sdelay $0x1  }
0xa1: {  	s23 =	simm.s32 $0x1B8B  }
0xa2: {  	_ =	swait.ge [sflag:s23], $0x1  }
0xa3: {  	[sflag:s23] =	ssyncset.done $0x0  }
0xa4: {  	s25 =	simm.s32 $0x1B8E;
	s24 =	sld [smem:$0x3FFE];
	[sflag:s23] =	ssyncadd.s32 $0xFFFFFFFF  }
0xa5: {  	s26 =	simm.s32 $execute0_lowered;
	[smem:$0x3FD2] =	sst s25  }
0xa6: {  	s4 =	sshll.u32 s26, $0x1;
	_ =	strace $0x80000046;
	[dreg:$0x1] =	wrdreg $0xFFFFFFFF  }
0xa7: {  	s28 =	simm.s32 $_size_execute0_lowered;
	s2 =	sadd.s32 s2, s4;
	[dreg:$0x0] =	wrdreg $0x0  }
0xa8: {  	s4 =	sshll.u32 s28, $0x1;
	[dreg:$0x2] =	wrdreg s2  }
0xa9: {  	[dreg:$0x3] =	wrdreg s4  }
0xaa: {  	[dreg:$0x4] =	wrdreg $0xC0  }
0xab: {  	_ =	task [dreg:s6], $0x5FFFF  }
0xac: {  	[dreg:$0x1] =	wrdreg $0xFFFFFFFF  }
0xad: {  	[dreg:$0x0] =	wrdreg $0x60  }
0xae: {  	[dreg:$0x2] =	wrdreg s24  }
0xaf: {  	[dreg:$0x3] =	wrdreg $0x90000  }
0xb0: {  	[dreg:$0x4] =	wrdreg $0x9  }
0xb1: {  	_ =	task.clear_ibuf [dreg:s6], $0x5FFFF;
	_ =	strace $0x90000046  }
0xb2: {  	s29 =	simm.s32 $0x9;
	_ =	strace $0x80000048  }
0xb3: {  	_ =	swait.ge [sflag:s29], $0x1  }
0xb4: {  	[sflag:s29] =	ssyncadd.s32 $0xFFFFFFFF  }
0xb5: {  	_ =	strace $0x90000048  }
0xb6: {  	_ =	sfence  }
0xb7: {  	s30 =	sld [smem:$0x0];
	_ =	sdelay $0x2  }
0xb8: {  	s31 =	sshll.u32 s1, $0xD;
	s1 =	sshrl.u32 s1, $0x2  }
0xb9: {  	s3 =	sand.u32 $0x4000, s31;
	s1 =	sadd.s32 s1, s30  }
0xba: {  	s0 =	sor.u32 s3, s0;
	s1 =	sshll.u32 s1, $0x11  }
0xbb: {  	s0 =	sor.u32 s1, s0  }
0xbc: {  	s0 =	sadd.s32 $0x8F2B, s0  }
0xbd: {  	[sflag:s0] =	ssyncadd.remote.s32 $0x1  }
0xbe: {  	_ =	sfence.sel $0xFFFF  }
0xbf: {  	[dreg:$0x0] =	wrdreg $0xFFFFFFFF;
	(pc) =	sbr.abs _section_cstart, $3  }
0xc0: {  	[dreg:$0x1] =	wrdreg $0xFFFFFFFF  }
0xc1: {  	_ =	task.clear_ibuf [dreg:s6], $0x2FFFF;
	_ =	strace $0x9FFFFFFF  }
0xc2: {  	(tm) =	ssettm $0x7FFFFFFF  }
0xc3: {  	_ =	shalt  }
tec
execute0_lowered:
.L_overlay_start_1:
0x0: {  	(tag) =	ssettag $0x1  }
0x1: {  	s0 =	rddreg [dreg:$0x0]  }
0x2: {  	s2 =	rddreg [dreg:$0x1];
	s3 =	simm.s32 $0x0  }
0x3: {  	s13 =	stileid.u32;
	s1 =	srdreg.scid;
	s16 =	simm.s32 $0x5  }
0x4: {  	s28 =	simm.s32 $0xD00;
	s29 =	simm.s32 $0x600;
	s30 =	simm.s32 $0xD80  }
0x5: {  	s31 =	simm.s32 $0x680;
	[smem:$0x7FF] =	sst s3;
	s5 =	smul.u32 $0x14000, s13  }
0x6: {  	s1 =	sand.u32 $0x1, s1;
	s4 =	sadd.s32 $0x43A00, s0;
	s10 =	smul.u32 $0x50000, s13  }
0x7: {  	s7 =	sadd.s32 $0x7A00, s0;
	s9 =	sadd.s32 $0x11A00, s0;
	s12 =	smul.u32 $0xA, s13  }
0x8: {  	s20 =	sshll.u32 s13, $0x6;
	_ =	strace $0x80000047;
	s6 =	smul.u32 $0x140000, s1  }
0x9: {  	s17 =	ssub.s32 $0x2, s1;
	s11 =	smul.u32 $0xA0, s1;
	s1 =	sshll.u32 s1, $0x4  }
0xa: {  	s8 =	sshrl.u32 s5, $0x3;
	s18 =	sshrl.u32 s17, $0x1;
	s10 =	sshrl.u32 s10, $0x2  }
0xb: {  	s1 =	sor.u32 s13, s1;
	s8 =	sadd.s32 s8, s0;
	s5 =	sadd.s32 s5, s6  }
0xc: {  	s19 =	sadd.s32 s10, s2;
	s1 =	smul.u32 $0x500, s1;
	s11 =	sadd.s32 s12, s11  }
0xd: {  	s6 =	simm.s32 $0x4;
	s10 =	simm.s32 $0x3;
	s5 =	sshrl.u32 s5, $0x3  }
0xe: {  	s8 =	sadd.s32 $0x1BA00, s8;
	s21 =	sshll.u32 s11, $0x7;
	s0 =	sadd.s32 s5, s0  }
0xf: {  	s5 =	ssub.s32 s17, s18;
	[dreg:$0x3] =	wrdreg s8;
	s17 =	sor.u32 $0x1C05, s20  }
0x10: {  	s22 =	sadd.s32 s7, s1;
	s1 =	sadd.s32 s9, s1;
	s23 =	sadd.s32 $0x100, s21  }
0x11: {  	s25 =	sadd.s32 s21, s7;
	s26 =	sadd.s32 s21, s9;
	s18 =	simm.s32 $0x400  }
0x12: {  	s20 =	simm.s32 $0x80;
	s21 =	simm.s32 $0x1000;
	[dreg:$0x5] =	wrdreg s22  }
0x13: {  	s8 =	simm.s32 $0xF00;
	[dreg:$0x6] =	wrdreg s1;
	s0 =	sadd.s32 $0x6BA00, s0  }
0x14: {  	s24 =	smax.u32 s5, $0x1;
	s11 =	sadd.s32 s23, s7;
	s12 =	sadd.s32 s23, s9  }
0x15: {  	s13 =	sadd.s32 $0x80, s25;
	s14 =	sadd.s32 $0x80, s26;
	s22 =	simm.s32 $0x5000  }
.Ltmp0:
0x16: {  	s23 =	simm.s32 $0x1;
	s25 =	simm.s32 $0x2;
	(pc) =	sbr.rel .LBB2_1-.Ltmp0, $4  }
0x17: {  	s1 =	simm.s32 $0x700;
	s5 =	simm.s32 $0xE80;
	[dreg:$0x4] =	wrdreg s17  }
0x18: {  	s7 =	simm.s32 $0x780;
	s9 =	simm.s32 $0xF80;
	[dreg:$0x7] =	wrdreg s0  }
0x19: {  	s26 =	simm.s32 $0x0;
	[dreg:$0x8] =	wrdreg s24;
	s24 =	sshrl.u32 s19, $0x3  }
0x1a: {  	s19 =	simm.s32 $0xC00;
	s0 =	simm.s32 $0xE00;
	[dreg:$0x9] =	wrdreg s24  }
.LBB2_4:
0x1b: {  	[bflag:$0x0] =	sbarrier.arrive $0xFFFF  }
0x1c: {  	s17 =	rddreg [dreg:$0x4]  }
0x1d: {  	s15 =	rddreg [dreg:$0x7]  }
0x1e: {  	s24 =	rddreg [dreg:$0x9]  }
0x1f: {  	[hbm:s15], [sflag:s17] =	dma.local [spmem:s24], $0x2800  }
0x20: {  	_ =	swait.ge [sflag:s16], $0x2800  }
0x21: {  	s26 =	rddreg [dreg:$0xa]  }
0x22: {  	s15 =	rddreg [dreg:$0x8];
	s26 =	sadd.s32 $0x1, s26  }
0x23: {  	p0 =	sne.s32 s26, s15  }
.Ltmp1:
0x24: {  	_ = 	snop;
	(pc) =	sbr.rel @!p0 .LBB2_5-.Ltmp1, $3  }
0x25: {  	_ =	sdelay $0x1  }
0x26: {  	[sflag:s16] =	ssyncset.done $0x0  }
0x27: {  	[sflag:s16] =	ssyncadd.s32 $0xFFFFD800  }
.LBB2_1:
0x28: {  	[dreg:$0xa] =	wrdreg s26  }
0x29: {  	s15 =	rddreg [dreg:$0x3]  }
0x2a: {  	[spmem:s24], [sflag:s17] =	dma.local [hbm:s15], $0x2800  }
0x2b: {  	_ =	swait.ge [sflag:s16], $0x2800  }
0x2c: {  	[sflag:s16] =	ssyncset.done $0x0  }
0x2d: {  	s17 =	rddreg [dreg:$0x5];
	[sflag:s16] =	ssyncadd.s32 $0xFFFFD800  }
0x2e: {  	[tilespmem:s3], [sflag:$0x5] =	stream.linear.gather [hbm4b:s17+s3], $0x400, $0x38;
	[tilespmem:$0x1D000] =	vst v63  }
0x2f: {  	_ =	swait.ge [sflag:s16], $0x400  }
0x30: {  	[sflag:s16] =	ssyncset.done $0x0  }
0x31: {  	s26 =	simm.s32 $0x800;
	s24 =	rddreg [dreg:$0x6];
	[sflag:s16] =	ssyncadd.s32 $0xFFFFFC00  }
0x32: {  	[tilespmem:s26], [sflag:$0x5] =	stream.linear.gather [hbm4b:s24+s3], $0x400, $0x38;
	[tilespmem:$0x1D000] =	vst v63  }
0x33: {  	_ =	swait.ge [sflag:s16], $0x400  }
0x34: {  	[sflag:s16] =	ssyncset.done $0x0  }
0x35: {  	[sflag:s16] =	ssyncadd.s32 $0xFFFFFC00  }
0x36: {  	s15 =	simm.s32 $0x0;
	[bflag:$0x0] =	sbarrier.arrive $0xFFFF  }
.LBB2_2:
0x37: {  	s24 =	sadd.s32 s15, s13  }
0x38: {  	[tilespmem:s18], [sflag:$0x4] =	stream.linear.gather [hbm4b:s24+s3], $0x400, $0x38;
	[tilespmem:$0x1D000] =	vst v63  }
0x39: {  	s17 =	sadd.s32 s15, s14  }
0x3a: {  	[tilespmem:s19], [sflag:$0x4] =	stream.linear.gather [hbm4b:s17+s3], $0x400, $0x38;
	[tilespmem:$0x1D000] =	vst v63  }
0x3b: {  	_ = 	snop  }
0x3c: {  	[tilespmem:s21], [sflag:$0x1] =	stream.indirect.gather [hbm4b:s4+s20], $0x80, s3, s20, $0xb8;
	[tilespmem:$0x1D000] =	vst v63  }
0x3d: {  	_ = 	snop  }
0x3e: {  	[tilespmem:s22], [sflag:$0x2] =	stream.indirect.gather [hbm4b:s4+s20], $0x80, s20, s20, $0xb8;
	[tilespmem:$0x1D000] =	vst v63  }
0x3f: {  	_ =	swait.ge [sflag:s23], $0x4000  }
0x40: {  	[sflag:s23] =	ssyncset.done $0x0  }
0x41: {  	s17 =	simm.s32 $0x800;
	[sflag:s23] =	ssyncadd.s32 $0xFFFFC000  }
0x42: {  	[spmem:s2] =	stream.indirect.scatter.add.f32 [tilespmem:s21], [sflag:$0x5], $0x80, s17, s20, $0xb8;
	[tilespmem:$0x1D000] =	vst v63  }
0x43: {  	_ =	swait.ge [sflag:s16], $0x4000  }
0x44: {  	[sflag:s16] =	ssyncset.done $0x0  }
0x45: {  	s26 =	simm.s32 $0x100;
	[sflag:s16] =	ssyncadd.s32 $0xFFFFC000  }
0x46: {  	[tilespmem:s21], [sflag:$0x1] =	stream.indirect.gather [hbm4b:s4+s20], $0x80, s26, s20, $0xb8;
	[tilespmem:$0x1D000] =	vst v63  }
0x47: {  	_ =	swait.ge [sflag:s25], $0x4000  }
0x48: {  	[sflag:s25] =	ssyncset.done $0x0  }
0x49: {  	s24 =	simm.s32 $0x880;
	[sflag:s25] =	ssyncadd.s32 $0xFFFFC000  }
0x4a: {  	[spmem:s2] =	stream.indirect.scatter.add.f32 [tilespmem:s22], [sflag:$0x5], $0x80, s24, s20, $0xb8;
	[tilespmem:$0x1D000] =	vst v63  }
0x4b: {  	_ =	swait.ge [sflag:s16], $0x4000  }
0x4c: {  	[sflag:s16] =	ssyncset.done $0x0  }
0x4d: {  	s26 =	simm.s32 $0x180;
	[sflag:s16] =	ssyncadd.s32 $0xFFFFC000  }
0x4e: {  	[tilespmem:s22], [sflag:$0x2] =	stream.indirect.gather [hbm4b:s4+s20], $0x80, s26, s20, $0xb8;
	[tilespmem:$0x1D000] =	vst v63  }
0x4f: {  	_ =	swait.ge [sflag:s23], $0x4000  }
0x50: {  	[sflag:s23] =	ssyncset.done $0x0  }
0x51: {  	s24 =	simm.s32 $0x900;
	[sflag:s23] =	ssyncadd.s32 $0xFFFFC000  }
0x52: {  	[spmem:s2] =	stream.indirect.scatter.add.f32 [tilespmem:s21], [sflag:$0x5], $0x80, s24, s20, $0xb8;
	[tilespmem:$0x1D000] =	vst v63  }
0x53: {  	_ =	swait.ge [sflag:s16], $0x4000  }
0x54: {  	[sflag:s16] =	ssyncset.done $0x0  }
0x55: {  	s26 =	simm.s32 $0x200;
	[sflag:s16] =	ssyncadd.s32 $0xFFFFC000  }
0x56: {  	[tilespmem:s21], [sflag:$0x1] =	stream.indirect.gather [hbm4b:s4+s20], $0x80, s26, s20, $0xb8;
	[tilespmem:$0x1D000] =	vst v63  }
0x57: {  	_ =	swait.ge [sflag:s25], $0x4000  }
0x58: {  	[sflag:s25] =	ssyncset.done $0x0  }
0x59: {  	s24 =	simm.s32 $0x980;
	[sflag:s25] =	ssyncadd.s32 $0xFFFFC000  }
0x5a: {  	[spmem:s2] =	stream.indirect.scatter.add.f32 [tilespmem:s22], [sflag:$0x5], $0x80, s24, s20, $0xb8;
	[tilespmem:$0x1D000] =	vst v63  }
0x5b: {  	_ =	swait.ge [sflag:s16], $0x4000  }
0x5c: {  	[sflag:s16] =	ssyncset.done $0x0  }
0x5d: {  	s26 =	simm.s32 $0x280;
	[sflag:s16] =	ssyncadd.s32 $0xFFFFC000  }
0x5e: {  	[tilespmem:s22], [sflag:$0x2] =	stream.indirect.gather [hbm4b:s4+s20], $0x80, s26, s20, $0xb8;
	[tilespmem:$0x1D000] =	vst v63  }
0x5f: {  	_ =	swait.ge [sflag:s23], $0x4000  }
0x60: {  	[sflag:s23] =	ssyncset.done $0x0  }
0x61: {  	s24 =	simm.s32 $0xA00;
	[sflag:s23] =	ssyncadd.s32 $0xFFFFC000  }
0x62: {  	[spmem:s2] =	stream.indirect.scatter.add.f32 [tilespmem:s21], [sflag:$0x5], $0x80, s24, s20, $0xb8;
	[tilespmem:$0x1D000] =	vst v63  }
0x63: {  	_ =	swait.ge [sflag:s16], $0x4000  }
0x64: {  	[sflag:s16] =	ssyncset.done $0x0  }
0x65: {  	s26 =	simm.s32 $0x300;
	[sflag:s16] =	ssyncadd.s32 $0xFFFFC000  }
0x66: {  	[tilespmem:s21], [sflag:$0x1] =	stream.indirect.gather [hbm4b:s4+s20], $0x80, s26, s20, $0xb8;
	[tilespmem:$0x1D000] =	vst v63  }
0x67: {  	_ =	swait.ge [sflag:s25], $0x4000  }
0x68: {  	[sflag:s25] =	ssyncset.done $0x0  }
0x69: {  	s24 =	simm.s32 $0xA80;
	[sflag:s25] =	ssyncadd.s32 $0xFFFFC000  }
0x6a: {  	[spmem:s2] =	stream.indirect.scatter.add.f32 [tilespmem:s22], [sflag:$0x5], $0x80, s24, s20, $0xb8;
	[tilespmem:$0x1D000] =	vst v63  }
0x6b: {  	_ =	swait.ge [sflag:s16], $0x4000  }
0x6c: {  	[sflag:s16] =	ssyncset.done $0x0  }
0x6d: {  	s26 =	simm.s32 $0x380;
	[sflag:s16] =	ssyncadd.s32 $0xFFFFC000  }
0x6e: {  	[tilespmem:s22], [sflag:$0x2] =	stream.indirect.gather [hbm4b:s4+s20], $0x80, s26, s20, $0xb8;
	[tilespmem:$0x1D000] =	vst v63  }
0x6f: {  	_ =	swait.ge [sflag:s23], $0x4000  }
0x70: {  	[sflag:s23] =	ssyncset.done $0x0  }
0x71: {  	s24 =	simm.s32 $0xB00;
	[sflag:s23] =	ssyncadd.s32 $0xFFFFC000  }
0x72: {  	[spmem:s2] =	stream.indirect.scatter.add.f32 [tilespmem:s21], [sflag:$0x5], $0x80, s24, s20, $0xb8;
	[tilespmem:$0x1D000] =	vst v63  }
0x73: {  	_ =	swait.ge [sflag:s16], $0x4000  }
0x74: {  	[sflag:s16] =	ssyncset.done $0x0  }
0x75: {  	[sflag:s16] =	ssyncadd.s32 $0xFFFFC000  }
0x76: {  	_ =	swait.ge [sflag:s25], $0x4000  }
0x77: {  	[sflag:s25] =	ssyncset.done $0x0  }
0x78: {  	s26 =	simm.s32 $0xB80;
	[sflag:s25] =	ssyncadd.s32 $0xFFFFC000  }
0x79: {  	[spmem:s2] =	stream.indirect.scatter.add.f32 [tilespmem:s22], [sflag:$0x5], $0x80, s26, s20, $0xb8;
	[tilespmem:$0x1D000] =	vst v63  }
0x7a: {  	_ =	swait.ge [sflag:s16], $0x4000  }
0x7b: {  	[sflag:s16] =	ssyncset.done $0x0  }
0x7c: {  	[sflag:s16] =	ssyncadd.s32 $0xFFFFC000  }
0x7d: {  	_ =	swait.ge [sflag:s6], $0x400  }
0x7e: {  	[sflag:s6] =	ssyncset.done $0x0  }
0x7f: {  	[sflag:s6] =	ssyncadd.s32 $0xFFFFFC00  }
0x80: {  	_ =	swait.ge [sflag:s6], $0x400  }
0x81: {  	p0 =	seq.s32 s15, $0x400;
	[sflag:s6] =	ssyncset.done $0x0  }
0x82: {  	s17 =	simm.s32 @!p0 $0x0;
	s24 =	sadd.s32 @!p0 s15, s11;
	[sflag:s6] =	ssyncadd.s32 $0xFFFFFC00  }
0x83: {  	[tilespmem:s17], [sflag:$0x3] =	stream.linear.gather @!p0 [hbm4b:s24+s17], $0x400, $0x38;
	[tilespmem:$0x1D000] =	vst v63  }
0x84: {  	s26 =	simm.s32 @!p0 $0x800;
	s24 =	sadd.s32 @!p0 s15, s12  }
0x85: {  	[tilespmem:s26], [sflag:$0x3] =	stream.linear.gather @!p0 [hbm4b:s24+s17], $0x400, $0x38;
	[tilespmem:$0x1D000] =	vst v63  }
0x86: {  	_ = 	snop  }
0x87: {  	[tilespmem:s21], [sflag:$0x1] =	stream.indirect.gather [hbm4b:s4+s20], $0x80, s18, s20, $0xb8;
	[tilespmem:$0x1D000] =	vst v63  }
0x88: {  	s24 =	simm.s32 $0x480  }
0x89: {  	[tilespmem:s22], [sflag:$0x2] =	stream.indirect.gather [hbm4b:s4+s20], $0x80, s24, s20, $0xb8;
	[tilespmem:$0x1D000] =	vst v63  }
0x8a: {  	_ =	swait.ge [sflag:s23], $0x4000  }
0x8b: {  	[sflag:s23] =	ssyncset.done $0x0  }
0x8c: {  	[sflag:s23] =	ssyncadd.s32 $0xFFFFC000  }
0x8d: {  	[spmem:s2] =	stream.indirect.scatter.add.f32 [tilespmem:s21], [sflag:$0x5], $0x80, s19, s20, $0xb8;
	[tilespmem:$0x1D000] =	vst v63  }
0x8e: {  	_ =	swait.ge [sflag:s16], $0x4000  }
0x8f: {  	[sflag:s16] =	ssyncset.done $0x0  }
0x90: {  	s26 =	simm.s32 $0x500;
	[sflag:s16] =	ssyncadd.s32 $0xFFFFC000  }
0x91: {  	[tilespmem:s21], [sflag:$0x1] =	stream.indirect.gather [hbm4b:s4+s20], $0x80, s26, s20, $0xb8;
	[tilespmem:$0x1D000] =	vst v63  }
0x92: {  	_ =	swait.ge [sflag:s25], $0x4000  }
0x93: {  	[sflag:s25] =	ssyncset.done $0x0  }
0x94: {  	s24 =	simm.s32 $0xC80;
	[sflag:s25] =	ssyncadd.s32 $0xFFFFC000  }
0x95: {  	[spmem:s2] =	stream.indirect.scatter.add.f32 [tilespmem:s22], [sflag:$0x5], $0x80, s24, s20, $0xb8;
	[tilespmem:$0x1D000] =	vst v63  }
0x96: {  	_ =	swait.ge [sflag:s16], $0x4000  }
0x97: {  	[sflag:s16] =	ssyncset.done $0x0  }
0x98: {  	s26 =	simm.s32 $0x580;
	[sflag:s16] =	ssyncadd.s32 $0xFFFFC000  }
0x99: {  	[tilespmem:s22], [sflag:$0x2] =	stream.indirect.gather [hbm4b:s4+s20], $0x80, s26, s20, $0xb8;
	[tilespmem:$0x1D000] =	vst v63  }
0x9a: {  	_ =	swait.ge [sflag:s23], $0x4000  }
0x9b: {  	[sflag:s23] =	ssyncset.done $0x0  }
0x9c: {  	[sflag:s23] =	ssyncadd.s32 $0xFFFFC000  }
0x9d: {  	[spmem:s2] =	stream.indirect.scatter.add.f32 [tilespmem:s21], [sflag:$0x5], $0x80, s28, s20, $0xb8;
	[tilespmem:$0x1D000] =	vst v63  }
0x9e: {  	_ =	swait.ge [sflag:s16], $0x4000  }
0x9f: {  	[sflag:s16] =	ssyncset.done $0x0  }
0xa0: {  	[sflag:s16] =	ssyncadd.s32 $0xFFFFC000  }
0xa1: {  	[tilespmem:s21], [sflag:$0x1] =	stream.indirect.gather [hbm4b:s4+s20], $0x80, s29, s20, $0xb8;
	[tilespmem:$0x1D000] =	vst v63  }
0xa2: {  	_ =	swait.ge [sflag:s25], $0x4000  }
0xa3: {  	[sflag:s25] =	ssyncset.done $0x0  }
0xa4: {  	[sflag:s25] =	ssyncadd.s32 $0xFFFFC000  }
0xa5: {  	[spmem:s2] =	stream.indirect.scatter.add.f32 [tilespmem:s22], [sflag:$0x5], $0x80, s30, s20, $0xb8;
	[tilespmem:$0x1D000] =	vst v63  }
0xa6: {  	_ =	swait.ge [sflag:s16], $0x4000  }
0xa7: {  	[sflag:s16] =	ssyncset.done $0x0  }
0xa8: {  	[sflag:s16] =	ssyncadd.s32 $0xFFFFC000  }
0xa9: {  	[tilespmem:s22], [sflag:$0x2] =	stream.indirect.gather [hbm4b:s4+s20], $0x80, s31, s20, $0xb8;
	[tilespmem:$0x1D000] =	vst v63  }
0xaa: {  	_ =	swait.ge [sflag:s23], $0x4000  }
0xab: {  	[sflag:s23] =	ssyncset.done $0x0  }
0xac: {  	[sflag:s23] =	ssyncadd.s32 $0xFFFFC000  }
0xad: {  	[spmem:s2] =	stream.indirect.scatter.add.f32 [tilespmem:s21], [sflag:$0x5], $0x80, s0, s20, $0xb8;
	[tilespmem:$0x1D000] =	vst v63  }
0xae: {  	_ =	swait.ge [sflag:s16], $0x4000  }
0xaf: {  	[sflag:s16] =	ssyncset.done $0x0  }
0xb0: {  	[sflag:s16] =	ssyncadd.s32 $0xFFFFC000  }
0xb1: {  	[tilespmem:s21], [sflag:$0x1] =	stream.indirect.gather [hbm4b:s4+s20], $0x80, s1, s20, $0xb8;
	[tilespmem:$0x1D000] =	vst v63  }
0xb2: {  	_ =	swait.ge [sflag:s25], $0x4000  }
0xb3: {  	[sflag:s25] =	ssyncset.done $0x0  }
0xb4: {  	[sflag:s25] =	ssyncadd.s32 $0xFFFFC000  }
0xb5: {  	[spmem:s2] =	stream.indirect.scatter.add.f32 [tilespmem:s22], [sflag:$0x5], $0x80, s5, s20, $0xb8;
	[tilespmem:$0x1D000] =	vst v63  }
0xb6: {  	_ =	swait.ge [sflag:s16], $0x4000  }
0xb7: {  	[sflag:s16] =	ssyncset.done $0x0  }
0xb8: {  	[sflag:s16] =	ssyncadd.s32 $0xFFFFC000  }
0xb9: {  	[tilespmem:s22], [sflag:$0x2] =	stream.indirect.gather [hbm4b:s4+s20], $0x80, s7, s20, $0xb8;
	[tilespmem:$0x1D000] =	vst v63  }
0xba: {  	_ =	swait.ge [sflag:s23], $0x4000  }
0xbb: {  	[sflag:s23] =	ssyncset.done $0x0  }
0xbc: {  	[sflag:s23] =	ssyncadd.s32 $0xFFFFC000  }
0xbd: {  	[spmem:s2] =	stream.indirect.scatter.add.f32 [tilespmem:s21], [sflag:$0x5], $0x80, s8, s20, $0xb8;
	[tilespmem:$0x1D000] =	vst v63  }
0xbe: {  	_ =	swait.ge [sflag:s16], $0x4000  }
0xbf: {  	[sflag:s16] =	ssyncset.done $0x0  }
0xc0: {  	[sflag:s16] =	ssyncadd.s32 $0xFFFFC000  }
0xc1: {  	_ =	swait.ge [sflag:s25], $0x4000  }
0xc2: {  	[sflag:s25] =	ssyncset.done $0x0  }
.Ltmp2:
0xc3: {  	[sflag:s25] =	ssyncadd.s32 $0xFFFFC000;
	(pc) =	sbr.rel @p0 .LBB2_4-.Ltmp2, $4  }
0xc4: {  	[spmem:s2] =	stream.indirect.scatter.add.f32 [tilespmem:s22], [sflag:$0x5], $0x80, s9, s20, $0xb8;
	[tilespmem:$0x1D000] =	vst v63  }
0xc5: {  	_ =	swait.ge [sflag:s16], $0x4000  }
0xc6: {  	[sflag:s16] =	ssyncset.done $0x0  }
0xc7: {  	[sflag:s16] =	ssyncadd.s32 $0xFFFFC000  }
0xc8: {  	_ =	swait.ge [sflag:s10], $0x400  }
.Ltmp3:
0xc9: {  	[sflag:s10] =	ssyncset.done $0x0;
	(pc) =	sbr.rel .LBB2_2-.Ltmp3, $4  }
0xca: {  	[sflag:s10] =	ssyncadd.s32 $0xFFFFFC00  }
0xcb: {  	_ =	swait.ge [sflag:s10], $0x400  }
0xcc: {  	[sflag:s10] =	ssyncset.done $0x0  }
0xcd: {  	s15 =	sadd.s32 $0x100, s15;
	[sflag:s10] =	ssyncadd.s32 $0xFFFFFC00  }
.LBB2_5:
0xce: {  	_ =	sfence.sel $0x180000  }
0xcf: {  	[bflag:$0x0] =	sbarrier.arrive $0xFFFF  }
0xd0: {  	_ =	strace $0x90000047  }
0xd1: {  	s0 =	stileid.u32;
	[bflag:$0x2] =	sbarrier.arrive $0xFFFF  }
0xd2: {  	p0 =	sne.s32 s0, $0x0;
	s0 =	rddreg [dreg:$0x2]  }
0xd3: {  	s0 =	sadd.s32 @!p0 $0x100000, s0  }
0xd4: {  	[sflag:s0] =	ssyncadd.tile.s32 @!p0 $0x1;
	_ =	shalt  }
.Lfunc_end2:
_tile_overlayer_lowered:
.L_overlay_start_2:
0xd5: {  	(tag) =	ssettag $0x2  }
0xd6: {  	s0 =	rddreg [dreg:$0x0];
	s2 =	stileid.u32  }
0xd7: {  	s1 =	rddreg [dreg:$0x1];
	p0 =	sne.s32 s2, $0x0  }
0xd8: {  	s3 =	rddreg [dreg:$0x2];
	[bflag:$0x3] =	sbarrier.arrive $0xFFFF;
	s2 =	simm.s32 @!p0 $0x1C05  }
0xd9: {  	[timem:s3], [sflag:s2] =	dma.local @!p0 [hbm:s0], s1  }
0xda: {  	s0 =	simm.s32 @!p0 $0x5  }
0xdb: {  	_ =	swait.ge @!p0 [sflag:s0], s1  }
0xdc: {  	s1 =	ssub.s32 @!p0 $0x0, s1;
	[sflag:s0] =	ssyncset.done @!p0 $0x0  }
0xdd: {  	[sflag:s0] =	ssyncadd.s32 @!p0 s1  }
0xde: {  	[bflag:$0x3] =	sbarrier.arrive $0xFFFF  }
0xdf: {  	_ =	shalt  }

// kernel: kernel.17.cloned.1.call-start
scs
__scs_entry_jumppad:
0x0: {  	(pc) =	sbr.rel $0x88, $3  }
0x1: {  	(tag) =	ssettag $0x0;
	lr =	simm.s32 $0x1  }
0x2: {  	[smem:$0x3F8D] =	sst lr;
	_ =	strace $0xD0000000  }
0x3: {  	_ = 	snop  }
0x4: {  	_ = 	snop  }
0x5: {  	_ = 	snop  }
0x6: {  	_ = 	snop  }
0x7: {  	_ = 	snop  }
__scs_overlays_trampoline_lowered:
0x8: {  	[smem:$0x3F9C] =	sst s0  }
0x9: {  	[smem:$0x3F9D] =	sst s1  }
0xa: {  	[smem:$0x3F9E] =	sst s2  }
0xb: {  	[smem:$0x3F9F] =	sst s3  }
0xc: {  	[smem:$0x3FA0] =	sst s4  }
0xd: {  	[smem:$0x3FA1] =	sst s5  }
0xe: {  	[smem:$0x3FA2] =	sst s6  }
0xf: {  	[smem:$0x3FA3] =	sst s7  }
0x10: {  	[smem:$0x3FA4] =	sst s8  }
0x11: {  	[smem:$0x3FA5] =	sst s9;
	s0 =	simm.s32 @!p0 $0x0  }
0x12: {  	s1 =	sld [smem:$0x3F8B];
	s0 =	simm.s32 @p0 $0x1  }
0x13: {  	[smem:$0x3FA6] =	sst s0;
	s0 =	simm.s32 @!p1 $0x0  }
0x14: {  	s2 =	sld [smem:$0x3F8A];
	s0 =	simm.s32 @p1 $0x1  }
0x15: {  	[smem:$0x3FA7] =	sst s0;
	s0 =	simm.s32 @!p2 $0x0  }
0x16: {  	s3 =	sld [smem:$0x3FDB];
	s0 =	simm.s32 @p2 $0x1  }
0x17: {  	s4 =	simm.s32 $0x1BF5;
	[smem:$0x3FA9] =	sst s0  }
0x18: {  	s0 =	sld [smem:$0x3F8C];
	_ =	swait.ge [sflag:s4], $0x0  }
0x19: {  	s7 =	sld [smem:$0x3F8D]  }
0x1a: {  	s8 =	sadd.s32 $0xFFFFE003, lr  }
0x1b: {  	s9 =	sadd.s32 $0xFFFFFEF7, lr;
	s5 =	simm.s32 $0xFFFFFFFF;
	p2 =	slt.u32 s8, $0xFFFFF086  }
0x1c: {  	p1 =	slt.u32 s9, $0xF7A;
	s5 =	simm.s32 @!p2 $0x0  }
0x1d: {  	s5 =	simm.s32 @p1 $0x1;
	p0 =	seq.s32 s7, s2  }
0x1e: {  	s7 =	smul.u32 @!p0 $0xF7A, s2;
	p2 =	seq.s32 @!p0 s5, $0x0  }
0x1f: {  	s9 =	smul.u32 $0xF7A, s1;
	s8 =	simm.s32 @!p0 $0x1BF5;
	p2 =	por !p2, p0  }
0x20: {  	[sflag:s8] =	ssyncset.s32 @!p0 $0xFFFFF086;
	s6 =	sadd.s32 @!p0 s3, s7;
	s7 =	simm.s32 @!p0 $0x108  }
0x21: {  	s3 =	sadd.s32 s3, s9;
	s6 =	sadd.s32 @!p0 $0x88, s6;
	s7 =	simm.s32 @p2 $0x1082  }
0x22: {  	[simem:s7], [sflag:s8] =	dma.local @!p0 [hbm:s6], $0xF7A  }
0x23: {  	s9 =	sor.u32 $0xD0000000, s2;
	s6 =	simm.s32 $0x108;
	_ =	swait.ge @!p0 [sflag:s8], $0x0  }
0x24: {  	s3 =	sadd.s32 $0x88, s3;
	s6 =	simm.s32 @!p1 $0x1082;
	[sflag:s4] =	ssyncset.s32 $0xFFFFF086  }
0x25: {  	[simem:s6], [sflag:s4] =	dma.local [hbm:s3], $0xF7A  }
0x26: {  	[smem:$0x3F8D] =	sst s1;
	(tag) =	ssettag s2;
	_ =	strace s9  }
0x27: {  	s1 =	sld [smem:$0x3F9D]  }
0x28: {  	s2 =	sld [smem:$0x3F9E]  }
0x29: {  	s4 =	sld [smem:$0x3FA0]  }
0x2a: {  	p0 =	seq.s32 s5, $0x0;
	s5 =	sld [smem:$0x3FA1]  }
0x2b: {  	s6 =	sld [smem:$0x3FA2]  }
0x2c: {  	s7 =	sld [smem:$0x3FA3]  }
0x2d: {  	s3 =	simm.s32 $0x108;
	s8 =	sld [smem:$0x3FA4]  }
0x2e: {  	s3 =	simm.s32 @!p0 $0x1082;
	s9 =	sld [smem:$0x3FA5]  }
0x2f: {  	lr =	sadd.s32 s0, s3;
	s0 =	sld [smem:$0x3F9C]  }
0x30: {  	s3 =	sld [smem:$0x3F9F]  }
0x31: {  	[smem:$0x3FA8] =	sst s10  }
0x32: {  	s10 =	sld [smem:$0x3FA6];
	_ =	sdelay $0x3  }
0x33: {  	p0 =	seq.s32 s10, $0x1;
	s10 =	sld [smem:$0x3FA8];
	_ =	sdelay $0x3  }
0x34: {  	[smem:$0x3FA8] =	sst s10  }
0x35: {  	s10 =	sld [smem:$0x3FA7];
	_ =	sdelay $0x3  }
0x36: {  	p1 =	seq.s32 s10, $0x1;
	s10 =	sld [smem:$0x3FA8];
	_ =	sdelay $0x3  }
0x37: {  	[smem:$0x3FA8] =	sst s10  }
0x38: {  	s10 =	sld [smem:$0x3FA9]  }
0x39: {  	_ = 	snop;
	(pc) =	sbr.ind lr, $3  }
0x3a: {  	_ = 	snop  }
0x3b: {  	_ = 	snop  }
0x3c: {  	p2 =	seq.s32 s10, $0x1;
	s10 =	sld [smem:$0x3FA8]  }
0x3d: {  	_ =	shalt  }
0x3e: {  	_ =	shalt  }
0x3f: {  	_ =	shalt  }
0x40: {  	_ =	shalt  }
0x41: {  	_ =	shalt  }
0x42: {  	_ =	shalt  }
0x43: {  	_ =	shalt  }
0x44: {  	_ =	shalt  }
0x45: {  	_ =	shalt  }
0x46: {  	_ =	shalt  }
0x47: {  	_ =	shalt  }
0x48: {  	_ =	shalt  }
0x49: {  	_ =	shalt  }
0x4a: {  	_ =	shalt  }
0x4b: {  	_ =	shalt  }
0x4c: {  	_ =	shalt  }
0x4d: {  	_ =	shalt  }
0x4e: {  	_ =	shalt  }
0x4f: {  	_ =	shalt  }
0x50: {  	_ =	shalt  }
0x51: {  	_ =	shalt  }
0x52: {  	_ =	shalt  }
0x53: {  	_ =	shalt  }
0x54: {  	_ =	shalt  }
0x55: {  	_ =	shalt  }
0x56: {  	_ =	shalt  }
0x57: {  	_ =	shalt  }
0x58: {  	_ =	shalt  }
0x59: {  	_ =	shalt  }
0x5a: {  	_ =	shalt  }
0x5b: {  	_ =	shalt  }
0x5c: {  	_ =	shalt  }
0x5d: {  	_ =	shalt  }
0x5e: {  	_ =	shalt  }
0x5f: {  	_ =	shalt  }
0x60: {  	_ =	shalt  }
0x61: {  	_ =	shalt  }
0x62: {  	_ =	shalt  }
0x63: {  	_ =	shalt  }
0x64: {  	_ =	shalt  }
0x65: {  	_ =	shalt  }
0x66: {  	_ =	shalt  }
0x67: {  	_ =	shalt  }
0x68: {  	_ =	shalt  }
0x69: {  	_ =	shalt  }
0x6a: {  	_ =	shalt  }
0x6b: {  	_ =	shalt  }
0x6c: {  	_ =	shalt  }
0x6d: {  	_ =	shalt  }
0x6e: {  	_ =	shalt  }
0x6f: {  	_ =	shalt  }
0x70: {  	_ =	shalt  }
0x71: {  	_ =	shalt  }
0x72: {  	_ =	shalt  }
0x73: {  	_ =	shalt  }
0x74: {  	_ =	shalt  }
0x75: {  	_ =	shalt  }
0x76: {  	_ =	shalt  }
0x77: {  	_ =	shalt  }
0x78: {  	_ =	shalt  }
0x79: {  	_ =	shalt  }
0x7a: {  	_ =	shalt  }
0x7b: {  	_ =	shalt  }
0x7c: {  	_ =	shalt  }
0x7d: {  	_ =	shalt  }
0x7e: {  	_ =	shalt  }
0x7f: {  	_ =	shalt  }
0x80: {  	_ =	shalt  }
0x81: {  	_ =	shalt  }
0x82: {  	_ =	shalt  }
0x83: {  	_ =	shalt  }
0x84: {  	_ =	shalt  }
0x85: {  	_ =	shalt  }
0x86: {  	_ =	shalt  }
0x87: {  	_ =	shalt  }
.Lfunc_end0:
.L_simem_size_0:
called_computation.1_lowered:
.L_overlay_start_0:
0x88: {  	s2 =	sld [smem:$0x3FD9]  }
0x89: {  	s3 =	sld [smem:$0x3FFE];
	_ =	sdelay $0x1  }
0x8a: {  	s1 =	srdreg.scid  }
0x8b: {  	s0 =	sand.u32 $0x1, s1  }
0x8c: {  	s17 =	sshll.u32 s0, $0xA;
	s2 =	sadd.s32 s3, s2  }
0x8d: {  	s2 =	sadd.s32 s2, s17  }
0x8e: {  	[smem:$0x3FB4] =	sst s2  }
0x8f: {  	_ = 	snop  }
0x90: {  	(tm) =	ssettm $0x1  }
0x91: {  	s18 =	sld [smem:$0x3FFB];
	_ =	sdelay $0x3  }
0x92: {  	_ =	strace s18  }
0x93: {  	s2 =	sld [smem:$0x3FFC];
	_ =	sdelay $0x3  }
0x94: {  	_ =	strace s2  }
0x95: {  	s2 =	sld [smem:$0x3FFD];
	_ =	sdelay $0x3  }
0x96: {  	_ =	strace s2  }
0x97: {  	_ =	strace $0x8FFFFFFF  }
0x98: {  	s19 =	sld [smem:$0x3FDB];
	_ =	sdelay $0x1  }
0x99: {  	s20 =	simm.s32 $_scs_section_size  }
0x9a: {  	s4 =	simm.s32 $_size__tile_overlayer_lowered;
	s5 =	simm.s32 $_tile_overlayer_lowered  }
0x9b: {  	s6 =	simm.s32 $0x1BFF;
	s21 =	sshll.u32 s5, $0x1;
	s3 =	sadd.s32 s20, s19  }
0x9c: {  	s22 =	simm.s32 $0x0;
	s4 =	sshll.u32 s4, $0x1;
	s5 =	sadd.s32 s21, s3  }
0x9d: {  	[timem:s22], [sflag:s6] =	dma.local [hbm:s5], s4  }
0x9e: {  	_ =	swait.ge [sflag:s6], s4  }
0x9f: {  	s4 =	ssub.s32 $0x0, s4;
	[sflag:s6] =	ssyncset.done $0x0  }
0xa0: {  	[sflag:s6] =	ssyncadd.s32 s4;
	_ =	sdelay $0x1  }
0xa1: {  	s23 =	simm.s32 $0x1B8B  }
0xa2: {  	_ =	swait.ge [sflag:s23], $0x1  }
0xa3: {  	[sflag:s23] =	ssyncset.done $0x0  }
0xa4: {  	[sflag:s23] =	ssyncadd.s32 $0xFFFFFFFF  }
0xa5: {  	s4 =	sld [smem:$0x0]  }
0xa6: {  	s5 =	sand.u32 $0xFFFFFFFE, s1  }
0xa7: {  	p0 =	sne.s32 s1, s5  }
0xa8: {  	s5 =	sshll.u32 @p0 s5, $0xE  }
0xa9: {  	s5 =	sadd.s32 @p0 $0x11B8D, s5;
	s6 =	sshll.u32 @p0 s4, $0x11  }
0xaa: {  	s5 =	sor.u32 @p0 s6, s5  }
0xab: {  	[sflag:s5] =	ssyncadd.remote.s32 @p0 $0x1;
	_ =	sdelay $0x1  }
0xac: {  	s5 =	simm.s32 @p0 $0x1B8D  }
0xad: {  	_ =	swait.eq @p0 [sflag:s5], $0x1  }
0xae: {  	[sflag:s5] =	ssyncadd.s32 @p0 $0xFFFFFFFF  }
0xaf: {  	s6 =	sshll.u32 @!p0 s1, $0xE  }
0xb0: {  	s6 =	sor.u32 @!p0 $0x4000, s6;
	s5 =	simm.s32 @!p0 $0x1B8D  }
0xb1: {  	s4 =	sshll.u32 @!p0 s4, $0x11;
	s6 =	sadd.s32 @!p0 $0x11B8D, s6;
	_ =	swait.eq @!p0 [sflag:s5], $0x1  }
0xb2: {  	s4 =	sor.u32 @!p0 s4, s6;
	[sflag:s5] =	ssyncadd.s32 @!p0 $0xFFFFFFFF  }
0xb3: {  	s25 =	simm.s32 $0x1B8E;
	s24 =	sld [smem:$0x3FFE];
	[sflag:s4] =	ssyncadd.remote.s32 @!p0 $0x1  }
0xb4: {  	s26 =	simm.s32 $execute0_lowered;
	[smem:$0x3FD2] =	sst s25  }
0xb5: {  	s5 =	sshll.u32 s26, $0x1;
	_ =	strace $0x80000049;
	[dreg:$0x1] =	wrdreg $0xFFFFFFFF  }
0xb6: {  	s28 =	simm.s32 $_size_execute0_lowered;
	s3 =	sadd.s32 s3, s5;
	[dreg:$0x0] =	wrdreg $0x0  }
0xb7: {  	s5 =	sshll.u32 s28, $0x1;
	[dreg:$0x2] =	wrdreg s3  }
0xb8: {  	[dreg:$0x3] =	wrdreg s5  }
0xb9: {  	[dreg:$0x4] =	wrdreg $0xC0  }
0xba: {  	_ =	task [dreg:s22], $0x5FFFF  }
0xbb: {  	[dreg:$0x1] =	wrdreg $0xFFFFFFFF  }
0xbc: {  	[dreg:$0x0] =	wrdreg $0x60  }
0xbd: {  	[dreg:$0x2] =	wrdreg s24  }
0xbe: {  	[dreg:$0x3] =	wrdreg $0x90000  }
0xbf: {  	[dreg:$0x4] =	wrdreg $0xA  }
0xc0: {  	_ =	task.clear_ibuf [dreg:s22], $0x5FFFF;
	_ =	strace $0x90000049  }
0xc1: {  	s29 =	simm.s32 $0xA;
	_ =	strace $0x8000004B  }
0xc2: {  	_ =	swait.ge [sflag:s29], $0x1  }
0xc3: {  	[sflag:s29] =	ssyncadd.s32 $0xFFFFFFFF  }
0xc4: {  	_ =	strace $0x9000004B  }
0xc5: {  	_ =	sfence  }
0xc6: {  	s30 =	sld [smem:$0x0];
	_ =	sdelay $0x2  }
0xc7: {  	s31 =	sshll.u32 s1, $0xD;
	s1 =	sshrl.u32 s1, $0x2  }
0xc8: {  	s4 =	sand.u32 $0x4000, s31;
	s1 =	sadd.s32 s1, s30  }
0xc9: {  	s0 =	sor.u32 s4, s0;
	s1 =	sshll.u32 s1, $0x11  }
0xca: {  	s0 =	sor.u32 s1, s0  }
0xcb: {  	s0 =	sadd.s32 $0x8F2B, s0  }
0xcc: {  	[sflag:s0] =	ssyncadd.remote.s32 $0x1  }
0xcd: {  	_ =	sfence.sel $0xFFFF  }
0xce: {  	[dreg:$0x0] =	wrdreg $0xFFFFFFFF;
	(pc) =	sbr.abs _section_cstart, $3  }
0xcf: {  	[dreg:$0x1] =	wrdreg $0xFFFFFFFF  }
0xd0: {  	_ =	task.clear_ibuf [dreg:s22], $0x2FFFF;
	_ =	strace $0x9FFFFFFF  }
0xd1: {  	(tm) =	ssettm $0x7FFFFFFF  }
tec
execute0_lowered:
.L_overlay_start_1:
0x0: {  	(tag) =	ssettag $0x1  }
0x1: {  	s0 =	rddreg [dreg:$0x0]  }
0x2: {  	s2 =	rddreg [dreg:$0x1];
	s3 =	simm.s32 $0x0  }
0x3: {  	s13 =	stileid.u32;
	s1 =	srdreg.scid;
	s16 =	simm.s32 $0x5  }
0x4: {  	s28 =	simm.s32 $0xD00;
	s29 =	simm.s32 $0x600;
	s30 =	simm.s32 $0xD80  }
0x5: {  	s31 =	simm.s32 $0x680;
	[smem:$0x7FF] =	sst s3;
	s5 =	smul.u32 $0x14000, s13  }
0x6: {  	s1 =	sand.u32 $0x1, s1;
	s4 =	sadd.s32 $0xBBA00, s0;
	s10 =	smul.u32 $0x50000, s13  }
0x7: {  	s7 =	sadd.s32 $0x7A00, s0;
	s9 =	sadd.s32 $0x11A00, s0;
	s12 =	smul.u32 $0xA, s13  }
0x8: {  	s20 =	sshll.u32 s13, $0x6;
	_ =	strace $0x8000004A;
	s6 =	smul.u32 $0x140000, s1  }
0x9: {  	s17 =	ssub.s32 $0x2, s1;
	s11 =	smul.u32 $0xA0, s1;
	s1 =	sshll.u32 s1, $0x4  }
0xa: {  	s8 =	sshrl.u32 s5, $0x3;
	s18 =	sshrl.u32 s17, $0x1;
	s10 =	sshrl.u32 s10, $0x2  }
0xb: {  	s1 =	sor.u32 s13, s1;
	s8 =	sadd.s32 s8, s0;
	s5 =	sadd.s32 s5, s6  }
0xc: {  	s19 =	sadd.s32 s10, s2;
	s1 =	smul.u32 $0x500, s1;
	s11 =	sadd.s32 s12, s11  }
0xd: {  	s6 =	simm.s32 $0x4;
	s10 =	simm.s32 $0x3;
	s5 =	sshrl.u32 s5, $0x3  }
0xe: {  	s8 =	sadd.s32 $0x1BA00, s8;
	s21 =	sshll.u32 s11, $0x7;
	s0 =	sadd.s32 s5, s0  }
0xf: {  	s5 =	ssub.s32 s17, s18;
	[dreg:$0x3] =	wrdreg s8;
	s17 =	sor.u32 $0x1C05, s20  }
0x10: {  	s22 =	sadd.s32 s7, s1;
	s1 =	sadd.s32 s9, s1;
	s23 =	sadd.s32 $0x100, s21  }
0x11: {  	s25 =	sadd.s32 s21, s7;
	s26 =	sadd.s32 s21, s9;
	s18 =	simm.s32 $0x400  }
0x12: {  	s20 =	simm.s32 $0x80;
	s21 =	simm.s32 $0x1000;
	[dreg:$0x5] =	wrdreg s22  }
0x13: {  	s8 =	simm.s32 $0xF00;
	[dreg:$0x6] =	wrdreg s1;
	s0 =	sadd.s32 $0x10BA00, s0  }
0x14: {  	s24 =	smax.u32 s5, $0x1;
	s11 =	sadd.s32 s23, s7;
	s12 =	sadd.s32 s23, s9  }
0x15: {  	s13 =	sadd.s32 $0x80, s25;
	s14 =	sadd.s32 $0x80, s26;
	s22 =	simm.s32 $0x5000  }
.Ltmp0:
0x16: {  	s23 =	simm.s32 $0x1;
	s25 =	simm.s32 $0x2;
	(pc) =	sbr.rel .LBB2_1-.Ltmp0, $4  }
0x17: {  	s1 =	simm.s32 $0x700;
	s5 =	simm.s32 $0xE80;
	[dreg:$0x4] =	wrdreg s17  }
0x18: {  	s7 =	simm.s32 $0x780;
	s9 =	simm.s32 $0xF80;
	[dreg:$0x7] =	wrdreg s0  }
0x19: {  	s26 =	simm.s32 $0x0;
	[dreg:$0x8] =	wrdreg s24;
	s24 =	sshrl.u32 s19, $0x3  }
0x1a: {  	s19 =	simm.s32 $0xC00;
	s0 =	simm.s32 $0xE00;
	[dreg:$0x9] =	wrdreg s24  }
.LBB2_4:
0x1b: {  	[bflag:$0x0] =	sbarrier.arrive $0xFFFF  }
0x1c: {  	s17 =	rddreg [dreg:$0x4]  }
0x1d: {  	s15 =	rddreg [dreg:$0x7]  }
0x1e: {  	s24 =	rddreg [dreg:$0x9]  }
0x1f: {  	[hbm:s15], [sflag:s17] =	dma.local [spmem:s24], $0x2800  }
0x20: {  	_ =	swait.ge [sflag:s16], $0x2800  }
0x21: {  	s26 =	rddreg [dreg:$0xa]  }
0x22: {  	s15 =	rddreg [dreg:$0x8];
	s26 =	sadd.s32 $0x1, s26  }
0x23: {  	p0 =	sne.s32 s26, s15  }
.Ltmp1:
0x24: {  	_ = 	snop;
	(pc) =	sbr.rel @!p0 .LBB2_5-.Ltmp1, $3  }
0x25: {  	_ =	sdelay $0x1  }
0x26: {  	[sflag:s16] =	ssyncset.done $0x0  }
0x27: {  	[sflag:s16] =	ssyncadd.s32 $0xFFFFD800  }
.LBB2_1:
0x28: {  	[dreg:$0xa] =	wrdreg s26  }
0x29: {  	s15 =	rddreg [dreg:$0x3]  }
0x2a: {  	[spmem:s24], [sflag:s17] =	dma.local [hbm:s15], $0x2800  }
0x2b: {  	_ =	swait.ge [sflag:s16], $0x2800  }
0x2c: {  	[sflag:s16] =	ssyncset.done $0x0  }
0x2d: {  	s17 =	rddreg [dreg:$0x5];
	[sflag:s16] =	ssyncadd.s32 $0xFFFFD800  }
0x2e: {  	[tilespmem:s3], [sflag:$0x5] =	stream.linear.gather [hbm4b:s17+s3], $0x400, $0x38;
	[tilespmem:$0x1D000] =	vst v63  }
0x2f: {  	_ =	swait.ge [sflag:s16], $0x400  }
0x30: {  	[sflag:s16] =	ssyncset.done $0x0  }
0x31: {  	s26 =	simm.s32 $0x800;
	s24 =	rddreg [dreg:$0x6];
	[sflag:s16] =	ssyncadd.s32 $0xFFFFFC00  }
0x32: {  	[tilespmem:s26], [sflag:$0x5] =	stream.linear.gather [hbm4b:s24+s3], $0x400, $0x38;
	[tilespmem:$0x1D000] =	vst v63  }
0x33: {  	_ =	swait.ge [sflag:s16], $0x400  }
0x34: {  	[sflag:s16] =	ssyncset.done $0x0  }
0x35: {  	[sflag:s16] =	ssyncadd.s32 $0xFFFFFC00  }
0x36: {  	s15 =	simm.s32 $0x0;
	[bflag:$0x0] =	sbarrier.arrive $0xFFFF  }
.LBB2_2:
0x37: {  	s24 =	sadd.s32 s15, s13  }
0x38: {  	[tilespmem:s18], [sflag:$0x4] =	stream.linear.gather [hbm4b:s24+s3], $0x400, $0x38;
	[tilespmem:$0x1D000] =	vst v63  }
0x39: {  	s17 =	sadd.s32 s15, s14  }
0x3a: {  	[tilespmem:s19], [sflag:$0x4] =	stream.linear.gather [hbm4b:s17+s3], $0x400, $0x38;
	[tilespmem:$0x1D000] =	vst v63  }
0x3b: {  	_ = 	snop  }
0x3c: {  	[tilespmem:s21], [sflag:$0x1] =	stream.indirect.gather [hbm4b:s4+s20], $0x80, s3, s20, $0xb8;
	[tilespmem:$0x1D000] =	vst v63  }
0x3d: {  	_ = 	snop  }
0x3e: {  	[tilespmem:s22], [sflag:$0x2] =	stream.indirect.gather [hbm4b:s4+s20], $0x80, s20, s20, $0xb8;
	[tilespmem:$0x1D000] =	vst v63  }
0x3f: {  	_ =	swait.ge [sflag:s23], $0x4000  }
0x40: {  	[sflag:s23] =	ssyncset.done $0x0  }
0x41: {  	s17 =	simm.s32 $0x800;
	[sflag:s23] =	ssyncadd.s32 $0xFFFFC000  }
0x42: {  	[spmem:s2] =	stream.indirect.scatter.add.f32 [tilespmem:s21], [sflag:$0x5], $0x80, s17, s20, $0xb8;
	[tilespmem:$0x1D000] =	vst v63  }
0x43: {  	_ =	swait.ge [sflag:s16], $0x4000  }
0x44: {  	[sflag:s16] =	ssyncset.done $0x0  }
0x45: {  	s26 =	simm.s32 $0x100;
	[sflag:s16] =	ssyncadd.s32 $0xFFFFC000  }
0x46: {  	[tilespmem:s21], [sflag:$0x1] =	stream.indirect.gather [hbm4b:s4+s20], $0x80, s26, s20, $0xb8;
	[tilespmem:$0x1D000] =	vst v63  }
0x47: {  	_ =	swait.ge [sflag:s25], $0x4000  }
0x48: {  	[sflag:s25] =	ssyncset.done $0x0  }
0x49: {  	s24 =	simm.s32 $0x880;
	[sflag:s25] =	ssyncadd.s32 $0xFFFFC000  }
0x4a: {  	[spmem:s2] =	stream.indirect.scatter.add.f32 [tilespmem:s22], [sflag:$0x5], $0x80, s24, s20, $0xb8;
	[tilespmem:$0x1D000] =	vst v63  }
0x4b: {  	_ =	swait.ge [sflag:s16], $0x4000  }
0x4c: {  	[sflag:s16] =	ssyncset.done $0x0  }
0x4d: {  	s26 =	simm.s32 $0x180;
	[sflag:s16] =	ssyncadd.s32 $0xFFFFC000  }
0x4e: {  	[tilespmem:s22], [sflag:$0x2] =	stream.indirect.gather [hbm4b:s4+s20], $0x80, s26, s20, $0xb8;
	[tilespmem:$0x1D000] =	vst v63  }
0x4f: {  	_ =	swait.ge [sflag:s23], $0x4000  }
0x50: {  	[sflag:s23] =	ssyncset.done $0x0  }
0x51: {  	s24 =	simm.s32 $0x900;
	[sflag:s23] =	ssyncadd.s32 $0xFFFFC000  }
0x52: {  	[spmem:s2] =	stream.indirect.scatter.add.f32 [tilespmem:s21], [sflag:$0x5], $0x80, s24, s20, $0xb8;
	[tilespmem:$0x1D000] =	vst v63  }
0x53: {  	_ =	swait.ge [sflag:s16], $0x4000  }
0x54: {  	[sflag:s16] =	ssyncset.done $0x0  }
0x55: {  	s26 =	simm.s32 $0x200;
	[sflag:s16] =	ssyncadd.s32 $0xFFFFC000  }
0x56: {  	[tilespmem:s21], [sflag:$0x1] =	stream.indirect.gather [hbm4b:s4+s20], $0x80, s26, s20, $0xb8;
	[tilespmem:$0x1D000] =	vst v63  }
0x57: {  	_ =	swait.ge [sflag:s25], $0x4000  }
0x58: {  	[sflag:s25] =	ssyncset.done $0x0  }
0x59: {  	s24 =	simm.s32 $0x980;
	[sflag:s25] =	ssyncadd.s32 $0xFFFFC000  }
0x5a: {  	[spmem:s2] =	stream.indirect.scatter.add.f32 [tilespmem:s22], [sflag:$0x5], $0x80, s24, s20, $0xb8;
	[tilespmem:$0x1D000] =	vst v63  }
0x5b: {  	_ =	swait.ge [sflag:s16], $0x4000  }
0x5c: {  	[sflag:s16] =	ssyncset.done $0x0  }
0x5d: {  	s26 =	simm.s32 $0x280;
	[sflag:s16] =	ssyncadd.s32 $0xFFFFC000  }
0x5e: {  	[tilespmem:s22], [sflag:$0x2] =	stream.indirect.gather [hbm4b:s4+s20], $0x80, s26, s20, $0xb8;
	[tilespmem:$0x1D000] =	vst v63  }
0x5f: {  	_ =	swait.ge [sflag:s23], $0x4000  }
0x60: {  	[sflag:s23] =	ssyncset.done $0x0  }
0x61: {  	s24 =	simm.s32 $0xA00;
	[sflag:s23] =	ssyncadd.s32 $0xFFFFC000  }
0x62: {  	[spmem:s2] =	stream.indirect.scatter.add.f32 [tilespmem:s21], [sflag:$0x5], $0x80, s24, s20, $0xb8;
	[tilespmem:$0x1D000] =	vst v63  }
0x63: {  	_ =	swait.ge [sflag:s16], $0x4000  }
0x64: {  	[sflag:s16] =	ssyncset.done $0x0  }
0x65: {  	s26 =	simm.s32 $0x300;
	[sflag:s16] =	ssyncadd.s32 $0xFFFFC000  }
0x66: {  	[tilespmem:s21], [sflag:$0x1] =	stream.indirect.gather [hbm4b:s4+s20], $0x80, s26, s20, $0xb8;
	[tilespmem:$0x1D000] =	vst v63  }
0x67: {  	_ =	swait.ge [sflag:s25], $0x4000  }
0x68: {  	[sflag:s25] =	ssyncset.done $0x0  }
0x69: {  	s24 =	simm.s32 $0xA80;
	[sflag:s25] =	ssyncadd.s32 $0xFFFFC000  }
0x6a: {  	[spmem:s2] =	stream.indirect.scatter.add.f32 [tilespmem:s22], [sflag:$0x5], $0x80, s24, s20, $0xb8;
	[tilespmem:$0x1D000] =	vst v63  }
0x6b: {  	_ =	swait.ge [sflag:s16], $0x4000  }
0x6c: {  	[sflag:s16] =	ssyncset.done $0x0  }
0x6d: {  	s26 =	simm.s32 $0x380;
	[sflag:s16] =	ssyncadd.s32 $0xFFFFC000  }
0x6e: {  	[tilespmem:s22], [sflag:$0x2] =	stream.indirect.gather [hbm4b:s4+s20], $0x80, s26, s20, $0xb8;
	[tilespmem:$0x1D000] =	vst v63  }
0x6f: {  	_ =	swait.ge [sflag:s23], $0x4000  }
0x70: {  	[sflag:s23] =	ssyncset.done $0x0  }
0x71: {  	s24 =	simm.s32 $0xB00;
	[sflag:s23] =	ssyncadd.s32 $0xFFFFC000  }
0x72: {  	[spmem:s2] =	stream.indirect.scatter.add.f32 [tilespmem:s21], [sflag:$0x5], $0x80, s24, s20, $0xb8;
	[tilespmem:$0x1D000] =	vst v63  }
0x73: {  	_ =	swait.ge [sflag:s16], $0x4000  }
0x74: {  	[sflag:s16] =	ssyncset.done $0x0  }
0x75: {  	[sflag:s16] =	ssyncadd.s32 $0xFFFFC000  }
0x76: {  	_ =	swait.ge [sflag:s25], $0x4000  }
0x77: {  	[sflag:s25] =	ssyncset.done $0x0  }
0x78: {  	s26 =	simm.s32 $0xB80;
	[sflag:s25] =	ssyncadd.s32 $0xFFFFC000  }
0x79: {  	[spmem:s2] =	stream.indirect.scatter.add.f32 [tilespmem:s22], [sflag:$0x5], $0x80, s26, s20, $0xb8;
	[tilespmem:$0x1D000] =	vst v63  }
0x7a: {  	_ =	swait.ge [sflag:s16], $0x4000  }
0x7b: {  	[sflag:s16] =	ssyncset.done $0x0  }
0x7c: {  	[sflag:s16] =	ssyncadd.s32 $0xFFFFC000  }
0x7d: {  	_ =	swait.ge [sflag:s6], $0x400  }
0x7e: {  	[sflag:s6] =	ssyncset.done $0x0  }
0x7f: {  	[sflag:s6] =	ssyncadd.s32 $0xFFFFFC00  }
0x80: {  	_ =	swait.ge [sflag:s6], $0x400  }
0x81: {  	p0 =	seq.s32 s15, $0x400;
	[sflag:s6] =	ssyncset.done $0x0  }
0x82: {  	s17 =	simm.s32 @!p0 $0x0;
	s24 =	sadd.s32 @!p0 s15, s11;
	[sflag:s6] =	ssyncadd.s32 $0xFFFFFC00  }
0x83: {  	[tilespmem:s17], [sflag:$0x3] =	stream.linear.gather @!p0 [hbm4b:s24+s17], $0x400, $0x38;
	[tilespmem:$0x1D000] =	vst v63  }
0x84: {  	s26 =	simm.s32 @!p0 $0x800;
	s24 =	sadd.s32 @!p0 s15, s12  }
0x85: {  	[tilespmem:s26], [sflag:$0x3] =	stream.linear.gather @!p0 [hbm4b:s24+s17], $0x400, $0x38;
	[tilespmem:$0x1D000] =	vst v63  }
0x86: {  	_ = 	snop  }
0x87: {  	[tilespmem:s21], [sflag:$0x1] =	stream.indirect.gather [hbm4b:s4+s20], $0x80, s18, s20, $0xb8;
	[tilespmem:$0x1D000] =	vst v63  }
0x88: {  	s24 =	simm.s32 $0x480  }
0x89: {  	[tilespmem:s22], [sflag:$0x2] =	stream.indirect.gather [hbm4b:s4+s20], $0x80, s24, s20, $0xb8;
	[tilespmem:$0x1D000] =	vst v63  }
0x8a: {  	_ =	swait.ge [sflag:s23], $0x4000  }
0x8b: {  	[sflag:s23] =	ssyncset.done $0x0  }
0x8c: {  	[sflag:s23] =	ssyncadd.s32 $0xFFFFC000  }
0x8d: {  	[spmem:s2] =	stream.indirect.scatter.add.f32 [tilespmem:s21], [sflag:$0x5], $0x80, s19, s20, $0xb8;
	[tilespmem:$0x1D000] =	vst v63  }
0x8e: {  	_ =	swait.ge [sflag:s16], $0x4000  }
0x8f: {  	[sflag:s16] =	ssyncset.done $0x0  }
0x90: {  	s26 =	simm.s32 $0x500;
	[sflag:s16] =	ssyncadd.s32 $0xFFFFC000  }
0x91: {  	[tilespmem:s21], [sflag:$0x1] =	stream.indirect.gather [hbm4b:s4+s20], $0x80, s26, s20, $0xb8;
	[tilespmem:$0x1D000] =	vst v63  }
0x92: {  	_ =	swait.ge [sflag:s25], $0x4000  }
0x93: {  	[sflag:s25] =	ssyncset.done $0x0  }
0x94: {  	s24 =	simm.s32 $0xC80;
	[sflag:s25] =	ssyncadd.s32 $0xFFFFC000  }
0x95: {  	[spmem:s2] =	stream.indirect.scatter.add.f32 [tilespmem:s22], [sflag:$0x5], $0x80, s24, s20, $0xb8;
	[tilespmem:$0x1D000] =	vst v63  }
0x96: {  	_ =	swait.ge [sflag:s16], $0x4000  }
0x97: {  	[sflag:s16] =	ssyncset.done $0x0  }
0x98: {  	s26 =	simm.s32 $0x580;
	[sflag:s16] =	ssyncadd.s32 $0xFFFFC000  }
0x99: {  	[tilespmem:s22], [sflag:$0x2] =	stream.indirect.gather [hbm4b:s4+s20], $0x80, s26, s20, $0xb8;
	[tilespmem:$0x1D000] =	vst v63  }
0x9a: {  	_ =	swait.ge [sflag:s23], $0x4000  }
0x9b: {  	[sflag:s23] =	ssyncset.done $0x0  }
0x9c: {  	[sflag:s23] =	ssyncadd.s32 $0xFFFFC000  }
0x9d: {  	[spmem:s2] =	stream.indirect.scatter.add.f32 [tilespmem:s21], [sflag:$0x5], $0x80, s28, s20, $0xb8;
	[tilespmem:$0x1D000] =	vst v63  }
0x9e: {  	_ =	swait.ge [sflag:s16], $0x4000  }
0x9f: {  	[sflag:s16] =	ssyncset.done $0x0  }
0xa0: {  	[sflag:s16] =	ssyncadd.s32 $0xFFFFC000  }
0xa1: {  	[tilespmem:s21], [sflag:$0x1] =	stream.indirect.gather [hbm4b:s4+s20], $0x80, s29, s20, $0xb8;
	[tilespmem:$0x1D000] =	vst v63  }
0xa2: {  	_ =	swait.ge [sflag:s25], $0x4000  }
0xa3: {  	[sflag:s25] =	ssyncset.done $0x0  }
0xa4: {  	[sflag:s25] =	ssyncadd.s32 $0xFFFFC000  }
0xa5: {  	[spmem:s2] =	stream.indirect.scatter.add.f32 [tilespmem:s22], [sflag:$0x5], $0x80, s30, s20, $0xb8;
	[tilespmem:$0x1D000] =	vst v63  }
0xa6: {  	_ =	swait.ge [sflag:s16], $0x4000  }
0xa7: {  	[sflag:s16] =	ssyncset.done $0x0  }
0xa8: {  	[sflag:s16] =	ssyncadd.s32 $0xFFFFC000  }
0xa9: {  	[tilespmem:s22], [sflag:$0x2] =	stream.indirect.gather [hbm4b:s4+s20], $0x80, s31, s20, $0xb8;
	[tilespmem:$0x1D000] =	vst v63  }
0xaa: {  	_ =	swait.ge [sflag:s23], $0x4000  }
0xab: {  	[sflag:s23] =	ssyncset.done $0x0  }
0xac: {  	[sflag:s23] =	ssyncadd.s32 $0xFFFFC000  }
0xad: {  	[spmem:s2] =	stream.indirect.scatter.add.f32 [tilespmem:s21], [sflag:$0x5], $0x80, s0, s20, $0xb8;
	[tilespmem:$0x1D000] =	vst v63  }
0xae: {  	_ =	swait.ge [sflag:s16], $0x4000  }
0xaf: {  	[sflag:s16] =	ssyncset.done $0x0  }
0xb0: {  	[sflag:s16] =	ssyncadd.s32 $0xFFFFC000  }
0xb1: {  	[tilespmem:s21], [sflag:$0x1] =	stream.indirect.gather [hbm4b:s4+s20], $0x80, s1, s20, $0xb8;
	[tilespmem:$0x1D000] =	vst v63  }
0xb2: {  	_ =	swait.ge [sflag:s25], $0x4000  }
0xb3: {  	[sflag:s25] =	ssyncset.done $0x0  }
0xb4: {  	[sflag:s25] =	ssyncadd.s32 $0xFFFFC000  }
0xb5: {  	[spmem:s2] =	stream.indirect.scatter.add.f32 [tilespmem:s22], [sflag:$0x5], $0x80, s5, s20, $0xb8;
	[tilespmem:$0x1D000] =	vst v63  }
0xb6: {  	_ =	swait.ge [sflag:s16], $0x4000  }
0xb7: {  	[sflag:s16] =	ssyncset.done $0x0  }
0xb8: {  	[sflag:s16] =	ssyncadd.s32 $0xFFFFC000  }
0xb9: {  	[tilespmem:s22], [sflag:$0x2] =	stream.indirect.gather [hbm4b:s4+s20], $0x80, s7, s20, $0xb8;
	[tilespmem:$0x1D000] =	vst v63  }
0xba: {  	_ =	swait.ge [sflag:s23], $0x4000  }
0xbb: {  	[sflag:s23] =	ssyncset.done $0x0  }
0xbc: {  	[sflag:s23] =	ssyncadd.s32 $0xFFFFC000  }
0xbd: {  	[spmem:s2] =	stream.indirect.scatter.add.f32 [tilespmem:s21], [sflag:$0x5], $0x80, s8, s20, $0xb8;
	[tilespmem:$0x1D000] =	vst v63  }
0xbe: {  	_ =	swait.ge [sflag:s16], $0x4000  }
0xbf: {  	[sflag:s16] =	ssyncset.done $0x0  }
0xc0: {  	[sflag:s16] =	ssyncadd.s32 $0xFFFFC000  }
0xc1: {  	_ =	swait.ge [sflag:s25], $0x4000  }
0xc2: {  	[sflag:s25] =	ssyncset.done $0x0  }
.Ltmp2:
0xc3: {  	[sflag:s25] =	ssyncadd.s32 $0xFFFFC000;
	(pc) =	sbr.rel @p0 .LBB2_4-.Ltmp2, $4  }
0xc4: {  	[spmem:s2] =	stream.indirect.scatter.add.f32 [tilespmem:s22], [sflag:$0x5], $0x80, s9, s20, $0xb8;
	[tilespmem:$0x1D000] =	vst v63  }
0xc5: {  	_ =	swait.ge [sflag:s16], $0x4000  }
0xc6: {  	[sflag:s16] =	ssyncset.done $0x0  }
0xc7: {  	[sflag:s16] =	ssyncadd.s32 $0xFFFFC000  }
0xc8: {  	_ =	swait.ge [sflag:s10], $0x400  }
.Ltmp3:
0xc9: {  	[sflag:s10] =	ssyncset.done $0x0;
	(pc) =	sbr.rel .LBB2_2-.Ltmp3, $4  }
0xca: {  	[sflag:s10] =	ssyncadd.s32 $0xFFFFFC00  }
0xcb: {  	_ =	swait.ge [sflag:s10], $0x400  }
0xcc: {  	[sflag:s10] =	ssyncset.done $0x0  }
0xcd: {  	s15 =	sadd.s32 $0x100, s15;
	[sflag:s10] =	ssyncadd.s32 $0xFFFFFC00  }
.LBB2_5:
0xce: {  	_ =	sfence.sel $0x180000  }
0xcf: {  	[bflag:$0x0] =	sbarrier.arrive $0xFFFF  }
0xd0: {  	_ =	strace $0x9000004A  }
0xd1: {  	s0 =	stileid.u32;
	[bflag:$0x2] =	sbarrier.arrive $0xFFFF  }
0xd2: {  	p0 =	sne.s32 s0, $0x0;
	s0 =	rddreg [dreg:$0x2]  }
0xd3: {  	s0 =	sadd.s32 @!p0 $0x100000, s0  }
0xd4: {  	[sflag:s0] =	ssyncadd.tile.s32 @!p0 $0x1;
	_ =	shalt  }
.Lfunc_end2:
_tile_overlayer_lowered:
.L_overlay_start_2:
0xd5: {  	(tag) =	ssettag $0x2  }
0xd6: {  	s0 =	rddreg [dreg:$0x0];
	s2 =	stileid.u32  }
0xd7: {  	s1 =	rddreg [dreg:$0x1];
	p0 =	sne.s32 s2, $0x0  }
0xd8: {  	s3 =	rddreg [dreg:$0x2];
	[bflag:$0x3] =	sbarrier.arrive $0xFFFF;
	s2 =	simm.s32 @!p0 $0x1C05  }
0xd9: {  	[timem:s3], [sflag:s2] =	dma.local @!p0 [hbm:s0], s1  }
0xda: {  	s0 =	simm.s32 @!p0 $0x5  }
0xdb: {  	_ =	swait.ge @!p0 [sflag:s0], s1  }
0xdc: {  	s1 =	ssub.s32 @!p0 $0x0, s1;
	[sflag:s0] =	ssyncset.done @!p0 $0x0  }
0xdd: {  	[sflag:s0] =	ssyncadd.s32 @!p0 s1  }
0xde: {  	[bflag:$0x3] =	sbarrier.arrive $0xFFFF  }
0xdf: {  	_ =	shalt  }

// kernel: kernel.20.cloned.1.call-start
scs
__scs_entry_jumppad:
0x0: {  	(pc) =	sbr.rel $0x88, $3  }
0x1: {  	(tag) =	ssettag $0x0;
	lr =	simm.s32 $0x1  }
0x2: {  	[smem:$0x3F8D] =	sst lr;
	_ =	strace $0xD0000000  }
0x3: {  	_ = 	snop  }
0x4: {  	_ = 	snop  }
0x5: {  	_ = 	snop  }
0x6: {  	_ = 	snop  }
0x7: {  	_ = 	snop  }
__scs_overlays_trampoline_lowered:
0x8: {  	[smem:$0x3F9C] =	sst s0  }
0x9: {  	[smem:$0x3F9D] =	sst s1  }
0xa: {  	[smem:$0x3F9E] =	sst s2  }
0xb: {  	[smem:$0x3F9F] =	sst s3  }
0xc: {  	[smem:$0x3FA0] =	sst s4  }
0xd: {  	[smem:$0x3FA1] =	sst s5  }
0xe: {  	[smem:$0x3FA2] =	sst s6  }
0xf: {  	[smem:$0x3FA3] =	sst s7  }
0x10: {  	[smem:$0x3FA4] =	sst s8  }
0x11: {  	[smem:$0x3FA5] =	sst s9;
	s0 =	simm.s32 @!p0 $0x0  }
0x12: {  	s1 =	sld [smem:$0x3F8B];
	s0 =	simm.s32 @p0 $0x1  }
0x13: {  	[smem:$0x3FA6] =	sst s0;
	s0 =	simm.s32 @!p1 $0x0  }
0x14: {  	s2 =	sld [smem:$0x3F8A];
	s0 =	simm.s32 @p1 $0x1  }
0x15: {  	[smem:$0x3FA7] =	sst s0;
	s0 =	simm.s32 @!p2 $0x0  }
0x16: {  	s3 =	sld [smem:$0x3FDB];
	s0 =	simm.s32 @p2 $0x1  }
0x17: {  	s4 =	simm.s32 $0x1BF5;
	[smem:$0x3FA9] =	sst s0  }
0x18: {  	s0 =	sld [smem:$0x3F8C];
	_ =	swait.ge [sflag:s4], $0x0  }
0x19: {  	s7 =	sld [smem:$0x3F8D]  }
0x1a: {  	s8 =	sadd.s32 $0xFFFFE003, lr  }
0x1b: {  	s9 =	sadd.s32 $0xFFFFFEF7, lr;
	s5 =	simm.s32 $0xFFFFFFFF;
	p2 =	slt.u32 s8, $0xFFFFF086  }
0x1c: {  	p1 =	slt.u32 s9, $0xF7A;
	s5 =	simm.s32 @!p2 $0x0  }
0x1d: {  	s5 =	simm.s32 @p1 $0x1;
	p0 =	seq.s32 s7, s2  }
0x1e: {  	s7 =	smul.u32 @!p0 $0xF7A, s2;
	p2 =	seq.s32 @!p0 s5, $0x0  }
0x1f: {  	s9 =	smul.u32 $0xF7A, s1;
	s8 =	simm.s32 @!p0 $0x1BF5;
	p2 =	por !p2, p0  }
0x20: {  	[sflag:s8] =	ssyncset.s32 @!p0 $0xFFFFF086;
	s6 =	sadd.s32 @!p0 s3, s7;
	s7 =	simm.s32 @!p0 $0x108  }
0x21: {  	s3 =	sadd.s32 s3, s9;
	s6 =	sadd.s32 @!p0 $0x88, s6;
	s7 =	simm.s32 @p2 $0x1082  }
0x22: {  	[simem:s7], [sflag:s8] =	dma.local @!p0 [hbm:s6], $0xF7A  }
0x23: {  	s9 =	sor.u32 $0xD0000000, s2;
	s6 =	simm.s32 $0x108;
	_ =	swait.ge @!p0 [sflag:s8], $0x0  }
0x24: {  	s3 =	sadd.s32 $0x88, s3;
	s6 =	simm.s32 @!p1 $0x1082;
	[sflag:s4] =	ssyncset.s32 $0xFFFFF086  }
0x25: {  	[simem:s6], [sflag:s4] =	dma.local [hbm:s3], $0xF7A  }
0x26: {  	[smem:$0x3F8D] =	sst s1;
	(tag) =	ssettag s2;
	_ =	strace s9  }
0x27: {  	s1 =	sld [smem:$0x3F9D]  }
0x28: {  	s2 =	sld [smem:$0x3F9E]  }
0x29: {  	s4 =	sld [smem:$0x3FA0]  }
0x2a: {  	p0 =	seq.s32 s5, $0x0;
	s5 =	sld [smem:$0x3FA1]  }
0x2b: {  	s6 =	sld [smem:$0x3FA2]  }
0x2c: {  	s7 =	sld [smem:$0x3FA3]  }
0x2d: {  	s3 =	simm.s32 $0x108;
	s8 =	sld [smem:$0x3FA4]  }
0x2e: {  	s3 =	simm.s32 @!p0 $0x1082;
	s9 =	sld [smem:$0x3FA5]  }
0x2f: {  	lr =	sadd.s32 s0, s3;
	s0 =	sld [smem:$0x3F9C]  }
0x30: {  	s3 =	sld [smem:$0x3F9F]  }
0x31: {  	[smem:$0x3FA8] =	sst s10  }
0x32: {  	s10 =	sld [smem:$0x3FA6];
	_ =	sdelay $0x3  }
0x33: {  	p0 =	seq.s32 s10, $0x1;
	s10 =	sld [smem:$0x3FA8];
	_ =	sdelay $0x3  }
0x34: {  	[smem:$0x3FA8] =	sst s10  }
0x35: {  	s10 =	sld [smem:$0x3FA7];
	_ =	sdelay $0x3  }
0x36: {  	p1 =	seq.s32 s10, $0x1;
	s10 =	sld [smem:$0x3FA8];
	_ =	sdelay $0x3  }
0x37: {  	[smem:$0x3FA8] =	sst s10  }
0x38: {  	s10 =	sld [smem:$0x3FA9]  }
0x39: {  	_ = 	snop;
	(pc) =	sbr.ind lr, $3  }
0x3a: {  	_ = 	snop  }
0x3b: {  	_ = 	snop  }
0x3c: {  	p2 =	seq.s32 s10, $0x1;
	s10 =	sld [smem:$0x3FA8]  }
0x3d: {  	_ =	shalt  }
0x3e: {  	_ =	shalt  }
0x3f: {  	_ =	shalt  }
0x40: {  	_ =	shalt  }
0x41: {  	_ =	shalt  }
0x42: {  	_ =	shalt  }
0x43: {  	_ =	shalt  }
0x44: {  	_ =	shalt  }
0x45: {  	_ =	shalt  }
0x46: {  	_ =	shalt  }
0x47: {  	_ =	shalt  }
0x48: {  	_ =	shalt  }
0x49: {  	_ =	shalt  }
0x4a: {  	_ =	shalt  }
0x4b: {  	_ =	shalt  }
0x4c: {  	_ =	shalt  }
0x4d: {  	_ =	shalt  }
0x4e: {  	_ =	shalt  }
0x4f: {  	_ =	shalt  }
0x50: {  	_ =	shalt  }
0x51: {  	_ =	shalt  }
0x52: {  	_ =	shalt  }
0x53: {  	_ =	shalt  }
0x54: {  	_ =	shalt  }
0x55: {  	_ =	shalt  }
0x56: {  	_ =	shalt  }
0x57: {  	_ =	shalt  }
0x58: {  	_ =	shalt  }
0x59: {  	_ =	shalt  }
0x5a: {  	_ =	shalt  }
0x5b: {  	_ =	shalt  }
0x5c: {  	_ =	shalt  }
0x5d: {  	_ =	shalt  }
0x5e: {  	_ =	shalt  }
0x5f: {  	_ =	shalt  }
0x60: {  	_ =	shalt  }
0x61: {  	_ =	shalt  }
0x62: {  	_ =	shalt  }
0x63: {  	_ =	shalt  }
0x64: {  	_ =	shalt  }
0x65: {  	_ =	shalt  }
0x66: {  	_ =	shalt  }
0x67: {  	_ =	shalt  }
0x68: {  	_ =	shalt  }
0x69: {  	_ =	shalt  }
0x6a: {  	_ =	shalt  }
0x6b: {  	_ =	shalt  }
0x6c: {  	_ =	shalt  }
0x6d: {  	_ =	shalt  }
0x6e: {  	_ =	shalt  }
0x6f: {  	_ =	shalt  }
0x70: {  	_ =	shalt  }
0x71: {  	_ =	shalt  }
0x72: {  	_ =	shalt  }
0x73: {  	_ =	shalt  }
0x74: {  	_ =	shalt  }
0x75: {  	_ =	shalt  }
0x76: {  	_ =	shalt  }
0x77: {  	_ =	shalt  }
0x78: {  	_ =	shalt  }
0x79: {  	_ =	shalt  }
0x7a: {  	_ =	shalt  }
0x7b: {  	_ =	shalt  }
0x7c: {  	_ =	shalt  }
0x7d: {  	_ =	shalt  }
0x7e: {  	_ =	shalt  }
0x7f: {  	_ =	shalt  }
0x80: {  	_ =	shalt  }
0x81: {  	_ =	shalt  }
0x82: {  	_ =	shalt  }
0x83: {  	_ =	shalt  }
0x84: {  	_ =	shalt  }
0x85: {  	_ =	shalt  }
0x86: {  	_ =	shalt  }
0x87: {  	_ =	shalt  }
.Lfunc_end0:
.L_simem_size_0:
called_computation.2_lowered:
.L_overlay_start_0:
0x88: {  	s2 =	sld [smem:$0x3FD9]  }
0x89: {  	s3 =	sld [smem:$0x3FFE];
	_ =	sdelay $0x1  }
0x8a: {  	s1 =	srdreg.scid  }
0x8b: {  	s0 =	sand.u32 $0x1, s1  }
0x8c: {  	s16 =	sshll.u32 s0, $0xA;
	s2 =	sadd.s32 s3, s2  }
0x8d: {  	s2 =	sadd.s32 s2, s16  }
0x8e: {  	[smem:$0x3FB4] =	sst s2  }
0x8f: {  	_ = 	snop  }
0x90: {  	(tm) =	ssettm $0x1  }
0x91: {  	s17 =	sld [smem:$0x3FFB];
	_ =	sdelay $0x3  }
0x92: {  	_ =	strace s17  }
0x93: {  	s2 =	sld [smem:$0x3FFC];
	_ =	sdelay $0x3  }
0x94: {  	_ =	strace s2  }
0x95: {  	s2 =	sld [smem:$0x3FFD];
	_ =	sdelay $0x3  }
0x96: {  	_ =	strace s2  }
0x97: {  	_ =	strace $0x8FFFFFFF  }
0x98: {  	s18 =	sld [smem:$0x3FDB];
	_ =	sdelay $0x1  }
0x99: {  	s19 =	simm.s32 $_scs_section_size  }
0x9a: {  	s4 =	simm.s32 $_size__tile_overlayer_lowered;
	s5 =	simm.s32 $_tile_overlayer_lowered  }
0x9b: {  	s22 =	simm.s32 $0x1BFF;
	s21 =	sshll.u32 s5, $0x1;
	s2 =	sadd.s32 s19, s18  }
0x9c: {  	s6 =	simm.s32 $0x0;
	s20 =	sshll.u32 s4, $0x1;
	s4 =	sadd.s32 s21, s2  }
0x9d: {  	[timem:s6], [sflag:s22] =	dma.local [hbm:s4], s20  }
0x9e: {  	_ =	swait.ge [sflag:s22], s20  }
0x9f: {  	s3 =	ssub.s32 $0x0, s20;
	[sflag:s22] =	ssyncset.done $0x0  }
0xa0: {  	[sflag:s22] =	ssyncadd.s32 s3;
	_ =	sdelay $0x1  }
0xa1: {  	s23 =	simm.s32 $0x1B8B  }
0xa2: {  	_ =	swait.ge [sflag:s23], $0x1  }
0xa3: {  	[sflag:s23] =	ssyncset.done $0x0  }
0xa4: {  	s25 =	simm.s32 $0x1B8E;
	s24 =	sld [smem:$0x3FFE];
	[sflag:s23] =	ssyncadd.s32 $0xFFFFFFFF  }
0xa5: {  	s26 =	simm.s32 $execute0_lowered;
	[smem:$0x3FD2] =	sst s25  }
0xa6: {  	s4 =	sshll.u32 s26, $0x1;
	_ =	strace $0x8000004C;
	[dreg:$0x1] =	wrdreg $0xFFFFFFFF  }
0xa7: {  	s28 =	simm.s32 $_size_execute0_lowered;
	s2 =	sadd.s32 s2, s4;
	[dreg:$0x0] =	wrdreg $0x0  }
0xa8: {  	s4 =	sshll.u32 s28, $0x1;
	[dreg:$0x2] =	wrdreg s2  }
0xa9: {  	[dreg:$0x3] =	wrdreg s4  }
0xaa: {  	[dreg:$0x4] =	wrdreg $0xC0  }
0xab: {  	_ =	task [dreg:s6], $0x5FFFF  }
0xac: {  	[dreg:$0x1] =	wrdreg $0xFFFFFFFF  }
0xad: {  	[dreg:$0x0] =	wrdreg $0x60  }
0xae: {  	[dreg:$0x2] =	wrdreg s24  }
0xaf: {  	[dreg:$0x3] =	wrdreg $0x90000  }
0xb0: {  	[dreg:$0x4] =	wrdreg $0x9  }
0xb1: {  	_ =	task.clear_ibuf [dreg:s6], $0x5FFFF;
	_ =	strace $0x9000004C  }
0xb2: {  	s29 =	simm.s32 $0x9;
	_ =	strace $0x8000004E  }
0xb3: {  	_ =	swait.ge [sflag:s29], $0x1  }
0xb4: {  	[sflag:s29] =	ssyncadd.s32 $0xFFFFFFFF  }
0xb5: {  	_ =	strace $0x9000004E  }
0xb6: {  	_ =	sfence  }
0xb7: {  	s30 =	sld [smem:$0x0];
	_ =	sdelay $0x2  }
0xb8: {  	s31 =	sshll.u32 s1, $0xD;
	s1 =	sshrl.u32 s1, $0x2  }
0xb9: {  	s3 =	sand.u32 $0x4000, s31;
	s1 =	sadd.s32 s1, s30  }
0xba: {  	s0 =	sor.u32 s3, s0;
	s1 =	sshll.u32 s1, $0x11  }
0xbb: {  	s0 =	sor.u32 s1, s0  }
0xbc: {  	s0 =	sadd.s32 $0x8F2B, s0  }
0xbd: {  	[sflag:s0] =	ssyncadd.remote.s32 $0x1  }
0xbe: {  	_ =	sfence.sel $0xFFFF  }
0xbf: {  	[dreg:$0x0] =	wrdreg $0xFFFFFFFF;
	(pc) =	sbr.abs _section_cstart, $3  }
0xc0: {  	[dreg:$0x1] =	wrdreg $0xFFFFFFFF  }
0xc1: {  	_ =	task.clear_ibuf [dreg:s6], $0x2FFFF;
	_ =	strace $0x9FFFFFFF  }
0xc2: {  	(tm) =	ssettm $0x7FFFFFFF  }
0xc3: {  	_ =	shalt  }
tec
execute0_lowered:
.L_overlay_start_1:
0x0: {  	(tag) =	ssettag $0x1  }
0x1: {  	s0 =	rddreg [dreg:$0x0]  }
0x2: {  	s2 =	rddreg [dreg:$0x1];
	s3 =	simm.s32 $0x0  }
0x3: {  	s13 =	stileid.u32;
	s1 =	srdreg.scid;
	s16 =	simm.s32 $0x5  }
0x4: {  	s28 =	simm.s32 $0xD00;
	s29 =	simm.s32 $0x600;
	s30 =	simm.s32 $0xD80  }
0x5: {  	s31 =	simm.s32 $0x680;
	[smem:$0x7FF] =	sst s3;
	s5 =	smul.u32 $0x14000, s13  }
0x6: {  	s1 =	sand.u32 $0x1, s1;
	s4 =	sadd.s32 $0x6BA00, s0;
	s10 =	smul.u32 $0x50000, s13  }
0x7: {  	s7 =	sadd.s32 $0x7A00, s0;
	s9 =	sadd.s32 $0x11A00, s0;
	s12 =	smul.u32 $0xA, s13  }
0x8: {  	s20 =	sshll.u32 s13, $0x6;
	_ =	strace $0x8000004D;
	s6 =	smul.u32 $0x140000, s1  }
0x9: {  	s17 =	ssub.s32 $0x2, s1;
	s11 =	smul.u32 $0xA0, s1;
	s1 =	sshll.u32 s1, $0x4  }
0xa: {  	s8 =	sshrl.u32 s5, $0x3;
	s18 =	sshrl.u32 s17, $0x1;
	s10 =	sshrl.u32 s10, $0x2  }
0xb: {  	s1 =	sor.u32 s13, s1;
	s8 =	sadd.s32 s8, s0;
	s5 =	sadd.s32 s5, s6  }
0xc: {  	s19 =	sadd.s32 s10, s2;
	s1 =	smul.u32 $0x500, s1;
	s11 =	sadd.s32 s12, s11  }
0xd: {  	s6 =	simm.s32 $0x4;
	s10 =	simm.s32 $0x3;
	s5 =	sshrl.u32 s5, $0x3  }
0xe: {  	s8 =	sadd.s32 $0x1BA00, s8;
	s21 =	sshll.u32 s11, $0x7;
	s0 =	sadd.s32 s5, s0  }
0xf: {  	s5 =	ssub.s32 s17, s18;
	[dreg:$0x3] =	wrdreg s8;
	s17 =	sor.u32 $0x1C05, s20  }
0x10: {  	s22 =	sadd.s32 s7, s1;
	s1 =	sadd.s32 s9, s1;
	s23 =	sadd.s32 $0x100, s21  }
0x11: {  	s25 =	sadd.s32 s21, s7;
	s26 =	sadd.s32 s21, s9;
	s18 =	simm.s32 $0x400  }
0x12: {  	s20 =	simm.s32 $0x80;
	s21 =	simm.s32 $0x1000;
	[dreg:$0x5] =	wrdreg s22  }
0x13: {  	s8 =	simm.s32 $0xF00;
	[dreg:$0x6] =	wrdreg s1;
	s0 =	sadd.s32 $0xBBA00, s0  }
0x14: {  	s24 =	smax.u32 s5, $0x1;
	s11 =	sadd.s32 s23, s7;
	s12 =	sadd.s32 s23, s9  }
0x15: {  	s13 =	sadd.s32 $0x80, s25;
	s14 =	sadd.s32 $0x80, s26;
	s22 =	simm.s32 $0x5000  }
.Ltmp0:
0x16: {  	s23 =	simm.s32 $0x1;
	s25 =	simm.s32 $0x2;
	(pc) =	sbr.rel .LBB2_1-.Ltmp0, $4  }
0x17: {  	s1 =	simm.s32 $0x700;
	s5 =	simm.s32 $0xE80;
	[dreg:$0x4] =	wrdreg s17  }
0x18: {  	s7 =	simm.s32 $0x780;
	s9 =	simm.s32 $0xF80;
	[dreg:$0x7] =	wrdreg s0  }
0x19: {  	s26 =	simm.s32 $0x0;
	[dreg:$0x8] =	wrdreg s24;
	s24 =	sshrl.u32 s19, $0x3  }
0x1a: {  	s19 =	simm.s32 $0xC00;
	s0 =	simm.s32 $0xE00;
	[dreg:$0x9] =	wrdreg s24  }
.LBB2_4:
0x1b: {  	[bflag:$0x0] =	sbarrier.arrive $0xFFFF  }
0x1c: {  	s17 =	rddreg [dreg:$0x4]  }
0x1d: {  	s15 =	rddreg [dreg:$0x7]  }
0x1e: {  	s24 =	rddreg [dreg:$0x9]  }
0x1f: {  	[hbm:s15], [sflag:s17] =	dma.local [spmem:s24], $0x2800  }
0x20: {  	_ =	swait.ge [sflag:s16], $0x2800  }
0x21: {  	s26 =	rddreg [dreg:$0xa]  }
0x22: {  	s15 =	rddreg [dreg:$0x8];
	s26 =	sadd.s32 $0x1, s26  }
0x23: {  	p0 =	sne.s32 s26, s15  }
.Ltmp1:
0x24: {  	_ = 	snop;
	(pc) =	sbr.rel @!p0 .LBB2_5-.Ltmp1, $3  }
0x25: {  	_ =	sdelay $0x1  }
0x26: {  	[sflag:s16] =	ssyncset.done $0x0  }
0x27: {  	[sflag:s16] =	ssyncadd.s32 $0xFFFFD800  }
.LBB2_1:
0x28: {  	[dreg:$0xa] =	wrdreg s26  }
0x29: {  	s15 =	rddreg [dreg:$0x3]  }
0x2a: {  	[spmem:s24], [sflag:s17] =	dma.local [hbm:s15], $0x2800  }
0x2b: {  	_ =	swait.ge [sflag:s16], $0x2800  }
0x2c: {  	[sflag:s16] =	ssyncset.done $0x0  }
0x2d: {  	s17 =	rddreg [dreg:$0x5];
	[sflag:s16] =	ssyncadd.s32 $0xFFFFD800  }
0x2e: {  	[tilespmem:s3], [sflag:$0x5] =	stream.linear.gather [hbm4b:s17+s3], $0x400, $0x38;
	[tilespmem:$0x1D000] =	vst v63  }
0x2f: {  	_ =	swait.ge [sflag:s16], $0x400  }
0x30: {  	[sflag:s16] =	ssyncset.done $0x0  }
0x31: {  	s26 =	simm.s32 $0x800;
	s24 =	rddreg [dreg:$0x6];
	[sflag:s16] =	ssyncadd.s32 $0xFFFFFC00  }
0x32: {  	[tilespmem:s26], [sflag:$0x5] =	stream.linear.gather [hbm4b:s24+s3], $0x400, $0x38;
	[tilespmem:$0x1D000] =	vst v63  }
0x33: {  	_ =	swait.ge [sflag:s16], $0x400  }
0x34: {  	[sflag:s16] =	ssyncset.done $0x0  }
0x35: {  	[sflag:s16] =	ssyncadd.s32 $0xFFFFFC00  }
0x36: {  	s15 =	simm.s32 $0x0;
	[bflag:$0x0] =	sbarrier.arrive $0xFFFF  }
.LBB2_2:
0x37: {  	s24 =	sadd.s32 s15, s13  }
0x38: {  	[tilespmem:s18], [sflag:$0x4] =	stream.linear.gather [hbm4b:s24+s3], $0x400, $0x38;
	[tilespmem:$0x1D000] =	vst v63  }
0x39: {  	s17 =	sadd.s32 s15, s14  }
0x3a: {  	[tilespmem:s19], [sflag:$0x4] =	stream.linear.gather [hbm4b:s17+s3], $0x400, $0x38;
	[tilespmem:$0x1D000] =	vst v63  }
0x3b: {  	_ = 	snop  }
0x3c: {  	[tilespmem:s21], [sflag:$0x1] =	stream.indirect.gather [hbm4b:s4+s20], $0x80, s3, s20, $0xb8;
	[tilespmem:$0x1D000] =	vst v63  }
0x3d: {  	_ = 	snop  }
0x3e: {  	[tilespmem:s22], [sflag:$0x2] =	stream.indirect.gather [hbm4b:s4+s20], $0x80, s20, s20, $0xb8;
	[tilespmem:$0x1D000] =	vst v63  }
0x3f: {  	_ =	swait.ge [sflag:s23], $0x4000  }
0x40: {  	[sflag:s23] =	ssyncset.done $0x0  }
0x41: {  	s17 =	simm.s32 $0x800;
	[sflag:s23] =	ssyncadd.s32 $0xFFFFC000  }
0x42: {  	[spmem:s2] =	stream.indirect.scatter.add.f32 [tilespmem:s21], [sflag:$0x5], $0x80, s17, s20, $0xb8;
	[tilespmem:$0x1D000] =	vst v63  }
0x43: {  	_ =	swait.ge [sflag:s16], $0x4000  }
0x44: {  	[sflag:s16] =	ssyncset.done $0x0  }
0x45: {  	s26 =	simm.s32 $0x100;
	[sflag:s16] =	ssyncadd.s32 $0xFFFFC000  }
0x46: {  	[tilespmem:s21], [sflag:$0x1] =	stream.indirect.gather [hbm4b:s4+s20], $0x80, s26, s20, $0xb8;
	[tilespmem:$0x1D000] =	vst v63  }
0x47: {  	_ =	swait.ge [sflag:s25], $0x4000  }
0x48: {  	[sflag:s25] =	ssyncset.done $0x0  }
0x49: {  	s24 =	simm.s32 $0x880;
	[sflag:s25] =	ssyncadd.s32 $0xFFFFC000  }
0x4a: {  	[spmem:s2] =	stream.indirect.scatter.add.f32 [tilespmem:s22], [sflag:$0x5], $0x80, s24, s20, $0xb8;
	[tilespmem:$0x1D000] =	vst v63  }
0x4b: {  	_ =	swait.ge [sflag:s16], $0x4000  }
0x4c: {  	[sflag:s16] =	ssyncset.done $0x0  }
0x4d: {  	s26 =	simm.s32 $0x180;
	[sflag:s16] =	ssyncadd.s32 $0xFFFFC000  }
0x4e: {  	[tilespmem:s22], [sflag:$0x2] =	stream.indirect.gather [hbm4b:s4+s20], $0x80, s26, s20, $0xb8;
	[tilespmem:$0x1D000] =	vst v63  }
0x4f: {  	_ =	swait.ge [sflag:s23], $0x4000  }
0x50: {  	[sflag:s23] =	ssyncset.done $0x0  }
0x51: {  	s24 =	simm.s32 $0x900;
	[sflag:s23] =	ssyncadd.s32 $0xFFFFC000  }
0x52: {  	[spmem:s2] =	stream.indirect.scatter.add.f32 [tilespmem:s21], [sflag:$0x5], $0x80, s24, s20, $0xb8;
	[tilespmem:$0x1D000] =	vst v63  }
0x53: {  	_ =	swait.ge [sflag:s16], $0x4000  }
0x54: {  	[sflag:s16] =	ssyncset.done $0x0  }
0x55: {  	s26 =	simm.s32 $0x200;
	[sflag:s16] =	ssyncadd.s32 $0xFFFFC000  }
0x56: {  	[tilespmem:s21], [sflag:$0x1] =	stream.indirect.gather [hbm4b:s4+s20], $0x80, s26, s20, $0xb8;
	[tilespmem:$0x1D000] =	vst v63  }
0x57: {  	_ =	swait.ge [sflag:s25], $0x4000  }
0x58: {  	[sflag:s25] =	ssyncset.done $0x0  }
0x59: {  	s24 =	simm.s32 $0x980;
	[sflag:s25] =	ssyncadd.s32 $0xFFFFC000  }
0x5a: {  	[spmem:s2] =	stream.indirect.scatter.add.f32 [tilespmem:s22], [sflag:$0x5], $0x80, s24, s20, $0xb8;
	[tilespmem:$0x1D000] =	vst v63  }
0x5b: {  	_ =	swait.ge [sflag:s16], $0x4000  }
0x5c: {  	[sflag:s16] =	ssyncset.done $0x0  }
0x5d: {  	s26 =	simm.s32 $0x280;
	[sflag:s16] =	ssyncadd.s32 $0xFFFFC000  }
0x5e: {  	[tilespmem:s22], [sflag:$0x2] =	stream.indirect.gather [hbm4b:s4+s20], $0x80, s26, s20, $0xb8;
	[tilespmem:$0x1D000] =	vst v63  }
0x5f: {  	_ =	swait.ge [sflag:s23], $0x4000  }
0x60: {  	[sflag:s23] =	ssyncset.done $0x0  }
0x61: {  	s24 =	simm.s32 $0xA00;
	[sflag:s23] =	ssyncadd.s32 $0xFFFFC000  }
0x62: {  	[spmem:s2] =	stream.indirect.scatter.add.f32 [tilespmem:s21], [sflag:$0x5], $0x80, s24, s20, $0xb8;
	[tilespmem:$0x1D000] =	vst v63  }
0x63: {  	_ =	swait.ge [sflag:s16], $0x4000  }
0x64: {  	[sflag:s16] =	ssyncset.done $0x0  }
0x65: {  	s26 =	simm.s32 $0x300;
	[sflag:s16] =	ssyncadd.s32 $0xFFFFC000  }
0x66: {  	[tilespmem:s21], [sflag:$0x1] =	stream.indirect.gather [hbm4b:s4+s20], $0x80, s26, s20, $0xb8;
	[tilespmem:$0x1D000] =	vst v63  }
0x67: {  	_ =	swait.ge [sflag:s25], $0x4000  }
0x68: {  	[sflag:s25] =	ssyncset.done $0x0  }
0x69: {  	s24 =	simm.s32 $0xA80;
	[sflag:s25] =	ssyncadd.s32 $0xFFFFC000  }
0x6a: {  	[spmem:s2] =	stream.indirect.scatter.add.f32 [tilespmem:s22], [sflag:$0x5], $0x80, s24, s20, $0xb8;
	[tilespmem:$0x1D000] =	vst v63  }
0x6b: {  	_ =	swait.ge [sflag:s16], $0x4000  }
0x6c: {  	[sflag:s16] =	ssyncset.done $0x0  }
0x6d: {  	s26 =	simm.s32 $0x380;
	[sflag:s16] =	ssyncadd.s32 $0xFFFFC000  }
0x6e: {  	[tilespmem:s22], [sflag:$0x2] =	stream.indirect.gather [hbm4b:s4+s20], $0x80, s26, s20, $0xb8;
	[tilespmem:$0x1D000] =	vst v63  }
0x6f: {  	_ =	swait.ge [sflag:s23], $0x4000  }
0x70: {  	[sflag:s23] =	ssyncset.done $0x0  }
0x71: {  	s24 =	simm.s32 $0xB00;
	[sflag:s23] =	ssyncadd.s32 $0xFFFFC000  }
0x72: {  	[spmem:s2] =	stream.indirect.scatter.add.f32 [tilespmem:s21], [sflag:$0x5], $0x80, s24, s20, $0xb8;
	[tilespmem:$0x1D000] =	vst v63  }
0x73: {  	_ =	swait.ge [sflag:s16], $0x4000  }
0x74: {  	[sflag:s16] =	ssyncset.done $0x0  }
0x75: {  	[sflag:s16] =	ssyncadd.s32 $0xFFFFC000  }
0x76: {  	_ =	swait.ge [sflag:s25], $0x4000  }
0x77: {  	[sflag:s25] =	ssyncset.done $0x0  }
0x78: {  	s26 =	simm.s32 $0xB80;
	[sflag:s25] =	ssyncadd.s32 $0xFFFFC000  }
0x79: {  	[spmem:s2] =	stream.indirect.scatter.add.f32 [tilespmem:s22], [sflag:$0x5], $0x80, s26, s20, $0xb8;
	[tilespmem:$0x1D000] =	vst v63  }
0x7a: {  	_ =	swait.ge [sflag:s16], $0x4000  }
0x7b: {  	[sflag:s16] =	ssyncset.done $0x0  }
0x7c: {  	[sflag:s16] =	ssyncadd.s32 $0xFFFFC000  }
0x7d: {  	_ =	swait.ge [sflag:s6], $0x400  }
0x7e: {  	[sflag:s6] =	ssyncset.done $0x0  }
0x7f: {  	[sflag:s6] =	ssyncadd.s32 $0xFFFFFC00  }
0x80: {  	_ =	swait.ge [sflag:s6], $0x400  }
0x81: {  	p0 =	seq.s32 s15, $0x400;
	[sflag:s6] =	ssyncset.done $0x0  }
0x82: {  	s17 =	simm.s32 @!p0 $0x0;
	s24 =	sadd.s32 @!p0 s15, s11;
	[sflag:s6] =	ssyncadd.s32 $0xFFFFFC00  }
0x83: {  	[tilespmem:s17], [sflag:$0x3] =	stream.linear.gather @!p0 [hbm4b:s24+s17], $0x400, $0x38;
	[tilespmem:$0x1D000] =	vst v63  }
0x84: {  	s26 =	simm.s32 @!p0 $0x800;
	s24 =	sadd.s32 @!p0 s15, s12  }
0x85: {  	[tilespmem:s26], [sflag:$0x3] =	stream.linear.gather @!p0 [hbm4b:s24+s17], $0x400, $0x38;
	[tilespmem:$0x1D000] =	vst v63  }
0x86: {  	_ = 	snop  }
0x87: {  	[tilespmem:s21], [sflag:$0x1] =	stream.indirect.gather [hbm4b:s4+s20], $0x80, s18, s20, $0xb8;
	[tilespmem:$0x1D000] =	vst v63  }
0x88: {  	s24 =	simm.s32 $0x480  }
0x89: {  	[tilespmem:s22], [sflag:$0x2] =	stream.indirect.gather [hbm4b:s4+s20], $0x80, s24, s20, $0xb8;
	[tilespmem:$0x1D000] =	vst v63  }
0x8a: {  	_ =	swait.ge [sflag:s23], $0x4000  }
0x8b: {  	[sflag:s23] =	ssyncset.done $0x0  }
0x8c: {  	[sflag:s23] =	ssyncadd.s32 $0xFFFFC000  }
0x8d: {  	[spmem:s2] =	stream.indirect.scatter.add.f32 [tilespmem:s21], [sflag:$0x5], $0x80, s19, s20, $0xb8;
	[tilespmem:$0x1D000] =	vst v63  }
0x8e: {  	_ =	swait.ge [sflag:s16], $0x4000  }
0x8f: {  	[sflag:s16] =	ssyncset.done $0x0  }
0x90: {  	s26 =	simm.s32 $0x500;
	[sflag:s16] =	ssyncadd.s32 $0xFFFFC000  }
0x91: {  	[tilespmem:s21], [sflag:$0x1] =	stream.indirect.gather [hbm4b:s4+s20], $0x80, s26, s20, $0xb8;
	[tilespmem:$0x1D000] =	vst v63  }
0x92: {  	_ =	swait.ge [sflag:s25], $0x4000  }
0x93: {  	[sflag:s25] =	ssyncset.done $0x0  }
0x94: {  	s24 =	simm.s32 $0xC80;
	[sflag:s25] =	ssyncadd.s32 $0xFFFFC000  }
0x95: {  	[spmem:s2] =	stream.indirect.scatter.add.f32 [tilespmem:s22], [sflag:$0x5], $0x80, s24, s20, $0xb8;
	[tilespmem:$0x1D000] =	vst v63  }
0x96: {  	_ =	swait.ge [sflag:s16], $0x4000  }
0x97: {  	[sflag:s16] =	ssyncset.done $0x0  }
0x98: {  	s26 =	simm.s32 $0x580;
	[sflag:s16] =	ssyncadd.s32 $0xFFFFC000  }
0x99: {  	[tilespmem:s22], [sflag:$0x2] =	stream.indirect.gather [hbm4b:s4+s20], $0x80, s26, s20, $0xb8;
	[tilespmem:$0x1D000] =	vst v63  }
0x9a: {  	_ =	swait.ge [sflag:s23], $0x4000  }
0x9b: {  	[sflag:s23] =	ssyncset.done $0x0  }
0x9c: {  	[sflag:s23] =	ssyncadd.s32 $0xFFFFC000  }
0x9d: {  	[spmem:s2] =	stream.indirect.scatter.add.f32 [tilespmem:s21], [sflag:$0x5], $0x80, s28, s20, $0xb8;
	[tilespmem:$0x1D000] =	vst v63  }
0x9e: {  	_ =	swait.ge [sflag:s16], $0x4000  }
0x9f: {  	[sflag:s16] =	ssyncset.done $0x0  }
0xa0: {  	[sflag:s16] =	ssyncadd.s32 $0xFFFFC000  }
0xa1: {  	[tilespmem:s21], [sflag:$0x1] =	stream.indirect.gather [hbm4b:s4+s20], $0x80, s29, s20, $0xb8;
	[tilespmem:$0x1D000] =	vst v63  }
0xa2: {  	_ =	swait.ge [sflag:s25], $0x4000  }
0xa3: {  	[sflag:s25] =	ssyncset.done $0x0  }
0xa4: {  	[sflag:s25] =	ssyncadd.s32 $0xFFFFC000  }
0xa5: {  	[spmem:s2] =	stream.indirect.scatter.add.f32 [tilespmem:s22], [sflag:$0x5], $0x80, s30, s20, $0xb8;
	[tilespmem:$0x1D000] =	vst v63  }
0xa6: {  	_ =	swait.ge [sflag:s16], $0x4000  }
0xa7: {  	[sflag:s16] =	ssyncset.done $0x0  }
0xa8: {  	[sflag:s16] =	ssyncadd.s32 $0xFFFFC000  }
0xa9: {  	[tilespmem:s22], [sflag:$0x2] =	stream.indirect.gather [hbm4b:s4+s20], $0x80, s31, s20, $0xb8;
	[tilespmem:$0x1D000] =	vst v63  }
0xaa: {  	_ =	swait.ge [sflag:s23], $0x4000  }
0xab: {  	[sflag:s23] =	ssyncset.done $0x0  }
0xac: {  	[sflag:s23] =	ssyncadd.s32 $0xFFFFC000  }
0xad: {  	[spmem:s2] =	stream.indirect.scatter.add.f32 [tilespmem:s21], [sflag:$0x5], $0x80, s0, s20, $0xb8;
	[tilespmem:$0x1D000] =	vst v63  }
0xae: {  	_ =	swait.ge [sflag:s16], $0x4000  }
0xaf: {  	[sflag:s16] =	ssyncset.done $0x0  }
0xb0: {  	[sflag:s16] =	ssyncadd.s32 $0xFFFFC000  }
0xb1: {  	[tilespmem:s21], [sflag:$0x1] =	stream.indirect.gather [hbm4b:s4+s20], $0x80, s1, s20, $0xb8;
	[tilespmem:$0x1D000] =	vst v63  }
0xb2: {  	_ =	swait.ge [sflag:s25], $0x4000  }
0xb3: {  	[sflag:s25] =	ssyncset.done $0x0  }
0xb4: {  	[sflag:s25] =	ssyncadd.s32 $0xFFFFC000  }
0xb5: {  	[spmem:s2] =	stream.indirect.scatter.add.f32 [tilespmem:s22], [sflag:$0x5], $0x80, s5, s20, $0xb8;
	[tilespmem:$0x1D000] =	vst v63  }
0xb6: {  	_ =	swait.ge [sflag:s16], $0x4000  }
0xb7: {  	[sflag:s16] =	ssyncset.done $0x0  }
0xb8: {  	[sflag:s16] =	ssyncadd.s32 $0xFFFFC000  }
0xb9: {  	[tilespmem:s22], [sflag:$0x2] =	stream.indirect.gather [hbm4b:s4+s20], $0x80, s7, s20, $0xb8;
	[tilespmem:$0x1D000] =	vst v63  }
0xba: {  	_ =	swait.ge [sflag:s23], $0x4000  }
0xbb: {  	[sflag:s23] =	ssyncset.done $0x0  }
0xbc: {  	[sflag:s23] =	ssyncadd.s32 $0xFFFFC000  }
0xbd: {  	[spmem:s2] =	stream.indirect.scatter.add.f32 [tilespmem:s21], [sflag:$0x5], $0x80, s8, s20, $0xb8;
	[tilespmem:$0x1D000] =	vst v63  }
0xbe: {  	_ =	swait.ge [sflag:s16], $0x4000  }
0xbf: {  	[sflag:s16] =	ssyncset.done $0x0  }
0xc0: {  	[sflag:s16] =	ssyncadd.s32 $0xFFFFC000  }
0xc1: {  	_ =	swait.ge [sflag:s25], $0x4000  }
0xc2: {  	[sflag:s25] =	ssyncset.done $0x0  }
.Ltmp2:
0xc3: {  	[sflag:s25] =	ssyncadd.s32 $0xFFFFC000;
	(pc) =	sbr.rel @p0 .LBB2_4-.Ltmp2, $4  }
0xc4: {  	[spmem:s2] =	stream.indirect.scatter.add.f32 [tilespmem:s22], [sflag:$0x5], $0x80, s9, s20, $0xb8;
	[tilespmem:$0x1D000] =	vst v63  }
0xc5: {  	_ =	swait.ge [sflag:s16], $0x4000  }
0xc6: {  	[sflag:s16] =	ssyncset.done $0x0  }
0xc7: {  	[sflag:s16] =	ssyncadd.s32 $0xFFFFC000  }
0xc8: {  	_ =	swait.ge [sflag:s10], $0x400  }
.Ltmp3:
0xc9: {  	[sflag:s10] =	ssyncset.done $0x0;
	(pc) =	sbr.rel .LBB2_2-.Ltmp3, $4  }
0xca: {  	[sflag:s10] =	ssyncadd.s32 $0xFFFFFC00  }
0xcb: {  	_ =	swait.ge [sflag:s10], $0x400  }
0xcc: {  	[sflag:s10] =	ssyncset.done $0x0  }
0xcd: {  	s15 =	sadd.s32 $0x100, s15;
	[sflag:s10] =	ssyncadd.s32 $0xFFFFFC00  }
.LBB2_5:
0xce: {  	_ =	sfence.sel $0x180000  }
0xcf: {  	[bflag:$0x0] =	sbarrier.arrive $0xFFFF  }
0xd0: {  	_ =	strace $0x9000004D  }
0xd1: {  	s0 =	stileid.u32;
	[bflag:$0x2] =	sbarrier.arrive $0xFFFF  }
0xd2: {  	p0 =	sne.s32 s0, $0x0;
	s0 =	rddreg [dreg:$0x2]  }
0xd3: {  	s0 =	sadd.s32 @!p0 $0x100000, s0  }
0xd4: {  	[sflag:s0] =	ssyncadd.tile.s32 @!p0 $0x1;
	_ =	shalt  }
.Lfunc_end2:
_tile_overlayer_lowered:
.L_overlay_start_2:
0xd5: {  	(tag) =	ssettag $0x2  }
0xd6: {  	s0 =	rddreg [dreg:$0x0];
	s2 =	stileid.u32  }
0xd7: {  	s1 =	rddreg [dreg:$0x1];
	p0 =	sne.s32 s2, $0x0  }
0xd8: {  	s3 =	rddreg [dreg:$0x2];
	[bflag:$0x3] =	sbarrier.arrive $0xFFFF;
	s2 =	simm.s32 @!p0 $0x1C05  }
0xd9: {  	[timem:s3], [sflag:s2] =	dma.local @!p0 [hbm:s0], s1  }
0xda: {  	s0 =	simm.s32 @!p0 $0x5  }
0xdb: {  	_ =	swait.ge @!p0 [sflag:s0], s1  }
0xdc: {  	s1 =	ssub.s32 @!p0 $0x0, s1;
	[sflag:s0] =	ssyncset.done @!p0 $0x0  }
0xdd: {  	[sflag:s0] =	ssyncadd.s32 @!p0 s1  }
0xde: {  	[bflag:$0x3] =	sbarrier.arrive $0xFFFF  }
0xdf: {  	_ =	shalt  }

// kernel: kernel.23.cloned.1.call-start
scs
__scs_entry_jumppad:
0x0: {  	(pc) =	sbr.rel $0x88, $3  }
0x1: {  	(tag) =	ssettag $0x0;
	lr =	simm.s32 $0x1  }
0x2: {  	[smem:$0x3F8D] =	sst lr;
	_ =	strace $0xD0000000  }
0x3: {  	_ = 	snop  }
0x4: {  	_ = 	snop  }
0x5: {  	_ = 	snop  }
0x6: {  	_ = 	snop  }
0x7: {  	_ = 	snop  }
__scs_overlays_trampoline_lowered:
0x8: {  	[smem:$0x3F9C] =	sst s0  }
0x9: {  	[smem:$0x3F9D] =	sst s1  }
0xa: {  	[smem:$0x3F9E] =	sst s2  }
0xb: {  	[smem:$0x3F9F] =	sst s3  }
0xc: {  	[smem:$0x3FA0] =	sst s4  }
0xd: {  	[smem:$0x3FA1] =	sst s5  }
0xe: {  	[smem:$0x3FA2] =	sst s6  }
0xf: {  	[smem:$0x3FA3] =	sst s7  }
0x10: {  	[smem:$0x3FA4] =	sst s8  }
0x11: {  	[smem:$0x3FA5] =	sst s9;
	s0 =	simm.s32 @!p0 $0x0  }
0x12: {  	s1 =	sld [smem:$0x3F8B];
	s0 =	simm.s32 @p0 $0x1  }
0x13: {  	[smem:$0x3FA6] =	sst s0;
	s0 =	simm.s32 @!p1 $0x0  }
0x14: {  	s2 =	sld [smem:$0x3F8A];
	s0 =	simm.s32 @p1 $0x1  }
0x15: {  	[smem:$0x3FA7] =	sst s0;
	s0 =	simm.s32 @!p2 $0x0  }
0x16: {  	s3 =	sld [smem:$0x3FDB];
	s0 =	simm.s32 @p2 $0x1  }
0x17: {  	s4 =	simm.s32 $0x1BF5;
	[smem:$0x3FA9] =	sst s0  }
0x18: {  	s0 =	sld [smem:$0x3F8C];
	_ =	swait.ge [sflag:s4], $0x0  }
0x19: {  	s7 =	sld [smem:$0x3F8D]  }
0x1a: {  	s8 =	sadd.s32 $0xFFFFE003, lr  }
0x1b: {  	s9 =	sadd.s32 $0xFFFFFEF7, lr;
	s5 =	simm.s32 $0xFFFFFFFF;
	p2 =	slt.u32 s8, $0xFFFFF086  }
0x1c: {  	p1 =	slt.u32 s9, $0xF7A;
	s5 =	simm.s32 @!p2 $0x0  }
0x1d: {  	s5 =	simm.s32 @p1 $0x1;
	p0 =	seq.s32 s7, s2  }
0x1e: {  	s7 =	smul.u32 @!p0 $0xF7A, s2;
	p2 =	seq.s32 @!p0 s5, $0x0  }
0x1f: {  	s9 =	smul.u32 $0xF7A, s1;
	s8 =	simm.s32 @!p0 $0x1BF5;
	p2 =	por !p2, p0  }
0x20: {  	[sflag:s8] =	ssyncset.s32 @!p0 $0xFFFFF086;
	s6 =	sadd.s32 @!p0 s3, s7;
	s7 =	simm.s32 @!p0 $0x108  }
0x21: {  	s3 =	sadd.s32 s3, s9;
	s6 =	sadd.s32 @!p0 $0x88, s6;
	s7 =	simm.s32 @p2 $0x1082  }
0x22: {  	[simem:s7], [sflag:s8] =	dma.local @!p0 [hbm:s6], $0xF7A  }
0x23: {  	s9 =	sor.u32 $0xD0000000, s2;
	s6 =	simm.s32 $0x108;
	_ =	swait.ge @!p0 [sflag:s8], $0x0  }
0x24: {  	s3 =	sadd.s32 $0x88, s3;
	s6 =	simm.s32 @!p1 $0x1082;
	[sflag:s4] =	ssyncset.s32 $0xFFFFF086  }
0x25: {  	[simem:s6], [sflag:s4] =	dma.local [hbm:s3], $0xF7A  }
0x26: {  	[smem:$0x3F8D] =	sst s1;
	(tag) =	ssettag s2;
	_ =	strace s9  }
0x27: {  	s1 =	sld [smem:$0x3F9D]  }
0x28: {  	s2 =	sld [smem:$0x3F9E]  }
0x29: {  	s4 =	sld [smem:$0x3FA0]  }
0x2a: {  	p0 =	seq.s32 s5, $0x0;
	s5 =	sld [smem:$0x3FA1]  }
0x2b: {  	s6 =	sld [smem:$0x3FA2]  }
0x2c: {  	s7 =	sld [smem:$0x3FA3]  }
0x2d: {  	s3 =	simm.s32 $0x108;
	s8 =	sld [smem:$0x3FA4]  }
0x2e: {  	s3 =	simm.s32 @!p0 $0x1082;
	s9 =	sld [smem:$0x3FA5]  }
0x2f: {  	lr =	sadd.s32 s0, s3;
	s0 =	sld [smem:$0x3F9C]  }
0x30: {  	s3 =	sld [smem:$0x3F9F]  }
0x31: {  	[smem:$0x3FA8] =	sst s10  }
0x32: {  	s10 =	sld [smem:$0x3FA6];
	_ =	sdelay $0x3  }
0x33: {  	p0 =	seq.s32 s10, $0x1;
	s10 =	sld [smem:$0x3FA8];
	_ =	sdelay $0x3  }
0x34: {  	[smem:$0x3FA8] =	sst s10  }
0x35: {  	s10 =	sld [smem:$0x3FA7];
	_ =	sdelay $0x3  }
0x36: {  	p1 =	seq.s32 s10, $0x1;
	s10 =	sld [smem:$0x3FA8];
	_ =	sdelay $0x3  }
0x37: {  	[smem:$0x3FA8] =	sst s10  }
0x38: {  	s10 =	sld [smem:$0x3FA9]  }
0x39: {  	_ = 	snop;
	(pc) =	sbr.ind lr, $3  }
0x3a: {  	_ = 	snop  }
0x3b: {  	_ = 	snop  }
0x3c: {  	p2 =	seq.s32 s10, $0x1;
	s10 =	sld [smem:$0x3FA8]  }
0x3d: {  	_ =	shalt  }
0x3e: {  	_ =	shalt  }
0x3f: {  	_ =	shalt  }
0x40: {  	_ =	shalt  }
0x41: {  	_ =	shalt  }
0x42: {  	_ =	shalt  }
0x43: {  	_ =	shalt  }
0x44: {  	_ =	shalt  }
0x45: {  	_ =	shalt  }
0x46: {  	_ =	shalt  }
0x47: {  	_ =	shalt  }
0x48: {  	_ =	shalt  }
0x49: {  	_ =	shalt  }
0x4a: {  	_ =	shalt  }
0x4b: {  	_ =	shalt  }
0x4c: {  	_ =	shalt  }
0x4d: {  	_ =	shalt  }
0x4e: {  	_ =	shalt  }
0x4f: {  	_ =	shalt  }
0x50: {  	_ =	shalt  }
0x51: {  	_ =	shalt  }
0x52: {  	_ =	shalt  }
0x53: {  	_ =	shalt  }
0x54: {  	_ =	shalt  }
0x55: {  	_ =	shalt  }
0x56: {  	_ =	shalt  }
0x57: {  	_ =	shalt  }
0x58: {  	_ =	shalt  }
0x59: {  	_ =	shalt  }
0x5a: {  	_ =	shalt  }
0x5b: {  	_ =	shalt  }
0x5c: {  	_ =	shalt  }
0x5d: {  	_ =	shalt  }
0x5e: {  	_ =	shalt  }
0x5f: {  	_ =	shalt  }
0x60: {  	_ =	shalt  }
0x61: {  	_ =	shalt  }
0x62: {  	_ =	shalt  }
0x63: {  	_ =	shalt  }
0x64: {  	_ =	shalt  }
0x65: {  	_ =	shalt  }
0x66: {  	_ =	shalt  }
0x67: {  	_ =	shalt  }
0x68: {  	_ =	shalt  }
0x69: {  	_ =	shalt  }
0x6a: {  	_ =	shalt  }
0x6b: {  	_ =	shalt  }
0x6c: {  	_ =	shalt  }
0x6d: {  	_ =	shalt  }
0x6e: {  	_ =	shalt  }
0x6f: {  	_ =	shalt  }
0x70: {  	_ =	shalt  }
0x71: {  	_ =	shalt  }
0x72: {  	_ =	shalt  }
0x73: {  	_ =	shalt  }
0x74: {  	_ =	shalt  }
0x75: {  	_ =	shalt  }
0x76: {  	_ =	shalt  }
0x77: {  	_ =	shalt  }
0x78: {  	_ =	shalt  }
0x79: {  	_ =	shalt  }
0x7a: {  	_ =	shalt  }
0x7b: {  	_ =	shalt  }
0x7c: {  	_ =	shalt  }
0x7d: {  	_ =	shalt  }
0x7e: {  	_ =	shalt  }
0x7f: {  	_ =	shalt  }
0x80: {  	_ =	shalt  }
0x81: {  	_ =	shalt  }
0x82: {  	_ =	shalt  }
0x83: {  	_ =	shalt  }
0x84: {  	_ =	shalt  }
0x85: {  	_ =	shalt  }
0x86: {  	_ =	shalt  }
0x87: {  	_ =	shalt  }
.Lfunc_end0:
.L_simem_size_0:
called_computation.3_lowered:
.L_overlay_start_0:
0x88: {  	s2 =	sld [smem:$0x3FD9]  }
0x89: {  	s3 =	sld [smem:$0x3FFE];
	_ =	sdelay $0x1  }
0x8a: {  	s1 =	srdreg.scid  }
0x8b: {  	s0 =	sand.u32 $0x1, s1  }
0x8c: {  	s16 =	sshll.u32 s0, $0xA;
	s2 =	sadd.s32 s3, s2  }
0x8d: {  	s2 =	sadd.s32 s2, s16  }
0x8e: {  	[smem:$0x3FB4] =	sst s2  }
0x8f: {  	_ = 	snop  }
0x90: {  	(tm) =	ssettm $0x1  }
0x91: {  	s17 =	sld [smem:$0x3FFB];
	_ =	sdelay $0x3  }
0x92: {  	_ =	strace s17  }
0x93: {  	s2 =	sld [smem:$0x3FFC];
	_ =	sdelay $0x3  }
0x94: {  	_ =	strace s2  }
0x95: {  	s2 =	sld [smem:$0x3FFD];
	_ =	sdelay $0x3  }
0x96: {  	_ =	strace s2  }
0x97: {  	_ =	strace $0x8FFFFFFF  }
0x98: {  	s18 =	sld [smem:$0x3FDB];
	_ =	sdelay $0x1  }
0x99: {  	s19 =	simm.s32 $_scs_section_size  }
0x9a: {  	s4 =	simm.s32 $_size__tile_overlayer_lowered;
	s5 =	simm.s32 $_tile_overlayer_lowered  }
0x9b: {  	s22 =	simm.s32 $0x1BFF;
	s21 =	sshll.u32 s5, $0x1;
	s2 =	sadd.s32 s19, s18  }
0x9c: {  	s6 =	simm.s32 $0x0;
	s20 =	sshll.u32 s4, $0x1;
	s4 =	sadd.s32 s21, s2  }
0x9d: {  	[timem:s6], [sflag:s22] =	dma.local [hbm:s4], s20  }
0x9e: {  	_ =	swait.ge [sflag:s22], s20  }
0x9f: {  	s3 =	ssub.s32 $0x0, s20;
	[sflag:s22] =	ssyncset.done $0x0  }
0xa0: {  	[sflag:s22] =	ssyncadd.s32 s3;
	_ =	sdelay $0x1  }
0xa1: {  	s23 =	simm.s32 $0x1B8B  }
0xa2: {  	_ =	swait.ge [sflag:s23], $0x1  }
0xa3: {  	[sflag:s23] =	ssyncset.done $0x0  }
0xa4: {  	s25 =	simm.s32 $0x1B8E;
	s24 =	sld [smem:$0x3FFE];
	[sflag:s23] =	ssyncadd.s32 $0xFFFFFFFF  }
0xa5: {  	s26 =	simm.s32 $execute0_lowered;
	[smem:$0x3FD2] =	sst s25  }
0xa6: {  	s4 =	sshll.u32 s26, $0x1;
	_ =	strace $0x8000004F;
	[dreg:$0x1] =	wrdreg $0xFFFFFFFF  }
0xa7: {  	s28 =	simm.s32 $_size_execute0_lowered;
	s2 =	sadd.s32 s2, s4;
	[dreg:$0x0] =	wrdreg $0x0  }
0xa8: {  	s4 =	sshll.u32 s28, $0x1;
	[dreg:$0x2] =	wrdreg s2  }
0xa9: {  	[dreg:$0x3] =	wrdreg s4  }
0xaa: {  	[dreg:$0x4] =	wrdreg $0xC0  }
0xab: {  	_ =	task [dreg:s6], $0x5FFFF  }
0xac: {  	[dreg:$0x1] =	wrdreg $0xFFFFFFFF  }
0xad: {  	[dreg:$0x0] =	wrdreg $0x60  }
0xae: {  	[dreg:$0x2] =	wrdreg s24  }
0xaf: {  	[dreg:$0x3] =	wrdreg $0x90000  }
0xb0: {  	[dreg:$0x4] =	wrdreg $0x9  }
0xb1: {  	_ =	task.clear_ibuf [dreg:s6], $0x5FFFF;
	_ =	strace $0x9000004F  }
0xb2: {  	s29 =	simm.s32 $0x9;
	_ =	strace $0x80000051  }
0xb3: {  	_ =	swait.ge [sflag:s29], $0x1  }
0xb4: {  	[sflag:s29] =	ssyncadd.s32 $0xFFFFFFFF  }
0xb5: {  	_ =	strace $0x90000051  }
0xb6: {  	_ =	sfence  }
0xb7: {  	s30 =	sld [smem:$0x0];
	_ =	sdelay $0x2  }
0xb8: {  	s31 =	sshll.u32 s1, $0xD;
	s1 =	sshrl.u32 s1, $0x2  }
0xb9: {  	s3 =	sand.u32 $0x4000, s31;
	s1 =	sadd.s32 s1, s30  }
0xba: {  	s0 =	sor.u32 s3, s0;
	s1 =	sshll.u32 s1, $0x11  }
0xbb: {  	s0 =	sor.u32 s1, s0  }
0xbc: {  	s0 =	sadd.s32 $0x8F2B, s0  }
0xbd: {  	[sflag:s0] =	ssyncadd.remote.s32 $0x1  }
0xbe: {  	_ =	sfence.sel $0xFFFF  }
0xbf: {  	[dreg:$0x0] =	wrdreg $0xFFFFFFFF;
	(pc) =	sbr.abs _section_cstart, $3  }
0xc0: {  	[dreg:$0x1] =	wrdreg $0xFFFFFFFF  }
0xc1: {  	_ =	task.clear_ibuf [dreg:s6], $0x2FFFF;
	_ =	strace $0x9FFFFFFF  }
0xc2: {  	(tm) =	ssettm $0x7FFFFFFF  }
0xc3: {  	_ =	shalt  }
tec
execute0_lowered:
.L_overlay_start_1:
0x0: {  	(tag) =	ssettag $0x1  }
0x1: {  	s0 =	rddreg [dreg:$0x0]  }
0x2: {  	s2 =	rddreg [dreg:$0x1];
	s3 =	simm.s32 $0x0  }
0x3: {  	s13 =	stileid.u32;
	s1 =	srdreg.scid;
	s16 =	simm.s32 $0x5  }
0x4: {  	s28 =	simm.s32 $0xD00;
	s29 =	simm.s32 $0x600;
	s30 =	simm.s32 $0xD80  }
0x5: {  	s31 =	simm.s32 $0x680;
	[smem:$0x7FF] =	sst s3;
	s5 =	smul.u32 $0x14000, s13  }
0x6: {  	s1 =	sand.u32 $0x1, s1;
	s4 =	sadd.s32 $0x6BA00, s0;
	s10 =	smul.u32 $0x50000, s13  }
0x7: {  	s7 =	sadd.s32 $0x7A00, s0;
	s9 =	sadd.s32 $0x11A00, s0;
	s12 =	smul.u32 $0xA, s13  }
0x8: {  	s20 =	sshll.u32 s13, $0x6;
	_ =	strace $0x80000050;
	s6 =	smul.u32 $0x140000, s1  }
0x9: {  	s17 =	ssub.s32 $0x2, s1;
	s11 =	smul.u32 $0xA0, s1;
	s1 =	sshll.u32 s1, $0x4  }
0xa: {  	s8 =	sshrl.u32 s5, $0x3;
	s18 =	sshrl.u32 s17, $0x1;
	s10 =	sshrl.u32 s10, $0x2  }
0xb: {  	s1 =	sor.u32 s13, s1;
	s8 =	sadd.s32 s8, s0;
	s5 =	sadd.s32 s5, s6  }
0xc: {  	s19 =	sadd.s32 s10, s2;
	s1 =	smul.u32 $0x500, s1;
	s11 =	sadd.s32 s12, s11  }
0xd: {  	s6 =	simm.s32 $0x4;
	s10 =	simm.s32 $0x3;
	s5 =	sshrl.u32 s5, $0x3  }
0xe: {  	s8 =	sadd.s32 $0x1BA00, s8;
	s21 =	sshll.u32 s11, $0x7;
	s0 =	sadd.s32 s5, s0  }
0xf: {  	s5 =	ssub.s32 s17, s18;
	[dreg:$0x3] =	wrdreg s8;
	s17 =	sor.u32 $0x1C05, s20  }
0x10: {  	s22 =	sadd.s32 s7, s1;
	s1 =	sadd.s32 s9, s1;
	s23 =	sadd.s32 $0x100, s21  }
0x11: {  	s25 =	sadd.s32 s21, s7;
	s26 =	sadd.s32 s21, s9;
	s18 =	simm.s32 $0x400  }
0x12: {  	s20 =	simm.s32 $0x80;
	s21 =	simm.s32 $0x1000;
	[dreg:$0x5] =	wrdreg s22  }
0x13: {  	s8 =	simm.s32 $0xF00;
	[dreg:$0x6] =	wrdreg s1;
	s0 =	sadd.s32 $0xBBA00, s0  }
0x14: {  	s24 =	smax.u32 s5, $0x1;
	s11 =	sadd.s32 s23, s7;
	s12 =	sadd.s32 s23, s9  }
0x15: {  	s13 =	sadd.s32 $0x80, s25;
	s14 =	sadd.s32 $0x80, s26;
	s22 =	simm.s32 $0x5000  }
.Ltmp0:
0x16: {  	s23 =	simm.s32 $0x1;
	s25 =	simm.s32 $0x2;
	(pc) =	sbr.rel .LBB2_1-.Ltmp0, $4  }
0x17: {  	s1 =	simm.s32 $0x700;
	s5 =	simm.s32 $0xE80;
	[dreg:$0x4] =	wrdreg s17  }
0x18: {  	s7 =	simm.s32 $0x780;
	s9 =	simm.s32 $0xF80;
	[dreg:$0x7] =	wrdreg s0  }
0x19: {  	s26 =	simm.s32 $0x0;
	[dreg:$0x8] =	wrdreg s24;
	s24 =	sshrl.u32 s19, $0x3  }
0x1a: {  	s19 =	simm.s32 $0xC00;
	s0 =	simm.s32 $0xE00;
	[dreg:$0x9] =	wrdreg s24  }
.LBB2_4:
0x1b: {  	[bflag:$0x0] =	sbarrier.arrive $0xFFFF  }
0x1c: {  	s17 =	rddreg [dreg:$0x4]  }
0x1d: {  	s15 =	rddreg [dreg:$0x7]  }
0x1e: {  	s24 =	rddreg [dreg:$0x9]  }
0x1f: {  	[hbm:s15], [sflag:s17] =	dma.local [spmem:s24], $0x2800  }
0x20: {  	_ =	swait.ge [sflag:s16], $0x2800  }
0x21: {  	s26 =	rddreg [dreg:$0xa]  }
0x22: {  	s15 =	rddreg [dreg:$0x8];
	s26 =	sadd.s32 $0x1, s26  }
0x23: {  	p0 =	sne.s32 s26, s15  }
.Ltmp1:
0x24: {  	_ = 	snop;
	(pc) =	sbr.rel @!p0 .LBB2_5-.Ltmp1, $3  }
0x25: {  	_ =	sdelay $0x1  }
0x26: {  	[sflag:s16] =	ssyncset.done $0x0  }
0x27: {  	[sflag:s16] =	ssyncadd.s32 $0xFFFFD800  }
.LBB2_1:
0x28: {  	[dreg:$0xa] =	wrdreg s26  }
0x29: {  	s15 =	rddreg [dreg:$0x3]  }
0x2a: {  	[spmem:s24], [sflag:s17] =	dma.local [hbm:s15], $0x2800  }
0x2b: {  	_ =	swait.ge [sflag:s16], $0x2800  }
0x2c: {  	[sflag:s16] =	ssyncset.done $0x0  }
0x2d: {  	s17 =	rddreg [dreg:$0x5];
	[sflag:s16] =	ssyncadd.s32 $0xFFFFD800  }
0x2e: {  	[tilespmem:s3], [sflag:$0x5] =	stream.linear.gather [hbm4b:s17+s3], $0x400, $0x38;
	[tilespmem:$0x1D000] =	vst v63  }
0x2f: {  	_ =	swait.ge [sflag:s16], $0x400  }
0x30: {  	[sflag:s16] =	ssyncset.done $0x0  }
0x31: {  	s26 =	simm.s32 $0x800;
	s24 =	rddreg [dreg:$0x6];
	[sflag:s16] =	ssyncadd.s32 $0xFFFFFC00  }
0x32: {  	[tilespmem:s26], [sflag:$0x5] =	stream.linear.gather [hbm4b:s24+s3], $0x400, $0x38;
	[tilespmem:$0x1D000] =	vst v63  }
0x33: {  	_ =	swait.ge [sflag:s16], $0x400  }
0x34: {  	[sflag:s16] =	ssyncset.done $0x0  }
0x35: {  	[sflag:s16] =	ssyncadd.s32 $0xFFFFFC00  }
0x36: {  	s15 =	simm.s32 $0x0;
	[bflag:$0x0] =	sbarrier.arrive $0xFFFF  }
.LBB2_2:
0x37: {  	s24 =	sadd.s32 s15, s13  }
0x38: {  	[tilespmem:s18], [sflag:$0x4] =	stream.linear.gather [hbm4b:s24+s3], $0x400, $0x38;
	[tilespmem:$0x1D000] =	vst v63  }
0x39: {  	s17 =	sadd.s32 s15, s14  }
0x3a: {  	[tilespmem:s19], [sflag:$0x4] =	stream.linear.gather [hbm4b:s17+s3], $0x400, $0x38;
	[tilespmem:$0x1D000] =	vst v63  }
0x3b: {  	_ = 	snop  }
0x3c: {  	[tilespmem:s21], [sflag:$0x1] =	stream.indirect.gather [hbm4b:s4+s20], $0x80, s3, s20, $0xb8;
	[tilespmem:$0x1D000] =	vst v63  }
0x3d: {  	_ = 	snop  }
0x3e: {  	[tilespmem:s22], [sflag:$0x2] =	stream.indirect.gather [hbm4b:s4+s20], $0x80, s20, s20, $0xb8;
	[tilespmem:$0x1D000] =	vst v63  }
0x3f: {  	_ =	swait.ge [sflag:s23], $0x4000  }
0x40: {  	[sflag:s23] =	ssyncset.done $0x0  }
0x41: {  	s17 =	simm.s32 $0x800;
	[sflag:s23] =	ssyncadd.s32 $0xFFFFC000  }
0x42: {  	[spmem:s2] =	stream.indirect.scatter.add.f32 [tilespmem:s21], [sflag:$0x5], $0x80, s17, s20, $0xb8;
	[tilespmem:$0x1D000] =	vst v63  }
0x43: {  	_ =	swait.ge [sflag:s16], $0x4000  }
0x44: {  	[sflag:s16] =	ssyncset.done $0x0  }
0x45: {  	s26 =	simm.s32 $0x100;
	[sflag:s16] =	ssyncadd.s32 $0xFFFFC000  }
0x46: {  	[tilespmem:s21], [sflag:$0x1] =	stream.indirect.gather [hbm4b:s4+s20], $0x80, s26, s20, $0xb8;
	[tilespmem:$0x1D000] =	vst v63  }
0x47: {  	_ =	swait.ge [sflag:s25], $0x4000  }
0x48: {  	[sflag:s25] =	ssyncset.done $0x0  }
0x49: {  	s24 =	simm.s32 $0x880;
	[sflag:s25] =	ssyncadd.s32 $0xFFFFC000  }
0x4a: {  	[spmem:s2] =	stream.indirect.scatter.add.f32 [tilespmem:s22], [sflag:$0x5], $0x80, s24, s20, $0xb8;
	[tilespmem:$0x1D000] =	vst v63  }
0x4b: {  	_ =	swait.ge [sflag:s16], $0x4000  }
0x4c: {  	[sflag:s16] =	ssyncset.done $0x0  }
0x4d: {  	s26 =	simm.s32 $0x180;
	[sflag:s16] =	ssyncadd.s32 $0xFFFFC000  }
0x4e: {  	[tilespmem:s22], [sflag:$0x2] =	stream.indirect.gather [hbm4b:s4+s20], $0x80, s26, s20, $0xb8;
	[tilespmem:$0x1D000] =	vst v63  }
0x4f: {  	_ =	swait.ge [sflag:s23], $0x4000  }
0x50: {  	[sflag:s23] =	ssyncset.done $0x0  }
0x51: {  	s24 =	simm.s32 $0x900;
	[sflag:s23] =	ssyncadd.s32 $0xFFFFC000  }
0x52: {  	[spmem:s2] =	stream.indirect.scatter.add.f32 [tilespmem:s21], [sflag:$0x5], $0x80, s24, s20, $0xb8;
	[tilespmem:$0x1D000] =	vst v63  }
0x53: {  	_ =	swait.ge [sflag:s16], $0x4000  }
0x54: {  	[sflag:s16] =	ssyncset.done $0x0  }
0x55: {  	s26 =	simm.s32 $0x200;
	[sflag:s16] =	ssyncadd.s32 $0xFFFFC000  }
0x56: {  	[tilespmem:s21], [sflag:$0x1] =	stream.indirect.gather [hbm4b:s4+s20], $0x80, s26, s20, $0xb8;
	[tilespmem:$0x1D000] =	vst v63  }
0x57: {  	_ =	swait.ge [sflag:s25], $0x4000  }
0x58: {  	[sflag:s25] =	ssyncset.done $0x0  }
0x59: {  	s24 =	simm.s32 $0x980;
	[sflag:s25] =	ssyncadd.s32 $0xFFFFC000  }
0x5a: {  	[spmem:s2] =	stream.indirect.scatter.add.f32 [tilespmem:s22], [sflag:$0x5], $0x80, s24, s20, $0xb8;
	[tilespmem:$0x1D000] =	vst v63  }
0x5b: {  	_ =	swait.ge [sflag:s16], $0x4000  }
0x5c: {  	[sflag:s16] =	ssyncset.done $0x0  }
0x5d: {  	s26 =	simm.s32 $0x280;
	[sflag:s16] =	ssyncadd.s32 $0xFFFFC000  }
0x5e: {  	[tilespmem:s22], [sflag:$0x2] =	stream.indirect.gather [hbm4b:s4+s20], $0x80, s26, s20, $0xb8;
	[tilespmem:$0x1D000] =	vst v63  }
0x5f: {  	_ =	swait.ge [sflag:s23], $0x4000  }
0x60: {  	[sflag:s23] =	ssyncset.done $0x0  }
0x61: {  	s24 =	simm.s32 $0xA00;
	[sflag:s23] =	ssyncadd.s32 $0xFFFFC000  }
0x62: {  	[spmem:s2] =	stream.indirect.scatter.add.f32 [tilespmem:s21], [sflag:$0x5], $0x80, s24, s20, $0xb8;
	[tilespmem:$0x1D000] =	vst v63  }
0x63: {  	_ =	swait.ge [sflag:s16], $0x4000  }
0x64: {  	[sflag:s16] =	ssyncset.done $0x0  }
0x65: {  	s26 =	simm.s32 $0x300;
	[sflag:s16] =	ssyncadd.s32 $0xFFFFC000  }
0x66: {  	[tilespmem:s21], [sflag:$0x1] =	stream.indirect.gather [hbm4b:s4+s20], $0x80, s26, s20, $0xb8;
	[tilespmem:$0x1D000] =	vst v63  }
0x67: {  	_ =	swait.ge [sflag:s25], $0x4000  }
0x68: {  	[sflag:s25] =	ssyncset.done $0x0  }
0x69: {  	s24 =	simm.s32 $0xA80;
	[sflag:s25] =	ssyncadd.s32 $0xFFFFC000  }
0x6a: {  	[spmem:s2] =	stream.indirect.scatter.add.f32 [tilespmem:s22], [sflag:$0x5], $0x80, s24, s20, $0xb8;
	[tilespmem:$0x1D000] =	vst v63  }
0x6b: {  	_ =	swait.ge [sflag:s16], $0x4000  }
0x6c: {  	[sflag:s16] =	ssyncset.done $0x0  }
0x6d: {  	s26 =	simm.s32 $0x380;
	[sflag:s16] =	ssyncadd.s32 $0xFFFFC000  }
0x6e: {  	[tilespmem:s22], [sflag:$0x2] =	stream.indirect.gather [hbm4b:s4+s20], $0x80, s26, s20, $0xb8;
	[tilespmem:$0x1D000] =	vst v63  }
0x6f: {  	_ =	swait.ge [sflag:s23], $0x4000  }
0x70: {  	[sflag:s23] =	ssyncset.done $0x0  }
0x71: {  	s24 =	simm.s32 $0xB00;
	[sflag:s23] =	ssyncadd.s32 $0xFFFFC000  }
0x72: {  	[spmem:s2] =	stream.indirect.scatter.add.f32 [tilespmem:s21], [sflag:$0x5], $0x80, s24, s20, $0xb8;
	[tilespmem:$0x1D000] =	vst v63  }
0x73: {  	_ =	swait.ge [sflag:s16], $0x4000  }
0x74: {  	[sflag:s16] =	ssyncset.done $0x0  }
0x75: {  	[sflag:s16] =	ssyncadd.s32 $0xFFFFC000  }
0x76: {  	_ =	swait.ge [sflag:s25], $0x4000  }
0x77: {  	[sflag:s25] =	ssyncset.done $0x0  }
0x78: {  	s26 =	simm.s32 $0xB80;
	[sflag:s25] =	ssyncadd.s32 $0xFFFFC000  }
0x79: {  	[spmem:s2] =	stream.indirect.scatter.add.f32 [tilespmem:s22], [sflag:$0x5], $0x80, s26, s20, $0xb8;
	[tilespmem:$0x1D000] =	vst v63  }
0x7a: {  	_ =	swait.ge [sflag:s16], $0x4000  }
0x7b: {  	[sflag:s16] =	ssyncset.done $0x0  }
0x7c: {  	[sflag:s16] =	ssyncadd.s32 $0xFFFFC000  }
0x7d: {  	_ =	swait.ge [sflag:s6], $0x400  }
0x7e: {  	[sflag:s6] =	ssyncset.done $0x0  }
0x7f: {  	[sflag:s6] =	ssyncadd.s32 $0xFFFFFC00  }
0x80: {  	_ =	swait.ge [sflag:s6], $0x400  }
0x81: {  	p0 =	seq.s32 s15, $0x400;
	[sflag:s6] =	ssyncset.done $0x0  }
0x82: {  	s17 =	simm.s32 @!p0 $0x0;
	s24 =	sadd.s32 @!p0 s15, s11;
	[sflag:s6] =	ssyncadd.s32 $0xFFFFFC00  }
0x83: {  	[tilespmem:s17], [sflag:$0x3] =	stream.linear.gather @!p0 [hbm4b:s24+s17], $0x400, $0x38;
	[tilespmem:$0x1D000] =	vst v63  }
0x84: {  	s26 =	simm.s32 @!p0 $0x800;
	s24 =	sadd.s32 @!p0 s15, s12  }
0x85: {  	[tilespmem:s26], [sflag:$0x3] =	stream.linear.gather @!p0 [hbm4b:s24+s17], $0x400, $0x38;
	[tilespmem:$0x1D000] =	vst v63  }
0x86: {  	_ = 	snop  }
0x87: {  	[tilespmem:s21], [sflag:$0x1] =	stream.indirect.gather [hbm4b:s4+s20], $0x80, s18, s20, $0xb8;
	[tilespmem:$0x1D000] =	vst v63  }
0x88: {  	s24 =	simm.s32 $0x480  }
0x89: {  	[tilespmem:s22], [sflag:$0x2] =	stream.indirect.gather [hbm4b:s4+s20], $0x80, s24, s20, $0xb8;
	[tilespmem:$0x1D000] =	vst v63  }
0x8a: {  	_ =	swait.ge [sflag:s23], $0x4000  }
0x8b: {  	[sflag:s23] =	ssyncset.done $0x0  }
0x8c: {  	[sflag:s23] =	ssyncadd.s32 $0xFFFFC000  }
0x8d: {  	[spmem:s2] =	stream.indirect.scatter.add.f32 [tilespmem:s21], [sflag:$0x5], $0x80, s19, s20, $0xb8;
	[tilespmem:$0x1D000] =	vst v63  }
0x8e: {  	_ =	swait.ge [sflag:s16], $0x4000  }
0x8f: {  	[sflag:s16] =	ssyncset.done $0x0  }
0x90: {  	s26 =	simm.s32 $0x500;
	[sflag:s16] =	ssyncadd.s32 $0xFFFFC000  }
0x91: {  	[tilespmem:s21], [sflag:$0x1] =	stream.indirect.gather [hbm4b:s4+s20], $0x80, s26, s20, $0xb8;
	[tilespmem:$0x1D000] =	vst v63  }
0x92: {  	_ =	swait.ge [sflag:s25], $0x4000  }
0x93: {  	[sflag:s25] =	ssyncset.done $0x0  }
0x94: {  	s24 =	simm.s32 $0xC80;
	[sflag:s25] =	ssyncadd.s32 $0xFFFFC000  }
0x95: {  	[spmem:s2] =	stream.indirect.scatter.add.f32 [tilespmem:s22], [sflag:$0x5], $0x80, s24, s20, $0xb8;
	[tilespmem:$0x1D000] =	vst v63  }
0x96: {  	_ =	swait.ge [sflag:s16], $0x4000  }
0x97: {  	[sflag:s16] =	ssyncset.done $0x0  }
0x98: {  	s26 =	simm.s32 $0x580;
	[sflag:s16] =	ssyncadd.s32 $0xFFFFC000  }
0x99: {  	[tilespmem:s22], [sflag:$0x2] =	stream.indirect.gather [hbm4b:s4+s20], $0x80, s26, s20, $0xb8;
	[tilespmem:$0x1D000] =	vst v63  }
0x9a: {  	_ =	swait.ge [sflag:s23], $0x4000  }
0x9b: {  	[sflag:s23] =	ssyncset.done $0x0  }
0x9c: {  	[sflag:s23] =	ssyncadd.s32 $0xFFFFC000  }
0x9d: {  	[spmem:s2] =	stream.indirect.scatter.add.f32 [tilespmem:s21], [sflag:$0x5], $0x80, s28, s20, $0xb8;
	[tilespmem:$0x1D000] =	vst v63  }
0x9e: {  	_ =	swait.ge [sflag:s16], $0x4000  }
0x9f: {  	[sflag:s16] =	ssyncset.done $0x0  }
0xa0: {  	[sflag:s16] =	ssyncadd.s32 $0xFFFFC000  }
0xa1: {  	[tilespmem:s21], [sflag:$0x1] =	stream.indirect.gather [hbm4b:s4+s20], $0x80, s29, s20, $0xb8;
	[tilespmem:$0x1D000] =	vst v63  }
0xa2: {  	_ =	swait.ge [sflag:s25], $0x4000  }
0xa3: {  	[sflag:s25] =	ssyncset.done $0x0  }
0xa4: {  	[sflag:s25] =	ssyncadd.s32 $0xFFFFC000  }
0xa5: {  	[spmem:s2] =	stream.indirect.scatter.add.f32 [tilespmem:s22], [sflag:$0x5], $0x80, s30, s20, $0xb8;
	[tilespmem:$0x1D000] =	vst v63  }
0xa6: {  	_ =	swait.ge [sflag:s16], $0x4000  }
0xa7: {  	[sflag:s16] =	ssyncset.done $0x0  }
0xa8: {  	[sflag:s16] =	ssyncadd.s32 $0xFFFFC000  }
0xa9: {  	[tilespmem:s22], [sflag:$0x2] =	stream.indirect.gather [hbm4b:s4+s20], $0x80, s31, s20, $0xb8;
	[tilespmem:$0x1D000] =	vst v63  }
0xaa: {  	_ =	swait.ge [sflag:s23], $0x4000  }
0xab: {  	[sflag:s23] =	ssyncset.done $0x0  }
0xac: {  	[sflag:s23] =	ssyncadd.s32 $0xFFFFC000  }
0xad: {  	[spmem:s2] =	stream.indirect.scatter.add.f32 [tilespmem:s21], [sflag:$0x5], $0x80, s0, s20, $0xb8;
	[tilespmem:$0x1D000] =	vst v63  }
0xae: {  	_ =	swait.ge [sflag:s16], $0x4000  }
0xaf: {  	[sflag:s16] =	ssyncset.done $0x0  }
0xb0: {  	[sflag:s16] =	ssyncadd.s32 $0xFFFFC000  }
0xb1: {  	[tilespmem:s21], [sflag:$0x1] =	stream.indirect.gather [hbm4b:s4+s20], $0x80, s1, s20, $0xb8;
	[tilespmem:$0x1D000] =	vst v63  }
0xb2: {  	_ =	swait.ge [sflag:s25], $0x4000  }
0xb3: {  	[sflag:s25] =	ssyncset.done $0x0  }
0xb4: {  	[sflag:s25] =	ssyncadd.s32 $0xFFFFC000  }
0xb5: {  	[spmem:s2] =	stream.indirect.scatter.add.f32 [tilespmem:s22], [sflag:$0x5], $0x80, s5, s20, $0xb8;
	[tilespmem:$0x1D000] =	vst v63  }
0xb6: {  	_ =	swait.ge [sflag:s16], $0x4000  }
0xb7: {  	[sflag:s16] =	ssyncset.done $0x0  }
0xb8: {  	[sflag:s16] =	ssyncadd.s32 $0xFFFFC000  }
0xb9: {  	[tilespmem:s22], [sflag:$0x2] =	stream.indirect.gather [hbm4b:s4+s20], $0x80, s7, s20, $0xb8;
	[tilespmem:$0x1D000] =	vst v63  }
0xba: {  	_ =	swait.ge [sflag:s23], $0x4000  }
0xbb: {  	[sflag:s23] =	ssyncset.done $0x0  }
0xbc: {  	[sflag:s23] =	ssyncadd.s32 $0xFFFFC000  }
0xbd: {  	[spmem:s2] =	stream.indirect.scatter.add.f32 [tilespmem:s21], [sflag:$0x5], $0x80, s8, s20, $0xb8;
	[tilespmem:$0x1D000] =	vst v63  }
0xbe: {  	_ =	swait.ge [sflag:s16], $0x4000  }
0xbf: {  	[sflag:s16] =	ssyncset.done $0x0  }
0xc0: {  	[sflag:s16] =	ssyncadd.s32 $0xFFFFC000  }
0xc1: {  	_ =	swait.ge [sflag:s25], $0x4000  }
0xc2: {  	[sflag:s25] =	ssyncset.done $0x0  }
.Ltmp2:
0xc3: {  	[sflag:s25] =	ssyncadd.s32 $0xFFFFC000;
	(pc) =	sbr.rel @p0 .LBB2_4-.Ltmp2, $4  }
0xc4: {  	[spmem:s2] =	stream.indirect.scatter.add.f32 [tilespmem:s22], [sflag:$0x5], $0x80, s9, s20, $0xb8;
	[tilespmem:$0x1D000] =	vst v63  }
0xc5: {  	_ =	swait.ge [sflag:s16], $0x4000  }
0xc6: {  	[sflag:s16] =	ssyncset.done $0x0  }
0xc7: {  	[sflag:s16] =	ssyncadd.s32 $0xFFFFC000  }
0xc8: {  	_ =	swait.ge [sflag:s10], $0x400  }
.Ltmp3:
0xc9: {  	[sflag:s10] =	ssyncset.done $0x0;
	(pc) =	sbr.rel .LBB2_2-.Ltmp3, $4  }
0xca: {  	[sflag:s10] =	ssyncadd.s32 $0xFFFFFC00  }
0xcb: {  	_ =	swait.ge [sflag:s10], $0x400  }
0xcc: {  	[sflag:s10] =	ssyncset.done $0x0  }
0xcd: {  	s15 =	sadd.s32 $0x100, s15;
	[sflag:s10] =	ssyncadd.s32 $0xFFFFFC00  }
.LBB2_5:
0xce: {  	_ =	sfence.sel $0x180000  }
0xcf: {  	[bflag:$0x0] =	sbarrier.arrive $0xFFFF  }
0xd0: {  	_ =	strace $0x90000050  }
0xd1: {  	s0 =	stileid.u32;
	[bflag:$0x2] =	sbarrier.arrive $0xFFFF  }
0xd2: {  	p0 =	sne.s32 s0, $0x0;
	s0 =	rddreg [dreg:$0x2]  }
0xd3: {  	s0 =	sadd.s32 @!p0 $0x100000, s0  }
0xd4: {  	[sflag:s0] =	ssyncadd.tile.s32 @!p0 $0x1;
	_ =	shalt  }
.Lfunc_end2:
_tile_overlayer_lowered:
.L_overlay_start_2:
0xd5: {  	(tag) =	ssettag $0x2  }
0xd6: {  	s0 =	rddreg [dreg:$0x0];
	s2 =	stileid.u32  }
0xd7: {  	s1 =	rddreg [dreg:$0x1];
	p0 =	sne.s32 s2, $0x0  }
0xd8: {  	s3 =	rddreg [dreg:$0x2];
	[bflag:$0x3] =	sbarrier.arrive $0xFFFF;
	s2 =	simm.s32 @!p0 $0x1C05  }
0xd9: {  	[timem:s3], [sflag:s2] =	dma.local @!p0 [hbm:s0], s1  }
0xda: {  	s0 =	simm.s32 @!p0 $0x5  }
0xdb: {  	_ =	swait.ge @!p0 [sflag:s0], s1  }
0xdc: {  	s1 =	ssub.s32 @!p0 $0x0, s1;
	[sflag:s0] =	ssyncset.done @!p0 $0x0  }
0xdd: {  	[sflag:s0] =	ssyncadd.s32 @!p0 s1  }
0xde: {  	[bflag:$0x3] =	sbarrier.arrive $0xFFFF  }
0xdf: {  	_ =	shalt  }

// kernel: kernel.26.cloned.1.call-start
scs
__scs_entry_jumppad:
0x0: {  	(pc) =	sbr.rel $0x88, $3  }
0x1: {  	(tag) =	ssettag $0x0;
	lr =	simm.s32 $0x1  }
0x2: {  	[smem:$0x3F8D] =	sst lr;
	_ =	strace $0xD0000000  }
0x3: {  	_ = 	snop  }
0x4: {  	_ = 	snop  }
0x5: {  	_ = 	snop  }
0x6: {  	_ = 	snop  }
0x7: {  	_ = 	snop  }
__scs_overlays_trampoline_lowered:
0x8: {  	[smem:$0x3F9C] =	sst s0  }
0x9: {  	[smem:$0x3F9D] =	sst s1  }
0xa: {  	[smem:$0x3F9E] =	sst s2  }
0xb: {  	[smem:$0x3F9F] =	sst s3  }
0xc: {  	[smem:$0x3FA0] =	sst s4  }
0xd: {  	[smem:$0x3FA1] =	sst s5  }
0xe: {  	[smem:$0x3FA2] =	sst s6  }
0xf: {  	[smem:$0x3FA3] =	sst s7  }
0x10: {  	[smem:$0x3FA4] =	sst s8  }
0x11: {  	[smem:$0x3FA5] =	sst s9;
	s0 =	simm.s32 @!p0 $0x0  }
0x12: {  	s1 =	sld [smem:$0x3F8B];
	s0 =	simm.s32 @p0 $0x1  }
0x13: {  	[smem:$0x3FA6] =	sst s0;
	s0 =	simm.s32 @!p1 $0x0  }
0x14: {  	s2 =	sld [smem:$0x3F8A];
	s0 =	simm.s32 @p1 $0x1  }
0x15: {  	[smem:$0x3FA7] =	sst s0;
	s0 =	simm.s32 @!p2 $0x0  }
0x16: {  	s3 =	sld [smem:$0x3FDB];
	s0 =	simm.s32 @p2 $0x1  }
0x17: {  	s4 =	simm.s32 $0x1BF5;
	[smem:$0x3FA9] =	sst s0  }
0x18: {  	s0 =	sld [smem:$0x3F8C];
	_ =	swait.ge [sflag:s4], $0x0  }
0x19: {  	s7 =	sld [smem:$0x3F8D]  }
0x1a: {  	s8 =	sadd.s32 $0xFFFFE003, lr  }
0x1b: {  	s9 =	sadd.s32 $0xFFFFFEF7, lr;
	s5 =	simm.s32 $0xFFFFFFFF;
	p2 =	slt.u32 s8, $0xFFFFF086  }
0x1c: {  	p1 =	slt.u32 s9, $0xF7A;
	s5 =	simm.s32 @!p2 $0x0  }
0x1d: {  	s5 =	simm.s32 @p1 $0x1;
	p0 =	seq.s32 s7, s2  }
0x1e: {  	s7 =	smul.u32 @!p0 $0xF7A, s2;
	p2 =	seq.s32 @!p0 s5, $0x0  }
0x1f: {  	s9 =	smul.u32 $0xF7A, s1;
	s8 =	simm.s32 @!p0 $0x1BF5;
	p2 =	por !p2, p0  }
0x20: {  	[sflag:s8] =	ssyncset.s32 @!p0 $0xFFFFF086;
	s6 =	sadd.s32 @!p0 s3, s7;
	s7 =	simm.s32 @!p0 $0x108  }
0x21: {  	s3 =	sadd.s32 s3, s9;
	s6 =	sadd.s32 @!p0 $0x88, s6;
	s7 =	simm.s32 @p2 $0x1082  }
0x22: {  	[simem:s7], [sflag:s8] =	dma.local @!p0 [hbm:s6], $0xF7A  }
0x23: {  	s9 =	sor.u32 $0xD0000000, s2;
	s6 =	simm.s32 $0x108;
	_ =	swait.ge @!p0 [sflag:s8], $0x0  }
0x24: {  	s3 =	sadd.s32 $0x88, s3;
	s6 =	simm.s32 @!p1 $0x1082;
	[sflag:s4] =	ssyncset.s32 $0xFFFFF086  }
0x25: {  	[simem:s6], [sflag:s4] =	dma.local [hbm:s3], $0xF7A  }
0x26: {  	[smem:$0x3F8D] =	sst s1;
	(tag) =	ssettag s2;
	_ =	strace s9  }
0x27: {  	s1 =	sld [smem:$0x3F9D]  }
0x28: {  	s2 =	sld [smem:$0x3F9E]  }
0x29: {  	s4 =	sld [smem:$0x3FA0]  }
0x2a: {  	p0 =	seq.s32 s5, $0x0;
	s5 =	sld [smem:$0x3FA1]  }
0x2b: {  	s6 =	sld [smem:$0x3FA2]  }
0x2c: {  	s7 =	sld [smem:$0x3FA3]  }
0x2d: {  	s3 =	simm.s32 $0x108;
	s8 =	sld [smem:$0x3FA4]  }
0x2e: {  	s3 =	simm.s32 @!p0 $0x1082;
	s9 =	sld [smem:$0x3FA5]  }
0x2f: {  	lr =	sadd.s32 s0, s3;
	s0 =	sld [smem:$0x3F9C]  }
0x30: {  	s3 =	sld [smem:$0x3F9F]  }
0x31: {  	[smem:$0x3FA8] =	sst s10  }
0x32: {  	s10 =	sld [smem:$0x3FA6];
	_ =	sdelay $0x3  }
0x33: {  	p0 =	seq.s32 s10, $0x1;
	s10 =	sld [smem:$0x3FA8];
	_ =	sdelay $0x3  }
0x34: {  	[smem:$0x3FA8] =	sst s10  }
0x35: {  	s10 =	sld [smem:$0x3FA7];
	_ =	sdelay $0x3  }
0x36: {  	p1 =	seq.s32 s10, $0x1;
	s10 =	sld [smem:$0x3FA8];
	_ =	sdelay $0x3  }
0x37: {  	[smem:$0x3FA8] =	sst s10  }
0x38: {  	s10 =	sld [smem:$0x3FA9]  }
0x39: {  	_ = 	snop;
	(pc) =	sbr.ind lr, $3  }
0x3a: {  	_ = 	snop  }
0x3b: {  	_ = 	snop  }
0x3c: {  	p2 =	seq.s32 s10, $0x1;
	s10 =	sld [smem:$0x3FA8]  }
0x3d: {  	_ =	shalt  }
0x3e: {  	_ =	shalt  }
0x3f: {  	_ =	shalt  }
0x40: {  	_ =	shalt  }
0x41: {  	_ =	shalt  }
0x42: {  	_ =	shalt  }
0x43: {  	_ =	shalt  }
0x44: {  	_ =	shalt  }
0x45: {  	_ =	shalt  }
0x46: {  	_ =	shalt  }
0x47: {  	_ =	shalt  }
0x48: {  	_ =	shalt  }
0x49: {  	_ =	shalt  }
0x4a: {  	_ =	shalt  }
0x4b: {  	_ =	shalt  }
0x4c: {  	_ =	shalt  }
0x4d: {  	_ =	shalt  }
0x4e: {  	_ =	shalt  }
0x4f: {  	_ =	shalt  }
0x50: {  	_ =	shalt  }
0x51: {  	_ =	shalt  }
0x52: {  	_ =	shalt  }
0x53: {  	_ =	shalt  }
0x54: {  	_ =	shalt  }
0x55: {  	_ =	shalt  }
0x56: {  	_ =	shalt  }
0x57: {  	_ =	shalt  }
0x58: {  	_ =	shalt  }
0x59: {  	_ =	shalt  }
0x5a: {  	_ =	shalt  }
0x5b: {  	_ =	shalt  }
0x5c: {  	_ =	shalt  }
0x5d: {  	_ =	shalt  }
0x5e: {  	_ =	shalt  }
0x5f: {  	_ =	shalt  }
0x60: {  	_ =	shalt  }
0x61: {  	_ =	shalt  }
0x62: {  	_ =	shalt  }
0x63: {  	_ =	shalt  }
0x64: {  	_ =	shalt  }
0x65: {  	_ =	shalt  }
0x66: {  	_ =	shalt  }
0x67: {  	_ =	shalt  }
0x68: {  	_ =	shalt  }
0x69: {  	_ =	shalt  }
0x6a: {  	_ =	shalt  }
0x6b: {  	_ =	shalt  }
0x6c: {  	_ =	shalt  }
0x6d: {  	_ =	shalt  }
0x6e: {  	_ =	shalt  }
0x6f: {  	_ =	shalt  }
0x70: {  	_ =	shalt  }
0x71: {  	_ =	shalt  }
0x72: {  	_ =	shalt  }
0x73: {  	_ =	shalt  }
0x74: {  	_ =	shalt  }
0x75: {  	_ =	shalt  }
0x76: {  	_ =	shalt  }
0x77: {  	_ =	shalt  }
0x78: {  	_ =	shalt  }
0x79: {  	_ =	shalt  }
0x7a: {  	_ =	shalt  }
0x7b: {  	_ =	shalt  }
0x7c: {  	_ =	shalt  }
0x7d: {  	_ =	shalt  }
0x7e: {  	_ =	shalt  }
0x7f: {  	_ =	shalt  }
0x80: {  	_ =	shalt  }
0x81: {  	_ =	shalt  }
0x82: {  	_ =	shalt  }
0x83: {  	_ =	shalt  }
0x84: {  	_ =	shalt  }
0x85: {  	_ =	shalt  }
0x86: {  	_ =	shalt  }
0x87: {  	_ =	shalt  }
.Lfunc_end0:
.L_simem_size_0:
called_computation.4_lowered:
.L_overlay_start_0:
0x88: {  	s2 =	sld [smem:$0x3FD9]  }
0x89: {  	s3 =	sld [smem:$0x3FFE];
	_ =	sdelay $0x1  }
0x8a: {  	s1 =	srdreg.scid  }
0x8b: {  	s0 =	sand.u32 $0x1, s1  }
0x8c: {  	s16 =	sshll.u32 s0, $0xA;
	s2 =	sadd.s32 s3, s2  }
0x8d: {  	s2 =	sadd.s32 s2, s16  }
0x8e: {  	[smem:$0x3FB4] =	sst s2  }
0x8f: {  	_ = 	snop  }
0x90: {  	(tm) =	ssettm $0x1  }
0x91: {  	s17 =	sld [smem:$0x3FFB];
	_ =	sdelay $0x3  }
0x92: {  	_ =	strace s17  }
0x93: {  	s2 =	sld [smem:$0x3FFC];
	_ =	sdelay $0x3  }
0x94: {  	_ =	strace s2  }
0x95: {  	s2 =	sld [smem:$0x3FFD];
	_ =	sdelay $0x3  }
0x96: {  	_ =	strace s2  }
0x97: {  	_ =	strace $0x8FFFFFFF  }
0x98: {  	s18 =	sld [smem:$0x3FDB];
	_ =	sdelay $0x1  }
0x99: {  	s19 =	simm.s32 $_scs_section_size  }
0x9a: {  	s4 =	simm.s32 $_size__tile_overlayer_lowered;
	s5 =	simm.s32 $_tile_overlayer_lowered  }
0x9b: {  	s22 =	simm.s32 $0x1BFF;
	s21 =	sshll.u32 s5, $0x1;
	s2 =	sadd.s32 s19, s18  }
0x9c: {  	s6 =	simm.s32 $0x0;
	s20 =	sshll.u32 s4, $0x1;
	s4 =	sadd.s32 s21, s2  }
0x9d: {  	[timem:s6], [sflag:s22] =	dma.local [hbm:s4], s20  }
0x9e: {  	_ =	swait.ge [sflag:s22], s20  }
0x9f: {  	s3 =	ssub.s32 $0x0, s20;
	[sflag:s22] =	ssyncset.done $0x0  }
0xa0: {  	[sflag:s22] =	ssyncadd.s32 s3;
	_ =	sdelay $0x1  }
0xa1: {  	s23 =	simm.s32 $0x1B8B  }
0xa2: {  	_ =	swait.ge [sflag:s23], $0x1  }
0xa3: {  	[sflag:s23] =	ssyncset.done $0x0  }
0xa4: {  	s25 =	simm.s32 $0x1B8E;
	s24 =	sld [smem:$0x3FFE];
	[sflag:s23] =	ssyncadd.s32 $0xFFFFFFFF  }
0xa5: {  	s26 =	simm.s32 $execute0_lowered;
	[smem:$0x3FD2] =	sst s25  }
0xa6: {  	s4 =	sshll.u32 s26, $0x1;
	_ =	strace $0x80000052;
	[dreg:$0x1] =	wrdreg $0xFFFFFFFF  }
0xa7: {  	s28 =	simm.s32 $_size_execute0_lowered;
	s2 =	sadd.s32 s2, s4;
	[dreg:$0x0] =	wrdreg $0x0  }
0xa8: {  	s4 =	sshll.u32 s28, $0x1;
	[dreg:$0x2] =	wrdreg s2  }
0xa9: {  	[dreg:$0x3] =	wrdreg s4  }
0xaa: {  	[dreg:$0x4] =	wrdreg $0xC0  }
0xab: {  	_ =	task [dreg:s6], $0x5FFFF  }
0xac: {  	[dreg:$0x1] =	wrdreg $0xFFFFFFFF  }
0xad: {  	[dreg:$0x0] =	wrdreg $0x60  }
0xae: {  	[dreg:$0x2] =	wrdreg s24  }
0xaf: {  	[dreg:$0x3] =	wrdreg $0x90000  }
0xb0: {  	[dreg:$0x4] =	wrdreg $0x9  }
0xb1: {  	_ =	task.clear_ibuf [dreg:s6], $0x5FFFF;
	_ =	strace $0x90000052  }
0xb2: {  	s29 =	simm.s32 $0x9;
	_ =	strace $0x80000054  }
0xb3: {  	_ =	swait.ge [sflag:s29], $0x1  }
0xb4: {  	[sflag:s29] =	ssyncadd.s32 $0xFFFFFFFF  }
0xb5: {  	_ =	strace $0x90000054  }
0xb6: {  	_ =	sfence  }
0xb7: {  	s30 =	sld [smem:$0x0];
	_ =	sdelay $0x2  }
0xb8: {  	s31 =	sshll.u32 s1, $0xD;
	s1 =	sshrl.u32 s1, $0x2  }
0xb9: {  	s3 =	sand.u32 $0x4000, s31;
	s1 =	sadd.s32 s1, s30  }
0xba: {  	s0 =	sor.u32 s3, s0;
	s1 =	sshll.u32 s1, $0x11  }
0xbb: {  	s0 =	sor.u32 s1, s0  }
0xbc: {  	s0 =	sadd.s32 $0x8F2B, s0  }
0xbd: {  	[sflag:s0] =	ssyncadd.remote.s32 $0x1  }
0xbe: {  	_ =	sfence.sel $0xFFFF  }
0xbf: {  	[dreg:$0x0] =	wrdreg $0xFFFFFFFF;
	(pc) =	sbr.abs _section_cstart, $3  }
0xc0: {  	[dreg:$0x1] =	wrdreg $0xFFFFFFFF  }
0xc1: {  	_ =	task.clear_ibuf [dreg:s6], $0x2FFFF;
	_ =	strace $0x9FFFFFFF  }
0xc2: {  	(tm) =	ssettm $0x7FFFFFFF  }
0xc3: {  	_ =	shalt  }
tec
execute0_lowered:
.L_overlay_start_1:
0x0: {  	(tag) =	ssettag $0x1  }
0x1: {  	s0 =	rddreg [dreg:$0x0]  }
0x2: {  	s2 =	rddreg [dreg:$0x1];
	s3 =	simm.s32 $0x0  }
0x3: {  	s13 =	stileid.u32;
	s1 =	srdreg.scid;
	s16 =	simm.s32 $0x5  }
0x4: {  	s28 =	simm.s32 $0xD00;
	s29 =	simm.s32 $0x600;
	s30 =	simm.s32 $0xD80  }
0x5: {  	s31 =	simm.s32 $0x680;
	[smem:$0x7FF] =	sst s3;
	s5 =	smul.u32 $0x14000, s13  }
0x6: {  	s1 =	sand.u32 $0x1, s1;
	s4 =	sadd.s32 $0x6BA00, s0;
	s10 =	smul.u32 $0x50000, s13  }
0x7: {  	s7 =	sadd.s32 $0x7A00, s0;
	s9 =	sadd.s32 $0x11A00, s0;
	s12 =	smul.u32 $0xA, s13  }
0x8: {  	s20 =	sshll.u32 s13, $0x6;
	_ =	strace $0x80000053;
	s6 =	smul.u32 $0x140000, s1  }
0x9: {  	s17 =	ssub.s32 $0x2, s1;
	s11 =	smul.u32 $0xA0, s1;
	s1 =	sshll.u32 s1, $0x4  }
0xa: {  	s8 =	sshrl.u32 s5, $0x3;
	s18 =	sshrl.u32 s17, $0x1;
	s10 =	sshrl.u32 s10, $0x2  }
0xb: {  	s1 =	sor.u32 s13, s1;
	s8 =	sadd.s32 s8, s0;
	s5 =	sadd.s32 s5, s6  }
0xc: {  	s19 =	sadd.s32 s10, s2;
	s1 =	smul.u32 $0x500, s1;
	s11 =	sadd.s32 s12, s11  }
0xd: {  	s6 =	simm.s32 $0x4;
	s10 =	simm.s32 $0x3;
	s5 =	sshrl.u32 s5, $0x3  }
0xe: {  	s8 =	sadd.s32 $0x1BA00, s8;
	s21 =	sshll.u32 s11, $0x7;
	s0 =	sadd.s32 s5, s0  }
0xf: {  	s5 =	ssub.s32 s17, s18;
	[dreg:$0x3] =	wrdreg s8;
	s17 =	sor.u32 $0x1C05, s20  }
0x10: {  	s22 =	sadd.s32 s7, s1;
	s1 =	sadd.s32 s9, s1;
	s23 =	sadd.s32 $0x100, s21  }
0x11: {  	s25 =	sadd.s32 s21, s7;
	s26 =	sadd.s32 s21, s9;
	s18 =	simm.s32 $0x400  }
0x12: {  	s20 =	simm.s32 $0x80;
	s21 =	simm.s32 $0x1000;
	[dreg:$0x5] =	wrdreg s22  }
0x13: {  	s8 =	simm.s32 $0xF00;
	[dreg:$0x6] =	wrdreg s1;
	s0 =	sadd.s32 $0xBBA00, s0  }
0x14: {  	s24 =	smax.u32 s5, $0x1;
	s11 =	sadd.s32 s23, s7;
	s12 =	sadd.s32 s23, s9  }
0x15: {  	s13 =	sadd.s32 $0x80, s25;
	s14 =	sadd.s32 $0x80, s26;
	s22 =	simm.s32 $0x5000  }
.Ltmp0:
0x16: {  	s23 =	simm.s32 $0x1;
	s25 =	simm.s32 $0x2;
	(pc) =	sbr.rel .LBB2_1-.Ltmp0, $4  }
0x17: {  	s1 =	simm.s32 $0x700;
	s5 =	simm.s32 $0xE80;
	[dreg:$0x4] =	wrdreg s17  }
0x18: {  	s7 =	simm.s32 $0x780;
	s9 =	simm.s32 $0xF80;
	[dreg:$0x7] =	wrdreg s0  }
0x19: {  	s26 =	simm.s32 $0x0;
	[dreg:$0x8] =	wrdreg s24;
	s24 =	sshrl.u32 s19, $0x3  }
0x1a: {  	s19 =	simm.s32 $0xC00;
	s0 =	simm.s32 $0xE00;
	[dreg:$0x9] =	wrdreg s24  }
.LBB2_4:
0x1b: {  	[bflag:$0x0] =	sbarrier.arrive $0xFFFF  }
0x1c: {  	s17 =	rddreg [dreg:$0x4]  }
0x1d: {  	s15 =	rddreg [dreg:$0x7]  }
0x1e: {  	s24 =	rddreg [dreg:$0x9]  }
0x1f: {  	[hbm:s15], [sflag:s17] =	dma.local [spmem:s24], $0x2800  }
0x20: {  	_ =	swait.ge [sflag:s16], $0x2800  }
0x21: {  	s26 =	rddreg [dreg:$0xa]  }
0x22: {  	s15 =	rddreg [dreg:$0x8];
	s26 =	sadd.s32 $0x1, s26  }
0x23: {  	p0 =	sne.s32 s26, s15  }
.Ltmp1:
0x24: {  	_ = 	snop;
	(pc) =	sbr.rel @!p0 .LBB2_5-.Ltmp1, $3  }
0x25: {  	_ =	sdelay $0x1  }
0x26: {  	[sflag:s16] =	ssyncset.done $0x0  }
0x27: {  	[sflag:s16] =	ssyncadd.s32 $0xFFFFD800  }
.LBB2_1:
0x28: {  	[dreg:$0xa] =	wrdreg s26  }
0x29: {  	s15 =	rddreg [dreg:$0x3]  }
0x2a: {  	[spmem:s24], [sflag:s17] =	dma.local [hbm:s15], $0x2800  }
0x2b: {  	_ =	swait.ge [sflag:s16], $0x2800  }
0x2c: {  	[sflag:s16] =	ssyncset.done $0x0  }
0x2d: {  	s17 =	rddreg [dreg:$0x5];
	[sflag:s16] =	ssyncadd.s32 $0xFFFFD800  }
0x2e: {  	[tilespmem:s3], [sflag:$0x5] =	stream.linear.gather [hbm4b:s17+s3], $0x400, $0x38;
	[tilespmem:$0x1D000] =	vst v63  }
0x2f: {  	_ =	swait.ge [sflag:s16], $0x400  }
0x30: {  	[sflag:s16] =	ssyncset.done $0x0  }
0x31: {  	s26 =	simm.s32 $0x800;
	s24 =	rddreg [dreg:$0x6];
	[sflag:s16] =	ssyncadd.s32 $0xFFFFFC00  }
0x32: {  	[tilespmem:s26], [sflag:$0x5] =	stream.linear.gather [hbm4b:s24+s3], $0x400, $0x38;
	[tilespmem:$0x1D000] =	vst v63  }
0x33: {  	_ =	swait.ge [sflag:s16], $0x400  }
0x34: {  	[sflag:s16] =	ssyncset.done $0x0  }
0x35: {  	[sflag:s16] =	ssyncadd.s32 $0xFFFFFC00  }
0x36: {  	s15 =	simm.s32 $0x0;
	[bflag:$0x0] =	sbarrier.arrive $0xFFFF  }
.LBB2_2:
0x37: {  	s24 =	sadd.s32 s15, s13  }
0x38: {  	[tilespmem:s18], [sflag:$0x4] =	stream.linear.gather [hbm4b:s24+s3], $0x400, $0x38;
	[tilespmem:$0x1D000] =	vst v63  }
0x39: {  	s17 =	sadd.s32 s15, s14  }
0x3a: {  	[tilespmem:s19], [sflag:$0x4] =	stream.linear.gather [hbm4b:s17+s3], $0x400, $0x38;
	[tilespmem:$0x1D000] =	vst v63  }
0x3b: {  	_ = 	snop  }
0x3c: {  	[tilespmem:s21], [sflag:$0x1] =	stream.indirect.gather [hbm4b:s4+s20], $0x80, s3, s20, $0xb8;
	[tilespmem:$0x1D000] =	vst v63  }
0x3d: {  	_ = 	snop  }
0x3e: {  	[tilespmem:s22], [sflag:$0x2] =	stream.indirect.gather [hbm4b:s4+s20], $0x80, s20, s20, $0xb8;
	[tilespmem:$0x1D000] =	vst v63  }
0x3f: {  	_ =	swait.ge [sflag:s23], $0x4000  }
0x40: {  	[sflag:s23] =	ssyncset.done $0x0  }
0x41: {  	s17 =	simm.s32 $0x800;
	[sflag:s23] =	ssyncadd.s32 $0xFFFFC000  }
0x42: {  	[spmem:s2] =	stream.indirect.scatter.add.f32 [tilespmem:s21], [sflag:$0x5], $0x80, s17, s20, $0xb8;
	[tilespmem:$0x1D000] =	vst v63  }
0x43: {  	_ =	swait.ge [sflag:s16], $0x4000  }
0x44: {  	[sflag:s16] =	ssyncset.done $0x0  }
0x45: {  	s26 =	simm.s32 $0x100;
	[sflag:s16] =	ssyncadd.s32 $0xFFFFC000  }
0x46: {  	[tilespmem:s21], [sflag:$0x1] =	stream.indirect.gather [hbm4b:s4+s20], $0x80, s26, s20, $0xb8;
	[tilespmem:$0x1D000] =	vst v63  }
0x47: {  	_ =	swait.ge [sflag:s25], $0x4000  }
0x48: {  	[sflag:s25] =	ssyncset.done $0x0  }
0x49: {  	s24 =	simm.s32 $0x880;
	[sflag:s25] =	ssyncadd.s32 $0xFFFFC000  }
0x4a: {  	[spmem:s2] =	stream.indirect.scatter.add.f32 [tilespmem:s22], [sflag:$0x5], $0x80, s24, s20, $0xb8;
	[tilespmem:$0x1D000] =	vst v63  }
0x4b: {  	_ =	swait.ge [sflag:s16], $0x4000  }
0x4c: {  	[sflag:s16] =	ssyncset.done $0x0  }
0x4d: {  	s26 =	simm.s32 $0x180;
	[sflag:s16] =	ssyncadd.s32 $0xFFFFC000  }
0x4e: {  	[tilespmem:s22], [sflag:$0x2] =	stream.indirect.gather [hbm4b:s4+s20], $0x80, s26, s20, $0xb8;
	[tilespmem:$0x1D000] =	vst v63  }
0x4f: {  	_ =	swait.ge [sflag:s23], $0x4000  }
0x50: {  	[sflag:s23] =	ssyncset.done $0x0  }
0x51: {  	s24 =	simm.s32 $0x900;
	[sflag:s23] =	ssyncadd.s32 $0xFFFFC000  }
0x52: {  	[spmem:s2] =	stream.indirect.scatter.add.f32 [tilespmem:s21], [sflag:$0x5], $0x80, s24, s20, $0xb8;
	[tilespmem:$0x1D000] =	vst v63  }
0x53: {  	_ =	swait.ge [sflag:s16], $0x4000  }
0x54: {  	[sflag:s16] =	ssyncset.done $0x0  }
0x55: {  	s26 =	simm.s32 $0x200;
	[sflag:s16] =	ssyncadd.s32 $0xFFFFC000  }
0x56: {  	[tilespmem:s21], [sflag:$0x1] =	stream.indirect.gather [hbm4b:s4+s20], $0x80, s26, s20, $0xb8;
	[tilespmem:$0x1D000] =	vst v63  }
0x57: {  	_ =	swait.ge [sflag:s25], $0x4000  }
0x58: {  	[sflag:s25] =	ssyncset.done $0x0  }
0x59: {  	s24 =	simm.s32 $0x980;
	[sflag:s25] =	ssyncadd.s32 $0xFFFFC000  }
0x5a: {  	[spmem:s2] =	stream.indirect.scatter.add.f32 [tilespmem:s22], [sflag:$0x5], $0x80, s24, s20, $0xb8;
	[tilespmem:$0x1D000] =	vst v63  }
0x5b: {  	_ =	swait.ge [sflag:s16], $0x4000  }
0x5c: {  	[sflag:s16] =	ssyncset.done $0x0  }
0x5d: {  	s26 =	simm.s32 $0x280;
	[sflag:s16] =	ssyncadd.s32 $0xFFFFC000  }
0x5e: {  	[tilespmem:s22], [sflag:$0x2] =	stream.indirect.gather [hbm4b:s4+s20], $0x80, s26, s20, $0xb8;
	[tilespmem:$0x1D000] =	vst v63  }
0x5f: {  	_ =	swait.ge [sflag:s23], $0x4000  }
0x60: {  	[sflag:s23] =	ssyncset.done $0x0  }
0x61: {  	s24 =	simm.s32 $0xA00;
	[sflag:s23] =	ssyncadd.s32 $0xFFFFC000  }
0x62: {  	[spmem:s2] =	stream.indirect.scatter.add.f32 [tilespmem:s21], [sflag:$0x5], $0x80, s24, s20, $0xb8;
	[tilespmem:$0x1D000] =	vst v63  }
0x63: {  	_ =	swait.ge [sflag:s16], $0x4000  }
0x64: {  	[sflag:s16] =	ssyncset.done $0x0  }
0x65: {  	s26 =	simm.s32 $0x300;
	[sflag:s16] =	ssyncadd.s32 $0xFFFFC000  }
0x66: {  	[tilespmem:s21], [sflag:$0x1] =	stream.indirect.gather [hbm4b:s4+s20], $0x80, s26, s20, $0xb8;
	[tilespmem:$0x1D000] =	vst v63  }
0x67: {  	_ =	swait.ge [sflag:s25], $0x4000  }
0x68: {  	[sflag:s25] =	ssyncset.done $0x0  }
0x69: {  	s24 =	simm.s32 $0xA80;
	[sflag:s25] =	ssyncadd.s32 $0xFFFFC000  }
0x6a: {  	[spmem:s2] =	stream.indirect.scatter.add.f32 [tilespmem:s22], [sflag:$0x5], $0x80, s24, s20, $0xb8;
	[tilespmem:$0x1D000] =	vst v63  }
0x6b: {  	_ =	swait.ge [sflag:s16], $0x4000  }
0x6c: {  	[sflag:s16] =	ssyncset.done $0x0  }
0x6d: {  	s26 =	simm.s32 $0x380;
	[sflag:s16] =	ssyncadd.s32 $0xFFFFC000  }
0x6e: {  	[tilespmem:s22], [sflag:$0x2] =	stream.indirect.gather [hbm4b:s4+s20], $0x80, s26, s20, $0xb8;
	[tilespmem:$0x1D000] =	vst v63  }
0x6f: {  	_ =	swait.ge [sflag:s23], $0x4000  }
0x70: {  	[sflag:s23] =	ssyncset.done $0x0  }
0x71: {  	s24 =	simm.s32 $0xB00;
	[sflag:s23] =	ssyncadd.s32 $0xFFFFC000  }
0x72: {  	[spmem:s2] =	stream.indirect.scatter.add.f32 [tilespmem:s21], [sflag:$0x5], $0x80, s24, s20, $0xb8;
	[tilespmem:$0x1D000] =	vst v63  }
0x73: {  	_ =	swait.ge [sflag:s16], $0x4000  }
0x74: {  	[sflag:s16] =	ssyncset.done $0x0  }
0x75: {  	[sflag:s16] =	ssyncadd.s32 $0xFFFFC000  }
0x76: {  	_ =	swait.ge [sflag:s25], $0x4000  }
0x77: {  	[sflag:s25] =	ssyncset.done $0x0  }
0x78: {  	s26 =	simm.s32 $0xB80;
	[sflag:s25] =	ssyncadd.s32 $0xFFFFC000  }
0x79: {  	[spmem:s2] =	stream.indirect.scatter.add.f32 [tilespmem:s22], [sflag:$0x5], $0x80, s26, s20, $0xb8;
	[tilespmem:$0x1D000] =	vst v63  }
0x7a: {  	_ =	swait.ge [sflag:s16], $0x4000  }
0x7b: {  	[sflag:s16] =	ssyncset.done $0x0  }
0x7c: {  	[sflag:s16] =	ssyncadd.s32 $0xFFFFC000  }
0x7d: {  	_ =	swait.ge [sflag:s6], $0x400  }
0x7e: {  	[sflag:s6] =	ssyncset.done $0x0  }
0x7f: {  	[sflag:s6] =	ssyncadd.s32 $0xFFFFFC00  }
0x80: {  	_ =	swait.ge [sflag:s6], $0x400  }
0x81: {  	p0 =	seq.s32 s15, $0x400;
	[sflag:s6] =	ssyncset.done $0x0  }
0x82: {  	s17 =	simm.s32 @!p0 $0x0;
	s24 =	sadd.s32 @!p0 s15, s11;
	[sflag:s6] =	ssyncadd.s32 $0xFFFFFC00  }
0x83: {  	[tilespmem:s17], [sflag:$0x3] =	stream.linear.gather @!p0 [hbm4b:s24+s17], $0x400, $0x38;
	[tilespmem:$0x1D000] =	vst v63  }
0x84: {  	s26 =	simm.s32 @!p0 $0x800;
	s24 =	sadd.s32 @!p0 s15, s12  }
0x85: {  	[tilespmem:s26], [sflag:$0x3] =	stream.linear.gather @!p0 [hbm4b:s24+s17], $0x400, $0x38;
	[tilespmem:$0x1D000] =	vst v63  }
0x86: {  	_ = 	snop  }
0x87: {  	[tilespmem:s21], [sflag:$0x1] =	stream.indirect.gather [hbm4b:s4+s20], $0x80, s18, s20, $0xb8;
	[tilespmem:$0x1D000] =	vst v63  }
0x88: {  	s24 =	simm.s32 $0x480  }
0x89: {  	[tilespmem:s22], [sflag:$0x2] =	stream.indirect.gather [hbm4b:s4+s20], $0x80, s24, s20, $0xb8;
	[tilespmem:$0x1D000] =	vst v63  }
0x8a: {  	_ =	swait.ge [sflag:s23], $0x4000  }
0x8b: {  	[sflag:s23] =	ssyncset.done $0x0  }
0x8c: {  	[sflag:s23] =	ssyncadd.s32 $0xFFFFC000  }
0x8d: {  	[spmem:s2] =	stream.indirect.scatter.add.f32 [tilespmem:s21], [sflag:$0x5], $0x80, s19, s20, $0xb8;
	[tilespmem:$0x1D000] =	vst v63  }
0x8e: {  	_ =	swait.ge [sflag:s16], $0x4000  }
0x8f: {  	[sflag:s16] =	ssyncset.done $0x0  }
0x90: {  	s26 =	simm.s32 $0x500;
	[sflag:s16] =	ssyncadd.s32 $0xFFFFC000  }
0x91: {  	[tilespmem:s21], [sflag:$0x1] =	stream.indirect.gather [hbm4b:s4+s20], $0x80, s26, s20, $0xb8;
	[tilespmem:$0x1D000] =	vst v63  }
0x92: {  	_ =	swait.ge [sflag:s25], $0x4000  }
0x93: {  	[sflag:s25] =	ssyncset.done $0x0  }
0x94: {  	s24 =	simm.s32 $0xC80;
	[sflag:s25] =	ssyncadd.s32 $0xFFFFC000  }
0x95: {  	[spmem:s2] =	stream.indirect.scatter.add.f32 [tilespmem:s22], [sflag:$0x5], $0x80, s24, s20, $0xb8;
	[tilespmem:$0x1D000] =	vst v63  }
0x96: {  	_ =	swait.ge [sflag:s16], $0x4000  }
0x97: {  	[sflag:s16] =	ssyncset.done $0x0  }
0x98: {  	s26 =	simm.s32 $0x580;
	[sflag:s16] =	ssyncadd.s32 $0xFFFFC000  }
0x99: {  	[tilespmem:s22], [sflag:$0x2] =	stream.indirect.gather [hbm4b:s4+s20], $0x80, s26, s20, $0xb8;
	[tilespmem:$0x1D000] =	vst v63  }
0x9a: {  	_ =	swait.ge [sflag:s23], $0x4000  }
0x9b: {  	[sflag:s23] =	ssyncset.done $0x0  }
0x9c: {  	[sflag:s23] =	ssyncadd.s32 $0xFFFFC000  }
0x9d: {  	[spmem:s2] =	stream.indirect.scatter.add.f32 [tilespmem:s21], [sflag:$0x5], $0x80, s28, s20, $0xb8;
	[tilespmem:$0x1D000] =	vst v63  }
0x9e: {  	_ =	swait.ge [sflag:s16], $0x4000  }
0x9f: {  	[sflag:s16] =	ssyncset.done $0x0  }
0xa0: {  	[sflag:s16] =	ssyncadd.s32 $0xFFFFC000  }
0xa1: {  	[tilespmem:s21], [sflag:$0x1] =	stream.indirect.gather [hbm4b:s4+s20], $0x80, s29, s20, $0xb8;
	[tilespmem:$0x1D000] =	vst v63  }
0xa2: {  	_ =	swait.ge [sflag:s25], $0x4000  }
0xa3: {  	[sflag:s25] =	ssyncset.done $0x0  }
0xa4: {  	[sflag:s25] =	ssyncadd.s32 $0xFFFFC000  }
0xa5: {  	[spmem:s2] =	stream.indirect.scatter.add.f32 [tilespmem:s22], [sflag:$0x5], $0x80, s30, s20, $0xb8;
	[tilespmem:$0x1D000] =	vst v63  }
0xa6: {  	_ =	swait.ge [sflag:s16], $0x4000  }
0xa7: {  	[sflag:s16] =	ssyncset.done $0x0  }
0xa8: {  	[sflag:s16] =	ssyncadd.s32 $0xFFFFC000  }
0xa9: {  	[tilespmem:s22], [sflag:$0x2] =	stream.indirect.gather [hbm4b:s4+s20], $0x80, s31, s20, $0xb8;
	[tilespmem:$0x1D000] =	vst v63  }
0xaa: {  	_ =	swait.ge [sflag:s23], $0x4000  }
0xab: {  	[sflag:s23] =	ssyncset.done $0x0  }
0xac: {  	[sflag:s23] =	ssyncadd.s32 $0xFFFFC000  }
0xad: {  	[spmem:s2] =	stream.indirect.scatter.add.f32 [tilespmem:s21], [sflag:$0x5], $0x80, s0, s20, $0xb8;
	[tilespmem:$0x1D000] =	vst v63  }
0xae: {  	_ =	swait.ge [sflag:s16], $0x4000  }
0xaf: {  	[sflag:s16] =	ssyncset.done $0x0  }
0xb0: {  	[sflag:s16] =	ssyncadd.s32 $0xFFFFC000  }
0xb1: {  	[tilespmem:s21], [sflag:$0x1] =	stream.indirect.gather [hbm4b:s4+s20], $0x80, s1, s20, $0xb8;
	[tilespmem:$0x1D000] =	vst v63  }
0xb2: {  	_ =	swait.ge [sflag:s25], $0x4000  }
0xb3: {  	[sflag:s25] =	ssyncset.done $0x0  }
0xb4: {  	[sflag:s25] =	ssyncadd.s32 $0xFFFFC000  }
0xb5: {  	[spmem:s2] =	stream.indirect.scatter.add.f32 [tilespmem:s22], [sflag:$0x5], $0x80, s5, s20, $0xb8;
	[tilespmem:$0x1D000] =	vst v63  }
0xb6: {  	_ =	swait.ge [sflag:s16], $0x4000  }
0xb7: {  	[sflag:s16] =	ssyncset.done $0x0  }
0xb8: {  	[sflag:s16] =	ssyncadd.s32 $0xFFFFC000  }
0xb9: {  	[tilespmem:s22], [sflag:$0x2] =	stream.indirect.gather [hbm4b:s4+s20], $0x80, s7, s20, $0xb8;
	[tilespmem:$0x1D000] =	vst v63  }
0xba: {  	_ =	swait.ge [sflag:s23], $0x4000  }
0xbb: {  	[sflag:s23] =	ssyncset.done $0x0  }
0xbc: {  	[sflag:s23] =	ssyncadd.s32 $0xFFFFC000  }
0xbd: {  	[spmem:s2] =	stream.indirect.scatter.add.f32 [tilespmem:s21], [sflag:$0x5], $0x80, s8, s20, $0xb8;
	[tilespmem:$0x1D000] =	vst v63  }
0xbe: {  	_ =	swait.ge [sflag:s16], $0x4000  }
0xbf: {  	[sflag:s16] =	ssyncset.done $0x0  }
0xc0: {  	[sflag:s16] =	ssyncadd.s32 $0xFFFFC000  }
0xc1: {  	_ =	swait.ge [sflag:s25], $0x4000  }
0xc2: {  	[sflag:s25] =	ssyncset.done $0x0  }
.Ltmp2:
0xc3: {  	[sflag:s25] =	ssyncadd.s32 $0xFFFFC000;
	(pc) =	sbr.rel @p0 .LBB2_4-.Ltmp2, $4  }
0xc4: {  	[spmem:s2] =	stream.indirect.scatter.add.f32 [tilespmem:s22], [sflag:$0x5], $0x80, s9, s20, $0xb8;
	[tilespmem:$0x1D000] =	vst v63  }
0xc5: {  	_ =	swait.ge [sflag:s16], $0x4000  }
0xc6: {  	[sflag:s16] =	ssyncset.done $0x0  }
0xc7: {  	[sflag:s16] =	ssyncadd.s32 $0xFFFFC000  }
0xc8: {  	_ =	swait.ge [sflag:s10], $0x400  }
.Ltmp3:
0xc9: {  	[sflag:s10] =	ssyncset.done $0x0;
	(pc) =	sbr.rel .LBB2_2-.Ltmp3, $4  }
0xca: {  	[sflag:s10] =	ssyncadd.s32 $0xFFFFFC00  }
0xcb: {  	_ =	swait.ge [sflag:s10], $0x400  }
0xcc: {  	[sflag:s10] =	ssyncset.done $0x0  }
0xcd: {  	s15 =	sadd.s32 $0x100, s15;
	[sflag:s10] =	ssyncadd.s32 $0xFFFFFC00  }
.LBB2_5:
0xce: {  	_ =	sfence.sel $0x180000  }
0xcf: {  	[bflag:$0x0] =	sbarrier.arrive $0xFFFF  }
0xd0: {  	_ =	strace $0x90000053  }
0xd1: {  	s0 =	stileid.u32;
	[bflag:$0x2] =	sbarrier.arrive $0xFFFF  }
0xd2: {  	p0 =	sne.s32 s0, $0x0;
	s0 =	rddreg [dreg:$0x2]  }
0xd3: {  	s0 =	sadd.s32 @!p0 $0x100000, s0  }
0xd4: {  	[sflag:s0] =	ssyncadd.tile.s32 @!p0 $0x1;
	_ =	shalt  }
.Lfunc_end2:
_tile_overlayer_lowered:
.L_overlay_start_2:
0xd5: {  	(tag) =	ssettag $0x2  }
0xd6: {  	s0 =	rddreg [dreg:$0x0];
	s2 =	stileid.u32  }
0xd7: {  	s1 =	rddreg [dreg:$0x1];
	p0 =	sne.s32 s2, $0x0  }
0xd8: {  	s3 =	rddreg [dreg:$0x2];
	[bflag:$0x3] =	sbarrier.arrive $0xFFFF;
	s2 =	simm.s32 @!p0 $0x1C05  }
0xd9: {  	[timem:s3], [sflag:s2] =	dma.local @!p0 [hbm:s0], s1  }
0xda: {  	s0 =	simm.s32 @!p0 $0x5  }
0xdb: {  	_ =	swait.ge @!p0 [sflag:s0], s1  }
0xdc: {  	s1 =	ssub.s32 @!p0 $0x0, s1;
	[sflag:s0] =	ssyncset.done @!p0 $0x0  }
0xdd: {  	[sflag:s0] =	ssyncadd.s32 @!p0 s1  }
0xde: {  	[bflag:$0x3] =	sbarrier.arrive $0xFFFF  }
0xdf: {  	_ =	shalt  }

// kernel: kernel.29.cloned.1.call-start
scs
__scs_entry_jumppad:
0x0: {  	(pc) =	sbr.rel $0x88, $3  }
0x1: {  	(tag) =	ssettag $0x0;
	lr =	simm.s32 $0x1  }
0x2: {  	[smem:$0x3F8D] =	sst lr;
	_ =	strace $0xD0000000  }
0x3: {  	_ = 	snop  }
0x4: {  	_ = 	snop  }
0x5: {  	_ = 	snop  }
0x6: {  	_ = 	snop  }
0x7: {  	_ = 	snop  }
__scs_overlays_trampoline_lowered:
0x8: {  	[smem:$0x3F9C] =	sst s0  }
0x9: {  	[smem:$0x3F9D] =	sst s1  }
0xa: {  	[smem:$0x3F9E] =	sst s2  }
0xb: {  	[smem:$0x3F9F] =	sst s3  }
0xc: {  	[smem:$0x3FA0] =	sst s4  }
0xd: {  	[smem:$0x3FA1] =	sst s5  }
0xe: {  	[smem:$0x3FA2] =	sst s6  }
0xf: {  	[smem:$0x3FA3] =	sst s7  }
0x10: {  	[smem:$0x3FA4] =	sst s8  }
0x11: {  	[smem:$0x3FA5] =	sst s9;
	s0 =	simm.s32 @!p0 $0x0  }
0x12: {  	s1 =	sld [smem:$0x3F8B];
	s0 =	simm.s32 @p0 $0x1  }
0x13: {  	[smem:$0x3FA6] =	sst s0;
	s0 =	simm.s32 @!p1 $0x0  }
0x14: {  	s2 =	sld [smem:$0x3F8A];
	s0 =	simm.s32 @p1 $0x1  }
0x15: {  	[smem:$0x3FA7] =	sst s0;
	s0 =	simm.s32 @!p2 $0x0  }
0x16: {  	s3 =	sld [smem:$0x3FDB];
	s0 =	simm.s32 @p2 $0x1  }
0x17: {  	s4 =	simm.s32 $0x1BF5;
	[smem:$0x3FA9] =	sst s0  }
0x18: {  	s0 =	sld [smem:$0x3F8C];
	_ =	swait.ge [sflag:s4], $0x0  }
0x19: {  	s7 =	sld [smem:$0x3F8D]  }
0x1a: {  	s8 =	sadd.s32 $0xFFFFE003, lr  }
0x1b: {  	s9 =	sadd.s32 $0xFFFFFEF7, lr;
	s5 =	simm.s32 $0xFFFFFFFF;
	p2 =	slt.u32 s8, $0xFFFFF086  }
0x1c: {  	p1 =	slt.u32 s9, $0xF7A;
	s5 =	simm.s32 @!p2 $0x0  }
0x1d: {  	s5 =	simm.s32 @p1 $0x1;
	p0 =	seq.s32 s7, s2  }
0x1e: {  	s7 =	smul.u32 @!p0 $0xF7A, s2;
	p2 =	seq.s32 @!p0 s5, $0x0  }
0x1f: {  	s9 =	smul.u32 $0xF7A, s1;
	s8 =	simm.s32 @!p0 $0x1BF5;
	p2 =	por !p2, p0  }
0x20: {  	[sflag:s8] =	ssyncset.s32 @!p0 $0xFFFFF086;
	s6 =	sadd.s32 @!p0 s3, s7;
	s7 =	simm.s32 @!p0 $0x108  }
0x21: {  	s3 =	sadd.s32 s3, s9;
	s6 =	sadd.s32 @!p0 $0x88, s6;
	s7 =	simm.s32 @p2 $0x1082  }
0x22: {  	[simem:s7], [sflag:s8] =	dma.local @!p0 [hbm:s6], $0xF7A  }
0x23: {  	s9 =	sor.u32 $0xD0000000, s2;
	s6 =	simm.s32 $0x108;
	_ =	swait.ge @!p0 [sflag:s8], $0x0  }
0x24: {  	s3 =	sadd.s32 $0x88, s3;
	s6 =	simm.s32 @!p1 $0x1082;
	[sflag:s4] =	ssyncset.s32 $0xFFFFF086  }
0x25: {  	[simem:s6], [sflag:s4] =	dma.local [hbm:s3], $0xF7A  }
0x26: {  	[smem:$0x3F8D] =	sst s1;
	(tag) =	ssettag s2;
	_ =	strace s9  }
0x27: {  	s1 =	sld [smem:$0x3F9D]  }
0x28: {  	s2 =	sld [smem:$0x3F9E]  }
0x29: {  	s4 =	sld [smem:$0x3FA0]  }
0x2a: {  	p0 =	seq.s32 s5, $0x0;
	s5 =	sld [smem:$0x3FA1]  }
0x2b: {  	s6 =	sld [smem:$0x3FA2]  }
0x2c: {  	s7 =	sld [smem:$0x3FA3]  }
0x2d: {  	s3 =	simm.s32 $0x108;
	s8 =	sld [smem:$0x3FA4]  }
0x2e: {  	s3 =	simm.s32 @!p0 $0x1082;
	s9 =	sld [smem:$0x3FA5]  }
0x2f: {  	lr =	sadd.s32 s0, s3;
	s0 =	sld [smem:$0x3F9C]  }
0x30: {  	s3 =	sld [smem:$0x3F9F]  }
0x31: {  	[smem:$0x3FA8] =	sst s10  }
0x32: {  	s10 =	sld [smem:$0x3FA6];
	_ =	sdelay $0x3  }
0x33: {  	p0 =	seq.s32 s10, $0x1;
	s10 =	sld [smem:$0x3FA8];
	_ =	sdelay $0x3  }
0x34: {  	[smem:$0x3FA8] =	sst s10  }
0x35: {  	s10 =	sld [smem:$0x3FA7];
	_ =	sdelay $0x3  }
0x36: {  	p1 =	seq.s32 s10, $0x1;
	s10 =	sld [smem:$0x3FA8];
	_ =	sdelay $0x3  }
0x37: {  	[smem:$0x3FA8] =	sst s10  }
0x38: {  	s10 =	sld [smem:$0x3FA9]  }
0x39: {  	_ = 	snop;
	(pc) =	sbr.ind lr, $3  }
0x3a: {  	_ = 	snop  }
0x3b: {  	_ = 	snop  }
0x3c: {  	p2 =	seq.s32 s10, $0x1;
	s10 =	sld [smem:$0x3FA8]  }
0x3d: {  	_ =	shalt  }
0x3e: {  	_ =	shalt  }
0x3f: {  	_ =	shalt  }
0x40: {  	_ =	shalt  }
0x41: {  	_ =	shalt  }
0x42: {  	_ =	shalt  }
0x43: {  	_ =	shalt  }
0x44: {  	_ =	shalt  }
0x45: {  	_ =	shalt  }
0x46: {  	_ =	shalt  }
0x47: {  	_ =	shalt  }
0x48: {  	_ =	shalt  }
0x49: {  	_ =	shalt  }
0x4a: {  	_ =	shalt  }
0x4b: {  	_ =	shalt  }
0x4c: {  	_ =	shalt  }
0x4d: {  	_ =	shalt  }
0x4e: {  	_ =	shalt  }
0x4f: {  	_ =	shalt  }
0x50: {  	_ =	shalt  }
0x51: {  	_ =	shalt  }
0x52: {  	_ =	shalt  }
0x53: {  	_ =	shalt  }
0x54: {  	_ =	shalt  }
0x55: {  	_ =	shalt  }
0x56: {  	_ =	shalt  }
0x57: {  	_ =	shalt  }
0x58: {  	_ =	shalt  }
0x59: {  	_ =	shalt  }
0x5a: {  	_ =	shalt  }
0x5b: {  	_ =	shalt  }
0x5c: {  	_ =	shalt  }
0x5d: {  	_ =	shalt  }
0x5e: {  	_ =	shalt  }
0x5f: {  	_ =	shalt  }
0x60: {  	_ =	shalt  }
0x61: {  	_ =	shalt  }
0x62: {  	_ =	shalt  }
0x63: {  	_ =	shalt  }
0x64: {  	_ =	shalt  }
0x65: {  	_ =	shalt  }
0x66: {  	_ =	shalt  }
0x67: {  	_ =	shalt  }
0x68: {  	_ =	shalt  }
0x69: {  	_ =	shalt  }
0x6a: {  	_ =	shalt  }
0x6b: {  	_ =	shalt  }
0x6c: {  	_ =	shalt  }
0x6d: {  	_ =	shalt  }
0x6e: {  	_ =	shalt  }
0x6f: {  	_ =	shalt  }
0x70: {  	_ =	shalt  }
0x71: {  	_ =	shalt  }
0x72: {  	_ =	shalt  }
0x73: {  	_ =	shalt  }
0x74: {  	_ =	shalt  }
0x75: {  	_ =	shalt  }
0x76: {  	_ =	shalt  }
0x77: {  	_ =	shalt  }
0x78: {  	_ =	shalt  }
0x79: {  	_ =	shalt  }
0x7a: {  	_ =	shalt  }
0x7b: {  	_ =	shalt  }
0x7c: {  	_ =	shalt  }
0x7d: {  	_ =	shalt  }
0x7e: {  	_ =	shalt  }
0x7f: {  	_ =	shalt  }
0x80: {  	_ =	shalt  }
0x81: {  	_ =	shalt  }
0x82: {  	_ =	shalt  }
0x83: {  	_ =	shalt  }
0x84: {  	_ =	shalt  }
0x85: {  	_ =	shalt  }
0x86: {  	_ =	shalt  }
0x87: {  	_ =	shalt  }
.Lfunc_end0:
.L_simem_size_0:
called_computation.5_lowered:
.L_overlay_start_0:
0x88: {  	s2 =	sld [smem:$0x3FD9]  }
0x89: {  	s3 =	sld [smem:$0x3FFE];
	_ =	sdelay $0x1  }
0x8a: {  	s1 =	srdreg.scid  }
0x8b: {  	s0 =	sand.u32 $0x1, s1  }
0x8c: {  	s16 =	sshll.u32 s0, $0xA;
	s2 =	sadd.s32 s3, s2  }
0x8d: {  	s2 =	sadd.s32 s2, s16  }
0x8e: {  	[smem:$0x3FB4] =	sst s2  }
0x8f: {  	_ = 	snop  }
0x90: {  	(tm) =	ssettm $0x1  }
0x91: {  	s17 =	sld [smem:$0x3FFB];
	_ =	sdelay $0x3  }
0x92: {  	_ =	strace s17  }
0x93: {  	s2 =	sld [smem:$0x3FFC];
	_ =	sdelay $0x3  }
0x94: {  	_ =	strace s2  }
0x95: {  	s2 =	sld [smem:$0x3FFD];
	_ =	sdelay $0x3  }
0x96: {  	_ =	strace s2  }
0x97: {  	_ =	strace $0x8FFFFFFF  }
0x98: {  	s18 =	sld [smem:$0x3FDB];
	_ =	sdelay $0x1  }
0x99: {  	s19 =	simm.s32 $_scs_section_size  }
0x9a: {  	s4 =	simm.s32 $_size__tile_overlayer_lowered;
	s5 =	simm.s32 $_tile_overlayer_lowered  }
0x9b: {  	s22 =	simm.s32 $0x1BFF;
	s21 =	sshll.u32 s5, $0x1;
	s2 =	sadd.s32 s19, s18  }
0x9c: {  	s6 =	simm.s32 $0x0;
	s20 =	sshll.u32 s4, $0x1;
	s4 =	sadd.s32 s21, s2  }
0x9d: {  	[timem:s6], [sflag:s22] =	dma.local [hbm:s4], s20  }
0x9e: {  	_ =	swait.ge [sflag:s22], s20  }
0x9f: {  	s3 =	ssub.s32 $0x0, s20;
	[sflag:s22] =	ssyncset.done $0x0  }
0xa0: {  	[sflag:s22] =	ssyncadd.s32 s3;
	_ =	sdelay $0x1  }
0xa1: {  	s23 =	simm.s32 $0x1B8B  }
0xa2: {  	_ =	swait.ge [sflag:s23], $0x1  }
0xa3: {  	[sflag:s23] =	ssyncset.done $0x0  }
0xa4: {  	s25 =	simm.s32 $0x1B8E;
	s24 =	sld [smem:$0x3FFE];
	[sflag:s23] =	ssyncadd.s32 $0xFFFFFFFF  }
0xa5: {  	s26 =	simm.s32 $execute0_lowered;
	[smem:$0x3FD2] =	sst s25  }
0xa6: {  	s4 =	sshll.u32 s26, $0x1;
	_ =	strace $0x80000055;
	[dreg:$0x1] =	wrdreg $0xFFFFFFFF  }
0xa7: {  	s28 =	simm.s32 $_size_execute0_lowered;
	s2 =	sadd.s32 s2, s4;
	[dreg:$0x0] =	wrdreg $0x0  }
0xa8: {  	s4 =	sshll.u32 s28, $0x1;
	[dreg:$0x2] =	wrdreg s2  }
0xa9: {  	[dreg:$0x3] =	wrdreg s4  }
0xaa: {  	[dreg:$0x4] =	wrdreg $0xC0  }
0xab: {  	_ =	task [dreg:s6], $0x5FFFF  }
0xac: {  	[dreg:$0x1] =	wrdreg $0xFFFFFFFF  }
0xad: {  	[dreg:$0x0] =	wrdreg $0x60  }
0xae: {  	[dreg:$0x2] =	wrdreg s24  }
0xaf: {  	[dreg:$0x3] =	wrdreg $0x90000  }
0xb0: {  	[dreg:$0x4] =	wrdreg $0x9  }
0xb1: {  	_ =	task.clear_ibuf [dreg:s6], $0x5FFFF;
	_ =	strace $0x90000055  }
0xb2: {  	s29 =	simm.s32 $0x9;
	_ =	strace $0x80000057  }
0xb3: {  	_ =	swait.ge [sflag:s29], $0x1  }
0xb4: {  	[sflag:s29] =	ssyncadd.s32 $0xFFFFFFFF  }
0xb5: {  	_ =	strace $0x90000057  }
0xb6: {  	_ =	sfence  }
0xb7: {  	s30 =	sld [smem:$0x0];
	_ =	sdelay $0x2  }
0xb8: {  	s31 =	sshll.u32 s1, $0xD;
	s1 =	sshrl.u32 s1, $0x2  }
0xb9: {  	s3 =	sand.u32 $0x4000, s31;
	s1 =	sadd.s32 s1, s30  }
0xba: {  	s0 =	sor.u32 s3, s0;
	s1 =	sshll.u32 s1, $0x11  }
0xbb: {  	s0 =	sor.u32 s1, s0  }
0xbc: {  	s0 =	sadd.s32 $0x8F2B, s0  }
0xbd: {  	[sflag:s0] =	ssyncadd.remote.s32 $0x1  }
0xbe: {  	_ =	sfence.sel $0xFFFF  }
0xbf: {  	[dreg:$0x0] =	wrdreg $0xFFFFFFFF;
	(pc) =	sbr.abs _section_cstart, $3  }
0xc0: {  	[dreg:$0x1] =	wrdreg $0xFFFFFFFF  }
0xc1: {  	_ =	task.clear_ibuf [dreg:s6], $0x2FFFF;
	_ =	strace $0x9FFFFFFF  }
0xc2: {  	(tm) =	ssettm $0x7FFFFFFF  }
0xc3: {  	_ =	shalt  }
tec
execute0_lowered:
.L_overlay_start_1:
0x0: {  	(tag) =	ssettag $0x1  }
0x1: {  	s0 =	rddreg [dreg:$0x0]  }
0x2: {  	s2 =	rddreg [dreg:$0x1];
	s3 =	simm.s32 $0x0  }
0x3: {  	s13 =	stileid.u32;
	s1 =	srdreg.scid;
	s16 =	simm.s32 $0x5  }
0x4: {  	s28 =	simm.s32 $0xD00;
	s29 =	simm.s32 $0x600;
	s30 =	simm.s32 $0xD80  }
0x5: {  	s31 =	simm.s32 $0x680;
	[smem:$0x7FF] =	sst s3;
	s5 =	smul.u32 $0x14000, s13  }
0x6: {  	s1 =	sand.u32 $0x1, s1;
	s4 =	sadd.s32 $0x6BA00, s0;
	s10 =	smul.u32 $0x50000, s13  }
0x7: {  	s7 =	sadd.s32 $0x7A00, s0;
	s9 =	sadd.s32 $0x11A00, s0;
	s12 =	smul.u32 $0xA, s13  }
0x8: {  	s20 =	sshll.u32 s13, $0x6;
	_ =	strace $0x80000056;
	s6 =	smul.u32 $0x140000, s1  }
0x9: {  	s17 =	ssub.s32 $0x2, s1;
	s11 =	smul.u32 $0xA0, s1;
	s1 =	sshll.u32 s1, $0x4  }
0xa: {  	s8 =	sshrl.u32 s5, $0x3;
	s18 =	sshrl.u32 s17, $0x1;
	s10 =	sshrl.u32 s10, $0x2  }
0xb: {  	s1 =	sor.u32 s13, s1;
	s8 =	sadd.s32 s8, s0;
	s5 =	sadd.s32 s5, s6  }
0xc: {  	s19 =	sadd.s32 s10, s2;
	s1 =	smul.u32 $0x500, s1;
	s11 =	sadd.s32 s12, s11  }
0xd: {  	s6 =	simm.s32 $0x4;
	s10 =	simm.s32 $0x3;
	s5 =	sshrl.u32 s5, $0x3  }
0xe: {  	s8 =	sadd.s32 $0x1BA00, s8;
	s21 =	sshll.u32 s11, $0x7;
	s0 =	sadd.s32 s5, s0  }
0xf: {  	s5 =	ssub.s32 s17, s18;
	[dreg:$0x3] =	wrdreg s8;
	s17 =	sor.u32 $0x1C05, s20  }
0x10: {  	s22 =	sadd.s32 s7, s1;
	s1 =	sadd.s32 s9, s1;
	s23 =	sadd.s32 $0x100, s21  }
0x11: {  	s25 =	sadd.s32 s21, s7;
	s26 =	sadd.s32 s21, s9;
	s18 =	simm.s32 $0x400  }
0x12: {  	s20 =	simm.s32 $0x80;
	s21 =	simm.s32 $0x1000;
	[dreg:$0x5] =	wrdreg s22  }
0x13: {  	s8 =	simm.s32 $0xF00;
	[dreg:$0x6] =	wrdreg s1;
	s0 =	sadd.s32 $0xBBA00, s0  }
0x14: {  	s24 =	smax.u32 s5, $0x1;
	s11 =	sadd.s32 s23, s7;
	s12 =	sadd.s32 s23, s9  }
0x15: {  	s13 =	sadd.s32 $0x80, s25;
	s14 =	sadd.s32 $0x80, s26;
	s22 =	simm.s32 $0x5000  }
.Ltmp0:
0x16: {  	s23 =	simm.s32 $0x1;
	s25 =	simm.s32 $0x2;
	(pc) =	sbr.rel .LBB2_1-.Ltmp0, $4  }
0x17: {  	s1 =	simm.s32 $0x700;
	s5 =	simm.s32 $0xE80;
	[dreg:$0x4] =	wrdreg s17  }
0x18: {  	s7 =	simm.s32 $0x780;
	s9 =	simm.s32 $0xF80;
	[dreg:$0x7] =	wrdreg s0  }
0x19: {  	s26 =	simm.s32 $0x0;
	[dreg:$0x8] =	wrdreg s24;
	s24 =	sshrl.u32 s19, $0x3  }
0x1a: {  	s19 =	simm.s32 $0xC00;
	s0 =	simm.s32 $0xE00;
	[dreg:$0x9] =	wrdreg s24  }
.LBB2_4:
0x1b: {  	[bflag:$0x0] =	sbarrier.arrive $0xFFFF  }
0x1c: {  	s17 =	rddreg [dreg:$0x4]  }
0x1d: {  	s15 =	rddreg [dreg:$0x7]  }
0x1e: {  	s24 =	rddreg [dreg:$0x9]  }
0x1f: {  	[hbm:s15], [sflag:s17] =	dma.local [spmem:s24], $0x2800  }
0x20: {  	_ =	swait.ge [sflag:s16], $0x2800  }
0x21: {  	s26 =	rddreg [dreg:$0xa]  }
0x22: {  	s15 =	rddreg [dreg:$0x8];
	s26 =	sadd.s32 $0x1, s26  }
0x23: {  	p0 =	sne.s32 s26, s15  }
.Ltmp1:
0x24: {  	_ = 	snop;
	(pc) =	sbr.rel @!p0 .LBB2_5-.Ltmp1, $3  }
0x25: {  	_ =	sdelay $0x1  }
0x26: {  	[sflag:s16] =	ssyncset.done $0x0  }
0x27: {  	[sflag:s16] =	ssyncadd.s32 $0xFFFFD800  }
.LBB2_1:
0x28: {  	[dreg:$0xa] =	wrdreg s26  }
0x29: {  	s15 =	rddreg [dreg:$0x3]  }
0x2a: {  	[spmem:s24], [sflag:s17] =	dma.local [hbm:s15], $0x2800  }
0x2b: {  	_ =	swait.ge [sflag:s16], $0x2800  }
0x2c: {  	[sflag:s16] =	ssyncset.done $0x0  }
0x2d: {  	s17 =	rddreg [dreg:$0x5];
	[sflag:s16] =	ssyncadd.s32 $0xFFFFD800  }
0x2e: {  	[tilespmem:s3], [sflag:$0x5] =	stream.linear.gather [hbm4b:s17+s3], $0x400, $0x38;
	[tilespmem:$0x1D000] =	vst v63  }
0x2f: {  	_ =	swait.ge [sflag:s16], $0x400  }
0x30: {  	[sflag:s16] =	ssyncset.done $0x0  }
0x31: {  	s26 =	simm.s32 $0x800;
	s24 =	rddreg [dreg:$0x6];
	[sflag:s16] =	ssyncadd.s32 $0xFFFFFC00  }
0x32: {  	[tilespmem:s26], [sflag:$0x5] =	stream.linear.gather [hbm4b:s24+s3], $0x400, $0x38;
	[tilespmem:$0x1D000] =	vst v63  }
0x33: {  	_ =	swait.ge [sflag:s16], $0x400  }
0x34: {  	[sflag:s16] =	ssyncset.done $0x0  }
0x35: {  	[sflag:s16] =	ssyncadd.s32 $0xFFFFFC00  }
0x36: {  	s15 =	simm.s32 $0x0;
	[bflag:$0x0] =	sbarrier.arrive $0xFFFF  }
.LBB2_2:
0x37: {  	s24 =	sadd.s32 s15, s13  }
0x38: {  	[tilespmem:s18], [sflag:$0x4] =	stream.linear.gather [hbm4b:s24+s3], $0x400, $0x38;
	[tilespmem:$0x1D000] =	vst v63  }
0x39: {  	s17 =	sadd.s32 s15, s14  }
0x3a: {  	[tilespmem:s19], [sflag:$0x4] =	stream.linear.gather [hbm4b:s17+s3], $0x400, $0x38;
	[tilespmem:$0x1D000] =	vst v63  }
0x3b: {  	_ = 	snop  }
0x3c: {  	[tilespmem:s21], [sflag:$0x1] =	stream.indirect.gather [hbm4b:s4+s20], $0x80, s3, s20, $0xb8;
	[tilespmem:$0x1D000] =	vst v63  }
0x3d: {  	_ = 	snop  }
0x3e: {  	[tilespmem:s22], [sflag:$0x2] =	stream.indirect.gather [hbm4b:s4+s20], $0x80, s20, s20, $0xb8;
	[tilespmem:$0x1D000] =	vst v63  }
0x3f: {  	_ =	swait.ge [sflag:s23], $0x4000  }
0x40: {  	[sflag:s23] =	ssyncset.done $0x0  }
0x41: {  	s17 =	simm.s32 $0x800;
	[sflag:s23] =	ssyncadd.s32 $0xFFFFC000  }
0x42: {  	[spmem:s2] =	stream.indirect.scatter.add.f32 [tilespmem:s21], [sflag:$0x5], $0x80, s17, s20, $0xb8;
	[tilespmem:$0x1D000] =	vst v63  }
0x43: {  	_ =	swait.ge [sflag:s16], $0x4000  }
0x44: {  	[sflag:s16] =	ssyncset.done $0x0  }
0x45: {  	s26 =	simm.s32 $0x100;
	[sflag:s16] =	ssyncadd.s32 $0xFFFFC000  }
0x46: {  	[tilespmem:s21], [sflag:$0x1] =	stream.indirect.gather [hbm4b:s4+s20], $0x80, s26, s20, $0xb8;
	[tilespmem:$0x1D000] =	vst v63  }
0x47: {  	_ =	swait.ge [sflag:s25], $0x4000  }
0x48: {  	[sflag:s25] =	ssyncset.done $0x0  }
0x49: {  	s24 =	simm.s32 $0x880;
	[sflag:s25] =	ssyncadd.s32 $0xFFFFC000  }
0x4a: {  	[spmem:s2] =	stream.indirect.scatter.add.f32 [tilespmem:s22], [sflag:$0x5], $0x80, s24, s20, $0xb8;
	[tilespmem:$0x1D000] =	vst v63  }
0x4b: {  	_ =	swait.ge [sflag:s16], $0x4000  }
0x4c: {  	[sflag:s16] =	ssyncset.done $0x0  }
0x4d: {  	s26 =	simm.s32 $0x180;
	[sflag:s16] =	ssyncadd.s32 $0xFFFFC000  }
0x4e: {  	[tilespmem:s22], [sflag:$0x2] =	stream.indirect.gather [hbm4b:s4+s20], $0x80, s26, s20, $0xb8;
	[tilespmem:$0x1D000] =	vst v63  }
0x4f: {  	_ =	swait.ge [sflag:s23], $0x4000  }
0x50: {  	[sflag:s23] =	ssyncset.done $0x0  }
0x51: {  	s24 =	simm.s32 $0x900;
	[sflag:s23] =	ssyncadd.s32 $0xFFFFC000  }
0x52: {  	[spmem:s2] =	stream.indirect.scatter.add.f32 [tilespmem:s21], [sflag:$0x5], $0x80, s24, s20, $0xb8;
	[tilespmem:$0x1D000] =	vst v63  }
0x53: {  	_ =	swait.ge [sflag:s16], $0x4000  }
0x54: {  	[sflag:s16] =	ssyncset.done $0x0  }
0x55: {  	s26 =	simm.s32 $0x200;
	[sflag:s16] =	ssyncadd.s32 $0xFFFFC000  }
0x56: {  	[tilespmem:s21], [sflag:$0x1] =	stream.indirect.gather [hbm4b:s4+s20], $0x80, s26, s20, $0xb8;
	[tilespmem:$0x1D000] =	vst v63  }
0x57: {  	_ =	swait.ge [sflag:s25], $0x4000  }
0x58: {  	[sflag:s25] =	ssyncset.done $0x0  }
0x59: {  	s24 =	simm.s32 $0x980;
	[sflag:s25] =	ssyncadd.s32 $0xFFFFC000  }
0x5a: {  	[spmem:s2] =	stream.indirect.scatter.add.f32 [tilespmem:s22], [sflag:$0x5], $0x80, s24, s20, $0xb8;
	[tilespmem:$0x1D000] =	vst v63  }
0x5b: {  	_ =	swait.ge [sflag:s16], $0x4000  }
0x5c: {  	[sflag:s16] =	ssyncset.done $0x0  }
0x5d: {  	s26 =	simm.s32 $0x280;
	[sflag:s16] =	ssyncadd.s32 $0xFFFFC000  }
0x5e: {  	[tilespmem:s22], [sflag:$0x2] =	stream.indirect.gather [hbm4b:s4+s20], $0x80, s26, s20, $0xb8;
	[tilespmem:$0x1D000] =	vst v63  }
0x5f: {  	_ =	swait.ge [sflag:s23], $0x4000  }
0x60: {  	[sflag:s23] =	ssyncset.done $0x0  }
0x61: {  	s24 =	simm.s32 $0xA00;
	[sflag:s23] =	ssyncadd.s32 $0xFFFFC000  }
0x62: {  	[spmem:s2] =	stream.indirect.scatter.add.f32 [tilespmem:s21], [sflag:$0x5], $0x80, s24, s20, $0xb8;
	[tilespmem:$0x1D000] =	vst v63  }
0x63: {  	_ =	swait.ge [sflag:s16], $0x4000  }
0x64: {  	[sflag:s16] =	ssyncset.done $0x0  }
0x65: {  	s26 =	simm.s32 $0x300;
	[sflag:s16] =	ssyncadd.s32 $0xFFFFC000  }
0x66: {  	[tilespmem:s21], [sflag:$0x1] =	stream.indirect.gather [hbm4b:s4+s20], $0x80, s26, s20, $0xb8;
	[tilespmem:$0x1D000] =	vst v63  }
0x67: {  	_ =	swait.ge [sflag:s25], $0x4000  }
0x68: {  	[sflag:s25] =	ssyncset.done $0x0  }
0x69: {  	s24 =	simm.s32 $0xA80;
	[sflag:s25] =	ssyncadd.s32 $0xFFFFC000  }
0x6a: {  	[spmem:s2] =	stream.indirect.scatter.add.f32 [tilespmem:s22], [sflag:$0x5], $0x80, s24, s20, $0xb8;
	[tilespmem:$0x1D000] =	vst v63  }
0x6b: {  	_ =	swait.ge [sflag:s16], $0x4000  }
0x6c: {  	[sflag:s16] =	ssyncset.done $0x0  }
0x6d: {  	s26 =	simm.s32 $0x380;
	[sflag:s16] =	ssyncadd.s32 $0xFFFFC000  }
0x6e: {  	[tilespmem:s22], [sflag:$0x2] =	stream.indirect.gather [hbm4b:s4+s20], $0x80, s26, s20, $0xb8;
	[tilespmem:$0x1D000] =	vst v63  }
0x6f: {  	_ =	swait.ge [sflag:s23], $0x4000  }
0x70: {  	[sflag:s23] =	ssyncset.done $0x0  }
0x71: {  	s24 =	simm.s32 $0xB00;
	[sflag:s23] =	ssyncadd.s32 $0xFFFFC000  }
0x72: {  	[spmem:s2] =	stream.indirect.scatter.add.f32 [tilespmem:s21], [sflag:$0x5], $0x80, s24, s20, $0xb8;
	[tilespmem:$0x1D000] =	vst v63  }
0x73: {  	_ =	swait.ge [sflag:s16], $0x4000  }
0x74: {  	[sflag:s16] =	ssyncset.done $0x0  }
0x75: {  	[sflag:s16] =	ssyncadd.s32 $0xFFFFC000  }
0x76: {  	_ =	swait.ge [sflag:s25], $0x4000  }
0x77: {  	[sflag:s25] =	ssyncset.done $0x0  }
0x78: {  	s26 =	simm.s32 $0xB80;
	[sflag:s25] =	ssyncadd.s32 $0xFFFFC000  }
0x79: {  	[spmem:s2] =	stream.indirect.scatter.add.f32 [tilespmem:s22], [sflag:$0x5], $0x80, s26, s20, $0xb8;
	[tilespmem:$0x1D000] =	vst v63  }
0x7a: {  	_ =	swait.ge [sflag:s16], $0x4000  }
0x7b: {  	[sflag:s16] =	ssyncset.done $0x0  }
0x7c: {  	[sflag:s16] =	ssyncadd.s32 $0xFFFFC000  }
0x7d: {  	_ =	swait.ge [sflag:s6], $0x400  }
0x7e: {  	[sflag:s6] =	ssyncset.done $0x0  }
0x7f: {  	[sflag:s6] =	ssyncadd.s32 $0xFFFFFC00  }
0x80: {  	_ =	swait.ge [sflag:s6], $0x400  }
0x81: {  	p0 =	seq.s32 s15, $0x400;
	[sflag:s6] =	ssyncset.done $0x0  }
0x82: {  	s17 =	simm.s32 @!p0 $0x0;
	s24 =	sadd.s32 @!p0 s15, s11;
	[sflag:s6] =	ssyncadd.s32 $0xFFFFFC00  }
0x83: {  	[tilespmem:s17], [sflag:$0x3] =	stream.linear.gather @!p0 [hbm4b:s24+s17], $0x400, $0x38;
	[tilespmem:$0x1D000] =	vst v63  }
0x84: {  	s26 =	simm.s32 @!p0 $0x800;
	s24 =	sadd.s32 @!p0 s15, s12  }
0x85: {  	[tilespmem:s26], [sflag:$0x3] =	stream.linear.gather @!p0 [hbm4b:s24+s17], $0x400, $0x38;
	[tilespmem:$0x1D000] =	vst v63  }
0x86: {  	_ = 	snop  }
0x87: {  	[tilespmem:s21], [sflag:$0x1] =	stream.indirect.gather [hbm4b:s4+s20], $0x80, s18, s20, $0xb8;
	[tilespmem:$0x1D000] =	vst v63  }
0x88: {  	s24 =	simm.s32 $0x480  }
0x89: {  	[tilespmem:s22], [sflag:$0x2] =	stream.indirect.gather [hbm4b:s4+s20], $0x80, s24, s20, $0xb8;
	[tilespmem:$0x1D000] =	vst v63  }
0x8a: {  	_ =	swait.ge [sflag:s23], $0x4000  }
0x8b: {  	[sflag:s23] =	ssyncset.done $0x0  }
0x8c: {  	[sflag:s23] =	ssyncadd.s32 $0xFFFFC000  }
0x8d: {  	[spmem:s2] =	stream.indirect.scatter.add.f32 [tilespmem:s21], [sflag:$0x5], $0x80, s19, s20, $0xb8;
	[tilespmem:$0x1D000] =	vst v63  }
0x8e: {  	_ =	swait.ge [sflag:s16], $0x4000  }
0x8f: {  	[sflag:s16] =	ssyncset.done $0x0  }
0x90: {  	s26 =	simm.s32 $0x500;
	[sflag:s16] =	ssyncadd.s32 $0xFFFFC000  }
0x91: {  	[tilespmem:s21], [sflag:$0x1] =	stream.indirect.gather [hbm4b:s4+s20], $0x80, s26, s20, $0xb8;
	[tilespmem:$0x1D000] =	vst v63  }
0x92: {  	_ =	swait.ge [sflag:s25], $0x4000  }
0x93: {  	[sflag:s25] =	ssyncset.done $0x0  }
0x94: {  	s24 =	simm.s32 $0xC80;
	[sflag:s25] =	ssyncadd.s32 $0xFFFFC000  }
0x95: {  	[spmem:s2] =	stream.indirect.scatter.add.f32 [tilespmem:s22], [sflag:$0x5], $0x80, s24, s20, $0xb8;
	[tilespmem:$0x1D000] =	vst v63  }
0x96: {  	_ =	swait.ge [sflag:s16], $0x4000  }
0x97: {  	[sflag:s16] =	ssyncset.done $0x0  }
0x98: {  	s26 =	simm.s32 $0x580;
	[sflag:s16] =	ssyncadd.s32 $0xFFFFC000  }
0x99: {  	[tilespmem:s22], [sflag:$0x2] =	stream.indirect.gather [hbm4b:s4+s20], $0x80, s26, s20, $0xb8;
	[tilespmem:$0x1D000] =	vst v63  }
0x9a: {  	_ =	swait.ge [sflag:s23], $0x4000  }
0x9b: {  	[sflag:s23] =	ssyncset.done $0x0  }
0x9c: {  	[sflag:s23] =	ssyncadd.s32 $0xFFFFC000  }
0x9d: {  	[spmem:s2] =	stream.indirect.scatter.add.f32 [tilespmem:s21], [sflag:$0x5], $0x80, s28, s20, $0xb8;
	[tilespmem:$0x1D000] =	vst v63  }
0x9e: {  	_ =	swait.ge [sflag:s16], $0x4000  }
0x9f: {  	[sflag:s16] =	ssyncset.done $0x0  }
0xa0: {  	[sflag:s16] =	ssyncadd.s32 $0xFFFFC000  }
0xa1: {  	[tilespmem:s21], [sflag:$0x1] =	stream.indirect.gather [hbm4b:s4+s20], $0x80, s29, s20, $0xb8;
	[tilespmem:$0x1D000] =	vst v63  }
0xa2: {  	_ =	swait.ge [sflag:s25], $0x4000  }
0xa3: {  	[sflag:s25] =	ssyncset.done $0x0  }
0xa4: {  	[sflag:s25] =	ssyncadd.s32 $0xFFFFC000  }
0xa5: {  	[spmem:s2] =	stream.indirect.scatter.add.f32 [tilespmem:s22], [sflag:$0x5], $0x80, s30, s20, $0xb8;
	[tilespmem:$0x1D000] =	vst v63  }
0xa6: {  	_ =	swait.ge [sflag:s16], $0x4000  }
0xa7: {  	[sflag:s16] =	ssyncset.done $0x0  }
0xa8: {  	[sflag:s16] =	ssyncadd.s32 $0xFFFFC000  }
0xa9: {  	[tilespmem:s22], [sflag:$0x2] =	stream.indirect.gather [hbm4b:s4+s20], $0x80, s31, s20, $0xb8;
	[tilespmem:$0x1D000] =	vst v63  }
0xaa: {  	_ =	swait.ge [sflag:s23], $0x4000  }
0xab: {  	[sflag:s23] =	ssyncset.done $0x0  }
0xac: {  	[sflag:s23] =	ssyncadd.s32 $0xFFFFC000  }
0xad: {  	[spmem:s2] =	stream.indirect.scatter.add.f32 [tilespmem:s21], [sflag:$0x5], $0x80, s0, s20, $0xb8;
	[tilespmem:$0x1D000] =	vst v63  }
0xae: {  	_ =	swait.ge [sflag:s16], $0x4000  }
0xaf: {  	[sflag:s16] =	ssyncset.done $0x0  }
0xb0: {  	[sflag:s16] =	ssyncadd.s32 $0xFFFFC000  }
0xb1: {  	[tilespmem:s21], [sflag:$0x1] =	stream.indirect.gather [hbm4b:s4+s20], $0x80, s1, s20, $0xb8;
	[tilespmem:$0x1D000] =	vst v63  }
0xb2: {  	_ =	swait.ge [sflag:s25], $0x4000  }
0xb3: {  	[sflag:s25] =	ssyncset.done $0x0  }
0xb4: {  	[sflag:s25] =	ssyncadd.s32 $0xFFFFC000  }
0xb5: {  	[spmem:s2] =	stream.indirect.scatter.add.f32 [tilespmem:s22], [sflag:$0x5], $0x80, s5, s20, $0xb8;
	[tilespmem:$0x1D000] =	vst v63  }
0xb6: {  	_ =	swait.ge [sflag:s16], $0x4000  }
0xb7: {  	[sflag:s16] =	ssyncset.done $0x0  }
0xb8: {  	[sflag:s16] =	ssyncadd.s32 $0xFFFFC000  }
0xb9: {  	[tilespmem:s22], [sflag:$0x2] =	stream.indirect.gather [hbm4b:s4+s20], $0x80, s7, s20, $0xb8;
	[tilespmem:$0x1D000] =	vst v63  }
0xba: {  	_ =	swait.ge [sflag:s23], $0x4000  }
0xbb: {  	[sflag:s23] =	ssyncset.done $0x0  }
0xbc: {  	[sflag:s23] =	ssyncadd.s32 $0xFFFFC000  }
0xbd: {  	[spmem:s2] =	stream.indirect.scatter.add.f32 [tilespmem:s21], [sflag:$0x5], $0x80, s8, s20, $0xb8;
	[tilespmem:$0x1D000] =	vst v63  }
0xbe: {  	_ =	swait.ge [sflag:s16], $0x4000  }
0xbf: {  	[sflag:s16] =	ssyncset.done $0x0  }
0xc0: {  	[sflag:s16] =	ssyncadd.s32 $0xFFFFC000  }
0xc1: {  	_ =	swait.ge [sflag:s25], $0x4000  }
0xc2: {  	[sflag:s25] =	ssyncset.done $0x0  }
.Ltmp2:
0xc3: {  	[sflag:s25] =	ssyncadd.s32 $0xFFFFC000;
	(pc) =	sbr.rel @p0 .LBB2_4-.Ltmp2, $4  }
0xc4: {  	[spmem:s2] =	stream.indirect.scatter.add.f32 [tilespmem:s22], [sflag:$0x5], $0x80, s9, s20, $0xb8;
	[tilespmem:$0x1D000] =	vst v63  }
0xc5: {  	_ =	swait.ge [sflag:s16], $0x4000  }
0xc6: {  	[sflag:s16] =	ssyncset.done $0x0  }
0xc7: {  	[sflag:s16] =	ssyncadd.s32 $0xFFFFC000  }
0xc8: {  	_ =	swait.ge [sflag:s10], $0x400  }
.Ltmp3:
0xc9: {  	[sflag:s10] =	ssyncset.done $0x0;
	(pc) =	sbr.rel .LBB2_2-.Ltmp3, $4  }
0xca: {  	[sflag:s10] =	ssyncadd.s32 $0xFFFFFC00  }
0xcb: {  	_ =	swait.ge [sflag:s10], $0x400  }
0xcc: {  	[sflag:s10] =	ssyncset.done $0x0  }
0xcd: {  	s15 =	sadd.s32 $0x100, s15;
	[sflag:s10] =	ssyncadd.s32 $0xFFFFFC00  }
.LBB2_5:
0xce: {  	_ =	sfence.sel $0x180000  }
0xcf: {  	[bflag:$0x0] =	sbarrier.arrive $0xFFFF  }
0xd0: {  	_ =	strace $0x90000056  }
0xd1: {  	s0 =	stileid.u32;
	[bflag:$0x2] =	sbarrier.arrive $0xFFFF  }
0xd2: {  	p0 =	sne.s32 s0, $0x0;
	s0 =	rddreg [dreg:$0x2]  }
0xd3: {  	s0 =	sadd.s32 @!p0 $0x100000, s0  }
0xd4: {  	[sflag:s0] =	ssyncadd.tile.s32 @!p0 $0x1;
	_ =	shalt  }
.Lfunc_end2:
_tile_overlayer_lowered:
.L_overlay_start_2:
0xd5: {  	(tag) =	ssettag $0x2  }
0xd6: {  	s0 =	rddreg [dreg:$0x0];
	s2 =	stileid.u32  }
0xd7: {  	s1 =	rddreg [dreg:$0x1];
	p0 =	sne.s32 s2, $0x0  }
0xd8: {  	s3 =	rddreg [dreg:$0x2];
	[bflag:$0x3] =	sbarrier.arrive $0xFFFF;
	s2 =	simm.s32 @!p0 $0x1C05  }
0xd9: {  	[timem:s3], [sflag:s2] =	dma.local @!p0 [hbm:s0], s1  }
0xda: {  	s0 =	simm.s32 @!p0 $0x5  }
0xdb: {  	_ =	swait.ge @!p0 [sflag:s0], s1  }
0xdc: {  	s1 =	ssub.s32 @!p0 $0x0, s1;
	[sflag:s0] =	ssyncset.done @!p0 $0x0  }
0xdd: {  	[sflag:s0] =	ssyncadd.s32 @!p0 s1  }
0xde: {  	[bflag:$0x3] =	sbarrier.arrive $0xFFFF  }
0xdf: {  	_ =	shalt  }

</sc_bundles>
